<compile_context>
chip_gen: v7x
topology: tpu7x:2x2x1
jax: 0.10.2.dev20260603
libtpu: 0.0.44.dev20260713+nightly
codegen_flags: <defaults>
</compile_context>

<pallas_src>
import functools

import jax
import jax.numpy as jnp
from jax import lax
from jax.experimental import pallas as pl
from jax.experimental.pallas import tpu as pltpu
from jax.experimental.pallas import tpu_sc as plsc

N = 4096
NCELLS = N * N
WIN = 65536
NWIN = NCELLS // WIN
NWORKERS = 32
WPW = NWIN // NWORKERS
CH = 8192
SENTINEL = NCELLS


def _sc_body(fs_hbm, vs_hbm, starts_hbm, nchunks_hbm, y_hbm,
             win, fbuf, vbuf, starts_s, nchunks_s):
    wid = lax.axis_index("s") * 2 + lax.axis_index("c")
    pltpu.sync_copy(starts_hbm, starts_s)
    pltpu.sync_copy(nchunks_hbm, nchunks_s)
    lane = lax.iota(jnp.int32, 16)
    zeros16 = jnp.zeros((16,), jnp.float32)

    def sload(buf, w):
        g = pl.multiple_of((w // 16) * 16, 16)
        vec = buf[pl.ds(g, 16)]
        return jnp.sum(jnp.where(lane == (w % 16), vec, 0))

    def do_window(k, _):
        w = wid * WPW + k
        lo = pl.multiple_of(w * WIN, WIN)

        @plsc.parallel_loop(0, WIN // 16, unroll=8)
        def _zero(z):
            win[z >> 8, pl.ds((z & 255) * 16, 16)] = zeros16

        start = sload(starts_s, w)
        nch = sload(nchunks_s, w)

        def do_chunk(c, _):
            base = pl.multiple_of(start + c * CH, 16)
            pltpu.sync_copy(fs_hbm.at[pl.ds(base, CH + 16)], fbuf)
            pltpu.sync_copy(vs_hbm.at[pl.ds(base, CH)], vbuf)

            @plsc.parallel_loop(0, CH // 16, unroll=8)
            def _apply(i):
                off = i * 16
                cur = fbuf[pl.ds(off, 16)]
                nxt = fbuf[pl.ds(off + 1, 16)]
                v = vbuf[pl.ds(off, 16)]
                inwin = (cur >= lo) & (cur < lo + WIN)
                keep = inwin & (cur != nxt)
                local = cur & (WIN - 1)
                plsc.store_scatter(
                    win, [local >> 12, local & (N - 1)], v, mask=keep)

            return 0

        lax.fori_loop(0, nch, do_chunk, 0)
        row0 = pl.multiple_of(w * (WIN // N), 16)
        pltpu.sync_copy(win, y_hbm.at[pl.ds(row0, WIN // N), :])
        return 0

    lax.fori_loop(0, WPW, do_window, 0, unroll=True)


@jax.jit
def _build(fs_p, vs_p, starts, nchunks):
    mesh = plsc.VectorSubcoreMesh(core_axis_name="c", subcore_axis_name="s")
    grid_kernel = pl.kernel(
        _sc_body,
        out_type=jax.ShapeDtypeStruct((N, N), jnp.float32),
        mesh=mesh,
        compiler_params=pltpu.CompilerParams(needs_layout_passes=False),
        scratch_types=[
            pltpu.VMEM((WIN // N, N), jnp.float32),
            pltpu.VMEM((CH + 16,), jnp.int32),
            pltpu.VMEM((CH,), jnp.float32),
            pltpu.VMEM((NWIN,), jnp.int32),
            pltpu.VMEM((NWIN,), jnp.int32),
        ],
    )
    return grid_kernel(fs_p, vs_p, starts, nchunks)


def kernel(params, index):
    f = index[:, 0] * N + index[:, 1]
    v = jnp.abs(params)
    fs, vs = lax.sort((f, v), dimension=0, num_keys=1, is_stable=False)

    nnz = fs.shape[0]
    pad = CH + 32
    pad_total = -(nnz + pad) % 16 + pad
    fs_p = jnp.concatenate([fs, jnp.full((pad_total,), SENTINEL, jnp.int32)])
    vs_p = jnp.concatenate([vs, jnp.zeros((pad_total,), jnp.float32)])

    S = 512
    sub = fs[::S]
    probes = jnp.arange(NWIN + 1, dtype=jnp.int32) * WIN
    c = jnp.sum(sub[None, :] < probes[:, None], axis=1).astype(jnp.int32)
    starts = jnp.maximum(0, (c[:NWIN] - 1) * S) & ~15
    upper = jnp.minimum(c[1:] * S, nnz)
    nchunks = (upper - starts + (CH - 1)) // CH

    return _build(fs_p, vs_p, starts, nchunks)

# --- scband reference (transcript-rebuilt; emitter-appended) ---
"""Pipeline reference for scband-reweight-solver-18433999634473 (READ-ONLY COPY).

The authoritative reference and input builder live on the scoring server;
editing this copy changes nothing except your own understanding.
"""

import jax, jax.numpy as jnp
import numpy as np

N = 4096
NNZ = 1677721


def setup_inputs(seed: int = 0) -> dict:
    key = jax.random.key(seed)
    k1, k2 = jax.random.split(key, 2)
    # learnable parameter vector (torch module stores float64; we use float32)
    params = jax.random.normal(k1, (NNZ,), dtype=jnp.float32)
    # nonzero-pattern indices of the symmetric matrix X (values < N)
    index = jax.random.randint(k2, (NNZ, 2), 0, N)
    return {"params": params, "index": index}


def reference(params, index):
    # Faithful translation of reweight_solver._get_matrix / .matrix:
    #   Y = zeros_like(X); Y[index[:,0], index[:,1]] = abs(params)
    Y = jnp.zeros((N, N), dtype=params.dtype)
    Y = Y.at[index[:, 0], index[:, 1]].set(jnp.abs(params))
    return Y

if __name__ == "__main__":
    import jax
    _d = setup_inputs()
    print(jax.jit(kernel)(*tuple(_d.values())))

</pallas_src>

<mosaic_0001>
#map = affine_map<(d0, d1) -> (0)>
#map1 = affine_map<(d0, d1) -> (0, 0)>
module attributes {stable_mosaic.version = 14 : i64} {
  func.func @_sc_body(%arg0: i32, %arg1: i32, %arg2: memref<1685952xi32, #tpu.memory_space<hbm>>, %arg3: memref<1685952xf32, #tpu.memory_space<hbm>>, %arg4: memref<256xi32, #tpu.memory_space<hbm>>, %arg5: memref<256xi32, #tpu.memory_space<hbm>>, %arg6: memref<4096x4096xf32, #tpu.memory_space<hbm>>, %arg7: memref<16x4096xf32, #tpu.memory_space<vmem>>, %arg8: memref<8208xi32, #tpu.memory_space<vmem>>, %arg9: memref<8192xf32, #tpu.memory_space<vmem>>, %arg10: memref<256xi32, #tpu.memory_space<vmem>>, %arg11: memref<256xi32, #tpu.memory_space<vmem>>) attributes {dimension_semantics = [#tpu.dimension_semantics<core_parallel>, #tpu.dimension_semantics<subcore_parallel>], iteration_bounds = array<i64: 2, 16>, scalar_prefetch = 0 : i64, scratch_operands = 5 : i64, tpu.core_type = #tpu.core_type<sc_vector_subcore>, window_params = [{transform_indices = #map}, {transform_indices = #map}, {transform_indices = #map}, {transform_indices = #map}, {transform_indices = #map1}]} {
    %mul3A = arith.constant 2 : i32
    %mul3A_0 = arith.muli %arg1, %mul3A : i32
    %add3A = arith.addi %mul3A_0, %arg0 : i32
    "tpu.region"() ({
      %run_scoped3A = tpu.sem_alloc : memref<!tpu.dma_semaphore, #tpu.memory_space<semaphore_mem>>
      tpu.enqueue_dma source(%arg4 : memref<256xi32, #tpu.memory_space<hbm>>) target(%arg10 : memref<256xi32, #tpu.memory_space<vmem>>) target_semaphore(%run_scoped3A : memref<!tpu.dma_semaphore, #tpu.memory_space<semaphore_mem>>)
      tpu.wait_dma2 semaphore(%run_scoped3A : memref<!tpu.dma_semaphore, #tpu.memory_space<semaphore_mem>>) src(%arg4 : memref<256xi32, #tpu.memory_space<hbm>>) dst(%arg10 : memref<256xi32, #tpu.memory_space<vmem>>)
      tpu.yield
    }) : () -> ()
    "tpu.region"() ({
      %run_scoped3A = tpu.sem_alloc : memref<!tpu.dma_semaphore, #tpu.memory_space<semaphore_mem>>
      tpu.enqueue_dma source(%arg5 : memref<256xi32, #tpu.memory_space<hbm>>) target(%arg11 : memref<256xi32, #tpu.memory_space<vmem>>) target_semaphore(%run_scoped3A : memref<!tpu.dma_semaphore, #tpu.memory_space<semaphore_mem>>)
      tpu.wait_dma2 semaphore(%run_scoped3A : memref<!tpu.dma_semaphore, #tpu.memory_space<semaphore_mem>>) src(%arg5 : memref<256xi32, #tpu.memory_space<hbm>>) dst(%arg11 : memref<256xi32, #tpu.memory_space<vmem>>)
      tpu.yield
    }) : () -> ()
    %iota3A = tpu.iota {dimensions = array<i32: 0>} : vector<16xi32>
    %broadcast_in_dim3A = arith.constant 0.000000e+00 : f32
    %broadcast_in_dim3A_1 = vector.broadcast %broadcast_in_dim3A : f32 to vector<16xf32>
    %scan3A = arith.constant 0 : i32
    %scan3A_2 = arith.constant 0 : i32
    %mul3A_3 = arith.constant 8 : i32
    %mul3A_4 = arith.muli %add3A, %mul3A_3 : i32
    %add3A_5 = arith.addi %mul3A_4, %scan3A_2 : i32
    %mul3A_6 = arith.constant 65536 : i32
    %mul3A_7 = arith.muli %add3A_5, %mul3A_6 : i32
    %multiple_of3A = tpu.assume_multiple %mul3A_7, 65536 : i32
    %parallel_loop3A = arith.constant 0 : i32
    %parallel_loop3A_8 = arith.constant 4096 : i32
    %parallel_loop3A_9 = arith.constant 1 : i32
    scf.for %parallel_loop3A_1060 = %parallel_loop3A to %parallel_loop3A_8 step %parallel_loop3A_9  : i32 {
      %parallel_loop3A_1061 = arith.constant 8 : i32
      %parallel_loop3A_1062 = arith.shrsi %parallel_loop3A_1060, %parallel_loop3A_1061 : i32
      %parallel_loop3A_1063 = arith.constant 255 : i32
      %parallel_loop3A_1064 = arith.andi %parallel_loop3A_1060, %parallel_loop3A_1063 : i32
      %parallel_loop3A_1065 = arith.constant 16 : i32
      %parallel_loop3A_1066 = arith.muli %parallel_loop3A_1064, %parallel_loop3A_1065 : i32
      %parallel_loop3A_1067 = arith.index_cast %parallel_loop3A_1062 : i32 to index
      %parallel_loop3A_1068 = arith.index_cast %parallel_loop3A_1066 : i32 to index
      %parallel_loop3A_1069 = tpu.vector_load %arg7[%parallel_loop3A_1067, %parallel_loop3A_1068] {strides = array<i32>} : memref<16x4096xf32, #tpu.memory_space<vmem>>, vector<16xf32>,
      tpu.vector_store %arg7[%parallel_loop3A_1067, %parallel_loop3A_1068], %broadcast_in_dim3A_1 {strides = array<i32>} : memref<16x4096xf32, #tpu.memory_space<vmem>>, vector<16xf32>,
    } {sc.loop_unroll_factor = 8 : i64, sc.parallel_access}
    %jit3A = arith.constant 16 : i32
    %div3A = arith.divsi %add3A_5, %jit3A : i32
    %sign3A = arith.constant 0 : i32
    %sign3A_10 = arith.cmpi sgt, %add3A_5, %sign3A : i32
    %sign3A_11 = arith.extui %sign3A_10 : i1 to i32
    %sign3A_12 = arith.constant 0 : i32
    %sign3A_13 = arith.cmpi slt, %add3A_5, %sign3A_12 : i32
    %sign3A_14 = arith.extui %sign3A_13 : i1 to i32
    %sign3A_15 = arith.subi %sign3A_11, %sign3A_14 : i32
    %sign3A_16 = arith.constant 0 : i32
    %sign3A_17 = arith.cmpi sgt, %jit3A, %sign3A_16 : i32
    %sign3A_18 = arith.extui %sign3A_17 : i1 to i32
    %sign3A_19 = arith.constant 0 : i32
    %sign3A_20 = arith.cmpi slt, %jit3A, %sign3A_19 : i32
    %sign3A_21 = arith.extui %sign3A_20 : i1 to i32
    %sign3A_22 = arith.subi %sign3A_18, %sign3A_21 : i32
    %ne3A = arith.cmpi ne, %sign3A_15, %sign3A_22 : i32
    %rem3A = arith.remsi %add3A_5, %jit3A : i32
    %ne3A_23 = arith.constant 0 : i32
    %ne3A_24 = arith.cmpi ne, %rem3A, %ne3A_23 : i32
    %and3A = arith.andi %ne3A, %ne3A_24 : i1
    %sub3A = arith.constant 1 : i32
    %sub3A_25 = arith.subi %div3A, %sub3A : i32
    %select_n3A = arith.select %and3A, %sub3A_25, %div3A : i32
    %mul3A_26 = arith.constant 16 : i32
    %mul3A_27 = arith.muli %select_n3A, %mul3A_26 : i32
    %multiple_of3A_28 = tpu.assume_multiple %mul3A_27, 16 : i32
    %get3A = arith.index_cast %multiple_of3A_28 : i32 to index
    %get3A_29 = tpu.vector_load %arg10[%get3A] {strides = array<i32>} : memref<256xi32, #tpu.memory_space<vmem>>, vector<16xi32>,
    %jit3A_30 = arith.constant 16 : i32
    %eq3A = arith.constant 0 : i32
    %eq3A_31 = arith.cmpi eq, %jit3A_30, %eq3A : i32
    %jit3A_32 = arith.constant 1 : i32
    %select_n3A_33 = arith.select %eq3A_31, %jit3A_32, %jit3A_30 : i32
    %rem3A_34 = arith.remsi %add3A_5, %select_n3A_33 : i32
    %ne3A_35 = arith.constant 0 : i32
    %ne3A_36 = arith.cmpi ne, %rem3A_34, %ne3A_35 : i32
    %lt3A = arith.constant 0 : i32
    %lt3A_37 = arith.cmpi slt, %rem3A_34, %lt3A : i32
    %lt3A_38 = arith.constant 0 : i32
    %lt3A_39 = arith.cmpi slt, %select_n3A_33, %lt3A_38 : i32
    %ne3A_40 = arith.xori %lt3A_37, %lt3A_39 : i1
    %and3A_41 = arith.andi %ne3A_40, %ne3A_36 : i1
    %add3A_42 = arith.addi %rem3A_34, %select_n3A_33 : i32
    %select_n3A_43 = arith.select %and3A_41, %add3A_42, %rem3A_34 : i32
    %eq3A_44 = vector.broadcast %select_n3A_43 : i32 to vector<16xi32>
    %eq3A_45 = arith.cmpi eq, %iota3A, %eq3A_44 : vector<16xi32>
    %jit3A_46 = arith.constant 0 : i32
    %broadcast_in_dim3A_47 = vector.broadcast %jit3A_46 : i32 to vector<16xi32>
    %select_n3A_48 = arith.select %eq3A_45, %get3A_29, %broadcast_in_dim3A_47 : vector<16xi1>, vector<16xi32>
    %reduce_sum3A = arith.constant true
    %reduce_sum3A_49 = vector.broadcast %reduce_sum3A : i1 to vector<16xi1>
    %reduce_sum3A_50 = tpu.scan <sum>, %select_n3A_48 masked %reduce_sum3A_49 : vector<16xi32>, vector<16xi1> -> vector<16xi32>
    %reduce_sum3A_51 = vector.extract %reduce_sum3A_50[15] : i32 from vector<16xi32>
    %jit3A_52 = arith.constant 16 : i32
    %div3A_53 = arith.divsi %add3A_5, %jit3A_52 : i32
    %sign3A_54 = arith.constant 0 : i32
    %sign3A_55 = arith.cmpi sgt, %add3A_5, %sign3A_54 : i32
    %sign3A_56 = arith.extui %sign3A_55 : i1 to i32
    %sign3A_57 = arith.constant 0 : i32
    %sign3A_58 = arith.cmpi slt, %add3A_5, %sign3A_57 : i32
    %sign3A_59 = arith.extui %sign3A_58 : i1 to i32
    %sign3A_60 = arith.subi %sign3A_56, %sign3A_59 : i32
    %sign3A_61 = arith.constant 0 : i32
    %sign3A_62 = arith.cmpi sgt, %jit3A_52, %sign3A_61 : i32
    %sign3A_63 = arith.extui %sign3A_62 : i1 to i32
    %sign3A_64 = arith.constant 0 : i32
    %sign3A_65 = arith.cmpi slt, %jit3A_52, %sign3A_64 : i32
    %sign3A_66 = arith.extui %sign3A_65 : i1 to i32
    %sign3A_67 = arith.subi %sign3A_63, %sign3A_66 : i32
    %ne3A_68 = arith.cmpi ne, %sign3A_60, %sign3A_67 : i32
    %rem3A_69 = arith.remsi %add3A_5, %jit3A_52 : i32
    %ne3A_70 = arith.constant 0 : i32
    %ne3A_71 = arith.cmpi ne, %rem3A_69, %ne3A_70 : i32
    %and3A_72 = arith.andi %ne3A_68, %ne3A_71 : i1
    %sub3A_73 = arith.constant 1 : i32
    %sub3A_74 = arith.subi %div3A_53, %sub3A_73 : i32
    %select_n3A_75 = arith.select %and3A_72, %sub3A_74, %div3A_53 : i32
    %mul3A_76 = arith.constant 16 : i32
    %mul3A_77 = arith.muli %select_n3A_75, %mul3A_76 : i32
    %multiple_of3A_78 = tpu.assume_multiple %mul3A_77, 16 : i32
    %get3A_79 = arith.index_cast %multiple_of3A_78 : i32 to index
    %get3A_80 = tpu.vector_load %arg11[%get3A_79] {strides = array<i32>} : memref<256xi32, #tpu.memory_space<vmem>>, vector<16xi32>,
    %jit3A_81 = arith.constant 16 : i32
    %eq3A_82 = arith.constant 0 : i32
    %eq3A_83 = arith.cmpi eq, %jit3A_81, %eq3A_82 : i32
    %jit3A_84 = arith.constant 1 : i32
    %select_n3A_85 = arith.select %eq3A_83, %jit3A_84, %jit3A_81 : i32
    %rem3A_86 = arith.remsi %add3A_5, %select_n3A_85 : i32
    %ne3A_87 = arith.constant 0 : i32
    %ne3A_88 = arith.cmpi ne, %rem3A_86, %ne3A_87 : i32
    %lt3A_89 = arith.constant 0 : i32
    %lt3A_90 = arith.cmpi slt, %rem3A_86, %lt3A_89 : i32
    %lt3A_91 = arith.constant 0 : i32
    %lt3A_92 = arith.cmpi slt, %select_n3A_85, %lt3A_91 : i32
    %ne3A_93 = arith.xori %lt3A_90, %lt3A_92 : i1
    %and3A_94 = arith.andi %ne3A_93, %ne3A_88 : i1
    %add3A_95 = arith.addi %rem3A_86, %select_n3A_85 : i32
    %select_n3A_96 = arith.select %and3A_94, %add3A_95, %rem3A_86 : i32
    %eq3A_97 = vector.broadcast %select_n3A_96 : i32 to vector<16xi32>
    %eq3A_98 = arith.cmpi eq, %iota3A, %eq3A_97 : vector<16xi32>
    %jit3A_99 = arith.constant 0 : i32
    %broadcast_in_dim3A_100 = vector.broadcast %jit3A_99 : i32 to vector<16xi32>
    %select_n3A_101 = arith.select %eq3A_98, %get3A_80, %broadcast_in_dim3A_100 : vector<16xi1>, vector<16xi32>
    %reduce_sum3A_102 = arith.constant true
    %reduce_sum3A_103 = vector.broadcast %reduce_sum3A_102 : i1 to vector<16xi1>
    %reduce_sum3A_104 = tpu.scan <sum>, %select_n3A_101 masked %reduce_sum3A_103 : vector<16xi32>, vector<16xi1> -> vector<16xi32>
    %reduce_sum3A_105 = vector.extract %reduce_sum3A_104[15] : i32 from vector<16xi32>
    %while3A = arith.constant 0 : i32
    %while3A_106 = arith.constant 0 : i32
    %while3A_107 = arith.subi %reduce_sum3A_105, %while3A : i32
    %while3A_108 = arith.addi %while3A, %while3A_107 : i32
    %while3A_109 = arith.constant 1 : i32
    %while3A_110 = arith.divsi %while3A_107, %while3A_109 : i32
    %while3A_111 = arith.muli %while3A_110, %while3A_109 : i32
    %while3A_112 = arith.addi %while3A, %while3A_111 : i32
    %while3A_113 = arith.constant 1 : i32
    %while3A_114 = scf.for %while3A_1060 = %while3A to %while3A_112 step %while3A_113 iter_args(%while3A_1061 = %while3A_106) -> (i32)  : i32 {
      %mul3A_1062 = arith.constant 8192 : i32
      %mul3A_1063 = arith.muli %while3A_1060, %mul3A_1062 : i32
      %add3A_1064 = arith.addi %reduce_sum3A_51, %mul3A_1063 : i32
      %multiple_of3A_1065 = tpu.assume_multiple %add3A_1064, 16 : i32
      "tpu.region"() ({
        %run_scoped3A = tpu.sem_alloc : memref<!tpu.dma_semaphore, #tpu.memory_space<semaphore_mem>>
        %dma_start3A = tpu.memref_slice %arg2[%multiple_of3A_1065] : memref<1685952xi32, #tpu.memory_space<hbm>> -> memref<8208xi32, #tpu.memory_space<hbm>>
        %dma_start3A_1070 = tpu.memref_slice %arg2[%multiple_of3A_1065] : memref<1685952xi32, #tpu.memory_space<hbm>> -> memref<8208xi32, #tpu.memory_space<hbm>>
        tpu.enqueue_dma source(%dma_start3A_1070 : memref<8208xi32, #tpu.memory_space<hbm>>) target(%arg8 : memref<8208xi32, #tpu.memory_space<vmem>>) target_semaphore(%run_scoped3A : memref<!tpu.dma_semaphore, #tpu.memory_space<semaphore_mem>>)
        %dma_wait3A = tpu.memref_slice %arg2[%multiple_of3A_1065] : memref<1685952xi32, #tpu.memory_space<hbm>> -> memref<8208xi32, #tpu.memory_space<hbm>>
        %dma_wait3A_1071 = tpu.memref_slice %arg2[%multiple_of3A_1065] : memref<1685952xi32, #tpu.memory_space<hbm>> -> memref<8208xi32, #tpu.memory_space<hbm>>
        tpu.wait_dma2 semaphore(%run_scoped3A : memref<!tpu.dma_semaphore, #tpu.memory_space<semaphore_mem>>) src(%dma_wait3A_1071 : memref<8208xi32, #tpu.memory_space<hbm>>) dst(%arg8 : memref<8208xi32, #tpu.memory_space<vmem>>)
        tpu.yield
      }) : () -> ()
      "tpu.region"() ({
        %run_scoped3A = tpu.sem_alloc : memref<!tpu.dma_semaphore, #tpu.memory_space<semaphore_mem>>
        %dma_start3A = tpu.memref_slice %arg3[%multiple_of3A_1065] : memref<1685952xf32, #tpu.memory_space<hbm>> -> memref<8192xf32, #tpu.memory_space<hbm>>
        %dma_start3A_1070 = tpu.memref_slice %arg3[%multiple_of3A_1065] : memref<1685952xf32, #tpu.memory_space<hbm>> -> memref<8192xf32, #tpu.memory_space<hbm>>
        tpu.enqueue_dma source(%dma_start3A_1070 : memref<8192xf32, #tpu.memory_space<hbm>>) target(%arg9 : memref<8192xf32, #tpu.memory_space<vmem>>) target_semaphore(%run_scoped3A : memref<!tpu.dma_semaphore, #tpu.memory_space<semaphore_mem>>)
        %dma_wait3A = tpu.memref_slice %arg3[%multiple_of3A_1065] : memref<1685952xf32, #tpu.memory_space<hbm>> -> memref<8192xf32, #tpu.memory_space<hbm>>
        %dma_wait3A_1071 = tpu.memref_slice %arg3[%multiple_of3A_1065] : memref<1685952xf32, #tpu.memory_space<hbm>> -> memref<8192xf32, #tpu.memory_space<hbm>>
        tpu.wait_dma2 semaphore(%run_scoped3A : memref<!tpu.dma_semaphore, #tpu.memory_space<semaphore_mem>>) src(%dma_wait3A_1071 : memref<8192xf32, #tpu.memory_space<hbm>>) dst(%arg9 : memref<8192xf32, #tpu.memory_space<vmem>>)
        tpu.yield
      }) : () -> ()
      %parallel_loop3A_1066 = arith.constant 0 : i32
      %parallel_loop3A_1067 = arith.constant 512 : i32
      %parallel_loop3A_1068 = arith.constant 1 : i32
      scf.for %parallel_loop3A_1070 = %parallel_loop3A_1066 to %parallel_loop3A_1067 step %parallel_loop3A_1068  : i32 {
        %parallel_loop3A_1071 = arith.constant 16 : i32
        %parallel_loop3A_1072 = arith.muli %parallel_loop3A_1070, %parallel_loop3A_1071 : i32
        %parallel_loop3A_1073 = arith.index_cast %parallel_loop3A_1072 : i32 to index
        %parallel_loop3A_1074 = tpu.vector_load %arg8[%parallel_loop3A_1073] {strides = array<i32>} : memref<8208xi32, #tpu.memory_space<vmem>>, vector<16xi32>,
        %parallel_loop3A_1075 = arith.constant 1 : i32
        %parallel_loop3A_1076 = arith.addi %parallel_loop3A_1072, %parallel_loop3A_1075 : i32
        %parallel_loop3A_1077 = arith.index_cast %parallel_loop3A_1076 : i32 to index
        %parallel_loop3A_1078 = tpu.vector_load %arg8[%parallel_loop3A_1077] {strides = array<i32>} : memref<8208xi32, #tpu.memory_space<vmem>>, vector<16xi32>,
        %parallel_loop3A_1079 = arith.index_cast %parallel_loop3A_1072 : i32 to index
        %parallel_loop3A_1080 = tpu.vector_load %arg9[%parallel_loop3A_1079] {strides = array<i32>} : memref<8192xf32, #tpu.memory_space<vmem>>, vector<16xf32>,
        %parallel_loop3A_1081 = vector.broadcast %multiple_of3A : i32 to vector<16xi32>
        %parallel_loop3A_1082 = arith.cmpi sge, %parallel_loop3A_1074, %parallel_loop3A_1081 : vector<16xi32>
        %parallel_loop3A_1083 = arith.constant 65536 : i32
        %parallel_loop3A_1084 = arith.addi %multiple_of3A, %parallel_loop3A_1083 : i32
        %parallel_loop3A_1085 = vector.broadcast %parallel_loop3A_1084 : i32 to vector<16xi32>
        %parallel_loop3A_1086 = arith.cmpi slt, %parallel_loop3A_1074, %parallel_loop3A_1085 : vector<16xi32>
        %parallel_loop3A_1087 = arith.andi %parallel_loop3A_1082, %parallel_loop3A_1086 : vector<16xi1>
        %parallel_loop3A_1088 = arith.cmpi ne, %parallel_loop3A_1074, %parallel_loop3A_1078 : vector<16xi32>
        %parallel_loop3A_1089 = arith.andi %parallel_loop3A_1087, %parallel_loop3A_1088 : vector<16xi1>
        %parallel_loop3A_1090 = arith.constant 65535 : i32
        %parallel_loop3A_1091 = vector.broadcast %parallel_loop3A_1090 : i32 to vector<16xi32>
        %parallel_loop3A_1092 = arith.andi %parallel_loop3A_1074, %parallel_loop3A_1091 : vector<16xi32>
        %parallel_loop3A_1093 = arith.constant 12 : i32
        %parallel_loop3A_1094 = vector.broadcast %parallel_loop3A_1093 : i32 to vector<16xi32>
        %parallel_loop3A_1095 = arith.shrsi %parallel_loop3A_1092, %parallel_loop3A_1094 : vector<16xi32>
        %parallel_loop3A_1096 = arith.constant 4095 : i32
        %parallel_loop3A_1097 = vector.broadcast %parallel_loop3A_1096 : i32 to vector<16xi32>
        %parallel_loop3A_1098 = arith.andi %parallel_loop3A_1092, %parallel_loop3A_1097 : vector<16xi32>
        tpu.vector_store_idx %arg7[%parallel_loop3A_1095, %parallel_loop3A_1098], %parallel_loop3A_1080 masked %parallel_loop3A_1089 : memref<16x4096xf32, #tpu.memory_space<vmem>>[vector<16xi32>, vector<16xi32>], vector<16xf32>, vector<16xi1>
      } {sc.loop_unroll_factor = 8 : i64, sc.parallel_access}
      %while3A_1069 = arith.constant 0 : i32
      scf.yield %while3A_1069 : i32
    }
    %while3A_115 = arith.constant 1 : i32
    %while3A_116 = scf.for %while3A_1060 = %while3A_112 to %while3A_108 step %while3A_115 iter_args(%while3A_1061 = %while3A_114) -> (i32)  : i32 {
      %mul3A_1062 = arith.constant 8192 : i32
      %mul3A_1063 = arith.muli %while3A_1060, %mul3A_1062 : i32
      %add3A_1064 = arith.addi %reduce_sum3A_51, %mul3A_1063 : i32
      %multiple_of3A_1065 = tpu.assume_multiple %add3A_1064, 16 : i32
      "tpu.region"() ({
        %run_scoped3A = tpu.sem_alloc : memref<!tpu.dma_semaphore, #tpu.memory_space<semaphore_mem>>
        %dma_start3A = tpu.memref_slice %arg2[%multiple_of3A_1065] : memref<1685952xi32, #tpu.memory_space<hbm>> -> memref<8208xi32, #tpu.memory_space<hbm>>
        %dma_start3A_1070 = tpu.memref_slice %arg2[%multiple_of3A_1065] : memref<1685952xi32, #tpu.memory_space<hbm>> -> memref<8208xi32, #tpu.memory_space<hbm>>
        tpu.enqueue_dma source(%dma_start3A_1070 : memref<8208xi32, #tpu.memory_space<hbm>>) target(%arg8 : memref<8208xi32, #tpu.memory_space<vmem>>) target_semaphore(%run_scoped3A : memref<!tpu.dma_semaphore, #tpu.memory_space<semaphore_mem>>)
        %dma_wait3A = tpu.memref_slice %arg2[%multiple_of3A_1065] : memref<1685952xi32, #tpu.memory_space<hbm>> -> memref<8208xi32, #tpu.memory_space<hbm>>
        %dma_wait3A_1071 = tpu.memref_slice %arg2[%multiple_of3A_1065] : memref<1685952xi32, #tpu.memory_space<hbm>> -> memref<8208xi32, #tpu.memory_space<hbm>>
        tpu.wait_dma2 semaphore(%run_scoped3A : memref<!tpu.dma_semaphore, #tpu.memory_space<semaphore_mem>>) src(%dma_wait3A_1071 : memref<8208xi32, #tpu.memory_space<hbm>>) dst(%arg8 : memref<8208xi32, #tpu.memory_space<vmem>>)
        tpu.yield
      }) : () -> ()
      "tpu.region"() ({
        %run_scoped3A = tpu.sem_alloc : memref<!tpu.dma_semaphore, #tpu.memory_space<semaphore_mem>>
        %dma_start3A = tpu.memref_slice %arg3[%multiple_of3A_1065] : memref<1685952xf32, #tpu.memory_space<hbm>> -> memref<8192xf32, #tpu.memory_space<hbm>>
        %dma_start3A_1070 = tpu.memref_slice %arg3[%multiple_of3A_1065] : memref<1685952xf32, #tpu.memory_space<hbm>> -> memref<8192xf32, #tpu.memory_space<hbm>>
        tpu.enqueue_dma source(%dma_start3A_1070 : memref<8192xf32, #tpu.memory_space<hbm>>) target(%arg9 : memref<8192xf32, #tpu.memory_space<vmem>>) target_semaphore(%run_scoped3A : memref<!tpu.dma_semaphore, #tpu.memory_space<semaphore_mem>>)
        %dma_wait3A = tpu.memref_slice %arg3[%multiple_of3A_1065] : memref<1685952xf32, #tpu.memory_space<hbm>> -> memref<8192xf32, #tpu.memory_space<hbm>>
        %dma_wait3A_1071 = tpu.memref_slice %arg3[%multiple_of3A_1065] : memref<1685952xf32, #tpu.memory_space<hbm>> -> memref<8192xf32, #tpu.memory_space<hbm>>
        tpu.wait_dma2 semaphore(%run_scoped3A : memref<!tpu.dma_semaphore, #tpu.memory_space<semaphore_mem>>) src(%dma_wait3A_1071 : memref<8192xf32, #tpu.memory_space<hbm>>) dst(%arg9 : memref<8192xf32, #tpu.memory_space<vmem>>)
        tpu.yield
      }) : () -> ()
      %parallel_loop3A_1066 = arith.constant 0 : i32
      %parallel_loop3A_1067 = arith.constant 512 : i32
      %parallel_loop3A_1068 = arith.constant 1 : i32
      scf.for %parallel_loop3A_1070 = %parallel_loop3A_1066 to %parallel_loop3A_1067 step %parallel_loop3A_1068  : i32 {
        %parallel_loop3A_1071 = arith.constant 16 : i32
        %parallel_loop3A_1072 = arith.muli %parallel_loop3A_1070, %parallel_loop3A_1071 : i32
        %parallel_loop3A_1073 = arith.index_cast %parallel_loop3A_1072 : i32 to index
        %parallel_loop3A_1074 = tpu.vector_load %arg8[%parallel_loop3A_1073] {strides = array<i32>} : memref<8208xi32, #tpu.memory_space<vmem>>, vector<16xi32>,
        %parallel_loop3A_1075 = arith.constant 1 : i32
        %parallel_loop3A_1076 = arith.addi %parallel_loop3A_1072, %parallel_loop3A_1075 : i32
        %parallel_loop3A_1077 = arith.index_cast %parallel_loop3A_1076 : i32 to index
        %parallel_loop3A_1078 = tpu.vector_load %arg8[%parallel_loop3A_1077] {strides = array<i32>} : memref<8208xi32, #tpu.memory_space<vmem>>, vector<16xi32>,
        %parallel_loop3A_1079 = arith.index_cast %parallel_loop3A_1072 : i32 to index
        %parallel_loop3A_1080 = tpu.vector_load %arg9[%parallel_loop3A_1079] {strides = array<i32>} : memref<8192xf32, #tpu.memory_space<vmem>>, vector<16xf32>,
        %parallel_loop3A_1081 = vector.broadcast %multiple_of3A : i32 to vector<16xi32>
        %parallel_loop3A_1082 = arith.cmpi sge, %parallel_loop3A_1074, %parallel_loop3A_1081 : vector<16xi32>
        %parallel_loop3A_1083 = arith.constant 65536 : i32
        %parallel_loop3A_1084 = arith.addi %multiple_of3A, %parallel_loop3A_1083 : i32
        %parallel_loop3A_1085 = vector.broadcast %parallel_loop3A_1084 : i32 to vector<16xi32>
        %parallel_loop3A_1086 = arith.cmpi slt, %parallel_loop3A_1074, %parallel_loop3A_1085 : vector<16xi32>
        %parallel_loop3A_1087 = arith.andi %parallel_loop3A_1082, %parallel_loop3A_1086 : vector<16xi1>
        %parallel_loop3A_1088 = arith.cmpi ne, %parallel_loop3A_1074, %parallel_loop3A_1078 : vector<16xi32>
        %parallel_loop3A_1089 = arith.andi %parallel_loop3A_1087, %parallel_loop3A_1088 : vector<16xi1>
        %parallel_loop3A_1090 = arith.constant 65535 : i32
        %parallel_loop3A_1091 = vector.broadcast %parallel_loop3A_1090 : i32 to vector<16xi32>
        %parallel_loop3A_1092 = arith.andi %parallel_loop3A_1074, %parallel_loop3A_1091 : vector<16xi32>
        %parallel_loop3A_1093 = arith.constant 12 : i32
        %parallel_loop3A_1094 = vector.broadcast %parallel_loop3A_1093 : i32 to vector<16xi32>
        %parallel_loop3A_1095 = arith.shrsi %parallel_loop3A_1092, %parallel_loop3A_1094 : vector<16xi32>
        %parallel_loop3A_1096 = arith.constant 4095 : i32
        %parallel_loop3A_1097 = vector.broadcast %parallel_loop3A_1096 : i32 to vector<16xi32>
        %parallel_loop3A_1098 = arith.andi %parallel_loop3A_1092, %parallel_loop3A_1097 : vector<16xi32>
        tpu.vector_store_idx %arg7[%parallel_loop3A_1095, %parallel_loop3A_1098], %parallel_loop3A_1080 masked %parallel_loop3A_1089 : memref<16x4096xf32, #tpu.memory_space<vmem>>[vector<16xi32>, vector<16xi32>], vector<16xf32>, vector<16xi1>
      } {sc.loop_unroll_factor = 8 : i64, sc.parallel_access}
      %while3A_1069 = arith.constant 0 : i32
      scf.yield %while3A_1069 : i32
    }
    %mul3A_117 = arith.constant 16 : i32
    %mul3A_118 = arith.muli %add3A_5, %mul3A_117 : i32
    %multiple_of3A_119 = tpu.assume_multiple %mul3A_118, 16 : i32
    "tpu.region"() ({
      %run_scoped3A = tpu.sem_alloc : memref<!tpu.dma_semaphore, #tpu.memory_space<semaphore_mem>>
      %dma_start3A = arith.constant 0 : i32
      %dma_start3A_1060 = tpu.memref_slice %arg6[%multiple_of3A_119, %dma_start3A] : memref<4096x4096xf32, #tpu.memory_space<hbm>> -> memref<16x4096xf32, #tpu.memory_space<hbm>>
      %dma_start3A_1061 = arith.constant 0 : i32
      %dma_start3A_1062 = tpu.memref_slice %arg6[%multiple_of3A_119, %dma_start3A_1061] : memref<4096x4096xf32, #tpu.memory_space<hbm>> -> memref<16x4096xf32, #tpu.memory_space<hbm>>
      tpu.enqueue_dma source(%arg7 : memref<16x4096xf32, #tpu.memory_space<vmem>>) target(%dma_start3A_1062 : memref<16x4096xf32, #tpu.memory_space<hbm>>) target_semaphore(%run_scoped3A : memref<!tpu.dma_semaphore, #tpu.memory_space<semaphore_mem>>)
      %dma_wait3A = arith.constant 0 : i32
      %dma_wait3A_1063 = tpu.memref_slice %arg6[%multiple_of3A_119, %dma_wait3A] : memref<4096x4096xf32, #tpu.memory_space<hbm>> -> memref<16x4096xf32, #tpu.memory_space<hbm>>
      %dma_wait3A_1064 = arith.constant 0 : i32
      %dma_wait3A_1065 = tpu.memref_slice %arg6[%multiple_of3A_119, %dma_wait3A_1064] : memref<4096x4096xf32, #tpu.memory_space<hbm>> -> memref<16x4096xf32, #tpu.memory_space<hbm>>
      tpu.wait_dma2 semaphore(%run_scoped3A : memref<!tpu.dma_semaphore, #tpu.memory_space<semaphore_mem>>) src(%arg7 : memref<16x4096xf32, #tpu.memory_space<vmem>>) dst(%dma_wait3A_1065 : memref<16x4096xf32, #tpu.memory_space<hbm>>)
      tpu.yield
    }) : () -> ()
    %scan3A_120 = arith.constant 0 : i32
    %scan3A_121 = arith.constant 1 : i32
    %mul3A_122 = arith.constant 8 : i32
    %mul3A_123 = arith.muli %add3A, %mul3A_122 : i32
    %add3A_124 = arith.addi %mul3A_123, %scan3A_121 : i32
    %mul3A_125 = arith.constant 65536 : i32
    %mul3A_126 = arith.muli %add3A_124, %mul3A_125 : i32
    %multiple_of3A_127 = tpu.assume_multiple %mul3A_126, 65536 : i32
    %parallel_loop3A_128 = arith.constant 0 : i32
    %parallel_loop3A_129 = arith.constant 4096 : i32
    %parallel_loop3A_130 = arith.constant 1 : i32
    scf.for %parallel_loop3A_1060 = %parallel_loop3A_128 to %parallel_loop3A_129 step %parallel_loop3A_130  : i32 {
      %parallel_loop3A_1061 = arith.constant 8 : i32
      %parallel_loop3A_1062 = arith.shrsi %parallel_loop3A_1060, %parallel_loop3A_1061 : i32
      %parallel_loop3A_1063 = arith.constant 255 : i32
      %parallel_loop3A_1064 = arith.andi %parallel_loop3A_1060, %parallel_loop3A_1063 : i32
      %parallel_loop3A_1065 = arith.constant 16 : i32
      %parallel_loop3A_1066 = arith.muli %parallel_loop3A_1064, %parallel_loop3A_1065 : i32
      %parallel_loop3A_1067 = arith.index_cast %parallel_loop3A_1062 : i32 to index
      %parallel_loop3A_1068 = arith.index_cast %parallel_loop3A_1066 : i32 to index
      %parallel_loop3A_1069 = tpu.vector_load %arg7[%parallel_loop3A_1067, %parallel_loop3A_1068] {strides = array<i32>} : memref<16x4096xf32, #tpu.memory_space<vmem>>, vector<16xf32>,
      tpu.vector_store %arg7[%parallel_loop3A_1067, %parallel_loop3A_1068], %broadcast_in_dim3A_1 {strides = array<i32>} : memref<16x4096xf32, #tpu.memory_space<vmem>>, vector<16xf32>,
    } {sc.loop_unroll_factor = 8 : i64, sc.parallel_access}
    %jit3A_131 = arith.constant 16 : i32
    %div3A_132 = arith.divsi %add3A_124, %jit3A_131 : i32
    %sign3A_133 = arith.constant 0 : i32
    %sign3A_134 = arith.cmpi sgt, %add3A_124, %sign3A_133 : i32
    %sign3A_135 = arith.extui %sign3A_134 : i1 to i32
    %sign3A_136 = arith.constant 0 : i32
    %sign3A_137 = arith.cmpi slt, %add3A_124, %sign3A_136 : i32
    %sign3A_138 = arith.extui %sign3A_137 : i1 to i32
    %sign3A_139 = arith.subi %sign3A_135, %sign3A_138 : i32
    %sign3A_140 = arith.constant 0 : i32
    %sign3A_141 = arith.cmpi sgt, %jit3A_131, %sign3A_140 : i32
    %sign3A_142 = arith.extui %sign3A_141 : i1 to i32
    %sign3A_143 = arith.constant 0 : i32
    %sign3A_144 = arith.cmpi slt, %jit3A_131, %sign3A_143 : i32
    %sign3A_145 = arith.extui %sign3A_144 : i1 to i32
    %sign3A_146 = arith.subi %sign3A_142, %sign3A_145 : i32
    %ne3A_147 = arith.cmpi ne, %sign3A_139, %sign3A_146 : i32
    %rem3A_148 = arith.remsi %add3A_124, %jit3A_131 : i32
    %ne3A_149 = arith.constant 0 : i32
    %ne3A_150 = arith.cmpi ne, %rem3A_148, %ne3A_149 : i32
    %and3A_151 = arith.andi %ne3A_147, %ne3A_150 : i1
    %sub3A_152 = arith.constant 1 : i32
    %sub3A_153 = arith.subi %div3A_132, %sub3A_152 : i32
    %select_n3A_154 = arith.select %and3A_151, %sub3A_153, %div3A_132 : i32
    %mul3A_155 = arith.constant 16 : i32
    %mul3A_156 = arith.muli %select_n3A_154, %mul3A_155 : i32
    %multiple_of3A_157 = tpu.assume_multiple %mul3A_156, 16 : i32
    %get3A_158 = arith.index_cast %multiple_of3A_157 : i32 to index
    %get3A_159 = tpu.vector_load %arg10[%get3A_158] {strides = array<i32>} : memref<256xi32, #tpu.memory_space<vmem>>, vector<16xi32>,
    %jit3A_160 = arith.constant 16 : i32
    %eq3A_161 = arith.constant 0 : i32
    %eq3A_162 = arith.cmpi eq, %jit3A_160, %eq3A_161 : i32
    %jit3A_163 = arith.constant 1 : i32
    %select_n3A_164 = arith.select %eq3A_162, %jit3A_163, %jit3A_160 : i32
    %rem3A_165 = arith.remsi %add3A_124, %select_n3A_164 : i32
    %ne3A_166 = arith.constant 0 : i32
    %ne3A_167 = arith.cmpi ne, %rem3A_165, %ne3A_166 : i32
    %lt3A_168 = arith.constant 0 : i32
    %lt3A_169 = arith.cmpi slt, %rem3A_165, %lt3A_168 : i32
    %lt3A_170 = arith.constant 0 : i32
    %lt3A_171 = arith.cmpi slt, %select_n3A_164, %lt3A_170 : i32
    %ne3A_172 = arith.xori %lt3A_169, %lt3A_171 : i1
    %and3A_173 = arith.andi %ne3A_172, %ne3A_167 : i1
    %add3A_174 = arith.addi %rem3A_165, %select_n3A_164 : i32
    %select_n3A_175 = arith.select %and3A_173, %add3A_174, %rem3A_165 : i32
    %eq3A_176 = vector.broadcast %select_n3A_175 : i32 to vector<16xi32>
    %eq3A_177 = arith.cmpi eq, %iota3A, %eq3A_176 : vector<16xi32>
    %jit3A_178 = arith.constant 0 : i32
    %broadcast_in_dim3A_179 = vector.broadcast %jit3A_178 : i32 to vector<16xi32>
    %select_n3A_180 = arith.select %eq3A_177, %get3A_159, %broadcast_in_dim3A_179 : vector<16xi1>, vector<16xi32>
    %reduce_sum3A_181 = arith.constant true
    %reduce_sum3A_182 = vector.broadcast %reduce_sum3A_181 : i1 to vector<16xi1>
    %reduce_sum3A_183 = tpu.scan <sum>, %select_n3A_180 masked %reduce_sum3A_182 : vector<16xi32>, vector<16xi1> -> vector<16xi32>
    %reduce_sum3A_184 = vector.extract %reduce_sum3A_183[15] : i32 from vector<16xi32>
    %jit3A_185 = arith.constant 16 : i32
    %div3A_186 = arith.divsi %add3A_124, %jit3A_185 : i32
    %sign3A_187 = arith.constant 0 : i32
    %sign3A_188 = arith.cmpi sgt, %add3A_124, %sign3A_187 : i32
    %sign3A_189 = arith.extui %sign3A_188 : i1 to i32
    %sign3A_190 = arith.constant 0 : i32
    %sign3A_191 = arith.cmpi slt, %add3A_124, %sign3A_190 : i32
    %sign3A_192 = arith.extui %sign3A_191 : i1 to i32
    %sign3A_193 = arith.subi %sign3A_189, %sign3A_192 : i32
    %sign3A_194 = arith.constant 0 : i32
    %sign3A_195 = arith.cmpi sgt, %jit3A_185, %sign3A_194 : i32
    %sign3A_196 = arith.extui %sign3A_195 : i1 to i32
    %sign3A_197 = arith.constant 0 : i32
    %sign3A_198 = arith.cmpi slt, %jit3A_185, %sign3A_197 : i32
    %sign3A_199 = arith.extui %sign3A_198 : i1 to i32
    %sign3A_200 = arith.subi %sign3A_196, %sign3A_199 : i32
    %ne3A_201 = arith.cmpi ne, %sign3A_193, %sign3A_200 : i32
    %rem3A_202 = arith.remsi %add3A_124, %jit3A_185 : i32
    %ne3A_203 = arith.constant 0 : i32
    %ne3A_204 = arith.cmpi ne, %rem3A_202, %ne3A_203 : i32
    %and3A_205 = arith.andi %ne3A_201, %ne3A_204 : i1
    %sub3A_206 = arith.constant 1 : i32
    %sub3A_207 = arith.subi %div3A_186, %sub3A_206 : i32
    %select_n3A_208 = arith.select %and3A_205, %sub3A_207, %div3A_186 : i32
    %mul3A_209 = arith.constant 16 : i32
    %mul3A_210 = arith.muli %select_n3A_208, %mul3A_209 : i32
    %multiple_of3A_211 = tpu.assume_multiple %mul3A_210, 16 : i32
    %get3A_212 = arith.index_cast %multiple_of3A_211 : i32 to index
    %get3A_213 = tpu.vector_load %arg11[%get3A_212] {strides = array<i32>} : memref<256xi32, #tpu.memory_space<vmem>>, vector<16xi32>,
    %jit3A_214 = arith.constant 16 : i32
    %eq3A_215 = arith.constant 0 : i32
    %eq3A_216 = arith.cmpi eq, %jit3A_214, %eq3A_215 : i32
    %jit3A_217 = arith.constant 1 : i32
    %select_n3A_218 = arith.select %eq3A_216, %jit3A_217, %jit3A_214 : i32
    %rem3A_219 = arith.remsi %add3A_124, %select_n3A_218 : i32
    %ne3A_220 = arith.constant 0 : i32
    %ne3A_221 = arith.cmpi ne, %rem3A_219, %ne3A_220 : i32
    %lt3A_222 = arith.constant 0 : i32
    %lt3A_223 = arith.cmpi slt, %rem3A_219, %lt3A_222 : i32
    %lt3A_224 = arith.constant 0 : i32
    %lt3A_225 = arith.cmpi slt, %select_n3A_218, %lt3A_224 : i32
    %ne3A_226 = arith.xori %lt3A_223, %lt3A_225 : i1
    %and3A_227 = arith.andi %ne3A_226, %ne3A_221 : i1
    %add3A_228 = arith.addi %rem3A_219, %select_n3A_218 : i32
    %select_n3A_229 = arith.select %and3A_227, %add3A_228, %rem3A_219 : i32
    %eq3A_230 = vector.broadcast %select_n3A_229 : i32 to vector<16xi32>
    %eq3A_231 = arith.cmpi eq, %iota3A, %eq3A_230 : vector<16xi32>
    %jit3A_232 = arith.constant 0 : i32
    %broadcast_in_dim3A_233 = vector.broadcast %jit3A_232 : i32 to vector<16xi32>
    %select_n3A_234 = arith.select %eq3A_231, %get3A_213, %broadcast_in_dim3A_233 : vector<16xi1>, vector<16xi32>
    %reduce_sum3A_235 = arith.constant true
    %reduce_sum3A_236 = vector.broadcast %reduce_sum3A_235 : i1 to vector<16xi1>
    %reduce_sum3A_237 = tpu.scan <sum>, %select_n3A_234 masked %reduce_sum3A_236 : vector<16xi32>, vector<16xi1> -> vector<16xi32>
    %reduce_sum3A_238 = vector.extract %reduce_sum3A_237[15] : i32 from vector<16xi32>
    %while3A_239 = arith.constant 0 : i32
    %while3A_240 = arith.constant 0 : i32
    %while3A_241 = arith.subi %reduce_sum3A_238, %while3A_239 : i32
    %while3A_242 = arith.addi %while3A_239, %while3A_241 : i32
    %while3A_243 = arith.constant 1 : i32
    %while3A_244 = arith.divsi %while3A_241, %while3A_243 : i32
    %while3A_245 = arith.muli %while3A_244, %while3A_243 : i32
    %while3A_246 = arith.addi %while3A_239, %while3A_245 : i32
    %while3A_247 = arith.constant 1 : i32
    %while3A_248 = scf.for %while3A_1060 = %while3A_239 to %while3A_246 step %while3A_247 iter_args(%while3A_1061 = %while3A_240) -> (i32)  : i32 {
      %mul3A_1062 = arith.constant 8192 : i32
      %mul3A_1063 = arith.muli %while3A_1060, %mul3A_1062 : i32
      %add3A_1064 = arith.addi %reduce_sum3A_184, %mul3A_1063 : i32
      %multiple_of3A_1065 = tpu.assume_multiple %add3A_1064, 16 : i32
      "tpu.region"() ({
        %run_scoped3A = tpu.sem_alloc : memref<!tpu.dma_semaphore, #tpu.memory_space<semaphore_mem>>
        %dma_start3A = tpu.memref_slice %arg2[%multiple_of3A_1065] : memref<1685952xi32, #tpu.memory_space<hbm>> -> memref<8208xi32, #tpu.memory_space<hbm>>
        %dma_start3A_1070 = tpu.memref_slice %arg2[%multiple_of3A_1065] : memref<1685952xi32, #tpu.memory_space<hbm>> -> memref<8208xi32, #tpu.memory_space<hbm>>
        tpu.enqueue_dma source(%dma_start3A_1070 : memref<8208xi32, #tpu.memory_space<hbm>>) target(%arg8 : memref<8208xi32, #tpu.memory_space<vmem>>) target_semaphore(%run_scoped3A : memref<!tpu.dma_semaphore, #tpu.memory_space<semaphore_mem>>)
        %dma_wait3A = tpu.memref_slice %arg2[%multiple_of3A_1065] : memref<1685952xi32, #tpu.memory_space<hbm>> -> memref<8208xi32, #tpu.memory_space<hbm>>
        %dma_wait3A_1071 = tpu.memref_slice %arg2[%multiple_of3A_1065] : memref<1685952xi32, #tpu.memory_space<hbm>> -> memref<8208xi32, #tpu.memory_space<hbm>>
        tpu.wait_dma2 semaphore(%run_scoped3A : memref<!tpu.dma_semaphore, #tpu.memory_space<semaphore_mem>>) src(%dma_wait3A_1071 : memref<8208xi32, #tpu.memory_space<hbm>>) dst(%arg8 : memref<8208xi32, #tpu.memory_space<vmem>>)
        tpu.yield
      }) : () -> ()
      "tpu.region"() ({
        %run_scoped3A = tpu.sem_alloc : memref<!tpu.dma_semaphore, #tpu.memory_space<semaphore_mem>>
        %dma_start3A = tpu.memref_slice %arg3[%multiple_of3A_1065] : memref<1685952xf32, #tpu.memory_space<hbm>> -> memref<8192xf32, #tpu.memory_space<hbm>>
        %dma_start3A_1070 = tpu.memref_slice %arg3[%multiple_of3A_1065] : memref<1685952xf32, #tpu.memory_space<hbm>> -> memref<8192xf32, #tpu.memory_space<hbm>>
        tpu.enqueue_dma source(%dma_start3A_1070 : memref<8192xf32, #tpu.memory_space<hbm>>) target(%arg9 : memref<8192xf32, #tpu.memory_space<vmem>>) target_semaphore(%run_scoped3A : memref<!tpu.dma_semaphore, #tpu.memory_space<semaphore_mem>>)
        %dma_wait3A = tpu.memref_slice %arg3[%multiple_of3A_1065] : memref<1685952xf32, #tpu.memory_space<hbm>> -> memref<8192xf32, #tpu.memory_space<hbm>>
        %dma_wait3A_1071 = tpu.memref_slice %arg3[%multiple_of3A_1065] : memref<1685952xf32, #tpu.memory_space<hbm>> -> memref<8192xf32, #tpu.memory_space<hbm>>
        tpu.wait_dma2 semaphore(%run_scoped3A : memref<!tpu.dma_semaphore, #tpu.memory_space<semaphore_mem>>) src(%dma_wait3A_1071 : memref<8192xf32, #tpu.memory_space<hbm>>) dst(%arg9 : memref<8192xf32, #tpu.memory_space<vmem>>)
        tpu.yield
      }) : () -> ()
      %parallel_loop3A_1066 = arith.constant 0 : i32
      %parallel_loop3A_1067 = arith.constant 512 : i32
      %parallel_loop3A_1068 = arith.constant 1 : i32
      scf.for %parallel_loop3A_1070 = %parallel_loop3A_1066 to %parallel_loop3A_1067 step %parallel_loop3A_1068  : i32 {
        %parallel_loop3A_1071 = arith.constant 16 : i32
        %parallel_loop3A_1072 = arith.muli %parallel_loop3A_1070, %parallel_loop3A_1071 : i32
        %parallel_loop3A_1073 = arith.index_cast %parallel_loop3A_1072 : i32 to index
        %parallel_loop3A_1074 = tpu.vector_load %arg8[%parallel_loop3A_1073] {strides = array<i32>} : memref<8208xi32, #tpu.memory_space<vmem>>, vector<16xi32>,
        %parallel_loop3A_1075 = arith.constant 1 : i32
        %parallel_loop3A_1076 = arith.addi %parallel_loop3A_1072, %parallel_loop3A_1075 : i32
        %parallel_loop3A_1077 = arith.index_cast %parallel_loop3A_1076 : i32 to index
        %parallel_loop3A_1078 = tpu.vector_load %arg8[%parallel_loop3A_1077] {strides = array<i32>} : memref<8208xi32, #tpu.memory_space<vmem>>, vector<16xi32>,
        %parallel_loop3A_1079 = arith.index_cast %parallel_loop3A_1072 : i32 to index
        %parallel_loop3A_1080 = tpu.vector_load %arg9[%parallel_loop3A_1079] {strides = array<i32>} : memref<8192xf32, #tpu.memory_space<vmem>>, vector<16xf32>,
        %parallel_loop3A_1081 = vector.broadcast %multiple_of3A_127 : i32 to vector<16xi32>
        %parallel_loop3A_1082 = arith.cmpi sge, %parallel_loop3A_1074, %parallel_loop3A_1081 : vector<16xi32>
        %parallel_loop3A_1083 = arith.constant 65536 : i32
        %parallel_loop3A_1084 = arith.addi %multiple_of3A_127, %parallel_loop3A_1083 : i32
        %parallel_loop3A_1085 = vector.broadcast %parallel_loop3A_1084 : i32 to vector<16xi32>
        %parallel_loop3A_1086 = arith.cmpi slt, %parallel_loop3A_1074, %parallel_loop3A_1085 : vector<16xi32>
        %parallel_loop3A_1087 = arith.andi %parallel_loop3A_1082, %parallel_loop3A_1086 : vector<16xi1>
        %parallel_loop3A_1088 = arith.cmpi ne, %parallel_loop3A_1074, %parallel_loop3A_1078 : vector<16xi32>
        %parallel_loop3A_1089 = arith.andi %parallel_loop3A_1087, %parallel_loop3A_1088 : vector<16xi1>
        %parallel_loop3A_1090 = arith.constant 65535 : i32
        %parallel_loop3A_1091 = vector.broadcast %parallel_loop3A_1090 : i32 to vector<16xi32>
        %parallel_loop3A_1092 = arith.andi %parallel_loop3A_1074, %parallel_loop3A_1091 : vector<16xi32>
        %parallel_loop3A_1093 = arith.constant 12 : i32
        %parallel_loop3A_1094 = vector.broadcast %parallel_loop3A_1093 : i32 to vector<16xi32>
        %parallel_loop3A_1095 = arith.shrsi %parallel_loop3A_1092, %parallel_loop3A_1094 : vector<16xi32>
        %parallel_loop3A_1096 = arith.constant 4095 : i32
        %parallel_loop3A_1097 = vector.broadcast %parallel_loop3A_1096 : i32 to vector<16xi32>
        %parallel_loop3A_1098 = arith.andi %parallel_loop3A_1092, %parallel_loop3A_1097 : vector<16xi32>
        tpu.vector_store_idx %arg7[%parallel_loop3A_1095, %parallel_loop3A_1098], %parallel_loop3A_1080 masked %parallel_loop3A_1089 : memref<16x4096xf32, #tpu.memory_space<vmem>>[vector<16xi32>, vector<16xi32>], vector<16xf32>, vector<16xi1>
      } {sc.loop_unroll_factor = 8 : i64, sc.parallel_access}
      %while3A_1069 = arith.constant 0 : i32
      scf.yield %while3A_1069 : i32
    }
    %while3A_249 = arith.constant 1 : i32
    %while3A_250 = scf.for %while3A_1060 = %while3A_246 to %while3A_242 step %while3A_249 iter_args(%while3A_1061 = %while3A_248) -> (i32)  : i32 {
      %mul3A_1062 = arith.constant 8192 : i32
      %mul3A_1063 = arith.muli %while3A_1060, %mul3A_1062 : i32
      %add3A_1064 = arith.addi %reduce_sum3A_184, %mul3A_1063 : i32
      %multiple_of3A_1065 = tpu.assume_multiple %add3A_1064, 16 : i32
      "tpu.region"() ({
        %run_scoped3A = tpu.sem_alloc : memref<!tpu.dma_semaphore, #tpu.memory_space<semaphore_mem>>
        %dma_start3A = tpu.memref_slice %arg2[%multiple_of3A_1065] : memref<1685952xi32, #tpu.memory_space<hbm>> -> memref<8208xi32, #tpu.memory_space<hbm>>
        %dma_start3A_1070 = tpu.memref_slice %arg2[%multiple_of3A_1065] : memref<1685952xi32, #tpu.memory_space<hbm>> -> memref<8208xi32, #tpu.memory_space<hbm>>
        tpu.enqueue_dma source(%dma_start3A_1070 : memref<8208xi32, #tpu.memory_space<hbm>>) target(%arg8 : memref<8208xi32, #tpu.memory_space<vmem>>) target_semaphore(%run_scoped3A : memref<!tpu.dma_semaphore, #tpu.memory_space<semaphore_mem>>)
        %dma_wait3A = tpu.memref_slice %arg2[%multiple_of3A_1065] : memref<1685952xi32, #tpu.memory_space<hbm>> -> memref<8208xi32, #tpu.memory_space<hbm>>
        %dma_wait3A_1071 = tpu.memref_slice %arg2[%multiple_of3A_1065] : memref<1685952xi32, #tpu.memory_space<hbm>> -> memref<8208xi32, #tpu.memory_space<hbm>>
        tpu.wait_dma2 semaphore(%run_scoped3A : memref<!tpu.dma_semaphore, #tpu.memory_space<semaphore_mem>>) src(%dma_wait3A_1071 : memref<8208xi32, #tpu.memory_space<hbm>>) dst(%arg8 : memref<8208xi32, #tpu.memory_space<vmem>>)
        tpu.yield
      }) : () -> ()
      "tpu.region"() ({
        %run_scoped3A = tpu.sem_alloc : memref<!tpu.dma_semaphore, #tpu.memory_space<semaphore_mem>>
        %dma_start3A = tpu.memref_slice %arg3[%multiple_of3A_1065] : memref<1685952xf32, #tpu.memory_space<hbm>> -> memref<8192xf32, #tpu.memory_space<hbm>>
        %dma_start3A_1070 = tpu.memref_slice %arg3[%multiple_of3A_1065] : memref<1685952xf32, #tpu.memory_space<hbm>> -> memref<8192xf32, #tpu.memory_space<hbm>>
        tpu.enqueue_dma source(%dma_start3A_1070 : memref<8192xf32, #tpu.memory_space<hbm>>) target(%arg9 : memref<8192xf32, #tpu.memory_space<vmem>>) target_semaphore(%run_scoped3A : memref<!tpu.dma_semaphore, #tpu.memory_space<semaphore_mem>>)
        %dma_wait3A = tpu.memref_slice %arg3[%multiple_of3A_1065] : memref<1685952xf32, #tpu.memory_space<hbm>> -> memref<8192xf32, #tpu.memory_space<hbm>>
        %dma_wait3A_1071 = tpu.memref_slice %arg3[%multiple_of3A_1065] : memref<1685952xf32, #tpu.memory_space<hbm>> -> memref<8192xf32, #tpu.memory_space<hbm>>
        tpu.wait_dma2 semaphore(%run_scoped3A : memref<!tpu.dma_semaphore, #tpu.memory_space<semaphore_mem>>) src(%dma_wait3A_1071 : memref<8192xf32, #tpu.memory_space<hbm>>) dst(%arg9 : memref<8192xf32, #tpu.memory_space<vmem>>)
        tpu.yield
      }) : () -> ()
      %parallel_loop3A_1066 = arith.constant 0 : i32
      %parallel_loop3A_1067 = arith.constant 512 : i32
      %parallel_loop3A_1068 = arith.constant 1 : i32
      scf.for %parallel_loop3A_1070 = %parallel_loop3A_1066 to %parallel_loop3A_1067 step %parallel_loop3A_1068  : i32 {
        %parallel_loop3A_1071 = arith.constant 16 : i32
        %parallel_loop3A_1072 = arith.muli %parallel_loop3A_1070, %parallel_loop3A_1071 : i32
        %parallel_loop3A_1073 = arith.index_cast %parallel_loop3A_1072 : i32 to index
        %parallel_loop3A_1074 = tpu.vector_load %arg8[%parallel_loop3A_1073] {strides = array<i32>} : memref<8208xi32, #tpu.memory_space<vmem>>, vector<16xi32>,
        %parallel_loop3A_1075 = arith.constant 1 : i32
        %parallel_loop3A_1076 = arith.addi %parallel_loop3A_1072, %parallel_loop3A_1075 : i32
        %parallel_loop3A_1077 = arith.index_cast %parallel_loop3A_1076 : i32 to index
        %parallel_loop3A_1078 = tpu.vector_load %arg8[%parallel_loop3A_1077] {strides = array<i32>} : memref<8208xi32, #tpu.memory_space<vmem>>, vector<16xi32>,
        %parallel_loop3A_1079 = arith.index_cast %parallel_loop3A_1072 : i32 to index
        %parallel_loop3A_1080 = tpu.vector_load %arg9[%parallel_loop3A_1079] {strides = array<i32>} : memref<8192xf32, #tpu.memory_space<vmem>>, vector<16xf32>,
        %parallel_loop3A_1081 = vector.broadcast %multiple_of3A_127 : i32 to vector<16xi32>
        %parallel_loop3A_1082 = arith.cmpi sge, %parallel_loop3A_1074, %parallel_loop3A_1081 : vector<16xi32>
        %parallel_loop3A_1083 = arith.constant 65536 : i32
        %parallel_loop3A_1084 = arith.addi %multiple_of3A_127, %parallel_loop3A_1083 : i32
        %parallel_loop3A_1085 = vector.broadcast %parallel_loop3A_1084 : i32 to vector<16xi32>
        %parallel_loop3A_1086 = arith.cmpi slt, %parallel_loop3A_1074, %parallel_loop3A_1085 : vector<16xi32>
        %parallel_loop3A_1087 = arith.andi %parallel_loop3A_1082, %parallel_loop3A_1086 : vector<16xi1>
        %parallel_loop3A_1088 = arith.cmpi ne, %parallel_loop3A_1074, %parallel_loop3A_1078 : vector<16xi32>
        %parallel_loop3A_1089 = arith.andi %parallel_loop3A_1087, %parallel_loop3A_1088 : vector<16xi1>
        %parallel_loop3A_1090 = arith.constant 65535 : i32
        %parallel_loop3A_1091 = vector.broadcast %parallel_loop3A_1090 : i32 to vector<16xi32>
        %parallel_loop3A_1092 = arith.andi %parallel_loop3A_1074, %parallel_loop3A_1091 : vector<16xi32>
        %parallel_loop3A_1093 = arith.constant 12 : i32
        %parallel_loop3A_1094 = vector.broadcast %parallel_loop3A_1093 : i32 to vector<16xi32>
        %parallel_loop3A_1095 = arith.shrsi %parallel_loop3A_1092, %parallel_loop3A_1094 : vector<16xi32>
        %parallel_loop3A_1096 = arith.constant 4095 : i32
        %parallel_loop3A_1097 = vector.broadcast %parallel_loop3A_1096 : i32 to vector<16xi32>
        %parallel_loop3A_1098 = arith.andi %parallel_loop3A_1092, %parallel_loop3A_1097 : vector<16xi32>
        tpu.vector_store_idx %arg7[%parallel_loop3A_1095, %parallel_loop3A_1098], %parallel_loop3A_1080 masked %parallel_loop3A_1089 : memref<16x4096xf32, #tpu.memory_space<vmem>>[vector<16xi32>, vector<16xi32>], vector<16xf32>, vector<16xi1>
      } {sc.loop_unroll_factor = 8 : i64, sc.parallel_access}
      %while3A_1069 = arith.constant 0 : i32
      scf.yield %while3A_1069 : i32
    }
    %mul3A_251 = arith.constant 16 : i32
    %mul3A_252 = arith.muli %add3A_124, %mul3A_251 : i32
    %multiple_of3A_253 = tpu.assume_multiple %mul3A_252, 16 : i32
    "tpu.region"() ({
      %run_scoped3A = tpu.sem_alloc : memref<!tpu.dma_semaphore, #tpu.memory_space<semaphore_mem>>
      %dma_start3A = arith.constant 0 : i32
      %dma_start3A_1060 = tpu.memref_slice %arg6[%multiple_of3A_253, %dma_start3A] : memref<4096x4096xf32, #tpu.memory_space<hbm>> -> memref<16x4096xf32, #tpu.memory_space<hbm>>
      %dma_start3A_1061 = arith.constant 0 : i32
      %dma_start3A_1062 = tpu.memref_slice %arg6[%multiple_of3A_253, %dma_start3A_1061] : memref<4096x4096xf32, #tpu.memory_space<hbm>> -> memref<16x4096xf32, #tpu.memory_space<hbm>>
      tpu.enqueue_dma source(%arg7 : memref<16x4096xf32, #tpu.memory_space<vmem>>) target(%dma_start3A_1062 : memref<16x4096xf32, #tpu.memory_space<hbm>>) target_semaphore(%run_scoped3A : memref<!tpu.dma_semaphore, #tpu.memory_space<semaphore_mem>>)
      %dma_wait3A = arith.constant 0 : i32
      %dma_wait3A_1063 = tpu.memref_slice %arg6[%multiple_of3A_253, %dma_wait3A] : memref<4096x4096xf32, #tpu.memory_space<hbm>> -> memref<16x4096xf32, #tpu.memory_space<hbm>>
      %dma_wait3A_1064 = arith.constant 0 : i32
      %dma_wait3A_1065 = tpu.memref_slice %arg6[%multiple_of3A_253, %dma_wait3A_1064] : memref<4096x4096xf32, #tpu.memory_space<hbm>> -> memref<16x4096xf32, #tpu.memory_space<hbm>>
      tpu.wait_dma2 semaphore(%run_scoped3A : memref<!tpu.dma_semaphore, #tpu.memory_space<semaphore_mem>>) src(%arg7 : memref<16x4096xf32, #tpu.memory_space<vmem>>) dst(%dma_wait3A_1065 : memref<16x4096xf32, #tpu.memory_space<hbm>>)
      tpu.yield
    }) : () -> ()
    %scan3A_254 = arith.constant 0 : i32
    %scan3A_255 = arith.constant 2 : i32
    %mul3A_256 = arith.constant 8 : i32
    %mul3A_257 = arith.muli %add3A, %mul3A_256 : i32
    %add3A_258 = arith.addi %mul3A_257, %scan3A_255 : i32
    %mul3A_259 = arith.constant 65536 : i32
    %mul3A_260 = arith.muli %add3A_258, %mul3A_259 : i32
    %multiple_of3A_261 = tpu.assume_multiple %mul3A_260, 65536 : i32
    %parallel_loop3A_262 = arith.constant 0 : i32
    %parallel_loop3A_263 = arith.constant 4096 : i32
    %parallel_loop3A_264 = arith.constant 1 : i32
    scf.for %parallel_loop3A_1060 = %parallel_loop3A_262 to %parallel_loop3A_263 step %parallel_loop3A_264  : i32 {
      %parallel_loop3A_1061 = arith.constant 8 : i32
      %parallel_loop3A_1062 = arith.shrsi %parallel_loop3A_1060, %parallel_loop3A_1061 : i32
      %parallel_loop3A_1063 = arith.constant 255 : i32
      %parallel_loop3A_1064 = arith.andi %parallel_loop3A_1060, %parallel_loop3A_1063 : i32
      %parallel_loop3A_1065 = arith.constant 16 : i32
      %parallel_loop3A_1066 = arith.muli %parallel_loop3A_1064, %parallel_loop3A_1065 : i32
      %parallel_loop3A_1067 = arith.index_cast %parallel_loop3A_1062 : i32 to index
      %parallel_loop3A_1068 = arith.index_cast %parallel_loop3A_1066 : i32 to index
      %parallel_loop3A_1069 = tpu.vector_load %arg7[%parallel_loop3A_1067, %parallel_loop3A_1068] {strides = array<i32>} : memref<16x4096xf32, #tpu.memory_space<vmem>>, vector<16xf32>,
      tpu.vector_store %arg7[%parallel_loop3A_1067, %parallel_loop3A_1068], %broadcast_in_dim3A_1 {strides = array<i32>} : memref<16x4096xf32, #tpu.memory_space<vmem>>, vector<16xf32>,
    } {sc.loop_unroll_factor = 8 : i64, sc.parallel_access}
    %jit3A_265 = arith.constant 16 : i32
    %div3A_266 = arith.divsi %add3A_258, %jit3A_265 : i32
    %sign3A_267 = arith.constant 0 : i32
    %sign3A_268 = arith.cmpi sgt, %add3A_258, %sign3A_267 : i32
    %sign3A_269 = arith.extui %sign3A_268 : i1 to i32
    %sign3A_270 = arith.constant 0 : i32
    %sign3A_271 = arith.cmpi slt, %add3A_258, %sign3A_270 : i32
    %sign3A_272 = arith.extui %sign3A_271 : i1 to i32
    %sign3A_273 = arith.subi %sign3A_269, %sign3A_272 : i32
    %sign3A_274 = arith.constant 0 : i32
    %sign3A_275 = arith.cmpi sgt, %jit3A_265, %sign3A_274 : i32
    %sign3A_276 = arith.extui %sign3A_275 : i1 to i32
    %sign3A_277 = arith.constant 0 : i32
    %sign3A_278 = arith.cmpi slt, %jit3A_265, %sign3A_277 : i32
    %sign3A_279 = arith.extui %sign3A_278 : i1 to i32
    %sign3A_280 = arith.subi %sign3A_276, %sign3A_279 : i32
    %ne3A_281 = arith.cmpi ne, %sign3A_273, %sign3A_280 : i32
    %rem3A_282 = arith.remsi %add3A_258, %jit3A_265 : i32
    %ne3A_283 = arith.constant 0 : i32
    %ne3A_284 = arith.cmpi ne, %rem3A_282, %ne3A_283 : i32
    %and3A_285 = arith.andi %ne3A_281, %ne3A_284 : i1
    %sub3A_286 = arith.constant 1 : i32
    %sub3A_287 = arith.subi %div3A_266, %sub3A_286 : i32
    %select_n3A_288 = arith.select %and3A_285, %sub3A_287, %div3A_266 : i32
    %mul3A_289 = arith.constant 16 : i32
    %mul3A_290 = arith.muli %select_n3A_288, %mul3A_289 : i32
    %multiple_of3A_291 = tpu.assume_multiple %mul3A_290, 16 : i32
    %get3A_292 = arith.index_cast %multiple_of3A_291 : i32 to index
    %get3A_293 = tpu.vector_load %arg10[%get3A_292] {strides = array<i32>} : memref<256xi32, #tpu.memory_space<vmem>>, vector<16xi32>,
    %jit3A_294 = arith.constant 16 : i32
    %eq3A_295 = arith.constant 0 : i32
    %eq3A_296 = arith.cmpi eq, %jit3A_294, %eq3A_295 : i32
    %jit3A_297 = arith.constant 1 : i32
    %select_n3A_298 = arith.select %eq3A_296, %jit3A_297, %jit3A_294 : i32
    %rem3A_299 = arith.remsi %add3A_258, %select_n3A_298 : i32
    %ne3A_300 = arith.constant 0 : i32
    %ne3A_301 = arith.cmpi ne, %rem3A_299, %ne3A_300 : i32
    %lt3A_302 = arith.constant 0 : i32
    %lt3A_303 = arith.cmpi slt, %rem3A_299, %lt3A_302 : i32
    %lt3A_304 = arith.constant 0 : i32
    %lt3A_305 = arith.cmpi slt, %select_n3A_298, %lt3A_304 : i32
    %ne3A_306 = arith.xori %lt3A_303, %lt3A_305 : i1
    %and3A_307 = arith.andi %ne3A_306, %ne3A_301 : i1
    %add3A_308 = arith.addi %rem3A_299, %select_n3A_298 : i32
    %select_n3A_309 = arith.select %and3A_307, %add3A_308, %rem3A_299 : i32
    %eq3A_310 = vector.broadcast %select_n3A_309 : i32 to vector<16xi32>
    %eq3A_311 = arith.cmpi eq, %iota3A, %eq3A_310 : vector<16xi32>
    %jit3A_312 = arith.constant 0 : i32
    %broadcast_in_dim3A_313 = vector.broadcast %jit3A_312 : i32 to vector<16xi32>
    %select_n3A_314 = arith.select %eq3A_311, %get3A_293, %broadcast_in_dim3A_313 : vector<16xi1>, vector<16xi32>
    %reduce_sum3A_315 = arith.constant true
    %reduce_sum3A_316 = vector.broadcast %reduce_sum3A_315 : i1 to vector<16xi1>
    %reduce_sum3A_317 = tpu.scan <sum>, %select_n3A_314 masked %reduce_sum3A_316 : vector<16xi32>, vector<16xi1> -> vector<16xi32>
    %reduce_sum3A_318 = vector.extract %reduce_sum3A_317[15] : i32 from vector<16xi32>
    %jit3A_319 = arith.constant 16 : i32
    %div3A_320 = arith.divsi %add3A_258, %jit3A_319 : i32
    %sign3A_321 = arith.constant 0 : i32
    %sign3A_322 = arith.cmpi sgt, %add3A_258, %sign3A_321 : i32
    %sign3A_323 = arith.extui %sign3A_322 : i1 to i32
    %sign3A_324 = arith.constant 0 : i32
    %sign3A_325 = arith.cmpi slt, %add3A_258, %sign3A_324 : i32
    %sign3A_326 = arith.extui %sign3A_325 : i1 to i32
    %sign3A_327 = arith.subi %sign3A_323, %sign3A_326 : i32
    %sign3A_328 = arith.constant 0 : i32
    %sign3A_329 = arith.cmpi sgt, %jit3A_319, %sign3A_328 : i32
    %sign3A_330 = arith.extui %sign3A_329 : i1 to i32
    %sign3A_331 = arith.constant 0 : i32
    %sign3A_332 = arith.cmpi slt, %jit3A_319, %sign3A_331 : i32
    %sign3A_333 = arith.extui %sign3A_332 : i1 to i32
    %sign3A_334 = arith.subi %sign3A_330, %sign3A_333 : i32
    %ne3A_335 = arith.cmpi ne, %sign3A_327, %sign3A_334 : i32
    %rem3A_336 = arith.remsi %add3A_258, %jit3A_319 : i32
    %ne3A_337 = arith.constant 0 : i32
    %ne3A_338 = arith.cmpi ne, %rem3A_336, %ne3A_337 : i32
    %and3A_339 = arith.andi %ne3A_335, %ne3A_338 : i1
    %sub3A_340 = arith.constant 1 : i32
    %sub3A_341 = arith.subi %div3A_320, %sub3A_340 : i32
    %select_n3A_342 = arith.select %and3A_339, %sub3A_341, %div3A_320 : i32
    %mul3A_343 = arith.constant 16 : i32
    %mul3A_344 = arith.muli %select_n3A_342, %mul3A_343 : i32
    %multiple_of3A_345 = tpu.assume_multiple %mul3A_344, 16 : i32
    %get3A_346 = arith.index_cast %multiple_of3A_345 : i32 to index
    %get3A_347 = tpu.vector_load %arg11[%get3A_346] {strides = array<i32>} : memref<256xi32, #tpu.memory_space<vmem>>, vector<16xi32>,
    %jit3A_348 = arith.constant 16 : i32
    %eq3A_349 = arith.constant 0 : i32
    %eq3A_350 = arith.cmpi eq, %jit3A_348, %eq3A_349 : i32
    %jit3A_351 = arith.constant 1 : i32
    %select_n3A_352 = arith.select %eq3A_350, %jit3A_351, %jit3A_348 : i32
    %rem3A_353 = arith.remsi %add3A_258, %select_n3A_352 : i32
    %ne3A_354 = arith.constant 0 : i32
    %ne3A_355 = arith.cmpi ne, %rem3A_353, %ne3A_354 : i32
    %lt3A_356 = arith.constant 0 : i32
    %lt3A_357 = arith.cmpi slt, %rem3A_353, %lt3A_356 : i32
    %lt3A_358 = arith.constant 0 : i32
    %lt3A_359 = arith.cmpi slt, %select_n3A_352, %lt3A_358 : i32
    %ne3A_360 = arith.xori %lt3A_357, %lt3A_359 : i1
    %and3A_361 = arith.andi %ne3A_360, %ne3A_355 : i1
    %add3A_362 = arith.addi %rem3A_353, %select_n3A_352 : i32
    %select_n3A_363 = arith.select %and3A_361, %add3A_362, %rem3A_353 : i32
    %eq3A_364 = vector.broadcast %select_n3A_363 : i32 to vector<16xi32>
    %eq3A_365 = arith.cmpi eq, %iota3A, %eq3A_364 : vector<16xi32>
    %jit3A_366 = arith.constant 0 : i32
    %broadcast_in_dim3A_367 = vector.broadcast %jit3A_366 : i32 to vector<16xi32>
    %select_n3A_368 = arith.select %eq3A_365, %get3A_347, %broadcast_in_dim3A_367 : vector<16xi1>, vector<16xi32>
    %reduce_sum3A_369 = arith.constant true
    %reduce_sum3A_370 = vector.broadcast %reduce_sum3A_369 : i1 to vector<16xi1>
    %reduce_sum3A_371 = tpu.scan <sum>, %select_n3A_368 masked %reduce_sum3A_370 : vector<16xi32>, vector<16xi1> -> vector<16xi32>
    %reduce_sum3A_372 = vector.extract %reduce_sum3A_371[15] : i32 from vector<16xi32>
    %while3A_373 = arith.constant 0 : i32
    %while3A_374 = arith.constant 0 : i32
    %while3A_375 = arith.subi %reduce_sum3A_372, %while3A_373 : i32
    %while3A_376 = arith.addi %while3A_373, %while3A_375 : i32
    %while3A_377 = arith.constant 1 : i32
    %while3A_378 = arith.divsi %while3A_375, %while3A_377 : i32
    %while3A_379 = arith.muli %while3A_378, %while3A_377 : i32
    %while3A_380 = arith.addi %while3A_373, %while3A_379 : i32
    %while3A_381 = arith.constant 1 : i32
    %while3A_382 = scf.for %while3A_1060 = %while3A_373 to %while3A_380 step %while3A_381 iter_args(%while3A_1061 = %while3A_374) -> (i32)  : i32 {
      %mul3A_1062 = arith.constant 8192 : i32
      %mul3A_1063 = arith.muli %while3A_1060, %mul3A_1062 : i32
      %add3A_1064 = arith.addi %reduce_sum3A_318, %mul3A_1063 : i32
      %multiple_of3A_1065 = tpu.assume_multiple %add3A_1064, 16 : i32
      "tpu.region"() ({
        %run_scoped3A = tpu.sem_alloc : memref<!tpu.dma_semaphore, #tpu.memory_space<semaphore_mem>>
        %dma_start3A = tpu.memref_slice %arg2[%multiple_of3A_1065] : memref<1685952xi32, #tpu.memory_space<hbm>> -> memref<8208xi32, #tpu.memory_space<hbm>>
        %dma_start3A_1070 = tpu.memref_slice %arg2[%multiple_of3A_1065] : memref<1685952xi32, #tpu.memory_space<hbm>> -> memref<8208xi32, #tpu.memory_space<hbm>>
        tpu.enqueue_dma source(%dma_start3A_1070 : memref<8208xi32, #tpu.memory_space<hbm>>) target(%arg8 : memref<8208xi32, #tpu.memory_space<vmem>>) target_semaphore(%run_scoped3A : memref<!tpu.dma_semaphore, #tpu.memory_space<semaphore_mem>>)
        %dma_wait3A = tpu.memref_slice %arg2[%multiple_of3A_1065] : memref<1685952xi32, #tpu.memory_space<hbm>> -> memref<8208xi32, #tpu.memory_space<hbm>>
        %dma_wait3A_1071 = tpu.memref_slice %arg2[%multiple_of3A_1065] : memref<1685952xi32, #tpu.memory_space<hbm>> -> memref<8208xi32, #tpu.memory_space<hbm>>
        tpu.wait_dma2 semaphore(%run_scoped3A : memref<!tpu.dma_semaphore, #tpu.memory_space<semaphore_mem>>) src(%dma_wait3A_1071 : memref<8208xi32, #tpu.memory_space<hbm>>) dst(%arg8 : memref<8208xi32, #tpu.memory_space<vmem>>)
        tpu.yield
      }) : () -> ()
      "tpu.region"() ({
        %run_scoped3A = tpu.sem_alloc : memref<!tpu.dma_semaphore, #tpu.memory_space<semaphore_mem>>
        %dma_start3A = tpu.memref_slice %arg3[%multiple_of3A_1065] : memref<1685952xf32, #tpu.memory_space<hbm>> -> memref<8192xf32, #tpu.memory_space<hbm>>
        %dma_start3A_1070 = tpu.memref_slice %arg3[%multiple_of3A_1065] : memref<1685952xf32, #tpu.memory_space<hbm>> -> memref<8192xf32, #tpu.memory_space<hbm>>
        tpu.enqueue_dma source(%dma_start3A_1070 : memref<8192xf32, #tpu.memory_space<hbm>>) target(%arg9 : memref<8192xf32, #tpu.memory_space<vmem>>) target_semaphore(%run_scoped3A : memref<!tpu.dma_semaphore, #tpu.memory_space<semaphore_mem>>)
        %dma_wait3A = tpu.memref_slice %arg3[%multiple_of3A_1065] : memref<1685952xf32, #tpu.memory_space<hbm>> -> memref<8192xf32, #tpu.memory_space<hbm>>
        %dma_wait3A_1071 = tpu.memref_slice %arg3[%multiple_of3A_1065] : memref<1685952xf32, #tpu.memory_space<hbm>> -> memref<8192xf32, #tpu.memory_space<hbm>>
        tpu.wait_dma2 semaphore(%run_scoped3A : memref<!tpu.dma_semaphore, #tpu.memory_space<semaphore_mem>>) src(%dma_wait3A_1071 : memref<8192xf32, #tpu.memory_space<hbm>>) dst(%arg9 : memref<8192xf32, #tpu.memory_space<vmem>>)
        tpu.yield
      }) : () -> ()
      %parallel_loop3A_1066 = arith.constant 0 : i32
      %parallel_loop3A_1067 = arith.constant 512 : i32
      %parallel_loop3A_1068 = arith.constant 1 : i32
      scf.for %parallel_loop3A_1070 = %parallel_loop3A_1066 to %parallel_loop3A_1067 step %parallel_loop3A_1068  : i32 {
        %parallel_loop3A_1071 = arith.constant 16 : i32
        %parallel_loop3A_1072 = arith.muli %parallel_loop3A_1070, %parallel_loop3A_1071 : i32
        %parallel_loop3A_1073 = arith.index_cast %parallel_loop3A_1072 : i32 to index
        %parallel_loop3A_1074 = tpu.vector_load %arg8[%parallel_loop3A_1073] {strides = array<i32>} : memref<8208xi32, #tpu.memory_space<vmem>>, vector<16xi32>,
        %parallel_loop3A_1075 = arith.constant 1 : i32
        %parallel_loop3A_1076 = arith.addi %parallel_loop3A_1072, %parallel_loop3A_1075 : i32
        %parallel_loop3A_1077 = arith.index_cast %parallel_loop3A_1076 : i32 to index
        %parallel_loop3A_1078 = tpu.vector_load %arg8[%parallel_loop3A_1077] {strides = array<i32>} : memref<8208xi32, #tpu.memory_space<vmem>>, vector<16xi32>,
        %parallel_loop3A_1079 = arith.index_cast %parallel_loop3A_1072 : i32 to index
        %parallel_loop3A_1080 = tpu.vector_load %arg9[%parallel_loop3A_1079] {strides = array<i32>} : memref<8192xf32, #tpu.memory_space<vmem>>, vector<16xf32>,
        %parallel_loop3A_1081 = vector.broadcast %multiple_of3A_261 : i32 to vector<16xi32>
        %parallel_loop3A_1082 = arith.cmpi sge, %parallel_loop3A_1074, %parallel_loop3A_1081 : vector<16xi32>
        %parallel_loop3A_1083 = arith.constant 65536 : i32
        %parallel_loop3A_1084 = arith.addi %multiple_of3A_261, %parallel_loop3A_1083 : i32
        %parallel_loop3A_1085 = vector.broadcast %parallel_loop3A_1084 : i32 to vector<16xi32>
        %parallel_loop3A_1086 = arith.cmpi slt, %parallel_loop3A_1074, %parallel_loop3A_1085 : vector<16xi32>
        %parallel_loop3A_1087 = arith.andi %parallel_loop3A_1082, %parallel_loop3A_1086 : vector<16xi1>
        %parallel_loop3A_1088 = arith.cmpi ne, %parallel_loop3A_1074, %parallel_loop3A_1078 : vector<16xi32>
        %parallel_loop3A_1089 = arith.andi %parallel_loop3A_1087, %parallel_loop3A_1088 : vector<16xi1>
        %parallel_loop3A_1090 = arith.constant 65535 : i32
        %parallel_loop3A_1091 = vector.broadcast %parallel_loop3A_1090 : i32 to vector<16xi32>
        %parallel_loop3A_1092 = arith.andi %parallel_loop3A_1074, %parallel_loop3A_1091 : vector<16xi32>
        %parallel_loop3A_1093 = arith.constant 12 : i32
        %parallel_loop3A_1094 = vector.broadcast %parallel_loop3A_1093 : i32 to vector<16xi32>
        %parallel_loop3A_1095 = arith.shrsi %parallel_loop3A_1092, %parallel_loop3A_1094 : vector<16xi32>
        %parallel_loop3A_1096 = arith.constant 4095 : i32
        %parallel_loop3A_1097 = vector.broadcast %parallel_loop3A_1096 : i32 to vector<16xi32>
        %parallel_loop3A_1098 = arith.andi %parallel_loop3A_1092, %parallel_loop3A_1097 : vector<16xi32>
        tpu.vector_store_idx %arg7[%parallel_loop3A_1095, %parallel_loop3A_1098], %parallel_loop3A_1080 masked %parallel_loop3A_1089 : memref<16x4096xf32, #tpu.memory_space<vmem>>[vector<16xi32>, vector<16xi32>], vector<16xf32>, vector<16xi1>
      } {sc.loop_unroll_factor = 8 : i64, sc.parallel_access}
      %while3A_1069 = arith.constant 0 : i32
      scf.yield %while3A_1069 : i32
    }
    %while3A_383 = arith.constant 1 : i32
    %while3A_384 = scf.for %while3A_1060 = %while3A_380 to %while3A_376 step %while3A_383 iter_args(%while3A_1061 = %while3A_382) -> (i32)  : i32 {
      %mul3A_1062 = arith.constant 8192 : i32
      %mul3A_1063 = arith.muli %while3A_1060, %mul3A_1062 : i32
      %add3A_1064 = arith.addi %reduce_sum3A_318, %mul3A_1063 : i32
      %multiple_of3A_1065 = tpu.assume_multiple %add3A_1064, 16 : i32
      "tpu.region"() ({
        %run_scoped3A = tpu.sem_alloc : memref<!tpu.dma_semaphore, #tpu.memory_space<semaphore_mem>>
        %dma_start3A = tpu.memref_slice %arg2[%multiple_of3A_1065] : memref<1685952xi32, #tpu.memory_space<hbm>> -> memref<8208xi32, #tpu.memory_space<hbm>>
        %dma_start3A_1070 = tpu.memref_slice %arg2[%multiple_of3A_1065] : memref<1685952xi32, #tpu.memory_space<hbm>> -> memref<8208xi32, #tpu.memory_space<hbm>>
        tpu.enqueue_dma source(%dma_start3A_1070 : memref<8208xi32, #tpu.memory_space<hbm>>) target(%arg8 : memref<8208xi32, #tpu.memory_space<vmem>>) target_semaphore(%run_scoped3A : memref<!tpu.dma_semaphore, #tpu.memory_space<semaphore_mem>>)
        %dma_wait3A = tpu.memref_slice %arg2[%multiple_of3A_1065] : memref<1685952xi32, #tpu.memory_space<hbm>> -> memref<8208xi32, #tpu.memory_space<hbm>>
        %dma_wait3A_1071 = tpu.memref_slice %arg2[%multiple_of3A_1065] : memref<1685952xi32, #tpu.memory_space<hbm>> -> memref<8208xi32, #tpu.memory_space<hbm>>
        tpu.wait_dma2 semaphore(%run_scoped3A : memref<!tpu.dma_semaphore, #tpu.memory_space<semaphore_mem>>) src(%dma_wait3A_1071 : memref<8208xi32, #tpu.memory_space<hbm>>) dst(%arg8 : memref<8208xi32, #tpu.memory_space<vmem>>)
        tpu.yield
      }) : () -> ()
      "tpu.region"() ({
        %run_scoped3A = tpu.sem_alloc : memref<!tpu.dma_semaphore, #tpu.memory_space<semaphore_mem>>
        %dma_start3A = tpu.memref_slice %arg3[%multiple_of3A_1065] : memref<1685952xf32, #tpu.memory_space<hbm>> -> memref<8192xf32, #tpu.memory_space<hbm>>
        %dma_start3A_1070 = tpu.memref_slice %arg3[%multiple_of3A_1065] : memref<1685952xf32, #tpu.memory_space<hbm>> -> memref<8192xf32, #tpu.memory_space<hbm>>
        tpu.enqueue_dma source(%dma_start3A_1070 : memref<8192xf32, #tpu.memory_space<hbm>>) target(%arg9 : memref<8192xf32, #tpu.memory_space<vmem>>) target_semaphore(%run_scoped3A : memref<!tpu.dma_semaphore, #tpu.memory_space<semaphore_mem>>)
        %dma_wait3A = tpu.memref_slice %arg3[%multiple_of3A_1065] : memref<1685952xf32, #tpu.memory_space<hbm>> -> memref<8192xf32, #tpu.memory_space<hbm>>
        %dma_wait3A_1071 = tpu.memref_slice %arg3[%multiple_of3A_1065] : memref<1685952xf32, #tpu.memory_space<hbm>> -> memref<8192xf32, #tpu.memory_space<hbm>>
        tpu.wait_dma2 semaphore(%run_scoped3A : memref<!tpu.dma_semaphore, #tpu.memory_space<semaphore_mem>>) src(%dma_wait3A_1071 : memref<8192xf32, #tpu.memory_space<hbm>>) dst(%arg9 : memref<8192xf32, #tpu.memory_space<vmem>>)
        tpu.yield
      }) : () -> ()
      %parallel_loop3A_1066 = arith.constant 0 : i32
      %parallel_loop3A_1067 = arith.constant 512 : i32
      %parallel_loop3A_1068 = arith.constant 1 : i32
      scf.for %parallel_loop3A_1070 = %parallel_loop3A_1066 to %parallel_loop3A_1067 step %parallel_loop3A_1068  : i32 {
        %parallel_loop3A_1071 = arith.constant 16 : i32
        %parallel_loop3A_1072 = arith.muli %parallel_loop3A_1070, %parallel_loop3A_1071 : i32
        %parallel_loop3A_1073 = arith.index_cast %parallel_loop3A_1072 : i32 to index
        %parallel_loop3A_1074 = tpu.vector_load %arg8[%parallel_loop3A_1073] {strides = array<i32>} : memref<8208xi32, #tpu.memory_space<vmem>>, vector<16xi32>,
        %parallel_loop3A_1075 = arith.constant 1 : i32
        %parallel_loop3A_1076 = arith.addi %parallel_loop3A_1072, %parallel_loop3A_1075 : i32
        %parallel_loop3A_1077 = arith.index_cast %parallel_loop3A_1076 : i32 to index
        %parallel_loop3A_1078 = tpu.vector_load %arg8[%parallel_loop3A_1077] {strides = array<i32>} : memref<8208xi32, #tpu.memory_space<vmem>>, vector<16xi32>,
        %parallel_loop3A_1079 = arith.index_cast %parallel_loop3A_1072 : i32 to index
        %parallel_loop3A_1080 = tpu.vector_load %arg9[%parallel_loop3A_1079] {strides = array<i32>} : memref<8192xf32, #tpu.memory_space<vmem>>, vector<16xf32>,
        %parallel_loop3A_1081 = vector.broadcast %multiple_of3A_261 : i32 to vector<16xi32>
        %parallel_loop3A_1082 = arith.cmpi sge, %parallel_loop3A_1074, %parallel_loop3A_1081 : vector<16xi32>
        %parallel_loop3A_1083 = arith.constant 65536 : i32
        %parallel_loop3A_1084 = arith.addi %multiple_of3A_261, %parallel_loop3A_1083 : i32
        %parallel_loop3A_1085 = vector.broadcast %parallel_loop3A_1084 : i32 to vector<16xi32>
        %parallel_loop3A_1086 = arith.cmpi slt, %parallel_loop3A_1074, %parallel_loop3A_1085 : vector<16xi32>
        %parallel_loop3A_1087 = arith.andi %parallel_loop3A_1082, %parallel_loop3A_1086 : vector<16xi1>
        %parallel_loop3A_1088 = arith.cmpi ne, %parallel_loop3A_1074, %parallel_loop3A_1078 : vector<16xi32>
        %parallel_loop3A_1089 = arith.andi %parallel_loop3A_1087, %parallel_loop3A_1088 : vector<16xi1>
        %parallel_loop3A_1090 = arith.constant 65535 : i32
        %parallel_loop3A_1091 = vector.broadcast %parallel_loop3A_1090 : i32 to vector<16xi32>
        %parallel_loop3A_1092 = arith.andi %parallel_loop3A_1074, %parallel_loop3A_1091 : vector<16xi32>
        %parallel_loop3A_1093 = arith.constant 12 : i32
        %parallel_loop3A_1094 = vector.broadcast %parallel_loop3A_1093 : i32 to vector<16xi32>
        %parallel_loop3A_1095 = arith.shrsi %parallel_loop3A_1092, %parallel_loop3A_1094 : vector<16xi32>
        %parallel_loop3A_1096 = arith.constant 4095 : i32
        %parallel_loop3A_1097 = vector.broadcast %parallel_loop3A_1096 : i32 to vector<16xi32>
        %parallel_loop3A_1098 = arith.andi %parallel_loop3A_1092, %parallel_loop3A_1097 : vector<16xi32>
        tpu.vector_store_idx %arg7[%parallel_loop3A_1095, %parallel_loop3A_1098], %parallel_loop3A_1080 masked %parallel_loop3A_1089 : memref<16x4096xf32, #tpu.memory_space<vmem>>[vector<16xi32>, vector<16xi32>], vector<16xf32>, vector<16xi1>
      } {sc.loop_unroll_factor = 8 : i64, sc.parallel_access}
      %while3A_1069 = arith.constant 0 : i32
      scf.yield %while3A_1069 : i32
    }
    %mul3A_385 = arith.constant 16 : i32
    %mul3A_386 = arith.muli %add3A_258, %mul3A_385 : i32
    %multiple_of3A_387 = tpu.assume_multiple %mul3A_386, 16 : i32
    "tpu.region"() ({
      %run_scoped3A = tpu.sem_alloc : memref<!tpu.dma_semaphore, #tpu.memory_space<semaphore_mem>>
      %dma_start3A = arith.constant 0 : i32
      %dma_start3A_1060 = tpu.memref_slice %arg6[%multiple_of3A_387, %dma_start3A] : memref<4096x4096xf32, #tpu.memory_space<hbm>> -> memref<16x4096xf32, #tpu.memory_space<hbm>>
      %dma_start3A_1061 = arith.constant 0 : i32
      %dma_start3A_1062 = tpu.memref_slice %arg6[%multiple_of3A_387, %dma_start3A_1061] : memref<4096x4096xf32, #tpu.memory_space<hbm>> -> memref<16x4096xf32, #tpu.memory_space<hbm>>
      tpu.enqueue_dma source(%arg7 : memref<16x4096xf32, #tpu.memory_space<vmem>>) target(%dma_start3A_1062 : memref<16x4096xf32, #tpu.memory_space<hbm>>) target_semaphore(%run_scoped3A : memref<!tpu.dma_semaphore, #tpu.memory_space<semaphore_mem>>)
      %dma_wait3A = arith.constant 0 : i32
      %dma_wait3A_1063 = tpu.memref_slice %arg6[%multiple_of3A_387, %dma_wait3A] : memref<4096x4096xf32, #tpu.memory_space<hbm>> -> memref<16x4096xf32, #tpu.memory_space<hbm>>
      %dma_wait3A_1064 = arith.constant 0 : i32
      %dma_wait3A_1065 = tpu.memref_slice %arg6[%multiple_of3A_387, %dma_wait3A_1064] : memref<4096x4096xf32, #tpu.memory_space<hbm>> -> memref<16x4096xf32, #tpu.memory_space<hbm>>
      tpu.wait_dma2 semaphore(%run_scoped3A : memref<!tpu.dma_semaphore, #tpu.memory_space<semaphore_mem>>) src(%arg7 : memref<16x4096xf32, #tpu.memory_space<vmem>>) dst(%dma_wait3A_1065 : memref<16x4096xf32, #tpu.memory_space<hbm>>)
      tpu.yield
    }) : () -> ()
    %scan3A_388 = arith.constant 0 : i32
    %scan3A_389 = arith.constant 3 : i32
    %mul3A_390 = arith.constant 8 : i32
    %mul3A_391 = arith.muli %add3A, %mul3A_390 : i32
    %add3A_392 = arith.addi %mul3A_391, %scan3A_389 : i32
    %mul3A_393 = arith.constant 65536 : i32
    %mul3A_394 = arith.muli %add3A_392, %mul3A_393 : i32
    %multiple_of3A_395 = tpu.assume_multiple %mul3A_394, 65536 : i32
    %parallel_loop3A_396 = arith.constant 0 : i32
    %parallel_loop3A_397 = arith.constant 4096 : i32
    %parallel_loop3A_398 = arith.constant 1 : i32
    scf.for %parallel_loop3A_1060 = %parallel_loop3A_396 to %parallel_loop3A_397 step %parallel_loop3A_398  : i32 {
      %parallel_loop3A_1061 = arith.constant 8 : i32
      %parallel_loop3A_1062 = arith.shrsi %parallel_loop3A_1060, %parallel_loop3A_1061 : i32
      %parallel_loop3A_1063 = arith.constant 255 : i32
      %parallel_loop3A_1064 = arith.andi %parallel_loop3A_1060, %parallel_loop3A_1063 : i32
      %parallel_loop3A_1065 = arith.constant 16 : i32
      %parallel_loop3A_1066 = arith.muli %parallel_loop3A_1064, %parallel_loop3A_1065 : i32
      %parallel_loop3A_1067 = arith.index_cast %parallel_loop3A_1062 : i32 to index
      %parallel_loop3A_1068 = arith.index_cast %parallel_loop3A_1066 : i32 to index
      %parallel_loop3A_1069 = tpu.vector_load %arg7[%parallel_loop3A_1067, %parallel_loop3A_1068] {strides = array<i32>} : memref<16x4096xf32, #tpu.memory_space<vmem>>, vector<16xf32>,
      tpu.vector_store %arg7[%parallel_loop3A_1067, %parallel_loop3A_1068], %broadcast_in_dim3A_1 {strides = array<i32>} : memref<16x4096xf32, #tpu.memory_space<vmem>>, vector<16xf32>,
    } {sc.loop_unroll_factor = 8 : i64, sc.parallel_access}
    %jit3A_399 = arith.constant 16 : i32
    %div3A_400 = arith.divsi %add3A_392, %jit3A_399 : i32
    %sign3A_401 = arith.constant 0 : i32
    %sign3A_402 = arith.cmpi sgt, %add3A_392, %sign3A_401 : i32
    %sign3A_403 = arith.extui %sign3A_402 : i1 to i32
    %sign3A_404 = arith.constant 0 : i32
    %sign3A_405 = arith.cmpi slt, %add3A_392, %sign3A_404 : i32
    %sign3A_406 = arith.extui %sign3A_405 : i1 to i32
    %sign3A_407 = arith.subi %sign3A_403, %sign3A_406 : i32
    %sign3A_408 = arith.constant 0 : i32
    %sign3A_409 = arith.cmpi sgt, %jit3A_399, %sign3A_408 : i32
    %sign3A_410 = arith.extui %sign3A_409 : i1 to i32
    %sign3A_411 = arith.constant 0 : i32
    %sign3A_412 = arith.cmpi slt, %jit3A_399, %sign3A_411 : i32
    %sign3A_413 = arith.extui %sign3A_412 : i1 to i32
    %sign3A_414 = arith.subi %sign3A_410, %sign3A_413 : i32
    %ne3A_415 = arith.cmpi ne, %sign3A_407, %sign3A_414 : i32
    %rem3A_416 = arith.remsi %add3A_392, %jit3A_399 : i32
    %ne3A_417 = arith.constant 0 : i32
    %ne3A_418 = arith.cmpi ne, %rem3A_416, %ne3A_417 : i32
    %and3A_419 = arith.andi %ne3A_415, %ne3A_418 : i1
    %sub3A_420 = arith.constant 1 : i32
    %sub3A_421 = arith.subi %div3A_400, %sub3A_420 : i32
    %select_n3A_422 = arith.select %and3A_419, %sub3A_421, %div3A_400 : i32
    %mul3A_423 = arith.constant 16 : i32
    %mul3A_424 = arith.muli %select_n3A_422, %mul3A_423 : i32
    %multiple_of3A_425 = tpu.assume_multiple %mul3A_424, 16 : i32
    %get3A_426 = arith.index_cast %multiple_of3A_425 : i32 to index
    %get3A_427 = tpu.vector_load %arg10[%get3A_426] {strides = array<i32>} : memref<256xi32, #tpu.memory_space<vmem>>, vector<16xi32>,
    %jit3A_428 = arith.constant 16 : i32
    %eq3A_429 = arith.constant 0 : i32
    %eq3A_430 = arith.cmpi eq, %jit3A_428, %eq3A_429 : i32
    %jit3A_431 = arith.constant 1 : i32
    %select_n3A_432 = arith.select %eq3A_430, %jit3A_431, %jit3A_428 : i32
    %rem3A_433 = arith.remsi %add3A_392, %select_n3A_432 : i32
    %ne3A_434 = arith.constant 0 : i32
    %ne3A_435 = arith.cmpi ne, %rem3A_433, %ne3A_434 : i32
    %lt3A_436 = arith.constant 0 : i32
    %lt3A_437 = arith.cmpi slt, %rem3A_433, %lt3A_436 : i32
    %lt3A_438 = arith.constant 0 : i32
    %lt3A_439 = arith.cmpi slt, %select_n3A_432, %lt3A_438 : i32
    %ne3A_440 = arith.xori %lt3A_437, %lt3A_439 : i1
    %and3A_441 = arith.andi %ne3A_440, %ne3A_435 : i1
    %add3A_442 = arith.addi %rem3A_433, %select_n3A_432 : i32
    %select_n3A_443 = arith.select %and3A_441, %add3A_442, %rem3A_433 : i32
    %eq3A_444 = vector.broadcast %select_n3A_443 : i32 to vector<16xi32>
    %eq3A_445 = arith.cmpi eq, %iota3A, %eq3A_444 : vector<16xi32>
    %jit3A_446 = arith.constant 0 : i32
    %broadcast_in_dim3A_447 = vector.broadcast %jit3A_446 : i32 to vector<16xi32>
    %select_n3A_448 = arith.select %eq3A_445, %get3A_427, %broadcast_in_dim3A_447 : vector<16xi1>, vector<16xi32>
    %reduce_sum3A_449 = arith.constant true
    %reduce_sum3A_450 = vector.broadcast %reduce_sum3A_449 : i1 to vector<16xi1>
    %reduce_sum3A_451 = tpu.scan <sum>, %select_n3A_448 masked %reduce_sum3A_450 : vector<16xi32>, vector<16xi1> -> vector<16xi32>
    %reduce_sum3A_452 = vector.extract %reduce_sum3A_451[15] : i32 from vector<16xi32>
    %jit3A_453 = arith.constant 16 : i32
    %div3A_454 = arith.divsi %add3A_392, %jit3A_453 : i32
    %sign3A_455 = arith.constant 0 : i32
    %sign3A_456 = arith.cmpi sgt, %add3A_392, %sign3A_455 : i32
    %sign3A_457 = arith.extui %sign3A_456 : i1 to i32
    %sign3A_458 = arith.constant 0 : i32
    %sign3A_459 = arith.cmpi slt, %add3A_392, %sign3A_458 : i32
    %sign3A_460 = arith.extui %sign3A_459 : i1 to i32
    %sign3A_461 = arith.subi %sign3A_457, %sign3A_460 : i32
    %sign3A_462 = arith.constant 0 : i32
    %sign3A_463 = arith.cmpi sgt, %jit3A_453, %sign3A_462 : i32
    %sign3A_464 = arith.extui %sign3A_463 : i1 to i32
    %sign3A_465 = arith.constant 0 : i32
    %sign3A_466 = arith.cmpi slt, %jit3A_453, %sign3A_465 : i32
    %sign3A_467 = arith.extui %sign3A_466 : i1 to i32
    %sign3A_468 = arith.subi %sign3A_464, %sign3A_467 : i32
    %ne3A_469 = arith.cmpi ne, %sign3A_461, %sign3A_468 : i32
    %rem3A_470 = arith.remsi %add3A_392, %jit3A_453 : i32
    %ne3A_471 = arith.constant 0 : i32
    %ne3A_472 = arith.cmpi ne, %rem3A_470, %ne3A_471 : i32
    %and3A_473 = arith.andi %ne3A_469, %ne3A_472 : i1
    %sub3A_474 = arith.constant 1 : i32
    %sub3A_475 = arith.subi %div3A_454, %sub3A_474 : i32
    %select_n3A_476 = arith.select %and3A_473, %sub3A_475, %div3A_454 : i32
    %mul3A_477 = arith.constant 16 : i32
    %mul3A_478 = arith.muli %select_n3A_476, %mul3A_477 : i32
    %multiple_of3A_479 = tpu.assume_multiple %mul3A_478, 16 : i32
    %get3A_480 = arith.index_cast %multiple_of3A_479 : i32 to index
    %get3A_481 = tpu.vector_load %arg11[%get3A_480] {strides = array<i32>} : memref<256xi32, #tpu.memory_space<vmem>>, vector<16xi32>,
    %jit3A_482 = arith.constant 16 : i32
    %eq3A_483 = arith.constant 0 : i32
    %eq3A_484 = arith.cmpi eq, %jit3A_482, %eq3A_483 : i32
    %jit3A_485 = arith.constant 1 : i32
    %select_n3A_486 = arith.select %eq3A_484, %jit3A_485, %jit3A_482 : i32
    %rem3A_487 = arith.remsi %add3A_392, %select_n3A_486 : i32
    %ne3A_488 = arith.constant 0 : i32
    %ne3A_489 = arith.cmpi ne, %rem3A_487, %ne3A_488 : i32
    %lt3A_490 = arith.constant 0 : i32
    %lt3A_491 = arith.cmpi slt, %rem3A_487, %lt3A_490 : i32
    %lt3A_492 = arith.constant 0 : i32
    %lt3A_493 = arith.cmpi slt, %select_n3A_486, %lt3A_492 : i32
    %ne3A_494 = arith.xori %lt3A_491, %lt3A_493 : i1
    %and3A_495 = arith.andi %ne3A_494, %ne3A_489 : i1
    %add3A_496 = arith.addi %rem3A_487, %select_n3A_486 : i32
    %select_n3A_497 = arith.select %and3A_495, %add3A_496, %rem3A_487 : i32
    %eq3A_498 = vector.broadcast %select_n3A_497 : i32 to vector<16xi32>
    %eq3A_499 = arith.cmpi eq, %iota3A, %eq3A_498 : vector<16xi32>
    %jit3A_500 = arith.constant 0 : i32
    %broadcast_in_dim3A_501 = vector.broadcast %jit3A_500 : i32 to vector<16xi32>
    %select_n3A_502 = arith.select %eq3A_499, %get3A_481, %broadcast_in_dim3A_501 : vector<16xi1>, vector<16xi32>
    %reduce_sum3A_503 = arith.constant true
    %reduce_sum3A_504 = vector.broadcast %reduce_sum3A_503 : i1 to vector<16xi1>
    %reduce_sum3A_505 = tpu.scan <sum>, %select_n3A_502 masked %reduce_sum3A_504 : vector<16xi32>, vector<16xi1> -> vector<16xi32>
    %reduce_sum3A_506 = vector.extract %reduce_sum3A_505[15] : i32 from vector<16xi32>
    %while3A_507 = arith.constant 0 : i32
    %while3A_508 = arith.constant 0 : i32
    %while3A_509 = arith.subi %reduce_sum3A_506, %while3A_507 : i32
    %while3A_510 = arith.addi %while3A_507, %while3A_509 : i32
    %while3A_511 = arith.constant 1 : i32
    %while3A_512 = arith.divsi %while3A_509, %while3A_511 : i32
    %while3A_513 = arith.muli %while3A_512, %while3A_511 : i32
    %while3A_514 = arith.addi %while3A_507, %while3A_513 : i32
    %while3A_515 = arith.constant 1 : i32
    %while3A_516 = scf.for %while3A_1060 = %while3A_507 to %while3A_514 step %while3A_515 iter_args(%while3A_1061 = %while3A_508) -> (i32)  : i32 {
      %mul3A_1062 = arith.constant 8192 : i32
      %mul3A_1063 = arith.muli %while3A_1060, %mul3A_1062 : i32
      %add3A_1064 = arith.addi %reduce_sum3A_452, %mul3A_1063 : i32
      %multiple_of3A_1065 = tpu.assume_multiple %add3A_1064, 16 : i32
      "tpu.region"() ({
        %run_scoped3A = tpu.sem_alloc : memref<!tpu.dma_semaphore, #tpu.memory_space<semaphore_mem>>
        %dma_start3A = tpu.memref_slice %arg2[%multiple_of3A_1065] : memref<1685952xi32, #tpu.memory_space<hbm>> -> memref<8208xi32, #tpu.memory_space<hbm>>
        %dma_start3A_1070 = tpu.memref_slice %arg2[%multiple_of3A_1065] : memref<1685952xi32, #tpu.memory_space<hbm>> -> memref<8208xi32, #tpu.memory_space<hbm>>
        tpu.enqueue_dma source(%dma_start3A_1070 : memref<8208xi32, #tpu.memory_space<hbm>>) target(%arg8 : memref<8208xi32, #tpu.memory_space<vmem>>) target_semaphore(%run_scoped3A : memref<!tpu.dma_semaphore, #tpu.memory_space<semaphore_mem>>)
        %dma_wait3A = tpu.memref_slice %arg2[%multiple_of3A_1065] : memref<1685952xi32, #tpu.memory_space<hbm>> -> memref<8208xi32, #tpu.memory_space<hbm>>
        %dma_wait3A_1071 = tpu.memref_slice %arg2[%multiple_of3A_1065] : memref<1685952xi32, #tpu.memory_space<hbm>> -> memref<8208xi32, #tpu.memory_space<hbm>>
        tpu.wait_dma2 semaphore(%run_scoped3A : memref<!tpu.dma_semaphore, #tpu.memory_space<semaphore_mem>>) src(%dma_wait3A_1071 : memref<8208xi32, #tpu.memory_space<hbm>>) dst(%arg8 : memref<8208xi32, #tpu.memory_space<vmem>>)
        tpu.yield
      }) : () -> ()
      "tpu.region"() ({
        %run_scoped3A = tpu.sem_alloc : memref<!tpu.dma_semaphore, #tpu.memory_space<semaphore_mem>>
        %dma_start3A = tpu.memref_slice %arg3[%multiple_of3A_1065] : memref<1685952xf32, #tpu.memory_space<hbm>> -> memref<8192xf32, #tpu.memory_space<hbm>>
        %dma_start3A_1070 = tpu.memref_slice %arg3[%multiple_of3A_1065] : memref<1685952xf32, #tpu.memory_space<hbm>> -> memref<8192xf32, #tpu.memory_space<hbm>>
        tpu.enqueue_dma source(%dma_start3A_1070 : memref<8192xf32, #tpu.memory_space<hbm>>) target(%arg9 : memref<8192xf32, #tpu.memory_space<vmem>>) target_semaphore(%run_scoped3A : memref<!tpu.dma_semaphore, #tpu.memory_space<semaphore_mem>>)
        %dma_wait3A = tpu.memref_slice %arg3[%multiple_of3A_1065] : memref<1685952xf32, #tpu.memory_space<hbm>> -> memref<8192xf32, #tpu.memory_space<hbm>>
        %dma_wait3A_1071 = tpu.memref_slice %arg3[%multiple_of3A_1065] : memref<1685952xf32, #tpu.memory_space<hbm>> -> memref<8192xf32, #tpu.memory_space<hbm>>
        tpu.wait_dma2 semaphore(%run_scoped3A : memref<!tpu.dma_semaphore, #tpu.memory_space<semaphore_mem>>) src(%dma_wait3A_1071 : memref<8192xf32, #tpu.memory_space<hbm>>) dst(%arg9 : memref<8192xf32, #tpu.memory_space<vmem>>)
        tpu.yield
      }) : () -> ()
      %parallel_loop3A_1066 = arith.constant 0 : i32
      %parallel_loop3A_1067 = arith.constant 512 : i32
      %parallel_loop3A_1068 = arith.constant 1 : i32
      scf.for %parallel_loop3A_1070 = %parallel_loop3A_1066 to %parallel_loop3A_1067 step %parallel_loop3A_1068  : i32 {
        %parallel_loop3A_1071 = arith.constant 16 : i32
        %parallel_loop3A_1072 = arith.muli %parallel_loop3A_1070, %parallel_loop3A_1071 : i32
        %parallel_loop3A_1073 = arith.index_cast %parallel_loop3A_1072 : i32 to index
        %parallel_loop3A_1074 = tpu.vector_load %arg8[%parallel_loop3A_1073] {strides = array<i32>} : memref<8208xi32, #tpu.memory_space<vmem>>, vector<16xi32>,
        %parallel_loop3A_1075 = arith.constant 1 : i32
        %parallel_loop3A_1076 = arith.addi %parallel_loop3A_1072, %parallel_loop3A_1075 : i32
        %parallel_loop3A_1077 = arith.index_cast %parallel_loop3A_1076 : i32 to index
        %parallel_loop3A_1078 = tpu.vector_load %arg8[%parallel_loop3A_1077] {strides = array<i32>} : memref<8208xi32, #tpu.memory_space<vmem>>, vector<16xi32>,
        %parallel_loop3A_1079 = arith.index_cast %parallel_loop3A_1072 : i32 to index
        %parallel_loop3A_1080 = tpu.vector_load %arg9[%parallel_loop3A_1079] {strides = array<i32>} : memref<8192xf32, #tpu.memory_space<vmem>>, vector<16xf32>,
        %parallel_loop3A_1081 = vector.broadcast %multiple_of3A_395 : i32 to vector<16xi32>
        %parallel_loop3A_1082 = arith.cmpi sge, %parallel_loop3A_1074, %parallel_loop3A_1081 : vector<16xi32>
        %parallel_loop3A_1083 = arith.constant 65536 : i32
        %parallel_loop3A_1084 = arith.addi %multiple_of3A_395, %parallel_loop3A_1083 : i32
        %parallel_loop3A_1085 = vector.broadcast %parallel_loop3A_1084 : i32 to vector<16xi32>
        %parallel_loop3A_1086 = arith.cmpi slt, %parallel_loop3A_1074, %parallel_loop3A_1085 : vector<16xi32>
        %parallel_loop3A_1087 = arith.andi %parallel_loop3A_1082, %parallel_loop3A_1086 : vector<16xi1>
        %parallel_loop3A_1088 = arith.cmpi ne, %parallel_loop3A_1074, %parallel_loop3A_1078 : vector<16xi32>
        %parallel_loop3A_1089 = arith.andi %parallel_loop3A_1087, %parallel_loop3A_1088 : vector<16xi1>
        %parallel_loop3A_1090 = arith.constant 65535 : i32
        %parallel_loop3A_1091 = vector.broadcast %parallel_loop3A_1090 : i32 to vector<16xi32>
        %parallel_loop3A_1092 = arith.andi %parallel_loop3A_1074, %parallel_loop3A_1091 : vector<16xi32>
        %parallel_loop3A_1093 = arith.constant 12 : i32
        %parallel_loop3A_1094 = vector.broadcast %parallel_loop3A_1093 : i32 to vector<16xi32>
        %parallel_loop3A_1095 = arith.shrsi %parallel_loop3A_1092, %parallel_loop3A_1094 : vector<16xi32>
        %parallel_loop3A_1096 = arith.constant 4095 : i32
        %parallel_loop3A_1097 = vector.broadcast %parallel_loop3A_1096 : i32 to vector<16xi32>
        %parallel_loop3A_1098 = arith.andi %parallel_loop3A_1092, %parallel_loop3A_1097 : vector<16xi32>
        tpu.vector_store_idx %arg7[%parallel_loop3A_1095, %parallel_loop3A_1098], %parallel_loop3A_1080 masked %parallel_loop3A_1089 : memref<16x4096xf32, #tpu.memory_space<vmem>>[vector<16xi32>, vector<16xi32>], vector<16xf32>, vector<16xi1>
      } {sc.loop_unroll_factor = 8 : i64, sc.parallel_access}
      %while3A_1069 = arith.constant 0 : i32
      scf.yield %while3A_1069 : i32
    }
    %while3A_517 = arith.constant 1 : i32
    %while3A_518 = scf.for %while3A_1060 = %while3A_514 to %while3A_510 step %while3A_517 iter_args(%while3A_1061 = %while3A_516) -> (i32)  : i32 {
      %mul3A_1062 = arith.constant 8192 : i32
      %mul3A_1063 = arith.muli %while3A_1060, %mul3A_1062 : i32
      %add3A_1064 = arith.addi %reduce_sum3A_452, %mul3A_1063 : i32
      %multiple_of3A_1065 = tpu.assume_multiple %add3A_1064, 16 : i32
      "tpu.region"() ({
        %run_scoped3A = tpu.sem_alloc : memref<!tpu.dma_semaphore, #tpu.memory_space<semaphore_mem>>
        %dma_start3A = tpu.memref_slice %arg2[%multiple_of3A_1065] : memref<1685952xi32, #tpu.memory_space<hbm>> -> memref<8208xi32, #tpu.memory_space<hbm>>
        %dma_start3A_1070 = tpu.memref_slice %arg2[%multiple_of3A_1065] : memref<1685952xi32, #tpu.memory_space<hbm>> -> memref<8208xi32, #tpu.memory_space<hbm>>
        tpu.enqueue_dma source(%dma_start3A_1070 : memref<8208xi32, #tpu.memory_space<hbm>>) target(%arg8 : memref<8208xi32, #tpu.memory_space<vmem>>) target_semaphore(%run_scoped3A : memref<!tpu.dma_semaphore, #tpu.memory_space<semaphore_mem>>)
        %dma_wait3A = tpu.memref_slice %arg2[%multiple_of3A_1065] : memref<1685952xi32, #tpu.memory_space<hbm>> -> memref<8208xi32, #tpu.memory_space<hbm>>
        %dma_wait3A_1071 = tpu.memref_slice %arg2[%multiple_of3A_1065] : memref<1685952xi32, #tpu.memory_space<hbm>> -> memref<8208xi32, #tpu.memory_space<hbm>>
        tpu.wait_dma2 semaphore(%run_scoped3A : memref<!tpu.dma_semaphore, #tpu.memory_space<semaphore_mem>>) src(%dma_wait3A_1071 : memref<8208xi32, #tpu.memory_space<hbm>>) dst(%arg8 : memref<8208xi32, #tpu.memory_space<vmem>>)
        tpu.yield
      }) : () -> ()
      "tpu.region"() ({
        %run_scoped3A = tpu.sem_alloc : memref<!tpu.dma_semaphore, #tpu.memory_space<semaphore_mem>>
        %dma_start3A = tpu.memref_slice %arg3[%multiple_of3A_1065] : memref<1685952xf32, #tpu.memory_space<hbm>> -> memref<8192xf32, #tpu.memory_space<hbm>>
        %dma_start3A_1070 = tpu.memref_slice %arg3[%multiple_of3A_1065] : memref<1685952xf32, #tpu.memory_space<hbm>> -> memref<8192xf32, #tpu.memory_space<hbm>>
        tpu.enqueue_dma source(%dma_start3A_1070 : memref<8192xf32, #tpu.memory_space<hbm>>) target(%arg9 : memref<8192xf32, #tpu.memory_space<vmem>>) target_semaphore(%run_scoped3A : memref<!tpu.dma_semaphore, #tpu.memory_space<semaphore_mem>>)
        %dma_wait3A = tpu.memref_slice %arg3[%multiple_of3A_1065] : memref<1685952xf32, #tpu.memory_space<hbm>> -> memref<8192xf32, #tpu.memory_space<hbm>>
        %dma_wait3A_1071 = tpu.memref_slice %arg3[%multiple_of3A_1065] : memref<1685952xf32, #tpu.memory_space<hbm>> -> memref<8192xf32, #tpu.memory_space<hbm>>
        tpu.wait_dma2 semaphore(%run_scoped3A : memref<!tpu.dma_semaphore, #tpu.memory_space<semaphore_mem>>) src(%dma_wait3A_1071 : memref<8192xf32, #tpu.memory_space<hbm>>) dst(%arg9 : memref<8192xf32, #tpu.memory_space<vmem>>)
        tpu.yield
      }) : () -> ()
      %parallel_loop3A_1066 = arith.constant 0 : i32
      %parallel_loop3A_1067 = arith.constant 512 : i32
      %parallel_loop3A_1068 = arith.constant 1 : i32
      scf.for %parallel_loop3A_1070 = %parallel_loop3A_1066 to %parallel_loop3A_1067 step %parallel_loop3A_1068  : i32 {
        %parallel_loop3A_1071 = arith.constant 16 : i32
        %parallel_loop3A_1072 = arith.muli %parallel_loop3A_1070, %parallel_loop3A_1071 : i32
        %parallel_loop3A_1073 = arith.index_cast %parallel_loop3A_1072 : i32 to index
        %parallel_loop3A_1074 = tpu.vector_load %arg8[%parallel_loop3A_1073] {strides = array<i32>} : memref<8208xi32, #tpu.memory_space<vmem>>, vector<16xi32>,
        %parallel_loop3A_1075 = arith.constant 1 : i32
        %parallel_loop3A_1076 = arith.addi %parallel_loop3A_1072, %parallel_loop3A_1075 : i32
        %parallel_loop3A_1077 = arith.index_cast %parallel_loop3A_1076 : i32 to index
        %parallel_loop3A_1078 = tpu.vector_load %arg8[%parallel_loop3A_1077] {strides = array<i32>} : memref<8208xi32, #tpu.memory_space<vmem>>, vector<16xi32>,
        %parallel_loop3A_1079 = arith.index_cast %parallel_loop3A_1072 : i32 to index
        %parallel_loop3A_1080 = tpu.vector_load %arg9[%parallel_loop3A_1079] {strides = array<i32>} : memref<8192xf32, #tpu.memory_space<vmem>>, vector<16xf32>,
        %parallel_loop3A_1081 = vector.broadcast %multiple_of3A_395 : i32 to vector<16xi32>
        %parallel_loop3A_1082 = arith.cmpi sge, %parallel_loop3A_1074, %parallel_loop3A_1081 : vector<16xi32>
        %parallel_loop3A_1083 = arith.constant 65536 : i32
        %parallel_loop3A_1084 = arith.addi %multiple_of3A_395, %parallel_loop3A_1083 : i32
        %parallel_loop3A_1085 = vector.broadcast %parallel_loop3A_1084 : i32 to vector<16xi32>
        %parallel_loop3A_1086 = arith.cmpi slt, %parallel_loop3A_1074, %parallel_loop3A_1085 : vector<16xi32>
        %parallel_loop3A_1087 = arith.andi %parallel_loop3A_1082, %parallel_loop3A_1086 : vector<16xi1>
        %parallel_loop3A_1088 = arith.cmpi ne, %parallel_loop3A_1074, %parallel_loop3A_1078 : vector<16xi32>
        %parallel_loop3A_1089 = arith.andi %parallel_loop3A_1087, %parallel_loop3A_1088 : vector<16xi1>
        %parallel_loop3A_1090 = arith.constant 65535 : i32
        %parallel_loop3A_1091 = vector.broadcast %parallel_loop3A_1090 : i32 to vector<16xi32>
        %parallel_loop3A_1092 = arith.andi %parallel_loop3A_1074, %parallel_loop3A_1091 : vector<16xi32>
        %parallel_loop3A_1093 = arith.constant 12 : i32
        %parallel_loop3A_1094 = vector.broadcast %parallel_loop3A_1093 : i32 to vector<16xi32>
        %parallel_loop3A_1095 = arith.shrsi %parallel_loop3A_1092, %parallel_loop3A_1094 : vector<16xi32>
        %parallel_loop3A_1096 = arith.constant 4095 : i32
        %parallel_loop3A_1097 = vector.broadcast %parallel_loop3A_1096 : i32 to vector<16xi32>
        %parallel_loop3A_1098 = arith.andi %parallel_loop3A_1092, %parallel_loop3A_1097 : vector<16xi32>
        tpu.vector_store_idx %arg7[%parallel_loop3A_1095, %parallel_loop3A_1098], %parallel_loop3A_1080 masked %parallel_loop3A_1089 : memref<16x4096xf32, #tpu.memory_space<vmem>>[vector<16xi32>, vector<16xi32>], vector<16xf32>, vector<16xi1>
      } {sc.loop_unroll_factor = 8 : i64, sc.parallel_access}
      %while3A_1069 = arith.constant 0 : i32
      scf.yield %while3A_1069 : i32
    }
    %mul3A_519 = arith.constant 16 : i32
    %mul3A_520 = arith.muli %add3A_392, %mul3A_519 : i32
    %multiple_of3A_521 = tpu.assume_multiple %mul3A_520, 16 : i32
    "tpu.region"() ({
      %run_scoped3A = tpu.sem_alloc : memref<!tpu.dma_semaphore, #tpu.memory_space<semaphore_mem>>
      %dma_start3A = arith.constant 0 : i32
      %dma_start3A_1060 = tpu.memref_slice %arg6[%multiple_of3A_521, %dma_start3A] : memref<4096x4096xf32, #tpu.memory_space<hbm>> -> memref<16x4096xf32, #tpu.memory_space<hbm>>
      %dma_start3A_1061 = arith.constant 0 : i32
      %dma_start3A_1062 = tpu.memref_slice %arg6[%multiple_of3A_521, %dma_start3A_1061] : memref<4096x4096xf32, #tpu.memory_space<hbm>> -> memref<16x4096xf32, #tpu.memory_space<hbm>>
      tpu.enqueue_dma source(%arg7 : memref<16x4096xf32, #tpu.memory_space<vmem>>) target(%dma_start3A_1062 : memref<16x4096xf32, #tpu.memory_space<hbm>>) target_semaphore(%run_scoped3A : memref<!tpu.dma_semaphore, #tpu.memory_space<semaphore_mem>>)
      %dma_wait3A = arith.constant 0 : i32
      %dma_wait3A_1063 = tpu.memref_slice %arg6[%multiple_of3A_521, %dma_wait3A] : memref<4096x4096xf32, #tpu.memory_space<hbm>> -> memref<16x4096xf32, #tpu.memory_space<hbm>>
      %dma_wait3A_1064 = arith.constant 0 : i32
      %dma_wait3A_1065 = tpu.memref_slice %arg6[%multiple_of3A_521, %dma_wait3A_1064] : memref<4096x4096xf32, #tpu.memory_space<hbm>> -> memref<16x4096xf32, #tpu.memory_space<hbm>>
      tpu.wait_dma2 semaphore(%run_scoped3A : memref<!tpu.dma_semaphore, #tpu.memory_space<semaphore_mem>>) src(%arg7 : memref<16x4096xf32, #tpu.memory_space<vmem>>) dst(%dma_wait3A_1065 : memref<16x4096xf32, #tpu.memory_space<hbm>>)
      tpu.yield
    }) : () -> ()
    %scan3A_522 = arith.constant 0 : i32
    %scan3A_523 = arith.constant 4 : i32
    %mul3A_524 = arith.constant 8 : i32
    %mul3A_525 = arith.muli %add3A, %mul3A_524 : i32
    %add3A_526 = arith.addi %mul3A_525, %scan3A_523 : i32
    %mul3A_527 = arith.constant 65536 : i32
    %mul3A_528 = arith.muli %add3A_526, %mul3A_527 : i32
    %multiple_of3A_529 = tpu.assume_multiple %mul3A_528, 65536 : i32
    %parallel_loop3A_530 = arith.constant 0 : i32
    %parallel_loop3A_531 = arith.constant 4096 : i32
    %parallel_loop3A_532 = arith.constant 1 : i32
    scf.for %parallel_loop3A_1060 = %parallel_loop3A_530 to %parallel_loop3A_531 step %parallel_loop3A_532  : i32 {
      %parallel_loop3A_1061 = arith.constant 8 : i32
      %parallel_loop3A_1062 = arith.shrsi %parallel_loop3A_1060, %parallel_loop3A_1061 : i32
      %parallel_loop3A_1063 = arith.constant 255 : i32
      %parallel_loop3A_1064 = arith.andi %parallel_loop3A_1060, %parallel_loop3A_1063 : i32
      %parallel_loop3A_1065 = arith.constant 16 : i32
      %parallel_loop3A_1066 = arith.muli %parallel_loop3A_1064, %parallel_loop3A_1065 : i32
      %parallel_loop3A_1067 = arith.index_cast %parallel_loop3A_1062 : i32 to index
      %parallel_loop3A_1068 = arith.index_cast %parallel_loop3A_1066 : i32 to index
      %parallel_loop3A_1069 = tpu.vector_load %arg7[%parallel_loop3A_1067, %parallel_loop3A_1068] {strides = array<i32>} : memref<16x4096xf32, #tpu.memory_space<vmem>>, vector<16xf32>,
      tpu.vector_store %arg7[%parallel_loop3A_1067, %parallel_loop3A_1068], %broadcast_in_dim3A_1 {strides = array<i32>} : memref<16x4096xf32, #tpu.memory_space<vmem>>, vector<16xf32>,
    } {sc.loop_unroll_factor = 8 : i64, sc.parallel_access}
    %jit3A_533 = arith.constant 16 : i32
    %div3A_534 = arith.divsi %add3A_526, %jit3A_533 : i32
    %sign3A_535 = arith.constant 0 : i32
    %sign3A_536 = arith.cmpi sgt, %add3A_526, %sign3A_535 : i32
    %sign3A_537 = arith.extui %sign3A_536 : i1 to i32
    %sign3A_538 = arith.constant 0 : i32
    %sign3A_539 = arith.cmpi slt, %add3A_526, %sign3A_538 : i32
    %sign3A_540 = arith.extui %sign3A_539 : i1 to i32
    %sign3A_541 = arith.subi %sign3A_537, %sign3A_540 : i32
    %sign3A_542 = arith.constant 0 : i32
    %sign3A_543 = arith.cmpi sgt, %jit3A_533, %sign3A_542 : i32
    %sign3A_544 = arith.extui %sign3A_543 : i1 to i32
    %sign3A_545 = arith.constant 0 : i32
    %sign3A_546 = arith.cmpi slt, %jit3A_533, %sign3A_545 : i32
    %sign3A_547 = arith.extui %sign3A_546 : i1 to i32
    %sign3A_548 = arith.subi %sign3A_544, %sign3A_547 : i32
    %ne3A_549 = arith.cmpi ne, %sign3A_541, %sign3A_548 : i32
    %rem3A_550 = arith.remsi %add3A_526, %jit3A_533 : i32
    %ne3A_551 = arith.constant 0 : i32
    %ne3A_552 = arith.cmpi ne, %rem3A_550, %ne3A_551 : i32
    %and3A_553 = arith.andi %ne3A_549, %ne3A_552 : i1
    %sub3A_554 = arith.constant 1 : i32
    %sub3A_555 = arith.subi %div3A_534, %sub3A_554 : i32
    %select_n3A_556 = arith.select %and3A_553, %sub3A_555, %div3A_534 : i32
    %mul3A_557 = arith.constant 16 : i32
    %mul3A_558 = arith.muli %select_n3A_556, %mul3A_557 : i32
    %multiple_of3A_559 = tpu.assume_multiple %mul3A_558, 16 : i32
    %get3A_560 = arith.index_cast %multiple_of3A_559 : i32 to index
    %get3A_561 = tpu.vector_load %arg10[%get3A_560] {strides = array<i32>} : memref<256xi32, #tpu.memory_space<vmem>>, vector<16xi32>,
    %jit3A_562 = arith.constant 16 : i32
    %eq3A_563 = arith.constant 0 : i32
    %eq3A_564 = arith.cmpi eq, %jit3A_562, %eq3A_563 : i32
    %jit3A_565 = arith.constant 1 : i32
    %select_n3A_566 = arith.select %eq3A_564, %jit3A_565, %jit3A_562 : i32
    %rem3A_567 = arith.remsi %add3A_526, %select_n3A_566 : i32
    %ne3A_568 = arith.constant 0 : i32
    %ne3A_569 = arith.cmpi ne, %rem3A_567, %ne3A_568 : i32
    %lt3A_570 = arith.constant 0 : i32
    %lt3A_571 = arith.cmpi slt, %rem3A_567, %lt3A_570 : i32
    %lt3A_572 = arith.constant 0 : i32
    %lt3A_573 = arith.cmpi slt, %select_n3A_566, %lt3A_572 : i32
    %ne3A_574 = arith.xori %lt3A_571, %lt3A_573 : i1
    %and3A_575 = arith.andi %ne3A_574, %ne3A_569 : i1
    %add3A_576 = arith.addi %rem3A_567, %select_n3A_566 : i32
    %select_n3A_577 = arith.select %and3A_575, %add3A_576, %rem3A_567 : i32
    %eq3A_578 = vector.broadcast %select_n3A_577 : i32 to vector<16xi32>
    %eq3A_579 = arith.cmpi eq, %iota3A, %eq3A_578 : vector<16xi32>
    %jit3A_580 = arith.constant 0 : i32
    %broadcast_in_dim3A_581 = vector.broadcast %jit3A_580 : i32 to vector<16xi32>
    %select_n3A_582 = arith.select %eq3A_579, %get3A_561, %broadcast_in_dim3A_581 : vector<16xi1>, vector<16xi32>
    %reduce_sum3A_583 = arith.constant true
    %reduce_sum3A_584 = vector.broadcast %reduce_sum3A_583 : i1 to vector<16xi1>
    %reduce_sum3A_585 = tpu.scan <sum>, %select_n3A_582 masked %reduce_sum3A_584 : vector<16xi32>, vector<16xi1> -> vector<16xi32>
    %reduce_sum3A_586 = vector.extract %reduce_sum3A_585[15] : i32 from vector<16xi32>
    %jit3A_587 = arith.constant 16 : i32
    %div3A_588 = arith.divsi %add3A_526, %jit3A_587 : i32
    %sign3A_589 = arith.constant 0 : i32
    %sign3A_590 = arith.cmpi sgt, %add3A_526, %sign3A_589 : i32
    %sign3A_591 = arith.extui %sign3A_590 : i1 to i32
    %sign3A_592 = arith.constant 0 : i32
    %sign3A_593 = arith.cmpi slt, %add3A_526, %sign3A_592 : i32
    %sign3A_594 = arith.extui %sign3A_593 : i1 to i32
    %sign3A_595 = arith.subi %sign3A_591, %sign3A_594 : i32
    %sign3A_596 = arith.constant 0 : i32
    %sign3A_597 = arith.cmpi sgt, %jit3A_587, %sign3A_596 : i32
    %sign3A_598 = arith.extui %sign3A_597 : i1 to i32
    %sign3A_599 = arith.constant 0 : i32
    %sign3A_600 = arith.cmpi slt, %jit3A_587, %sign3A_599 : i32
    %sign3A_601 = arith.extui %sign3A_600 : i1 to i32
    %sign3A_602 = arith.subi %sign3A_598, %sign3A_601 : i32
    %ne3A_603 = arith.cmpi ne, %sign3A_595, %sign3A_602 : i32
    %rem3A_604 = arith.remsi %add3A_526, %jit3A_587 : i32
    %ne3A_605 = arith.constant 0 : i32
    %ne3A_606 = arith.cmpi ne, %rem3A_604, %ne3A_605 : i32
    %and3A_607 = arith.andi %ne3A_603, %ne3A_606 : i1
    %sub3A_608 = arith.constant 1 : i32
    %sub3A_609 = arith.subi %div3A_588, %sub3A_608 : i32
    %select_n3A_610 = arith.select %and3A_607, %sub3A_609, %div3A_588 : i32
    %mul3A_611 = arith.constant 16 : i32
    %mul3A_612 = arith.muli %select_n3A_610, %mul3A_611 : i32
    %multiple_of3A_613 = tpu.assume_multiple %mul3A_612, 16 : i32
    %get3A_614 = arith.index_cast %multiple_of3A_613 : i32 to index
    %get3A_615 = tpu.vector_load %arg11[%get3A_614] {strides = array<i32>} : memref<256xi32, #tpu.memory_space<vmem>>, vector<16xi32>,
    %jit3A_616 = arith.constant 16 : i32
    %eq3A_617 = arith.constant 0 : i32
    %eq3A_618 = arith.cmpi eq, %jit3A_616, %eq3A_617 : i32
    %jit3A_619 = arith.constant 1 : i32
    %select_n3A_620 = arith.select %eq3A_618, %jit3A_619, %jit3A_616 : i32
    %rem3A_621 = arith.remsi %add3A_526, %select_n3A_620 : i32
    %ne3A_622 = arith.constant 0 : i32
    %ne3A_623 = arith.cmpi ne, %rem3A_621, %ne3A_622 : i32
    %lt3A_624 = arith.constant 0 : i32
    %lt3A_625 = arith.cmpi slt, %rem3A_621, %lt3A_624 : i32
    %lt3A_626 = arith.constant 0 : i32
    %lt3A_627 = arith.cmpi slt, %select_n3A_620, %lt3A_626 : i32
    %ne3A_628 = arith.xori %lt3A_625, %lt3A_627 : i1
    %and3A_629 = arith.andi %ne3A_628, %ne3A_623 : i1
    %add3A_630 = arith.addi %rem3A_621, %select_n3A_620 : i32
    %select_n3A_631 = arith.select %and3A_629, %add3A_630, %rem3A_621 : i32
    %eq3A_632 = vector.broadcast %select_n3A_631 : i32 to vector<16xi32>
    %eq3A_633 = arith.cmpi eq, %iota3A, %eq3A_632 : vector<16xi32>
    %jit3A_634 = arith.constant 0 : i32
    %broadcast_in_dim3A_635 = vector.broadcast %jit3A_634 : i32 to vector<16xi32>
    %select_n3A_636 = arith.select %eq3A_633, %get3A_615, %broadcast_in_dim3A_635 : vector<16xi1>, vector<16xi32>
    %reduce_sum3A_637 = arith.constant true
    %reduce_sum3A_638 = vector.broadcast %reduce_sum3A_637 : i1 to vector<16xi1>
    %reduce_sum3A_639 = tpu.scan <sum>, %select_n3A_636 masked %reduce_sum3A_638 : vector<16xi32>, vector<16xi1> -> vector<16xi32>
    %reduce_sum3A_640 = vector.extract %reduce_sum3A_639[15] : i32 from vector<16xi32>
    %while3A_641 = arith.constant 0 : i32
    %while3A_642 = arith.constant 0 : i32
    %while3A_643 = arith.subi %reduce_sum3A_640, %while3A_641 : i32
    %while3A_644 = arith.addi %while3A_641, %while3A_643 : i32
    %while3A_645 = arith.constant 1 : i32
    %while3A_646 = arith.divsi %while3A_643, %while3A_645 : i32
    %while3A_647 = arith.muli %while3A_646, %while3A_645 : i32
    %while3A_648 = arith.addi %while3A_641, %while3A_647 : i32
    %while3A_649 = arith.constant 1 : i32
    %while3A_650 = scf.for %while3A_1060 = %while3A_641 to %while3A_648 step %while3A_649 iter_args(%while3A_1061 = %while3A_642) -> (i32)  : i32 {
      %mul3A_1062 = arith.constant 8192 : i32
      %mul3A_1063 = arith.muli %while3A_1060, %mul3A_1062 : i32
      %add3A_1064 = arith.addi %reduce_sum3A_586, %mul3A_1063 : i32
      %multiple_of3A_1065 = tpu.assume_multiple %add3A_1064, 16 : i32
      "tpu.region"() ({
        %run_scoped3A = tpu.sem_alloc : memref<!tpu.dma_semaphore, #tpu.memory_space<semaphore_mem>>
        %dma_start3A = tpu.memref_slice %arg2[%multiple_of3A_1065] : memref<1685952xi32, #tpu.memory_space<hbm>> -> memref<8208xi32, #tpu.memory_space<hbm>>
        %dma_start3A_1070 = tpu.memref_slice %arg2[%multiple_of3A_1065] : memref<1685952xi32, #tpu.memory_space<hbm>> -> memref<8208xi32, #tpu.memory_space<hbm>>
        tpu.enqueue_dma source(%dma_start3A_1070 : memref<8208xi32, #tpu.memory_space<hbm>>) target(%arg8 : memref<8208xi32, #tpu.memory_space<vmem>>) target_semaphore(%run_scoped3A : memref<!tpu.dma_semaphore, #tpu.memory_space<semaphore_mem>>)
        %dma_wait3A = tpu.memref_slice %arg2[%multiple_of3A_1065] : memref<1685952xi32, #tpu.memory_space<hbm>> -> memref<8208xi32, #tpu.memory_space<hbm>>
        %dma_wait3A_1071 = tpu.memref_slice %arg2[%multiple_of3A_1065] : memref<1685952xi32, #tpu.memory_space<hbm>> -> memref<8208xi32, #tpu.memory_space<hbm>>
        tpu.wait_dma2 semaphore(%run_scoped3A : memref<!tpu.dma_semaphore, #tpu.memory_space<semaphore_mem>>) src(%dma_wait3A_1071 : memref<8208xi32, #tpu.memory_space<hbm>>) dst(%arg8 : memref<8208xi32, #tpu.memory_space<vmem>>)
        tpu.yield
      }) : () -> ()
      "tpu.region"() ({
        %run_scoped3A = tpu.sem_alloc : memref<!tpu.dma_semaphore, #tpu.memory_space<semaphore_mem>>
        %dma_start3A = tpu.memref_slice %arg3[%multiple_of3A_1065] : memref<1685952xf32, #tpu.memory_space<hbm>> -> memref<8192xf32, #tpu.memory_space<hbm>>
        %dma_start3A_1070 = tpu.memref_slice %arg3[%multiple_of3A_1065] : memref<1685952xf32, #tpu.memory_space<hbm>> -> memref<8192xf32, #tpu.memory_space<hbm>>
        tpu.enqueue_dma source(%dma_start3A_1070 : memref<8192xf32, #tpu.memory_space<hbm>>) target(%arg9 : memref<8192xf32, #tpu.memory_space<vmem>>) target_semaphore(%run_scoped3A : memref<!tpu.dma_semaphore, #tpu.memory_space<semaphore_mem>>)
        %dma_wait3A = tpu.memref_slice %arg3[%multiple_of3A_1065] : memref<1685952xf32, #tpu.memory_space<hbm>> -> memref<8192xf32, #tpu.memory_space<hbm>>
        %dma_wait3A_1071 = tpu.memref_slice %arg3[%multiple_of3A_1065] : memref<1685952xf32, #tpu.memory_space<hbm>> -> memref<8192xf32, #tpu.memory_space<hbm>>
        tpu.wait_dma2 semaphore(%run_scoped3A : memref<!tpu.dma_semaphore, #tpu.memory_space<semaphore_mem>>) src(%dma_wait3A_1071 : memref<8192xf32, #tpu.memory_space<hbm>>) dst(%arg9 : memref<8192xf32, #tpu.memory_space<vmem>>)
        tpu.yield
      }) : () -> ()
      %parallel_loop3A_1066 = arith.constant 0 : i32
      %parallel_loop3A_1067 = arith.constant 512 : i32
      %parallel_loop3A_1068 = arith.constant 1 : i32
      scf.for %parallel_loop3A_1070 = %parallel_loop3A_1066 to %parallel_loop3A_1067 step %parallel_loop3A_1068  : i32 {
        %parallel_loop3A_1071 = arith.constant 16 : i32
        %parallel_loop3A_1072 = arith.muli %parallel_loop3A_1070, %parallel_loop3A_1071 : i32
        %parallel_loop3A_1073 = arith.index_cast %parallel_loop3A_1072 : i32 to index
        %parallel_loop3A_1074 = tpu.vector_load %arg8[%parallel_loop3A_1073] {strides = array<i32>} : memref<8208xi32, #tpu.memory_space<vmem>>, vector<16xi32>,
        %parallel_loop3A_1075 = arith.constant 1 : i32
        %parallel_loop3A_1076 = arith.addi %parallel_loop3A_1072, %parallel_loop3A_1075 : i32
        %parallel_loop3A_1077 = arith.index_cast %parallel_loop3A_1076 : i32 to index
        %parallel_loop3A_1078 = tpu.vector_load %arg8[%parallel_loop3A_1077] {strides = array<i32>} : memref<8208xi32, #tpu.memory_space<vmem>>, vector<16xi32>,
        %parallel_loop3A_1079 = arith.index_cast %parallel_loop3A_1072 : i32 to index
        %parallel_loop3A_1080 = tpu.vector_load %arg9[%parallel_loop3A_1079] {strides = array<i32>} : memref<8192xf32, #tpu.memory_space<vmem>>, vector<16xf32>,
        %parallel_loop3A_1081 = vector.broadcast %multiple_of3A_529 : i32 to vector<16xi32>
        %parallel_loop3A_1082 = arith.cmpi sge, %parallel_loop3A_1074, %parallel_loop3A_1081 : vector<16xi32>
        %parallel_loop3A_1083 = arith.constant 65536 : i32
        %parallel_loop3A_1084 = arith.addi %multiple_of3A_529, %parallel_loop3A_1083 : i32
        %parallel_loop3A_1085 = vector.broadcast %parallel_loop3A_1084 : i32 to vector<16xi32>
        %parallel_loop3A_1086 = arith.cmpi slt, %parallel_loop3A_1074, %parallel_loop3A_1085 : vector<16xi32>
        %parallel_loop3A_1087 = arith.andi %parallel_loop3A_1082, %parallel_loop3A_1086 : vector<16xi1>
        %parallel_loop3A_1088 = arith.cmpi ne, %parallel_loop3A_1074, %parallel_loop3A_1078 : vector<16xi32>
        %parallel_loop3A_1089 = arith.andi %parallel_loop3A_1087, %parallel_loop3A_1088 : vector<16xi1>
        %parallel_loop3A_1090 = arith.constant 65535 : i32
        %parallel_loop3A_1091 = vector.broadcast %parallel_loop3A_1090 : i32 to vector<16xi32>
        %parallel_loop3A_1092 = arith.andi %parallel_loop3A_1074, %parallel_loop3A_1091 : vector<16xi32>
        %parallel_loop3A_1093 = arith.constant 12 : i32
        %parallel_loop3A_1094 = vector.broadcast %parallel_loop3A_1093 : i32 to vector<16xi32>
        %parallel_loop3A_1095 = arith.shrsi %parallel_loop3A_1092, %parallel_loop3A_1094 : vector<16xi32>
        %parallel_loop3A_1096 = arith.constant 4095 : i32
        %parallel_loop3A_1097 = vector.broadcast %parallel_loop3A_1096 : i32 to vector<16xi32>
        %parallel_loop3A_1098 = arith.andi %parallel_loop3A_1092, %parallel_loop3A_1097 : vector<16xi32>
        tpu.vector_store_idx %arg7[%parallel_loop3A_1095, %parallel_loop3A_1098], %parallel_loop3A_1080 masked %parallel_loop3A_1089 : memref<16x4096xf32, #tpu.memory_space<vmem>>[vector<16xi32>, vector<16xi32>], vector<16xf32>, vector<16xi1>
      } {sc.loop_unroll_factor = 8 : i64, sc.parallel_access}
      %while3A_1069 = arith.constant 0 : i32
      scf.yield %while3A_1069 : i32
    }
    %while3A_651 = arith.constant 1 : i32
    %while3A_652 = scf.for %while3A_1060 = %while3A_648 to %while3A_644 step %while3A_651 iter_args(%while3A_1061 = %while3A_650) -> (i32)  : i32 {
      %mul3A_1062 = arith.constant 8192 : i32
      %mul3A_1063 = arith.muli %while3A_1060, %mul3A_1062 : i32
      %add3A_1064 = arith.addi %reduce_sum3A_586, %mul3A_1063 : i32
      %multiple_of3A_1065 = tpu.assume_multiple %add3A_1064, 16 : i32
      "tpu.region"() ({
        %run_scoped3A = tpu.sem_alloc : memref<!tpu.dma_semaphore, #tpu.memory_space<semaphore_mem>>
        %dma_start3A = tpu.memref_slice %arg2[%multiple_of3A_1065] : memref<1685952xi32, #tpu.memory_space<hbm>> -> memref<8208xi32, #tpu.memory_space<hbm>>
        %dma_start3A_1070 = tpu.memref_slice %arg2[%multiple_of3A_1065] : memref<1685952xi32, #tpu.memory_space<hbm>> -> memref<8208xi32, #tpu.memory_space<hbm>>
        tpu.enqueue_dma source(%dma_start3A_1070 : memref<8208xi32, #tpu.memory_space<hbm>>) target(%arg8 : memref<8208xi32, #tpu.memory_space<vmem>>) target_semaphore(%run_scoped3A : memref<!tpu.dma_semaphore, #tpu.memory_space<semaphore_mem>>)
        %dma_wait3A = tpu.memref_slice %arg2[%multiple_of3A_1065] : memref<1685952xi32, #tpu.memory_space<hbm>> -> memref<8208xi32, #tpu.memory_space<hbm>>
        %dma_wait3A_1071 = tpu.memref_slice %arg2[%multiple_of3A_1065] : memref<1685952xi32, #tpu.memory_space<hbm>> -> memref<8208xi32, #tpu.memory_space<hbm>>
        tpu.wait_dma2 semaphore(%run_scoped3A : memref<!tpu.dma_semaphore, #tpu.memory_space<semaphore_mem>>) src(%dma_wait3A_1071 : memref<8208xi32, #tpu.memory_space<hbm>>) dst(%arg8 : memref<8208xi32, #tpu.memory_space<vmem>>)
        tpu.yield
      }) : () -> ()
      "tpu.region"() ({
        %run_scoped3A = tpu.sem_alloc : memref<!tpu.dma_semaphore, #tpu.memory_space<semaphore_mem>>
        %dma_start3A = tpu.memref_slice %arg3[%multiple_of3A_1065] : memref<1685952xf32, #tpu.memory_space<hbm>> -> memref<8192xf32, #tpu.memory_space<hbm>>
        %dma_start3A_1070 = tpu.memref_slice %arg3[%multiple_of3A_1065] : memref<1685952xf32, #tpu.memory_space<hbm>> -> memref<8192xf32, #tpu.memory_space<hbm>>
        tpu.enqueue_dma source(%dma_start3A_1070 : memref<8192xf32, #tpu.memory_space<hbm>>) target(%arg9 : memref<8192xf32, #tpu.memory_space<vmem>>) target_semaphore(%run_scoped3A : memref<!tpu.dma_semaphore, #tpu.memory_space<semaphore_mem>>)
        %dma_wait3A = tpu.memref_slice %arg3[%multiple_of3A_1065] : memref<1685952xf32, #tpu.memory_space<hbm>> -> memref<8192xf32, #tpu.memory_space<hbm>>
        %dma_wait3A_1071 = tpu.memref_slice %arg3[%multiple_of3A_1065] : memref<1685952xf32, #tpu.memory_space<hbm>> -> memref<8192xf32, #tpu.memory_space<hbm>>
        tpu.wait_dma2 semaphore(%run_scoped3A : memref<!tpu.dma_semaphore, #tpu.memory_space<semaphore_mem>>) src(%dma_wait3A_1071 : memref<8192xf32, #tpu.memory_space<hbm>>) dst(%arg9 : memref<8192xf32, #tpu.memory_space<vmem>>)
        tpu.yield
      }) : () -> ()
      %parallel_loop3A_1066 = arith.constant 0 : i32
      %parallel_loop3A_1067 = arith.constant 512 : i32
      %parallel_loop3A_1068 = arith.constant 1 : i32
      scf.for %parallel_loop3A_1070 = %parallel_loop3A_1066 to %parallel_loop3A_1067 step %parallel_loop3A_1068  : i32 {
        %parallel_loop3A_1071 = arith.constant 16 : i32
        %parallel_loop3A_1072 = arith.muli %parallel_loop3A_1070, %parallel_loop3A_1071 : i32
        %parallel_loop3A_1073 = arith.index_cast %parallel_loop3A_1072 : i32 to index
        %parallel_loop3A_1074 = tpu.vector_load %arg8[%parallel_loop3A_1073] {strides = array<i32>} : memref<8208xi32, #tpu.memory_space<vmem>>, vector<16xi32>,
        %parallel_loop3A_1075 = arith.constant 1 : i32
        %parallel_loop3A_1076 = arith.addi %parallel_loop3A_1072, %parallel_loop3A_1075 : i32
        %parallel_loop3A_1077 = arith.index_cast %parallel_loop3A_1076 : i32 to index
        %parallel_loop3A_1078 = tpu.vector_load %arg8[%parallel_loop3A_1077] {strides = array<i32>} : memref<8208xi32, #tpu.memory_space<vmem>>, vector<16xi32>,
        %parallel_loop3A_1079 = arith.index_cast %parallel_loop3A_1072 : i32 to index
        %parallel_loop3A_1080 = tpu.vector_load %arg9[%parallel_loop3A_1079] {strides = array<i32>} : memref<8192xf32, #tpu.memory_space<vmem>>, vector<16xf32>,
        %parallel_loop3A_1081 = vector.broadcast %multiple_of3A_529 : i32 to vector<16xi32>
        %parallel_loop3A_1082 = arith.cmpi sge, %parallel_loop3A_1074, %parallel_loop3A_1081 : vector<16xi32>
        %parallel_loop3A_1083 = arith.constant 65536 : i32
        %parallel_loop3A_1084 = arith.addi %multiple_of3A_529, %parallel_loop3A_1083 : i32
        %parallel_loop3A_1085 = vector.broadcast %parallel_loop3A_1084 : i32 to vector<16xi32>
        %parallel_loop3A_1086 = arith.cmpi slt, %parallel_loop3A_1074, %parallel_loop3A_1085 : vector<16xi32>
        %parallel_loop3A_1087 = arith.andi %parallel_loop3A_1082, %parallel_loop3A_1086 : vector<16xi1>
        %parallel_loop3A_1088 = arith.cmpi ne, %parallel_loop3A_1074, %parallel_loop3A_1078 : vector<16xi32>
        %parallel_loop3A_1089 = arith.andi %parallel_loop3A_1087, %parallel_loop3A_1088 : vector<16xi1>
        %parallel_loop3A_1090 = arith.constant 65535 : i32
        %parallel_loop3A_1091 = vector.broadcast %parallel_loop3A_1090 : i32 to vector<16xi32>
        %parallel_loop3A_1092 = arith.andi %parallel_loop3A_1074, %parallel_loop3A_1091 : vector<16xi32>
        %parallel_loop3A_1093 = arith.constant 12 : i32
        %parallel_loop3A_1094 = vector.broadcast %parallel_loop3A_1093 : i32 to vector<16xi32>
        %parallel_loop3A_1095 = arith.shrsi %parallel_loop3A_1092, %parallel_loop3A_1094 : vector<16xi32>
        %parallel_loop3A_1096 = arith.constant 4095 : i32
        %parallel_loop3A_1097 = vector.broadcast %parallel_loop3A_1096 : i32 to vector<16xi32>
        %parallel_loop3A_1098 = arith.andi %parallel_loop3A_1092, %parallel_loop3A_1097 : vector<16xi32>
        tpu.vector_store_idx %arg7[%parallel_loop3A_1095, %parallel_loop3A_1098], %parallel_loop3A_1080 masked %parallel_loop3A_1089 : memref<16x4096xf32, #tpu.memory_space<vmem>>[vector<16xi32>, vector<16xi32>], vector<16xf32>, vector<16xi1>
      } {sc.loop_unroll_factor = 8 : i64, sc.parallel_access}
      %while3A_1069 = arith.constant 0 : i32
      scf.yield %while3A_1069 : i32
    }
    %mul3A_653 = arith.constant 16 : i32
    %mul3A_654 = arith.muli %add3A_526, %mul3A_653 : i32
    %multiple_of3A_655 = tpu.assume_multiple %mul3A_654, 16 : i32
    "tpu.region"() ({
      %run_scoped3A = tpu.sem_alloc : memref<!tpu.dma_semaphore, #tpu.memory_space<semaphore_mem>>
      %dma_start3A = arith.constant 0 : i32
      %dma_start3A_1060 = tpu.memref_slice %arg6[%multiple_of3A_655, %dma_start3A] : memref<4096x4096xf32, #tpu.memory_space<hbm>> -> memref<16x4096xf32, #tpu.memory_space<hbm>>
      %dma_start3A_1061 = arith.constant 0 : i32
      %dma_start3A_1062 = tpu.memref_slice %arg6[%multiple_of3A_655, %dma_start3A_1061] : memref<4096x4096xf32, #tpu.memory_space<hbm>> -> memref<16x4096xf32, #tpu.memory_space<hbm>>
      tpu.enqueue_dma source(%arg7 : memref<16x4096xf32, #tpu.memory_space<vmem>>) target(%dma_start3A_1062 : memref<16x4096xf32, #tpu.memory_space<hbm>>) target_semaphore(%run_scoped3A : memref<!tpu.dma_semaphore, #tpu.memory_space<semaphore_mem>>)
      %dma_wait3A = arith.constant 0 : i32
      %dma_wait3A_1063 = tpu.memref_slice %arg6[%multiple_of3A_655, %dma_wait3A] : memref<4096x4096xf32, #tpu.memory_space<hbm>> -> memref<16x4096xf32, #tpu.memory_space<hbm>>
      %dma_wait3A_1064 = arith.constant 0 : i32
      %dma_wait3A_1065 = tpu.memref_slice %arg6[%multiple_of3A_655, %dma_wait3A_1064] : memref<4096x4096xf32, #tpu.memory_space<hbm>> -> memref<16x4096xf32, #tpu.memory_space<hbm>>
      tpu.wait_dma2 semaphore(%run_scoped3A : memref<!tpu.dma_semaphore, #tpu.memory_space<semaphore_mem>>) src(%arg7 : memref<16x4096xf32, #tpu.memory_space<vmem>>) dst(%dma_wait3A_1065 : memref<16x4096xf32, #tpu.memory_space<hbm>>)
      tpu.yield
    }) : () -> ()
    %scan3A_656 = arith.constant 0 : i32
    %scan3A_657 = arith.constant 5 : i32
    %mul3A_658 = arith.constant 8 : i32
    %mul3A_659 = arith.muli %add3A, %mul3A_658 : i32
    %add3A_660 = arith.addi %mul3A_659, %scan3A_657 : i32
    %mul3A_661 = arith.constant 65536 : i32
    %mul3A_662 = arith.muli %add3A_660, %mul3A_661 : i32
    %multiple_of3A_663 = tpu.assume_multiple %mul3A_662, 65536 : i32
    %parallel_loop3A_664 = arith.constant 0 : i32
    %parallel_loop3A_665 = arith.constant 4096 : i32
    %parallel_loop3A_666 = arith.constant 1 : i32
    scf.for %parallel_loop3A_1060 = %parallel_loop3A_664 to %parallel_loop3A_665 step %parallel_loop3A_666  : i32 {
      %parallel_loop3A_1061 = arith.constant 8 : i32
      %parallel_loop3A_1062 = arith.shrsi %parallel_loop3A_1060, %parallel_loop3A_1061 : i32
      %parallel_loop3A_1063 = arith.constant 255 : i32
      %parallel_loop3A_1064 = arith.andi %parallel_loop3A_1060, %parallel_loop3A_1063 : i32
      %parallel_loop3A_1065 = arith.constant 16 : i32
      %parallel_loop3A_1066 = arith.muli %parallel_loop3A_1064, %parallel_loop3A_1065 : i32
      %parallel_loop3A_1067 = arith.index_cast %parallel_loop3A_1062 : i32 to index
      %parallel_loop3A_1068 = arith.index_cast %parallel_loop3A_1066 : i32 to index
      %parallel_loop3A_1069 = tpu.vector_load %arg7[%parallel_loop3A_1067, %parallel_loop3A_1068] {strides = array<i32>} : memref<16x4096xf32, #tpu.memory_space<vmem>>, vector<16xf32>,
      tpu.vector_store %arg7[%parallel_loop3A_1067, %parallel_loop3A_1068], %broadcast_in_dim3A_1 {strides = array<i32>} : memref<16x4096xf32, #tpu.memory_space<vmem>>, vector<16xf32>,
    } {sc.loop_unroll_factor = 8 : i64, sc.parallel_access}
    %jit3A_667 = arith.constant 16 : i32
    %div3A_668 = arith.divsi %add3A_660, %jit3A_667 : i32
    %sign3A_669 = arith.constant 0 : i32
    %sign3A_670 = arith.cmpi sgt, %add3A_660, %sign3A_669 : i32
    %sign3A_671 = arith.extui %sign3A_670 : i1 to i32
    %sign3A_672 = arith.constant 0 : i32
    %sign3A_673 = arith.cmpi slt, %add3A_660, %sign3A_672 : i32
    %sign3A_674 = arith.extui %sign3A_673 : i1 to i32
    %sign3A_675 = arith.subi %sign3A_671, %sign3A_674 : i32
    %sign3A_676 = arith.constant 0 : i32
    %sign3A_677 = arith.cmpi sgt, %jit3A_667, %sign3A_676 : i32
    %sign3A_678 = arith.extui %sign3A_677 : i1 to i32
    %sign3A_679 = arith.constant 0 : i32
    %sign3A_680 = arith.cmpi slt, %jit3A_667, %sign3A_679 : i32
    %sign3A_681 = arith.extui %sign3A_680 : i1 to i32
    %sign3A_682 = arith.subi %sign3A_678, %sign3A_681 : i32
    %ne3A_683 = arith.cmpi ne, %sign3A_675, %sign3A_682 : i32
    %rem3A_684 = arith.remsi %add3A_660, %jit3A_667 : i32
    %ne3A_685 = arith.constant 0 : i32
    %ne3A_686 = arith.cmpi ne, %rem3A_684, %ne3A_685 : i32
    %and3A_687 = arith.andi %ne3A_683, %ne3A_686 : i1
    %sub3A_688 = arith.constant 1 : i32
    %sub3A_689 = arith.subi %div3A_668, %sub3A_688 : i32
    %select_n3A_690 = arith.select %and3A_687, %sub3A_689, %div3A_668 : i32
    %mul3A_691 = arith.constant 16 : i32
    %mul3A_692 = arith.muli %select_n3A_690, %mul3A_691 : i32
    %multiple_of3A_693 = tpu.assume_multiple %mul3A_692, 16 : i32
    %get3A_694 = arith.index_cast %multiple_of3A_693 : i32 to index
    %get3A_695 = tpu.vector_load %arg10[%get3A_694] {strides = array<i32>} : memref<256xi32, #tpu.memory_space<vmem>>, vector<16xi32>,
    %jit3A_696 = arith.constant 16 : i32
    %eq3A_697 = arith.constant 0 : i32
    %eq3A_698 = arith.cmpi eq, %jit3A_696, %eq3A_697 : i32
    %jit3A_699 = arith.constant 1 : i32
    %select_n3A_700 = arith.select %eq3A_698, %jit3A_699, %jit3A_696 : i32
    %rem3A_701 = arith.remsi %add3A_660, %select_n3A_700 : i32
    %ne3A_702 = arith.constant 0 : i32
    %ne3A_703 = arith.cmpi ne, %rem3A_701, %ne3A_702 : i32
    %lt3A_704 = arith.constant 0 : i32
    %lt3A_705 = arith.cmpi slt, %rem3A_701, %lt3A_704 : i32
    %lt3A_706 = arith.constant 0 : i32
    %lt3A_707 = arith.cmpi slt, %select_n3A_700, %lt3A_706 : i32
    %ne3A_708 = arith.xori %lt3A_705, %lt3A_707 : i1
    %and3A_709 = arith.andi %ne3A_708, %ne3A_703 : i1
    %add3A_710 = arith.addi %rem3A_701, %select_n3A_700 : i32
    %select_n3A_711 = arith.select %and3A_709, %add3A_710, %rem3A_701 : i32
    %eq3A_712 = vector.broadcast %select_n3A_711 : i32 to vector<16xi32>
    %eq3A_713 = arith.cmpi eq, %iota3A, %eq3A_712 : vector<16xi32>
    %jit3A_714 = arith.constant 0 : i32
    %broadcast_in_dim3A_715 = vector.broadcast %jit3A_714 : i32 to vector<16xi32>
    %select_n3A_716 = arith.select %eq3A_713, %get3A_695, %broadcast_in_dim3A_715 : vector<16xi1>, vector<16xi32>
    %reduce_sum3A_717 = arith.constant true
    %reduce_sum3A_718 = vector.broadcast %reduce_sum3A_717 : i1 to vector<16xi1>
    %reduce_sum3A_719 = tpu.scan <sum>, %select_n3A_716 masked %reduce_sum3A_718 : vector<16xi32>, vector<16xi1> -> vector<16xi32>
    %reduce_sum3A_720 = vector.extract %reduce_sum3A_719[15] : i32 from vector<16xi32>
    %jit3A_721 = arith.constant 16 : i32
    %div3A_722 = arith.divsi %add3A_660, %jit3A_721 : i32
    %sign3A_723 = arith.constant 0 : i32
    %sign3A_724 = arith.cmpi sgt, %add3A_660, %sign3A_723 : i32
    %sign3A_725 = arith.extui %sign3A_724 : i1 to i32
    %sign3A_726 = arith.constant 0 : i32
    %sign3A_727 = arith.cmpi slt, %add3A_660, %sign3A_726 : i32
    %sign3A_728 = arith.extui %sign3A_727 : i1 to i32
    %sign3A_729 = arith.subi %sign3A_725, %sign3A_728 : i32
    %sign3A_730 = arith.constant 0 : i32
    %sign3A_731 = arith.cmpi sgt, %jit3A_721, %sign3A_730 : i32
    %sign3A_732 = arith.extui %sign3A_731 : i1 to i32
    %sign3A_733 = arith.constant 0 : i32
    %sign3A_734 = arith.cmpi slt, %jit3A_721, %sign3A_733 : i32
    %sign3A_735 = arith.extui %sign3A_734 : i1 to i32
    %sign3A_736 = arith.subi %sign3A_732, %sign3A_735 : i32
    %ne3A_737 = arith.cmpi ne, %sign3A_729, %sign3A_736 : i32
    %rem3A_738 = arith.remsi %add3A_660, %jit3A_721 : i32
    %ne3A_739 = arith.constant 0 : i32
    %ne3A_740 = arith.cmpi ne, %rem3A_738, %ne3A_739 : i32
    %and3A_741 = arith.andi %ne3A_737, %ne3A_740 : i1
    %sub3A_742 = arith.constant 1 : i32
    %sub3A_743 = arith.subi %div3A_722, %sub3A_742 : i32
    %select_n3A_744 = arith.select %and3A_741, %sub3A_743, %div3A_722 : i32
    %mul3A_745 = arith.constant 16 : i32
    %mul3A_746 = arith.muli %select_n3A_744, %mul3A_745 : i32
    %multiple_of3A_747 = tpu.assume_multiple %mul3A_746, 16 : i32
    %get3A_748 = arith.index_cast %multiple_of3A_747 : i32 to index
    %get3A_749 = tpu.vector_load %arg11[%get3A_748] {strides = array<i32>} : memref<256xi32, #tpu.memory_space<vmem>>, vector<16xi32>,
    %jit3A_750 = arith.constant 16 : i32
    %eq3A_751 = arith.constant 0 : i32
    %eq3A_752 = arith.cmpi eq, %jit3A_750, %eq3A_751 : i32
    %jit3A_753 = arith.constant 1 : i32
    %select_n3A_754 = arith.select %eq3A_752, %jit3A_753, %jit3A_750 : i32
    %rem3A_755 = arith.remsi %add3A_660, %select_n3A_754 : i32
    %ne3A_756 = arith.constant 0 : i32
    %ne3A_757 = arith.cmpi ne, %rem3A_755, %ne3A_756 : i32
    %lt3A_758 = arith.constant 0 : i32
    %lt3A_759 = arith.cmpi slt, %rem3A_755, %lt3A_758 : i32
    %lt3A_760 = arith.constant 0 : i32
    %lt3A_761 = arith.cmpi slt, %select_n3A_754, %lt3A_760 : i32
    %ne3A_762 = arith.xori %lt3A_759, %lt3A_761 : i1
    %and3A_763 = arith.andi %ne3A_762, %ne3A_757 : i1
    %add3A_764 = arith.addi %rem3A_755, %select_n3A_754 : i32
    %select_n3A_765 = arith.select %and3A_763, %add3A_764, %rem3A_755 : i32
    %eq3A_766 = vector.broadcast %select_n3A_765 : i32 to vector<16xi32>
    %eq3A_767 = arith.cmpi eq, %iota3A, %eq3A_766 : vector<16xi32>
    %jit3A_768 = arith.constant 0 : i32
    %broadcast_in_dim3A_769 = vector.broadcast %jit3A_768 : i32 to vector<16xi32>
    %select_n3A_770 = arith.select %eq3A_767, %get3A_749, %broadcast_in_dim3A_769 : vector<16xi1>, vector<16xi32>
    %reduce_sum3A_771 = arith.constant true
    %reduce_sum3A_772 = vector.broadcast %reduce_sum3A_771 : i1 to vector<16xi1>
    %reduce_sum3A_773 = tpu.scan <sum>, %select_n3A_770 masked %reduce_sum3A_772 : vector<16xi32>, vector<16xi1> -> vector<16xi32>
    %reduce_sum3A_774 = vector.extract %reduce_sum3A_773[15] : i32 from vector<16xi32>
    %while3A_775 = arith.constant 0 : i32
    %while3A_776 = arith.constant 0 : i32
    %while3A_777 = arith.subi %reduce_sum3A_774, %while3A_775 : i32
    %while3A_778 = arith.addi %while3A_775, %while3A_777 : i32
    %while3A_779 = arith.constant 1 : i32
    %while3A_780 = arith.divsi %while3A_777, %while3A_779 : i32
    %while3A_781 = arith.muli %while3A_780, %while3A_779 : i32
    %while3A_782 = arith.addi %while3A_775, %while3A_781 : i32
    %while3A_783 = arith.constant 1 : i32
    %while3A_784 = scf.for %while3A_1060 = %while3A_775 to %while3A_782 step %while3A_783 iter_args(%while3A_1061 = %while3A_776) -> (i32)  : i32 {
      %mul3A_1062 = arith.constant 8192 : i32
      %mul3A_1063 = arith.muli %while3A_1060, %mul3A_1062 : i32
      %add3A_1064 = arith.addi %reduce_sum3A_720, %mul3A_1063 : i32
      %multiple_of3A_1065 = tpu.assume_multiple %add3A_1064, 16 : i32
      "tpu.region"() ({
        %run_scoped3A = tpu.sem_alloc : memref<!tpu.dma_semaphore, #tpu.memory_space<semaphore_mem>>
        %dma_start3A = tpu.memref_slice %arg2[%multiple_of3A_1065] : memref<1685952xi32, #tpu.memory_space<hbm>> -> memref<8208xi32, #tpu.memory_space<hbm>>
        %dma_start3A_1070 = tpu.memref_slice %arg2[%multiple_of3A_1065] : memref<1685952xi32, #tpu.memory_space<hbm>> -> memref<8208xi32, #tpu.memory_space<hbm>>
        tpu.enqueue_dma source(%dma_start3A_1070 : memref<8208xi32, #tpu.memory_space<hbm>>) target(%arg8 : memref<8208xi32, #tpu.memory_space<vmem>>) target_semaphore(%run_scoped3A : memref<!tpu.dma_semaphore, #tpu.memory_space<semaphore_mem>>)
        %dma_wait3A = tpu.memref_slice %arg2[%multiple_of3A_1065] : memref<1685952xi32, #tpu.memory_space<hbm>> -> memref<8208xi32, #tpu.memory_space<hbm>>
        %dma_wait3A_1071 = tpu.memref_slice %arg2[%multiple_of3A_1065] : memref<1685952xi32, #tpu.memory_space<hbm>> -> memref<8208xi32, #tpu.memory_space<hbm>>
        tpu.wait_dma2 semaphore(%run_scoped3A : memref<!tpu.dma_semaphore, #tpu.memory_space<semaphore_mem>>) src(%dma_wait3A_1071 : memref<8208xi32, #tpu.memory_space<hbm>>) dst(%arg8 : memref<8208xi32, #tpu.memory_space<vmem>>)
        tpu.yield
      }) : () -> ()
      "tpu.region"() ({
        %run_scoped3A = tpu.sem_alloc : memref<!tpu.dma_semaphore, #tpu.memory_space<semaphore_mem>>
        %dma_start3A = tpu.memref_slice %arg3[%multiple_of3A_1065] : memref<1685952xf32, #tpu.memory_space<hbm>> -> memref<8192xf32, #tpu.memory_space<hbm>>
        %dma_start3A_1070 = tpu.memref_slice %arg3[%multiple_of3A_1065] : memref<1685952xf32, #tpu.memory_space<hbm>> -> memref<8192xf32, #tpu.memory_space<hbm>>
        tpu.enqueue_dma source(%dma_start3A_1070 : memref<8192xf32, #tpu.memory_space<hbm>>) target(%arg9 : memref<8192xf32, #tpu.memory_space<vmem>>) target_semaphore(%run_scoped3A : memref<!tpu.dma_semaphore, #tpu.memory_space<semaphore_mem>>)
        %dma_wait3A = tpu.memref_slice %arg3[%multiple_of3A_1065] : memref<1685952xf32, #tpu.memory_space<hbm>> -> memref<8192xf32, #tpu.memory_space<hbm>>
        %dma_wait3A_1071 = tpu.memref_slice %arg3[%multiple_of3A_1065] : memref<1685952xf32, #tpu.memory_space<hbm>> -> memref<8192xf32, #tpu.memory_space<hbm>>
        tpu.wait_dma2 semaphore(%run_scoped3A : memref<!tpu.dma_semaphore, #tpu.memory_space<semaphore_mem>>) src(%dma_wait3A_1071 : memref<8192xf32, #tpu.memory_space<hbm>>) dst(%arg9 : memref<8192xf32, #tpu.memory_space<vmem>>)
        tpu.yield
      }) : () -> ()
      %parallel_loop3A_1066 = arith.constant 0 : i32
      %parallel_loop3A_1067 = arith.constant 512 : i32
      %parallel_loop3A_1068 = arith.constant 1 : i32
      scf.for %parallel_loop3A_1070 = %parallel_loop3A_1066 to %parallel_loop3A_1067 step %parallel_loop3A_1068  : i32 {
        %parallel_loop3A_1071 = arith.constant 16 : i32
        %parallel_loop3A_1072 = arith.muli %parallel_loop3A_1070, %parallel_loop3A_1071 : i32
        %parallel_loop3A_1073 = arith.index_cast %parallel_loop3A_1072 : i32 to index
        %parallel_loop3A_1074 = tpu.vector_load %arg8[%parallel_loop3A_1073] {strides = array<i32>} : memref<8208xi32, #tpu.memory_space<vmem>>, vector<16xi32>,
        %parallel_loop3A_1075 = arith.constant 1 : i32
        %parallel_loop3A_1076 = arith.addi %parallel_loop3A_1072, %parallel_loop3A_1075 : i32
        %parallel_loop3A_1077 = arith.index_cast %parallel_loop3A_1076 : i32 to index
        %parallel_loop3A_1078 = tpu.vector_load %arg8[%parallel_loop3A_1077] {strides = array<i32>} : memref<8208xi32, #tpu.memory_space<vmem>>, vector<16xi32>,
        %parallel_loop3A_1079 = arith.index_cast %parallel_loop3A_1072 : i32 to index
        %parallel_loop3A_1080 = tpu.vector_load %arg9[%parallel_loop3A_1079] {strides = array<i32>} : memref<8192xf32, #tpu.memory_space<vmem>>, vector<16xf32>,
        %parallel_loop3A_1081 = vector.broadcast %multiple_of3A_663 : i32 to vector<16xi32>
        %parallel_loop3A_1082 = arith.cmpi sge, %parallel_loop3A_1074, %parallel_loop3A_1081 : vector<16xi32>
        %parallel_loop3A_1083 = arith.constant 65536 : i32
        %parallel_loop3A_1084 = arith.addi %multiple_of3A_663, %parallel_loop3A_1083 : i32
        %parallel_loop3A_1085 = vector.broadcast %parallel_loop3A_1084 : i32 to vector<16xi32>
        %parallel_loop3A_1086 = arith.cmpi slt, %parallel_loop3A_1074, %parallel_loop3A_1085 : vector<16xi32>
        %parallel_loop3A_1087 = arith.andi %parallel_loop3A_1082, %parallel_loop3A_1086 : vector<16xi1>
        %parallel_loop3A_1088 = arith.cmpi ne, %parallel_loop3A_1074, %parallel_loop3A_1078 : vector<16xi32>
        %parallel_loop3A_1089 = arith.andi %parallel_loop3A_1087, %parallel_loop3A_1088 : vector<16xi1>
        %parallel_loop3A_1090 = arith.constant 65535 : i32
        %parallel_loop3A_1091 = vector.broadcast %parallel_loop3A_1090 : i32 to vector<16xi32>
        %parallel_loop3A_1092 = arith.andi %parallel_loop3A_1074, %parallel_loop3A_1091 : vector<16xi32>
        %parallel_loop3A_1093 = arith.constant 12 : i32
        %parallel_loop3A_1094 = vector.broadcast %parallel_loop3A_1093 : i32 to vector<16xi32>
        %parallel_loop3A_1095 = arith.shrsi %parallel_loop3A_1092, %parallel_loop3A_1094 : vector<16xi32>
        %parallel_loop3A_1096 = arith.constant 4095 : i32
        %parallel_loop3A_1097 = vector.broadcast %parallel_loop3A_1096 : i32 to vector<16xi32>
        %parallel_loop3A_1098 = arith.andi %parallel_loop3A_1092, %parallel_loop3A_1097 : vector<16xi32>
        tpu.vector_store_idx %arg7[%parallel_loop3A_1095, %parallel_loop3A_1098], %parallel_loop3A_1080 masked %parallel_loop3A_1089 : memref<16x4096xf32, #tpu.memory_space<vmem>>[vector<16xi32>, vector<16xi32>], vector<16xf32>, vector<16xi1>
      } {sc.loop_unroll_factor = 8 : i64, sc.parallel_access}
      %while3A_1069 = arith.constant 0 : i32
      scf.yield %while3A_1069 : i32
    }
    %while3A_785 = arith.constant 1 : i32
    %while3A_786 = scf.for %while3A_1060 = %while3A_782 to %while3A_778 step %while3A_785 iter_args(%while3A_1061 = %while3A_784) -> (i32)  : i32 {
      %mul3A_1062 = arith.constant 8192 : i32
      %mul3A_1063 = arith.muli %while3A_1060, %mul3A_1062 : i32
      %add3A_1064 = arith.addi %reduce_sum3A_720, %mul3A_1063 : i32
      %multiple_of3A_1065 = tpu.assume_multiple %add3A_1064, 16 : i32
      "tpu.region"() ({
        %run_scoped3A = tpu.sem_alloc : memref<!tpu.dma_semaphore, #tpu.memory_space<semaphore_mem>>
        %dma_start3A = tpu.memref_slice %arg2[%multiple_of3A_1065] : memref<1685952xi32, #tpu.memory_space<hbm>> -> memref<8208xi32, #tpu.memory_space<hbm>>
        %dma_start3A_1070 = tpu.memref_slice %arg2[%multiple_of3A_1065] : memref<1685952xi32, #tpu.memory_space<hbm>> -> memref<8208xi32, #tpu.memory_space<hbm>>
        tpu.enqueue_dma source(%dma_start3A_1070 : memref<8208xi32, #tpu.memory_space<hbm>>) target(%arg8 : memref<8208xi32, #tpu.memory_space<vmem>>) target_semaphore(%run_scoped3A : memref<!tpu.dma_semaphore, #tpu.memory_space<semaphore_mem>>)
        %dma_wait3A = tpu.memref_slice %arg2[%multiple_of3A_1065] : memref<1685952xi32, #tpu.memory_space<hbm>> -> memref<8208xi32, #tpu.memory_space<hbm>>
        %dma_wait3A_1071 = tpu.memref_slice %arg2[%multiple_of3A_1065] : memref<1685952xi32, #tpu.memory_space<hbm>> -> memref<8208xi32, #tpu.memory_space<hbm>>
        tpu.wait_dma2 semaphore(%run_scoped3A : memref<!tpu.dma_semaphore, #tpu.memory_space<semaphore_mem>>) src(%dma_wait3A_1071 : memref<8208xi32, #tpu.memory_space<hbm>>) dst(%arg8 : memref<8208xi32, #tpu.memory_space<vmem>>)
        tpu.yield
      }) : () -> ()
      "tpu.region"() ({
        %run_scoped3A = tpu.sem_alloc : memref<!tpu.dma_semaphore, #tpu.memory_space<semaphore_mem>>
        %dma_start3A = tpu.memref_slice %arg3[%multiple_of3A_1065] : memref<1685952xf32, #tpu.memory_space<hbm>> -> memref<8192xf32, #tpu.memory_space<hbm>>
        %dma_start3A_1070 = tpu.memref_slice %arg3[%multiple_of3A_1065] : memref<1685952xf32, #tpu.memory_space<hbm>> -> memref<8192xf32, #tpu.memory_space<hbm>>
        tpu.enqueue_dma source(%dma_start3A_1070 : memref<8192xf32, #tpu.memory_space<hbm>>) target(%arg9 : memref<8192xf32, #tpu.memory_space<vmem>>) target_semaphore(%run_scoped3A : memref<!tpu.dma_semaphore, #tpu.memory_space<semaphore_mem>>)
        %dma_wait3A = tpu.memref_slice %arg3[%multiple_of3A_1065] : memref<1685952xf32, #tpu.memory_space<hbm>> -> memref<8192xf32, #tpu.memory_space<hbm>>
        %dma_wait3A_1071 = tpu.memref_slice %arg3[%multiple_of3A_1065] : memref<1685952xf32, #tpu.memory_space<hbm>> -> memref<8192xf32, #tpu.memory_space<hbm>>
        tpu.wait_dma2 semaphore(%run_scoped3A : memref<!tpu.dma_semaphore, #tpu.memory_space<semaphore_mem>>) src(%dma_wait3A_1071 : memref<8192xf32, #tpu.memory_space<hbm>>) dst(%arg9 : memref<8192xf32, #tpu.memory_space<vmem>>)
        tpu.yield
      }) : () -> ()
      %parallel_loop3A_1066 = arith.constant 0 : i32
      %parallel_loop3A_1067 = arith.constant 512 : i32
      %parallel_loop3A_1068 = arith.constant 1 : i32
      scf.for %parallel_loop3A_1070 = %parallel_loop3A_1066 to %parallel_loop3A_1067 step %parallel_loop3A_1068  : i32 {
        %parallel_loop3A_1071 = arith.constant 16 : i32
        %parallel_loop3A_1072 = arith.muli %parallel_loop3A_1070, %parallel_loop3A_1071 : i32
        %parallel_loop3A_1073 = arith.index_cast %parallel_loop3A_1072 : i32 to index
        %parallel_loop3A_1074 = tpu.vector_load %arg8[%parallel_loop3A_1073] {strides = array<i32>} : memref<8208xi32, #tpu.memory_space<vmem>>, vector<16xi32>,
        %parallel_loop3A_1075 = arith.constant 1 : i32
        %parallel_loop3A_1076 = arith.addi %parallel_loop3A_1072, %parallel_loop3A_1075 : i32
        %parallel_loop3A_1077 = arith.index_cast %parallel_loop3A_1076 : i32 to index
        %parallel_loop3A_1078 = tpu.vector_load %arg8[%parallel_loop3A_1077] {strides = array<i32>} : memref<8208xi32, #tpu.memory_space<vmem>>, vector<16xi32>,
        %parallel_loop3A_1079 = arith.index_cast %parallel_loop3A_1072 : i32 to index
        %parallel_loop3A_1080 = tpu.vector_load %arg9[%parallel_loop3A_1079] {strides = array<i32>} : memref<8192xf32, #tpu.memory_space<vmem>>, vector<16xf32>,
        %parallel_loop3A_1081 = vector.broadcast %multiple_of3A_663 : i32 to vector<16xi32>
        %parallel_loop3A_1082 = arith.cmpi sge, %parallel_loop3A_1074, %parallel_loop3A_1081 : vector<16xi32>
        %parallel_loop3A_1083 = arith.constant 65536 : i32
        %parallel_loop3A_1084 = arith.addi %multiple_of3A_663, %parallel_loop3A_1083 : i32
        %parallel_loop3A_1085 = vector.broadcast %parallel_loop3A_1084 : i32 to vector<16xi32>
        %parallel_loop3A_1086 = arith.cmpi slt, %parallel_loop3A_1074, %parallel_loop3A_1085 : vector<16xi32>
        %parallel_loop3A_1087 = arith.andi %parallel_loop3A_1082, %parallel_loop3A_1086 : vector<16xi1>
        %parallel_loop3A_1088 = arith.cmpi ne, %parallel_loop3A_1074, %parallel_loop3A_1078 : vector<16xi32>
        %parallel_loop3A_1089 = arith.andi %parallel_loop3A_1087, %parallel_loop3A_1088 : vector<16xi1>
        %parallel_loop3A_1090 = arith.constant 65535 : i32
        %parallel_loop3A_1091 = vector.broadcast %parallel_loop3A_1090 : i32 to vector<16xi32>
        %parallel_loop3A_1092 = arith.andi %parallel_loop3A_1074, %parallel_loop3A_1091 : vector<16xi32>
        %parallel_loop3A_1093 = arith.constant 12 : i32
        %parallel_loop3A_1094 = vector.broadcast %parallel_loop3A_1093 : i32 to vector<16xi32>
        %parallel_loop3A_1095 = arith.shrsi %parallel_loop3A_1092, %parallel_loop3A_1094 : vector<16xi32>
        %parallel_loop3A_1096 = arith.constant 4095 : i32
        %parallel_loop3A_1097 = vector.broadcast %parallel_loop3A_1096 : i32 to vector<16xi32>
        %parallel_loop3A_1098 = arith.andi %parallel_loop3A_1092, %parallel_loop3A_1097 : vector<16xi32>
        tpu.vector_store_idx %arg7[%parallel_loop3A_1095, %parallel_loop3A_1098], %parallel_loop3A_1080 masked %parallel_loop3A_1089 : memref<16x4096xf32, #tpu.memory_space<vmem>>[vector<16xi32>, vector<16xi32>], vector<16xf32>, vector<16xi1>
      } {sc.loop_unroll_factor = 8 : i64, sc.parallel_access}
      %while3A_1069 = arith.constant 0 : i32
      scf.yield %while3A_1069 : i32
    }
    %mul3A_787 = arith.constant 16 : i32
    %mul3A_788 = arith.muli %add3A_660, %mul3A_787 : i32
    %multiple_of3A_789 = tpu.assume_multiple %mul3A_788, 16 : i32
    "tpu.region"() ({
      %run_scoped3A = tpu.sem_alloc : memref<!tpu.dma_semaphore, #tpu.memory_space<semaphore_mem>>
      %dma_start3A = arith.constant 0 : i32
      %dma_start3A_1060 = tpu.memref_slice %arg6[%multiple_of3A_789, %dma_start3A] : memref<4096x4096xf32, #tpu.memory_space<hbm>> -> memref<16x4096xf32, #tpu.memory_space<hbm>>
      %dma_start3A_1061 = arith.constant 0 : i32
      %dma_start3A_1062 = tpu.memref_slice %arg6[%multiple_of3A_789, %dma_start3A_1061] : memref<4096x4096xf32, #tpu.memory_space<hbm>> -> memref<16x4096xf32, #tpu.memory_space<hbm>>
      tpu.enqueue_dma source(%arg7 : memref<16x4096xf32, #tpu.memory_space<vmem>>) target(%dma_start3A_1062 : memref<16x4096xf32, #tpu.memory_space<hbm>>) target_semaphore(%run_scoped3A : memref<!tpu.dma_semaphore, #tpu.memory_space<semaphore_mem>>)
      %dma_wait3A = arith.constant 0 : i32
      %dma_wait3A_1063 = tpu.memref_slice %arg6[%multiple_of3A_789, %dma_wait3A] : memref<4096x4096xf32, #tpu.memory_space<hbm>> -> memref<16x4096xf32, #tpu.memory_space<hbm>>
      %dma_wait3A_1064 = arith.constant 0 : i32
      %dma_wait3A_1065 = tpu.memref_slice %arg6[%multiple_of3A_789, %dma_wait3A_1064] : memref<4096x4096xf32, #tpu.memory_space<hbm>> -> memref<16x4096xf32, #tpu.memory_space<hbm>>
      tpu.wait_dma2 semaphore(%run_scoped3A : memref<!tpu.dma_semaphore, #tpu.memory_space<semaphore_mem>>) src(%arg7 : memref<16x4096xf32, #tpu.memory_space<vmem>>) dst(%dma_wait3A_1065 : memref<16x4096xf32, #tpu.memory_space<hbm>>)
      tpu.yield
    }) : () -> ()
    %scan3A_790 = arith.constant 0 : i32
    %scan3A_791 = arith.constant 6 : i32
    %mul3A_792 = arith.constant 8 : i32
    %mul3A_793 = arith.muli %add3A, %mul3A_792 : i32
    %add3A_794 = arith.addi %mul3A_793, %scan3A_791 : i32
    %mul3A_795 = arith.constant 65536 : i32
    %mul3A_796 = arith.muli %add3A_794, %mul3A_795 : i32
    %multiple_of3A_797 = tpu.assume_multiple %mul3A_796, 65536 : i32
    %parallel_loop3A_798 = arith.constant 0 : i32
    %parallel_loop3A_799 = arith.constant 4096 : i32
    %parallel_loop3A_800 = arith.constant 1 : i32
    scf.for %parallel_loop3A_1060 = %parallel_loop3A_798 to %parallel_loop3A_799 step %parallel_loop3A_800  : i32 {
      %parallel_loop3A_1061 = arith.constant 8 : i32
      %parallel_loop3A_1062 = arith.shrsi %parallel_loop3A_1060, %parallel_loop3A_1061 : i32
      %parallel_loop3A_1063 = arith.constant 255 : i32
      %parallel_loop3A_1064 = arith.andi %parallel_loop3A_1060, %parallel_loop3A_1063 : i32
      %parallel_loop3A_1065 = arith.constant 16 : i32
      %parallel_loop3A_1066 = arith.muli %parallel_loop3A_1064, %parallel_loop3A_1065 : i32
      %parallel_loop3A_1067 = arith.index_cast %parallel_loop3A_1062 : i32 to index
      %parallel_loop3A_1068 = arith.index_cast %parallel_loop3A_1066 : i32 to index
      %parallel_loop3A_1069 = tpu.vector_load %arg7[%parallel_loop3A_1067, %parallel_loop3A_1068] {strides = array<i32>} : memref<16x4096xf32, #tpu.memory_space<vmem>>, vector<16xf32>,
      tpu.vector_store %arg7[%parallel_loop3A_1067, %parallel_loop3A_1068], %broadcast_in_dim3A_1 {strides = array<i32>} : memref<16x4096xf32, #tpu.memory_space<vmem>>, vector<16xf32>,
    } {sc.loop_unroll_factor = 8 : i64, sc.parallel_access}
    %jit3A_801 = arith.constant 16 : i32
    %div3A_802 = arith.divsi %add3A_794, %jit3A_801 : i32
    %sign3A_803 = arith.constant 0 : i32
    %sign3A_804 = arith.cmpi sgt, %add3A_794, %sign3A_803 : i32
    %sign3A_805 = arith.extui %sign3A_804 : i1 to i32
    %sign3A_806 = arith.constant 0 : i32
    %sign3A_807 = arith.cmpi slt, %add3A_794, %sign3A_806 : i32
    %sign3A_808 = arith.extui %sign3A_807 : i1 to i32
    %sign3A_809 = arith.subi %sign3A_805, %sign3A_808 : i32
    %sign3A_810 = arith.constant 0 : i32
    %sign3A_811 = arith.cmpi sgt, %jit3A_801, %sign3A_810 : i32
    %sign3A_812 = arith.extui %sign3A_811 : i1 to i32
    %sign3A_813 = arith.constant 0 : i32
    %sign3A_814 = arith.cmpi slt, %jit3A_801, %sign3A_813 : i32
    %sign3A_815 = arith.extui %sign3A_814 : i1 to i32
    %sign3A_816 = arith.subi %sign3A_812, %sign3A_815 : i32
    %ne3A_817 = arith.cmpi ne, %sign3A_809, %sign3A_816 : i32
    %rem3A_818 = arith.remsi %add3A_794, %jit3A_801 : i32
    %ne3A_819 = arith.constant 0 : i32
    %ne3A_820 = arith.cmpi ne, %rem3A_818, %ne3A_819 : i32
    %and3A_821 = arith.andi %ne3A_817, %ne3A_820 : i1
    %sub3A_822 = arith.constant 1 : i32
    %sub3A_823 = arith.subi %div3A_802, %sub3A_822 : i32
    %select_n3A_824 = arith.select %and3A_821, %sub3A_823, %div3A_802 : i32
    %mul3A_825 = arith.constant 16 : i32
    %mul3A_826 = arith.muli %select_n3A_824, %mul3A_825 : i32
    %multiple_of3A_827 = tpu.assume_multiple %mul3A_826, 16 : i32
    %get3A_828 = arith.index_cast %multiple_of3A_827 : i32 to index
    %get3A_829 = tpu.vector_load %arg10[%get3A_828] {strides = array<i32>} : memref<256xi32, #tpu.memory_space<vmem>>, vector<16xi32>,
    %jit3A_830 = arith.constant 16 : i32
    %eq3A_831 = arith.constant 0 : i32
    %eq3A_832 = arith.cmpi eq, %jit3A_830, %eq3A_831 : i32
    %jit3A_833 = arith.constant 1 : i32
    %select_n3A_834 = arith.select %eq3A_832, %jit3A_833, %jit3A_830 : i32
    %rem3A_835 = arith.remsi %add3A_794, %select_n3A_834 : i32
    %ne3A_836 = arith.constant 0 : i32
    %ne3A_837 = arith.cmpi ne, %rem3A_835, %ne3A_836 : i32
    %lt3A_838 = arith.constant 0 : i32
    %lt3A_839 = arith.cmpi slt, %rem3A_835, %lt3A_838 : i32
    %lt3A_840 = arith.constant 0 : i32
    %lt3A_841 = arith.cmpi slt, %select_n3A_834, %lt3A_840 : i32
    %ne3A_842 = arith.xori %lt3A_839, %lt3A_841 : i1
    %and3A_843 = arith.andi %ne3A_842, %ne3A_837 : i1
    %add3A_844 = arith.addi %rem3A_835, %select_n3A_834 : i32
    %select_n3A_845 = arith.select %and3A_843, %add3A_844, %rem3A_835 : i32
    %eq3A_846 = vector.broadcast %select_n3A_845 : i32 to vector<16xi32>
    %eq3A_847 = arith.cmpi eq, %iota3A, %eq3A_846 : vector<16xi32>
    %jit3A_848 = arith.constant 0 : i32
    %broadcast_in_dim3A_849 = vector.broadcast %jit3A_848 : i32 to vector<16xi32>
    %select_n3A_850 = arith.select %eq3A_847, %get3A_829, %broadcast_in_dim3A_849 : vector<16xi1>, vector<16xi32>
    %reduce_sum3A_851 = arith.constant true
    %reduce_sum3A_852 = vector.broadcast %reduce_sum3A_851 : i1 to vector<16xi1>
    %reduce_sum3A_853 = tpu.scan <sum>, %select_n3A_850 masked %reduce_sum3A_852 : vector<16xi32>, vector<16xi1> -> vector<16xi32>
    %reduce_sum3A_854 = vector.extract %reduce_sum3A_853[15] : i32 from vector<16xi32>
    %jit3A_855 = arith.constant 16 : i32
    %div3A_856 = arith.divsi %add3A_794, %jit3A_855 : i32
    %sign3A_857 = arith.constant 0 : i32
    %sign3A_858 = arith.cmpi sgt, %add3A_794, %sign3A_857 : i32
    %sign3A_859 = arith.extui %sign3A_858 : i1 to i32
    %sign3A_860 = arith.constant 0 : i32
    %sign3A_861 = arith.cmpi slt, %add3A_794, %sign3A_860 : i32
    %sign3A_862 = arith.extui %sign3A_861 : i1 to i32
    %sign3A_863 = arith.subi %sign3A_859, %sign3A_862 : i32
    %sign3A_864 = arith.constant 0 : i32
    %sign3A_865 = arith.cmpi sgt, %jit3A_855, %sign3A_864 : i32
    %sign3A_866 = arith.extui %sign3A_865 : i1 to i32
    %sign3A_867 = arith.constant 0 : i32
    %sign3A_868 = arith.cmpi slt, %jit3A_855, %sign3A_867 : i32
    %sign3A_869 = arith.extui %sign3A_868 : i1 to i32
    %sign3A_870 = arith.subi %sign3A_866, %sign3A_869 : i32
    %ne3A_871 = arith.cmpi ne, %sign3A_863, %sign3A_870 : i32
    %rem3A_872 = arith.remsi %add3A_794, %jit3A_855 : i32
    %ne3A_873 = arith.constant 0 : i32
    %ne3A_874 = arith.cmpi ne, %rem3A_872, %ne3A_873 : i32
    %and3A_875 = arith.andi %ne3A_871, %ne3A_874 : i1
    %sub3A_876 = arith.constant 1 : i32
    %sub3A_877 = arith.subi %div3A_856, %sub3A_876 : i32
    %select_n3A_878 = arith.select %and3A_875, %sub3A_877, %div3A_856 : i32
    %mul3A_879 = arith.constant 16 : i32
    %mul3A_880 = arith.muli %select_n3A_878, %mul3A_879 : i32
    %multiple_of3A_881 = tpu.assume_multiple %mul3A_880, 16 : i32
    %get3A_882 = arith.index_cast %multiple_of3A_881 : i32 to index
    %get3A_883 = tpu.vector_load %arg11[%get3A_882] {strides = array<i32>} : memref<256xi32, #tpu.memory_space<vmem>>, vector<16xi32>,
    %jit3A_884 = arith.constant 16 : i32
    %eq3A_885 = arith.constant 0 : i32
    %eq3A_886 = arith.cmpi eq, %jit3A_884, %eq3A_885 : i32
    %jit3A_887 = arith.constant 1 : i32
    %select_n3A_888 = arith.select %eq3A_886, %jit3A_887, %jit3A_884 : i32
    %rem3A_889 = arith.remsi %add3A_794, %select_n3A_888 : i32
    %ne3A_890 = arith.constant 0 : i32
    %ne3A_891 = arith.cmpi ne, %rem3A_889, %ne3A_890 : i32
    %lt3A_892 = arith.constant 0 : i32
    %lt3A_893 = arith.cmpi slt, %rem3A_889, %lt3A_892 : i32
    %lt3A_894 = arith.constant 0 : i32
    %lt3A_895 = arith.cmpi slt, %select_n3A_888, %lt3A_894 : i32
    %ne3A_896 = arith.xori %lt3A_893, %lt3A_895 : i1
    %and3A_897 = arith.andi %ne3A_896, %ne3A_891 : i1
    %add3A_898 = arith.addi %rem3A_889, %select_n3A_888 : i32
    %select_n3A_899 = arith.select %and3A_897, %add3A_898, %rem3A_889 : i32
    %eq3A_900 = vector.broadcast %select_n3A_899 : i32 to vector<16xi32>
    %eq3A_901 = arith.cmpi eq, %iota3A, %eq3A_900 : vector<16xi32>
    %jit3A_902 = arith.constant 0 : i32
    %broadcast_in_dim3A_903 = vector.broadcast %jit3A_902 : i32 to vector<16xi32>
    %select_n3A_904 = arith.select %eq3A_901, %get3A_883, %broadcast_in_dim3A_903 : vector<16xi1>, vector<16xi32>
    %reduce_sum3A_905 = arith.constant true
    %reduce_sum3A_906 = vector.broadcast %reduce_sum3A_905 : i1 to vector<16xi1>
    %reduce_sum3A_907 = tpu.scan <sum>, %select_n3A_904 masked %reduce_sum3A_906 : vector<16xi32>, vector<16xi1> -> vector<16xi32>
    %reduce_sum3A_908 = vector.extract %reduce_sum3A_907[15] : i32 from vector<16xi32>
    %while3A_909 = arith.constant 0 : i32
    %while3A_910 = arith.constant 0 : i32
    %while3A_911 = arith.subi %reduce_sum3A_908, %while3A_909 : i32
    %while3A_912 = arith.addi %while3A_909, %while3A_911 : i32
    %while3A_913 = arith.constant 1 : i32
    %while3A_914 = arith.divsi %while3A_911, %while3A_913 : i32
    %while3A_915 = arith.muli %while3A_914, %while3A_913 : i32
    %while3A_916 = arith.addi %while3A_909, %while3A_915 : i32
    %while3A_917 = arith.constant 1 : i32
    %while3A_918 = scf.for %while3A_1060 = %while3A_909 to %while3A_916 step %while3A_917 iter_args(%while3A_1061 = %while3A_910) -> (i32)  : i32 {
      %mul3A_1062 = arith.constant 8192 : i32
      %mul3A_1063 = arith.muli %while3A_1060, %mul3A_1062 : i32
      %add3A_1064 = arith.addi %reduce_sum3A_854, %mul3A_1063 : i32
      %multiple_of3A_1065 = tpu.assume_multiple %add3A_1064, 16 : i32
      "tpu.region"() ({
        %run_scoped3A = tpu.sem_alloc : memref<!tpu.dma_semaphore, #tpu.memory_space<semaphore_mem>>
        %dma_start3A = tpu.memref_slice %arg2[%multiple_of3A_1065] : memref<1685952xi32, #tpu.memory_space<hbm>> -> memref<8208xi32, #tpu.memory_space<hbm>>
        %dma_start3A_1070 = tpu.memref_slice %arg2[%multiple_of3A_1065] : memref<1685952xi32, #tpu.memory_space<hbm>> -> memref<8208xi32, #tpu.memory_space<hbm>>
        tpu.enqueue_dma source(%dma_start3A_1070 : memref<8208xi32, #tpu.memory_space<hbm>>) target(%arg8 : memref<8208xi32, #tpu.memory_space<vmem>>) target_semaphore(%run_scoped3A : memref<!tpu.dma_semaphore, #tpu.memory_space<semaphore_mem>>)
        %dma_wait3A = tpu.memref_slice %arg2[%multiple_of3A_1065] : memref<1685952xi32, #tpu.memory_space<hbm>> -> memref<8208xi32, #tpu.memory_space<hbm>>
        %dma_wait3A_1071 = tpu.memref_slice %arg2[%multiple_of3A_1065] : memref<1685952xi32, #tpu.memory_space<hbm>> -> memref<8208xi32, #tpu.memory_space<hbm>>
        tpu.wait_dma2 semaphore(%run_scoped3A : memref<!tpu.dma_semaphore, #tpu.memory_space<semaphore_mem>>) src(%dma_wait3A_1071 : memref<8208xi32, #tpu.memory_space<hbm>>) dst(%arg8 : memref<8208xi32, #tpu.memory_space<vmem>>)
        tpu.yield
      }) : () -> ()
      "tpu.region"() ({
        %run_scoped3A = tpu.sem_alloc : memref<!tpu.dma_semaphore, #tpu.memory_space<semaphore_mem>>
        %dma_start3A = tpu.memref_slice %arg3[%multiple_of3A_1065] : memref<1685952xf32, #tpu.memory_space<hbm>> -> memref<8192xf32, #tpu.memory_space<hbm>>
        %dma_start3A_1070 = tpu.memref_slice %arg3[%multiple_of3A_1065] : memref<1685952xf32, #tpu.memory_space<hbm>> -> memref<8192xf32, #tpu.memory_space<hbm>>
        tpu.enqueue_dma source(%dma_start3A_1070 : memref<8192xf32, #tpu.memory_space<hbm>>) target(%arg9 : memref<8192xf32, #tpu.memory_space<vmem>>) target_semaphore(%run_scoped3A : memref<!tpu.dma_semaphore, #tpu.memory_space<semaphore_mem>>)
        %dma_wait3A = tpu.memref_slice %arg3[%multiple_of3A_1065] : memref<1685952xf32, #tpu.memory_space<hbm>> -> memref<8192xf32, #tpu.memory_space<hbm>>
        %dma_wait3A_1071 = tpu.memref_slice %arg3[%multiple_of3A_1065] : memref<1685952xf32, #tpu.memory_space<hbm>> -> memref<8192xf32, #tpu.memory_space<hbm>>
        tpu.wait_dma2 semaphore(%run_scoped3A : memref<!tpu.dma_semaphore, #tpu.memory_space<semaphore_mem>>) src(%dma_wait3A_1071 : memref<8192xf32, #tpu.memory_space<hbm>>) dst(%arg9 : memref<8192xf32, #tpu.memory_space<vmem>>)
        tpu.yield
      }) : () -> ()
      %parallel_loop3A_1066 = arith.constant 0 : i32
      %parallel_loop3A_1067 = arith.constant 512 : i32
      %parallel_loop3A_1068 = arith.constant 1 : i32
      scf.for %parallel_loop3A_1070 = %parallel_loop3A_1066 to %parallel_loop3A_1067 step %parallel_loop3A_1068  : i32 {
        %parallel_loop3A_1071 = arith.constant 16 : i32
        %parallel_loop3A_1072 = arith.muli %parallel_loop3A_1070, %parallel_loop3A_1071 : i32
        %parallel_loop3A_1073 = arith.index_cast %parallel_loop3A_1072 : i32 to index
        %parallel_loop3A_1074 = tpu.vector_load %arg8[%parallel_loop3A_1073] {strides = array<i32>} : memref<8208xi32, #tpu.memory_space<vmem>>, vector<16xi32>,
        %parallel_loop3A_1075 = arith.constant 1 : i32
        %parallel_loop3A_1076 = arith.addi %parallel_loop3A_1072, %parallel_loop3A_1075 : i32
        %parallel_loop3A_1077 = arith.index_cast %parallel_loop3A_1076 : i32 to index
        %parallel_loop3A_1078 = tpu.vector_load %arg8[%parallel_loop3A_1077] {strides = array<i32>} : memref<8208xi32, #tpu.memory_space<vmem>>, vector<16xi32>,
        %parallel_loop3A_1079 = arith.index_cast %parallel_loop3A_1072 : i32 to index
        %parallel_loop3A_1080 = tpu.vector_load %arg9[%parallel_loop3A_1079] {strides = array<i32>} : memref<8192xf32, #tpu.memory_space<vmem>>, vector<16xf32>,
        %parallel_loop3A_1081 = vector.broadcast %multiple_of3A_797 : i32 to vector<16xi32>
        %parallel_loop3A_1082 = arith.cmpi sge, %parallel_loop3A_1074, %parallel_loop3A_1081 : vector<16xi32>
        %parallel_loop3A_1083 = arith.constant 65536 : i32
        %parallel_loop3A_1084 = arith.addi %multiple_of3A_797, %parallel_loop3A_1083 : i32
        %parallel_loop3A_1085 = vector.broadcast %parallel_loop3A_1084 : i32 to vector<16xi32>
        %parallel_loop3A_1086 = arith.cmpi slt, %parallel_loop3A_1074, %parallel_loop3A_1085 : vector<16xi32>
        %parallel_loop3A_1087 = arith.andi %parallel_loop3A_1082, %parallel_loop3A_1086 : vector<16xi1>
        %parallel_loop3A_1088 = arith.cmpi ne, %parallel_loop3A_1074, %parallel_loop3A_1078 : vector<16xi32>
        %parallel_loop3A_1089 = arith.andi %parallel_loop3A_1087, %parallel_loop3A_1088 : vector<16xi1>
        %parallel_loop3A_1090 = arith.constant 65535 : i32
        %parallel_loop3A_1091 = vector.broadcast %parallel_loop3A_1090 : i32 to vector<16xi32>
        %parallel_loop3A_1092 = arith.andi %parallel_loop3A_1074, %parallel_loop3A_1091 : vector<16xi32>
        %parallel_loop3A_1093 = arith.constant 12 : i32
        %parallel_loop3A_1094 = vector.broadcast %parallel_loop3A_1093 : i32 to vector<16xi32>
        %parallel_loop3A_1095 = arith.shrsi %parallel_loop3A_1092, %parallel_loop3A_1094 : vector<16xi32>
        %parallel_loop3A_1096 = arith.constant 4095 : i32
        %parallel_loop3A_1097 = vector.broadcast %parallel_loop3A_1096 : i32 to vector<16xi32>
        %parallel_loop3A_1098 = arith.andi %parallel_loop3A_1092, %parallel_loop3A_1097 : vector<16xi32>
        tpu.vector_store_idx %arg7[%parallel_loop3A_1095, %parallel_loop3A_1098], %parallel_loop3A_1080 masked %parallel_loop3A_1089 : memref<16x4096xf32, #tpu.memory_space<vmem>>[vector<16xi32>, vector<16xi32>], vector<16xf32>, vector<16xi1>
      } {sc.loop_unroll_factor = 8 : i64, sc.parallel_access}
      %while3A_1069 = arith.constant 0 : i32
      scf.yield %while3A_1069 : i32
    }
    %while3A_919 = arith.constant 1 : i32
    %while3A_920 = scf.for %while3A_1060 = %while3A_916 to %while3A_912 step %while3A_919 iter_args(%while3A_1061 = %while3A_918) -> (i32)  : i32 {
      %mul3A_1062 = arith.constant 8192 : i32
      %mul3A_1063 = arith.muli %while3A_1060, %mul3A_1062 : i32
      %add3A_1064 = arith.addi %reduce_sum3A_854, %mul3A_1063 : i32
      %multiple_of3A_1065 = tpu.assume_multiple %add3A_1064, 16 : i32
      "tpu.region"() ({
        %run_scoped3A = tpu.sem_alloc : memref<!tpu.dma_semaphore, #tpu.memory_space<semaphore_mem>>
        %dma_start3A = tpu.memref_slice %arg2[%multiple_of3A_1065] : memref<1685952xi32, #tpu.memory_space<hbm>> -> memref<8208xi32, #tpu.memory_space<hbm>>
        %dma_start3A_1070 = tpu.memref_slice %arg2[%multiple_of3A_1065] : memref<1685952xi32, #tpu.memory_space<hbm>> -> memref<8208xi32, #tpu.memory_space<hbm>>
        tpu.enqueue_dma source(%dma_start3A_1070 : memref<8208xi32, #tpu.memory_space<hbm>>) target(%arg8 : memref<8208xi32, #tpu.memory_space<vmem>>) target_semaphore(%run_scoped3A : memref<!tpu.dma_semaphore, #tpu.memory_space<semaphore_mem>>)
        %dma_wait3A = tpu.memref_slice %arg2[%multiple_of3A_1065] : memref<1685952xi32, #tpu.memory_space<hbm>> -> memref<8208xi32, #tpu.memory_space<hbm>>
        %dma_wait3A_1071 = tpu.memref_slice %arg2[%multiple_of3A_1065] : memref<1685952xi32, #tpu.memory_space<hbm>> -> memref<8208xi32, #tpu.memory_space<hbm>>
        tpu.wait_dma2 semaphore(%run_scoped3A : memref<!tpu.dma_semaphore, #tpu.memory_space<semaphore_mem>>) src(%dma_wait3A_1071 : memref<8208xi32, #tpu.memory_space<hbm>>) dst(%arg8 : memref<8208xi32, #tpu.memory_space<vmem>>)
        tpu.yield
      }) : () -> ()
      "tpu.region"() ({
        %run_scoped3A = tpu.sem_alloc : memref<!tpu.dma_semaphore, #tpu.memory_space<semaphore_mem>>
        %dma_start3A = tpu.memref_slice %arg3[%multiple_of3A_1065] : memref<1685952xf32, #tpu.memory_space<hbm>> -> memref<8192xf32, #tpu.memory_space<hbm>>
        %dma_start3A_1070 = tpu.memref_slice %arg3[%multiple_of3A_1065] : memref<1685952xf32, #tpu.memory_space<hbm>> -> memref<8192xf32, #tpu.memory_space<hbm>>
        tpu.enqueue_dma source(%dma_start3A_1070 : memref<8192xf32, #tpu.memory_space<hbm>>) target(%arg9 : memref<8192xf32, #tpu.memory_space<vmem>>) target_semaphore(%run_scoped3A : memref<!tpu.dma_semaphore, #tpu.memory_space<semaphore_mem>>)
        %dma_wait3A = tpu.memref_slice %arg3[%multiple_of3A_1065] : memref<1685952xf32, #tpu.memory_space<hbm>> -> memref<8192xf32, #tpu.memory_space<hbm>>
        %dma_wait3A_1071 = tpu.memref_slice %arg3[%multiple_of3A_1065] : memref<1685952xf32, #tpu.memory_space<hbm>> -> memref<8192xf32, #tpu.memory_space<hbm>>
        tpu.wait_dma2 semaphore(%run_scoped3A : memref<!tpu.dma_semaphore, #tpu.memory_space<semaphore_mem>>) src(%dma_wait3A_1071 : memref<8192xf32, #tpu.memory_space<hbm>>) dst(%arg9 : memref<8192xf32, #tpu.memory_space<vmem>>)
        tpu.yield
      }) : () -> ()
      %parallel_loop3A_1066 = arith.constant 0 : i32
      %parallel_loop3A_1067 = arith.constant 512 : i32
      %parallel_loop3A_1068 = arith.constant 1 : i32
      scf.for %parallel_loop3A_1070 = %parallel_loop3A_1066 to %parallel_loop3A_1067 step %parallel_loop3A_1068  : i32 {
        %parallel_loop3A_1071 = arith.constant 16 : i32
        %parallel_loop3A_1072 = arith.muli %parallel_loop3A_1070, %parallel_loop3A_1071 : i32
        %parallel_loop3A_1073 = arith.index_cast %parallel_loop3A_1072 : i32 to index
        %parallel_loop3A_1074 = tpu.vector_load %arg8[%parallel_loop3A_1073] {strides = array<i32>} : memref<8208xi32, #tpu.memory_space<vmem>>, vector<16xi32>,
        %parallel_loop3A_1075 = arith.constant 1 : i32
        %parallel_loop3A_1076 = arith.addi %parallel_loop3A_1072, %parallel_loop3A_1075 : i32
        %parallel_loop3A_1077 = arith.index_cast %parallel_loop3A_1076 : i32 to index
        %parallel_loop3A_1078 = tpu.vector_load %arg8[%parallel_loop3A_1077] {strides = array<i32>} : memref<8208xi32, #tpu.memory_space<vmem>>, vector<16xi32>,
        %parallel_loop3A_1079 = arith.index_cast %parallel_loop3A_1072 : i32 to index
        %parallel_loop3A_1080 = tpu.vector_load %arg9[%parallel_loop3A_1079] {strides = array<i32>} : memref<8192xf32, #tpu.memory_space<vmem>>, vector<16xf32>,
        %parallel_loop3A_1081 = vector.broadcast %multiple_of3A_797 : i32 to vector<16xi32>
        %parallel_loop3A_1082 = arith.cmpi sge, %parallel_loop3A_1074, %parallel_loop3A_1081 : vector<16xi32>
        %parallel_loop3A_1083 = arith.constant 65536 : i32
        %parallel_loop3A_1084 = arith.addi %multiple_of3A_797, %parallel_loop3A_1083 : i32
        %parallel_loop3A_1085 = vector.broadcast %parallel_loop3A_1084 : i32 to vector<16xi32>
        %parallel_loop3A_1086 = arith.cmpi slt, %parallel_loop3A_1074, %parallel_loop3A_1085 : vector<16xi32>
        %parallel_loop3A_1087 = arith.andi %parallel_loop3A_1082, %parallel_loop3A_1086 : vector<16xi1>
        %parallel_loop3A_1088 = arith.cmpi ne, %parallel_loop3A_1074, %parallel_loop3A_1078 : vector<16xi32>
        %parallel_loop3A_1089 = arith.andi %parallel_loop3A_1087, %parallel_loop3A_1088 : vector<16xi1>
        %parallel_loop3A_1090 = arith.constant 65535 : i32
        %parallel_loop3A_1091 = vector.broadcast %parallel_loop3A_1090 : i32 to vector<16xi32>
        %parallel_loop3A_1092 = arith.andi %parallel_loop3A_1074, %parallel_loop3A_1091 : vector<16xi32>
        %parallel_loop3A_1093 = arith.constant 12 : i32
        %parallel_loop3A_1094 = vector.broadcast %parallel_loop3A_1093 : i32 to vector<16xi32>
        %parallel_loop3A_1095 = arith.shrsi %parallel_loop3A_1092, %parallel_loop3A_1094 : vector<16xi32>
        %parallel_loop3A_1096 = arith.constant 4095 : i32
        %parallel_loop3A_1097 = vector.broadcast %parallel_loop3A_1096 : i32 to vector<16xi32>
        %parallel_loop3A_1098 = arith.andi %parallel_loop3A_1092, %parallel_loop3A_1097 : vector<16xi32>
        tpu.vector_store_idx %arg7[%parallel_loop3A_1095, %parallel_loop3A_1098], %parallel_loop3A_1080 masked %parallel_loop3A_1089 : memref<16x4096xf32, #tpu.memory_space<vmem>>[vector<16xi32>, vector<16xi32>], vector<16xf32>, vector<16xi1>
      } {sc.loop_unroll_factor = 8 : i64, sc.parallel_access}
      %while3A_1069 = arith.constant 0 : i32
      scf.yield %while3A_1069 : i32
    }
    %mul3A_921 = arith.constant 16 : i32
    %mul3A_922 = arith.muli %add3A_794, %mul3A_921 : i32
    %multiple_of3A_923 = tpu.assume_multiple %mul3A_922, 16 : i32
    "tpu.region"() ({
      %run_scoped3A = tpu.sem_alloc : memref<!tpu.dma_semaphore, #tpu.memory_space<semaphore_mem>>
      %dma_start3A = arith.constant 0 : i32
      %dma_start3A_1060 = tpu.memref_slice %arg6[%multiple_of3A_923, %dma_start3A] : memref<4096x4096xf32, #tpu.memory_space<hbm>> -> memref<16x4096xf32, #tpu.memory_space<hbm>>
      %dma_start3A_1061 = arith.constant 0 : i32
      %dma_start3A_1062 = tpu.memref_slice %arg6[%multiple_of3A_923, %dma_start3A_1061] : memref<4096x4096xf32, #tpu.memory_space<hbm>> -> memref<16x4096xf32, #tpu.memory_space<hbm>>
      tpu.enqueue_dma source(%arg7 : memref<16x4096xf32, #tpu.memory_space<vmem>>) target(%dma_start3A_1062 : memref<16x4096xf32, #tpu.memory_space<hbm>>) target_semaphore(%run_scoped3A : memref<!tpu.dma_semaphore, #tpu.memory_space<semaphore_mem>>)
      %dma_wait3A = arith.constant 0 : i32
      %dma_wait3A_1063 = tpu.memref_slice %arg6[%multiple_of3A_923, %dma_wait3A] : memref<4096x4096xf32, #tpu.memory_space<hbm>> -> memref<16x4096xf32, #tpu.memory_space<hbm>>
      %dma_wait3A_1064 = arith.constant 0 : i32
      %dma_wait3A_1065 = tpu.memref_slice %arg6[%multiple_of3A_923, %dma_wait3A_1064] : memref<4096x4096xf32, #tpu.memory_space<hbm>> -> memref<16x4096xf32, #tpu.memory_space<hbm>>
      tpu.wait_dma2 semaphore(%run_scoped3A : memref<!tpu.dma_semaphore, #tpu.memory_space<semaphore_mem>>) src(%arg7 : memref<16x4096xf32, #tpu.memory_space<vmem>>) dst(%dma_wait3A_1065 : memref<16x4096xf32, #tpu.memory_space<hbm>>)
      tpu.yield
    }) : () -> ()
    %scan3A_924 = arith.constant 0 : i32
    %scan3A_925 = arith.constant 7 : i32
    %mul3A_926 = arith.constant 8 : i32
    %mul3A_927 = arith.muli %add3A, %mul3A_926 : i32
    %add3A_928 = arith.addi %mul3A_927, %scan3A_925 : i32
    %mul3A_929 = arith.constant 65536 : i32
    %mul3A_930 = arith.muli %add3A_928, %mul3A_929 : i32
    %multiple_of3A_931 = tpu.assume_multiple %mul3A_930, 65536 : i32
    %parallel_loop3A_932 = arith.constant 0 : i32
    %parallel_loop3A_933 = arith.constant 4096 : i32
    %parallel_loop3A_934 = arith.constant 1 : i32
    scf.for %parallel_loop3A_1060 = %parallel_loop3A_932 to %parallel_loop3A_933 step %parallel_loop3A_934  : i32 {
      %parallel_loop3A_1061 = arith.constant 8 : i32
      %parallel_loop3A_1062 = arith.shrsi %parallel_loop3A_1060, %parallel_loop3A_1061 : i32
      %parallel_loop3A_1063 = arith.constant 255 : i32
      %parallel_loop3A_1064 = arith.andi %parallel_loop3A_1060, %parallel_loop3A_1063 : i32
      %parallel_loop3A_1065 = arith.constant 16 : i32
      %parallel_loop3A_1066 = arith.muli %parallel_loop3A_1064, %parallel_loop3A_1065 : i32
      %parallel_loop3A_1067 = arith.index_cast %parallel_loop3A_1062 : i32 to index
      %parallel_loop3A_1068 = arith.index_cast %parallel_loop3A_1066 : i32 to index
      %parallel_loop3A_1069 = tpu.vector_load %arg7[%parallel_loop3A_1067, %parallel_loop3A_1068] {strides = array<i32>} : memref<16x4096xf32, #tpu.memory_space<vmem>>, vector<16xf32>,
      tpu.vector_store %arg7[%parallel_loop3A_1067, %parallel_loop3A_1068], %broadcast_in_dim3A_1 {strides = array<i32>} : memref<16x4096xf32, #tpu.memory_space<vmem>>, vector<16xf32>,
    } {sc.loop_unroll_factor = 8 : i64, sc.parallel_access}
    %jit3A_935 = arith.constant 16 : i32
    %div3A_936 = arith.divsi %add3A_928, %jit3A_935 : i32
    %sign3A_937 = arith.constant 0 : i32
    %sign3A_938 = arith.cmpi sgt, %add3A_928, %sign3A_937 : i32
    %sign3A_939 = arith.extui %sign3A_938 : i1 to i32
    %sign3A_940 = arith.constant 0 : i32
    %sign3A_941 = arith.cmpi slt, %add3A_928, %sign3A_940 : i32
    %sign3A_942 = arith.extui %sign3A_941 : i1 to i32
    %sign3A_943 = arith.subi %sign3A_939, %sign3A_942 : i32
    %sign3A_944 = arith.constant 0 : i32
    %sign3A_945 = arith.cmpi sgt, %jit3A_935, %sign3A_944 : i32
    %sign3A_946 = arith.extui %sign3A_945 : i1 to i32
    %sign3A_947 = arith.constant 0 : i32
    %sign3A_948 = arith.cmpi slt, %jit3A_935, %sign3A_947 : i32
    %sign3A_949 = arith.extui %sign3A_948 : i1 to i32
    %sign3A_950 = arith.subi %sign3A_946, %sign3A_949 : i32
    %ne3A_951 = arith.cmpi ne, %sign3A_943, %sign3A_950 : i32
    %rem3A_952 = arith.remsi %add3A_928, %jit3A_935 : i32
    %ne3A_953 = arith.constant 0 : i32
    %ne3A_954 = arith.cmpi ne, %rem3A_952, %ne3A_953 : i32
    %and3A_955 = arith.andi %ne3A_951, %ne3A_954 : i1
    %sub3A_956 = arith.constant 1 : i32
    %sub3A_957 = arith.subi %div3A_936, %sub3A_956 : i32
    %select_n3A_958 = arith.select %and3A_955, %sub3A_957, %div3A_936 : i32
    %mul3A_959 = arith.constant 16 : i32
    %mul3A_960 = arith.muli %select_n3A_958, %mul3A_959 : i32
    %multiple_of3A_961 = tpu.assume_multiple %mul3A_960, 16 : i32
    %get3A_962 = arith.index_cast %multiple_of3A_961 : i32 to index
    %get3A_963 = tpu.vector_load %arg10[%get3A_962] {strides = array<i32>} : memref<256xi32, #tpu.memory_space<vmem>>, vector<16xi32>,
    %jit3A_964 = arith.constant 16 : i32
    %eq3A_965 = arith.constant 0 : i32
    %eq3A_966 = arith.cmpi eq, %jit3A_964, %eq3A_965 : i32
    %jit3A_967 = arith.constant 1 : i32
    %select_n3A_968 = arith.select %eq3A_966, %jit3A_967, %jit3A_964 : i32
    %rem3A_969 = arith.remsi %add3A_928, %select_n3A_968 : i32
    %ne3A_970 = arith.constant 0 : i32
    %ne3A_971 = arith.cmpi ne, %rem3A_969, %ne3A_970 : i32
    %lt3A_972 = arith.constant 0 : i32
    %lt3A_973 = arith.cmpi slt, %rem3A_969, %lt3A_972 : i32
    %lt3A_974 = arith.constant 0 : i32
    %lt3A_975 = arith.cmpi slt, %select_n3A_968, %lt3A_974 : i32
    %ne3A_976 = arith.xori %lt3A_973, %lt3A_975 : i1
    %and3A_977 = arith.andi %ne3A_976, %ne3A_971 : i1
    %add3A_978 = arith.addi %rem3A_969, %select_n3A_968 : i32
    %select_n3A_979 = arith.select %and3A_977, %add3A_978, %rem3A_969 : i32
    %eq3A_980 = vector.broadcast %select_n3A_979 : i32 to vector<16xi32>
    %eq3A_981 = arith.cmpi eq, %iota3A, %eq3A_980 : vector<16xi32>
    %jit3A_982 = arith.constant 0 : i32
    %broadcast_in_dim3A_983 = vector.broadcast %jit3A_982 : i32 to vector<16xi32>
    %select_n3A_984 = arith.select %eq3A_981, %get3A_963, %broadcast_in_dim3A_983 : vector<16xi1>, vector<16xi32>
    %reduce_sum3A_985 = arith.constant true
    %reduce_sum3A_986 = vector.broadcast %reduce_sum3A_985 : i1 to vector<16xi1>
    %reduce_sum3A_987 = tpu.scan <sum>, %select_n3A_984 masked %reduce_sum3A_986 : vector<16xi32>, vector<16xi1> -> vector<16xi32>
    %reduce_sum3A_988 = vector.extract %reduce_sum3A_987[15] : i32 from vector<16xi32>
    %jit3A_989 = arith.constant 16 : i32
    %div3A_990 = arith.divsi %add3A_928, %jit3A_989 : i32
    %sign3A_991 = arith.constant 0 : i32
    %sign3A_992 = arith.cmpi sgt, %add3A_928, %sign3A_991 : i32
    %sign3A_993 = arith.extui %sign3A_992 : i1 to i32
    %sign3A_994 = arith.constant 0 : i32
    %sign3A_995 = arith.cmpi slt, %add3A_928, %sign3A_994 : i32
    %sign3A_996 = arith.extui %sign3A_995 : i1 to i32
    %sign3A_997 = arith.subi %sign3A_993, %sign3A_996 : i32
    %sign3A_998 = arith.constant 0 : i32
    %sign3A_999 = arith.cmpi sgt, %jit3A_989, %sign3A_998 : i32
    %sign3A_1000 = arith.extui %sign3A_999 : i1 to i32
    %sign3A_1001 = arith.constant 0 : i32
    %sign3A_1002 = arith.cmpi slt, %jit3A_989, %sign3A_1001 : i32
    %sign3A_1003 = arith.extui %sign3A_1002 : i1 to i32
    %sign3A_1004 = arith.subi %sign3A_1000, %sign3A_1003 : i32
    %ne3A_1005 = arith.cmpi ne, %sign3A_997, %sign3A_1004 : i32
    %rem3A_1006 = arith.remsi %add3A_928, %jit3A_989 : i32
    %ne3A_1007 = arith.constant 0 : i32
    %ne3A_1008 = arith.cmpi ne, %rem3A_1006, %ne3A_1007 : i32
    %and3A_1009 = arith.andi %ne3A_1005, %ne3A_1008 : i1
    %sub3A_1010 = arith.constant 1 : i32
    %sub3A_1011 = arith.subi %div3A_990, %sub3A_1010 : i32
    %select_n3A_1012 = arith.select %and3A_1009, %sub3A_1011, %div3A_990 : i32
    %mul3A_1013 = arith.constant 16 : i32
    %mul3A_1014 = arith.muli %select_n3A_1012, %mul3A_1013 : i32
    %multiple_of3A_1015 = tpu.assume_multiple %mul3A_1014, 16 : i32
    %get3A_1016 = arith.index_cast %multiple_of3A_1015 : i32 to index
    %get3A_1017 = tpu.vector_load %arg11[%get3A_1016] {strides = array<i32>} : memref<256xi32, #tpu.memory_space<vmem>>, vector<16xi32>,
    %jit3A_1018 = arith.constant 16 : i32
    %eq3A_1019 = arith.constant 0 : i32
    %eq3A_1020 = arith.cmpi eq, %jit3A_1018, %eq3A_1019 : i32
    %jit3A_1021 = arith.constant 1 : i32
    %select_n3A_1022 = arith.select %eq3A_1020, %jit3A_1021, %jit3A_1018 : i32
    %rem3A_1023 = arith.remsi %add3A_928, %select_n3A_1022 : i32
    %ne3A_1024 = arith.constant 0 : i32
    %ne3A_1025 = arith.cmpi ne, %rem3A_1023, %ne3A_1024 : i32
    %lt3A_1026 = arith.constant 0 : i32
    %lt3A_1027 = arith.cmpi slt, %rem3A_1023, %lt3A_1026 : i32
    %lt3A_1028 = arith.constant 0 : i32
    %lt3A_1029 = arith.cmpi slt, %select_n3A_1022, %lt3A_1028 : i32
    %ne3A_1030 = arith.xori %lt3A_1027, %lt3A_1029 : i1
    %and3A_1031 = arith.andi %ne3A_1030, %ne3A_1025 : i1
    %add3A_1032 = arith.addi %rem3A_1023, %select_n3A_1022 : i32
    %select_n3A_1033 = arith.select %and3A_1031, %add3A_1032, %rem3A_1023 : i32
    %eq3A_1034 = vector.broadcast %select_n3A_1033 : i32 to vector<16xi32>
    %eq3A_1035 = arith.cmpi eq, %iota3A, %eq3A_1034 : vector<16xi32>
    %jit3A_1036 = arith.constant 0 : i32
    %broadcast_in_dim3A_1037 = vector.broadcast %jit3A_1036 : i32 to vector<16xi32>
    %select_n3A_1038 = arith.select %eq3A_1035, %get3A_1017, %broadcast_in_dim3A_1037 : vector<16xi1>, vector<16xi32>
    %reduce_sum3A_1039 = arith.constant true
    %reduce_sum3A_1040 = vector.broadcast %reduce_sum3A_1039 : i1 to vector<16xi1>
    %reduce_sum3A_1041 = tpu.scan <sum>, %select_n3A_1038 masked %reduce_sum3A_1040 : vector<16xi32>, vector<16xi1> -> vector<16xi32>
    %reduce_sum3A_1042 = vector.extract %reduce_sum3A_1041[15] : i32 from vector<16xi32>
    %while3A_1043 = arith.constant 0 : i32
    %while3A_1044 = arith.constant 0 : i32
    %while3A_1045 = arith.subi %reduce_sum3A_1042, %while3A_1043 : i32
    %while3A_1046 = arith.addi %while3A_1043, %while3A_1045 : i32
    %while3A_1047 = arith.constant 1 : i32
    %while3A_1048 = arith.divsi %while3A_1045, %while3A_1047 : i32
    %while3A_1049 = arith.muli %while3A_1048, %while3A_1047 : i32
    %while3A_1050 = arith.addi %while3A_1043, %while3A_1049 : i32
    %while3A_1051 = arith.constant 1 : i32
    %while3A_1052 = scf.for %while3A_1060 = %while3A_1043 to %while3A_1050 step %while3A_1051 iter_args(%while3A_1061 = %while3A_1044) -> (i32)  : i32 {
      %mul3A_1062 = arith.constant 8192 : i32
      %mul3A_1063 = arith.muli %while3A_1060, %mul3A_1062 : i32
      %add3A_1064 = arith.addi %reduce_sum3A_988, %mul3A_1063 : i32
      %multiple_of3A_1065 = tpu.assume_multiple %add3A_1064, 16 : i32
      "tpu.region"() ({
        %run_scoped3A = tpu.sem_alloc : memref<!tpu.dma_semaphore, #tpu.memory_space<semaphore_mem>>
        %dma_start3A = tpu.memref_slice %arg2[%multiple_of3A_1065] : memref<1685952xi32, #tpu.memory_space<hbm>> -> memref<8208xi32, #tpu.memory_space<hbm>>
        %dma_start3A_1070 = tpu.memref_slice %arg2[%multiple_of3A_1065] : memref<1685952xi32, #tpu.memory_space<hbm>> -> memref<8208xi32, #tpu.memory_space<hbm>>
        tpu.enqueue_dma source(%dma_start3A_1070 : memref<8208xi32, #tpu.memory_space<hbm>>) target(%arg8 : memref<8208xi32, #tpu.memory_space<vmem>>) target_semaphore(%run_scoped3A : memref<!tpu.dma_semaphore, #tpu.memory_space<semaphore_mem>>)
        %dma_wait3A = tpu.memref_slice %arg2[%multiple_of3A_1065] : memref<1685952xi32, #tpu.memory_space<hbm>> -> memref<8208xi32, #tpu.memory_space<hbm>>
        %dma_wait3A_1071 = tpu.memref_slice %arg2[%multiple_of3A_1065] : memref<1685952xi32, #tpu.memory_space<hbm>> -> memref<8208xi32, #tpu.memory_space<hbm>>
        tpu.wait_dma2 semaphore(%run_scoped3A : memref<!tpu.dma_semaphore, #tpu.memory_space<semaphore_mem>>) src(%dma_wait3A_1071 : memref<8208xi32, #tpu.memory_space<hbm>>) dst(%arg8 : memref<8208xi32, #tpu.memory_space<vmem>>)
        tpu.yield
      }) : () -> ()
      "tpu.region"() ({
        %run_scoped3A = tpu.sem_alloc : memref<!tpu.dma_semaphore, #tpu.memory_space<semaphore_mem>>
        %dma_start3A = tpu.memref_slice %arg3[%multiple_of3A_1065] : memref<1685952xf32, #tpu.memory_space<hbm>> -> memref<8192xf32, #tpu.memory_space<hbm>>
        %dma_start3A_1070 = tpu.memref_slice %arg3[%multiple_of3A_1065] : memref<1685952xf32, #tpu.memory_space<hbm>> -> memref<8192xf32, #tpu.memory_space<hbm>>
        tpu.enqueue_dma source(%dma_start3A_1070 : memref<8192xf32, #tpu.memory_space<hbm>>) target(%arg9 : memref<8192xf32, #tpu.memory_space<vmem>>) target_semaphore(%run_scoped3A : memref<!tpu.dma_semaphore, #tpu.memory_space<semaphore_mem>>)
        %dma_wait3A = tpu.memref_slice %arg3[%multiple_of3A_1065] : memref<1685952xf32, #tpu.memory_space<hbm>> -> memref<8192xf32, #tpu.memory_space<hbm>>
        %dma_wait3A_1071 = tpu.memref_slice %arg3[%multiple_of3A_1065] : memref<1685952xf32, #tpu.memory_space<hbm>> -> memref<8192xf32, #tpu.memory_space<hbm>>
        tpu.wait_dma2 semaphore(%run_scoped3A : memref<!tpu.dma_semaphore, #tpu.memory_space<semaphore_mem>>) src(%dma_wait3A_1071 : memref<8192xf32, #tpu.memory_space<hbm>>) dst(%arg9 : memref<8192xf32, #tpu.memory_space<vmem>>)
        tpu.yield
      }) : () -> ()
      %parallel_loop3A_1066 = arith.constant 0 : i32
      %parallel_loop3A_1067 = arith.constant 512 : i32
      %parallel_loop3A_1068 = arith.constant 1 : i32
      scf.for %parallel_loop3A_1070 = %parallel_loop3A_1066 to %parallel_loop3A_1067 step %parallel_loop3A_1068  : i32 {
        %parallel_loop3A_1071 = arith.constant 16 : i32
        %parallel_loop3A_1072 = arith.muli %parallel_loop3A_1070, %parallel_loop3A_1071 : i32
        %parallel_loop3A_1073 = arith.index_cast %parallel_loop3A_1072 : i32 to index
        %parallel_loop3A_1074 = tpu.vector_load %arg8[%parallel_loop3A_1073] {strides = array<i32>} : memref<8208xi32, #tpu.memory_space<vmem>>, vector<16xi32>,
        %parallel_loop3A_1075 = arith.constant 1 : i32
        %parallel_loop3A_1076 = arith.addi %parallel_loop3A_1072, %parallel_loop3A_1075 : i32
        %parallel_loop3A_1077 = arith.index_cast %parallel_loop3A_1076 : i32 to index
        %parallel_loop3A_1078 = tpu.vector_load %arg8[%parallel_loop3A_1077] {strides = array<i32>} : memref<8208xi32, #tpu.memory_space<vmem>>, vector<16xi32>,
        %parallel_loop3A_1079 = arith.index_cast %parallel_loop3A_1072 : i32 to index
        %parallel_loop3A_1080 = tpu.vector_load %arg9[%parallel_loop3A_1079] {strides = array<i32>} : memref<8192xf32, #tpu.memory_space<vmem>>, vector<16xf32>,
        %parallel_loop3A_1081 = vector.broadcast %multiple_of3A_931 : i32 to vector<16xi32>
        %parallel_loop3A_1082 = arith.cmpi sge, %parallel_loop3A_1074, %parallel_loop3A_1081 : vector<16xi32>
        %parallel_loop3A_1083 = arith.constant 65536 : i32
        %parallel_loop3A_1084 = arith.addi %multiple_of3A_931, %parallel_loop3A_1083 : i32
        %parallel_loop3A_1085 = vector.broadcast %parallel_loop3A_1084 : i32 to vector<16xi32>
        %parallel_loop3A_1086 = arith.cmpi slt, %parallel_loop3A_1074, %parallel_loop3A_1085 : vector<16xi32>
        %parallel_loop3A_1087 = arith.andi %parallel_loop3A_1082, %parallel_loop3A_1086 : vector<16xi1>
        %parallel_loop3A_1088 = arith.cmpi ne, %parallel_loop3A_1074, %parallel_loop3A_1078 : vector<16xi32>
        %parallel_loop3A_1089 = arith.andi %parallel_loop3A_1087, %parallel_loop3A_1088 : vector<16xi1>
        %parallel_loop3A_1090 = arith.constant 65535 : i32
        %parallel_loop3A_1091 = vector.broadcast %parallel_loop3A_1090 : i32 to vector<16xi32>
        %parallel_loop3A_1092 = arith.andi %parallel_loop3A_1074, %parallel_loop3A_1091 : vector<16xi32>
        %parallel_loop3A_1093 = arith.constant 12 : i32
        %parallel_loop3A_1094 = vector.broadcast %parallel_loop3A_1093 : i32 to vector<16xi32>
        %parallel_loop3A_1095 = arith.shrsi %parallel_loop3A_1092, %parallel_loop3A_1094 : vector<16xi32>
        %parallel_loop3A_1096 = arith.constant 4095 : i32
        %parallel_loop3A_1097 = vector.broadcast %parallel_loop3A_1096 : i32 to vector<16xi32>
        %parallel_loop3A_1098 = arith.andi %parallel_loop3A_1092, %parallel_loop3A_1097 : vector<16xi32>
        tpu.vector_store_idx %arg7[%parallel_loop3A_1095, %parallel_loop3A_1098], %parallel_loop3A_1080 masked %parallel_loop3A_1089 : memref<16x4096xf32, #tpu.memory_space<vmem>>[vector<16xi32>, vector<16xi32>], vector<16xf32>, vector<16xi1>
      } {sc.loop_unroll_factor = 8 : i64, sc.parallel_access}
      %while3A_1069 = arith.constant 0 : i32
      scf.yield %while3A_1069 : i32
    }
    %while3A_1053 = arith.constant 1 : i32
    %while3A_1054 = scf.for %while3A_1060 = %while3A_1050 to %while3A_1046 step %while3A_1053 iter_args(%while3A_1061 = %while3A_1052) -> (i32)  : i32 {
      %mul3A_1062 = arith.constant 8192 : i32
      %mul3A_1063 = arith.muli %while3A_1060, %mul3A_1062 : i32
      %add3A_1064 = arith.addi %reduce_sum3A_988, %mul3A_1063 : i32
      %multiple_of3A_1065 = tpu.assume_multiple %add3A_1064, 16 : i32
      "tpu.region"() ({
        %run_scoped3A = tpu.sem_alloc : memref<!tpu.dma_semaphore, #tpu.memory_space<semaphore_mem>>
        %dma_start3A = tpu.memref_slice %arg2[%multiple_of3A_1065] : memref<1685952xi32, #tpu.memory_space<hbm>> -> memref<8208xi32, #tpu.memory_space<hbm>>
        %dma_start3A_1070 = tpu.memref_slice %arg2[%multiple_of3A_1065] : memref<1685952xi32, #tpu.memory_space<hbm>> -> memref<8208xi32, #tpu.memory_space<hbm>>
        tpu.enqueue_dma source(%dma_start3A_1070 : memref<8208xi32, #tpu.memory_space<hbm>>) target(%arg8 : memref<8208xi32, #tpu.memory_space<vmem>>) target_semaphore(%run_scoped3A : memref<!tpu.dma_semaphore, #tpu.memory_space<semaphore_mem>>)
        %dma_wait3A = tpu.memref_slice %arg2[%multiple_of3A_1065] : memref<1685952xi32, #tpu.memory_space<hbm>> -> memref<8208xi32, #tpu.memory_space<hbm>>
        %dma_wait3A_1071 = tpu.memref_slice %arg2[%multiple_of3A_1065] : memref<1685952xi32, #tpu.memory_space<hbm>> -> memref<8208xi32, #tpu.memory_space<hbm>>
        tpu.wait_dma2 semaphore(%run_scoped3A : memref<!tpu.dma_semaphore, #tpu.memory_space<semaphore_mem>>) src(%dma_wait3A_1071 : memref<8208xi32, #tpu.memory_space<hbm>>) dst(%arg8 : memref<8208xi32, #tpu.memory_space<vmem>>)
        tpu.yield
      }) : () -> ()
      "tpu.region"() ({
        %run_scoped3A = tpu.sem_alloc : memref<!tpu.dma_semaphore, #tpu.memory_space<semaphore_mem>>
        %dma_start3A = tpu.memref_slice %arg3[%multiple_of3A_1065] : memref<1685952xf32, #tpu.memory_space<hbm>> -> memref<8192xf32, #tpu.memory_space<hbm>>
        %dma_start3A_1070 = tpu.memref_slice %arg3[%multiple_of3A_1065] : memref<1685952xf32, #tpu.memory_space<hbm>> -> memref<8192xf32, #tpu.memory_space<hbm>>
        tpu.enqueue_dma source(%dma_start3A_1070 : memref<8192xf32, #tpu.memory_space<hbm>>) target(%arg9 : memref<8192xf32, #tpu.memory_space<vmem>>) target_semaphore(%run_scoped3A : memref<!tpu.dma_semaphore, #tpu.memory_space<semaphore_mem>>)
        %dma_wait3A = tpu.memref_slice %arg3[%multiple_of3A_1065] : memref<1685952xf32, #tpu.memory_space<hbm>> -> memref<8192xf32, #tpu.memory_space<hbm>>
        %dma_wait3A_1071 = tpu.memref_slice %arg3[%multiple_of3A_1065] : memref<1685952xf32, #tpu.memory_space<hbm>> -> memref<8192xf32, #tpu.memory_space<hbm>>
        tpu.wait_dma2 semaphore(%run_scoped3A : memref<!tpu.dma_semaphore, #tpu.memory_space<semaphore_mem>>) src(%dma_wait3A_1071 : memref<8192xf32, #tpu.memory_space<hbm>>) dst(%arg9 : memref<8192xf32, #tpu.memory_space<vmem>>)
        tpu.yield
      }) : () -> ()
      %parallel_loop3A_1066 = arith.constant 0 : i32
      %parallel_loop3A_1067 = arith.constant 512 : i32
      %parallel_loop3A_1068 = arith.constant 1 : i32
      scf.for %parallel_loop3A_1070 = %parallel_loop3A_1066 to %parallel_loop3A_1067 step %parallel_loop3A_1068  : i32 {
        %parallel_loop3A_1071 = arith.constant 16 : i32
        %parallel_loop3A_1072 = arith.muli %parallel_loop3A_1070, %parallel_loop3A_1071 : i32
        %parallel_loop3A_1073 = arith.index_cast %parallel_loop3A_1072 : i32 to index
        %parallel_loop3A_1074 = tpu.vector_load %arg8[%parallel_loop3A_1073] {strides = array<i32>} : memref<8208xi32, #tpu.memory_space<vmem>>, vector<16xi32>,
        %parallel_loop3A_1075 = arith.constant 1 : i32
        %parallel_loop3A_1076 = arith.addi %parallel_loop3A_1072, %parallel_loop3A_1075 : i32
        %parallel_loop3A_1077 = arith.index_cast %parallel_loop3A_1076 : i32 to index
        %parallel_loop3A_1078 = tpu.vector_load %arg8[%parallel_loop3A_1077] {strides = array<i32>} : memref<8208xi32, #tpu.memory_space<vmem>>, vector<16xi32>,
        %parallel_loop3A_1079 = arith.index_cast %parallel_loop3A_1072 : i32 to index
        %parallel_loop3A_1080 = tpu.vector_load %arg9[%parallel_loop3A_1079] {strides = array<i32>} : memref<8192xf32, #tpu.memory_space<vmem>>, vector<16xf32>,
        %parallel_loop3A_1081 = vector.broadcast %multiple_of3A_931 : i32 to vector<16xi32>
        %parallel_loop3A_1082 = arith.cmpi sge, %parallel_loop3A_1074, %parallel_loop3A_1081 : vector<16xi32>
        %parallel_loop3A_1083 = arith.constant 65536 : i32
        %parallel_loop3A_1084 = arith.addi %multiple_of3A_931, %parallel_loop3A_1083 : i32
        %parallel_loop3A_1085 = vector.broadcast %parallel_loop3A_1084 : i32 to vector<16xi32>
        %parallel_loop3A_1086 = arith.cmpi slt, %parallel_loop3A_1074, %parallel_loop3A_1085 : vector<16xi32>
        %parallel_loop3A_1087 = arith.andi %parallel_loop3A_1082, %parallel_loop3A_1086 : vector<16xi1>
        %parallel_loop3A_1088 = arith.cmpi ne, %parallel_loop3A_1074, %parallel_loop3A_1078 : vector<16xi32>
        %parallel_loop3A_1089 = arith.andi %parallel_loop3A_1087, %parallel_loop3A_1088 : vector<16xi1>
        %parallel_loop3A_1090 = arith.constant 65535 : i32
        %parallel_loop3A_1091 = vector.broadcast %parallel_loop3A_1090 : i32 to vector<16xi32>
        %parallel_loop3A_1092 = arith.andi %parallel_loop3A_1074, %parallel_loop3A_1091 : vector<16xi32>
        %parallel_loop3A_1093 = arith.constant 12 : i32
        %parallel_loop3A_1094 = vector.broadcast %parallel_loop3A_1093 : i32 to vector<16xi32>
        %parallel_loop3A_1095 = arith.shrsi %parallel_loop3A_1092, %parallel_loop3A_1094 : vector<16xi32>
        %parallel_loop3A_1096 = arith.constant 4095 : i32
        %parallel_loop3A_1097 = vector.broadcast %parallel_loop3A_1096 : i32 to vector<16xi32>
        %parallel_loop3A_1098 = arith.andi %parallel_loop3A_1092, %parallel_loop3A_1097 : vector<16xi32>
        tpu.vector_store_idx %arg7[%parallel_loop3A_1095, %parallel_loop3A_1098], %parallel_loop3A_1080 masked %parallel_loop3A_1089 : memref<16x4096xf32, #tpu.memory_space<vmem>>[vector<16xi32>, vector<16xi32>], vector<16xf32>, vector<16xi1>
      } {sc.loop_unroll_factor = 8 : i64, sc.parallel_access}
      %while3A_1069 = arith.constant 0 : i32
      scf.yield %while3A_1069 : i32
    }
    %mul3A_1055 = arith.constant 16 : i32
    %mul3A_1056 = arith.muli %add3A_928, %mul3A_1055 : i32
    %multiple_of3A_1057 = tpu.assume_multiple %mul3A_1056, 16 : i32
    "tpu.region"() ({
      %run_scoped3A = tpu.sem_alloc : memref<!tpu.dma_semaphore, #tpu.memory_space<semaphore_mem>>
      %dma_start3A = arith.constant 0 : i32
      %dma_start3A_1060 = tpu.memref_slice %arg6[%multiple_of3A_1057, %dma_start3A] : memref<4096x4096xf32, #tpu.memory_space<hbm>> -> memref<16x4096xf32, #tpu.memory_space<hbm>>
      %dma_start3A_1061 = arith.constant 0 : i32
      %dma_start3A_1062 = tpu.memref_slice %arg6[%multiple_of3A_1057, %dma_start3A_1061] : memref<4096x4096xf32, #tpu.memory_space<hbm>> -> memref<16x4096xf32, #tpu.memory_space<hbm>>
      tpu.enqueue_dma source(%arg7 : memref<16x4096xf32, #tpu.memory_space<vmem>>) target(%dma_start3A_1062 : memref<16x4096xf32, #tpu.memory_space<hbm>>) target_semaphore(%run_scoped3A : memref<!tpu.dma_semaphore, #tpu.memory_space<semaphore_mem>>)
      %dma_wait3A = arith.constant 0 : i32
      %dma_wait3A_1063 = tpu.memref_slice %arg6[%multiple_of3A_1057, %dma_wait3A] : memref<4096x4096xf32, #tpu.memory_space<hbm>> -> memref<16x4096xf32, #tpu.memory_space<hbm>>
      %dma_wait3A_1064 = arith.constant 0 : i32
      %dma_wait3A_1065 = tpu.memref_slice %arg6[%multiple_of3A_1057, %dma_wait3A_1064] : memref<4096x4096xf32, #tpu.memory_space<hbm>> -> memref<16x4096xf32, #tpu.memory_space<hbm>>
      tpu.wait_dma2 semaphore(%run_scoped3A : memref<!tpu.dma_semaphore, #tpu.memory_space<semaphore_mem>>) src(%arg7 : memref<16x4096xf32, #tpu.memory_space<vmem>>) dst(%dma_wait3A_1065 : memref<16x4096xf32, #tpu.memory_space<hbm>>)
      tpu.yield
    }) : () -> ()
    %scan3A_1058 = arith.constant 0 : i32
    %scan3A_1059 = arith.constant 8 : i32
    return
  }
}

</mosaic_0001>

<sc_bundles>
// kernel: _build.3.cloned.1.call-start
scs
__scs_entry_jumppad:
0x0: {  	(pc) =	sbr.rel $0x88, $3  }
0x1: {  	(tag) =	ssettag $0x0;
	lr =	simm.s32 $0x1  }
0x2: {  	[smem:$0x3F9D] =	sst lr;
	_ =	strace $0xD0000000  }
0x3: {  	_ = 	snop  }
0x4: {  	_ = 	snop  }
0x5: {  	_ = 	snop  }
0x6: {  	_ = 	snop  }
0x7: {  	_ = 	snop  }
__scs_overlays_trampoline_lowered:
0x8: {  	[smem:$0x3FAC] =	sst s0  }
0x9: {  	[smem:$0x3FAD] =	sst s1  }
0xa: {  	[smem:$0x3FAE] =	sst s2  }
0xb: {  	[smem:$0x3FAF] =	sst s3  }
0xc: {  	[smem:$0x3FB0] =	sst s4  }
0xd: {  	[smem:$0x3FB1] =	sst s5  }
0xe: {  	[smem:$0x3FB2] =	sst s6  }
0xf: {  	[smem:$0x3FB3] =	sst s7  }
0x10: {  	[smem:$0x3FB4] =	sst s8  }
0x11: {  	[smem:$0x3FB5] =	sst s9;
	s0 =	simm.s32 @!p0 $0x0  }
0x12: {  	s1 =	sld [smem:$0x3F9B];
	s0 =	simm.s32 @p0 $0x1  }
0x13: {  	[smem:$0x3FB6] =	sst s0;
	s0 =	simm.s32 @!p1 $0x0  }
0x14: {  	s2 =	sld [smem:$0x3F9A];
	s0 =	simm.s32 @p1 $0x1  }
0x15: {  	[smem:$0x3FB7] =	sst s0;
	s0 =	simm.s32 @!p2 $0x0  }
0x16: {  	s3 =	sld [smem:$0x3FDB];
	s0 =	simm.s32 @p2 $0x1  }
0x17: {  	s4 =	simm.s32 $0x1BF5;
	[smem:$0x3FB9] =	sst s0  }
0x18: {  	s0 =	sld [smem:$0x3F9C];
	_ =	swait.ge [sflag:s4], $0x0  }
0x19: {  	s7 =	sld [smem:$0x3F9D]  }
0x1a: {  	s8 =	sadd.s32 $0xFFFFE003, lr  }
0x1b: {  	s9 =	sadd.s32 $0xFFFFFEF7, lr;
	s5 =	simm.s32 $0xFFFFFFFF;
	p2 =	slt.u32 s8, $0xFFFFF086  }
0x1c: {  	p1 =	slt.u32 s9, $0xF7A;
	s5 =	simm.s32 @!p2 $0x0  }
0x1d: {  	s5 =	simm.s32 @p1 $0x1;
	p0 =	seq.s32 s7, s2  }
0x1e: {  	s7 =	smul.u32 @!p0 $0xF7A, s2;
	p2 =	seq.s32 @!p0 s5, $0x0  }
0x1f: {  	s9 =	smul.u32 $0xF7A, s1;
	s8 =	simm.s32 @!p0 $0x1BF5;
	p2 =	por !p2, p0  }
0x20: {  	[sflag:s8] =	ssyncset.s32 @!p0 $0xFFFFF086;
	s6 =	sadd.s32 @!p0 s3, s7;
	s7 =	simm.s32 @!p0 $0x108  }
0x21: {  	s3 =	sadd.s32 s3, s9;
	s6 =	sadd.s32 @!p0 $0x88, s6;
	s7 =	simm.s32 @p2 $0x1082  }
0x22: {  	[simem:s7], [sflag:s8] =	dma.local @!p0 [hbm:s6], $0xF7A  }
0x23: {  	s9 =	sor.u32 $0xD0000000, s2;
	s6 =	simm.s32 $0x108;
	_ =	swait.ge @!p0 [sflag:s8], $0x0  }
0x24: {  	s3 =	sadd.s32 $0x88, s3;
	s6 =	simm.s32 @!p1 $0x1082;
	[sflag:s4] =	ssyncset.s32 $0xFFFFF086  }
0x25: {  	[simem:s6], [sflag:s4] =	dma.local [hbm:s3], $0xF7A  }
0x26: {  	[smem:$0x3F9D] =	sst s1;
	(tag) =	ssettag s2;
	_ =	strace s9  }
0x27: {  	s1 =	sld [smem:$0x3FAD]  }
0x28: {  	s2 =	sld [smem:$0x3FAE]  }
0x29: {  	s4 =	sld [smem:$0x3FB0]  }
0x2a: {  	p0 =	seq.s32 s5, $0x0;
	s5 =	sld [smem:$0x3FB1]  }
0x2b: {  	s6 =	sld [smem:$0x3FB2]  }
0x2c: {  	s7 =	sld [smem:$0x3FB3]  }
0x2d: {  	s3 =	simm.s32 $0x108;
	s8 =	sld [smem:$0x3FB4]  }
0x2e: {  	s3 =	simm.s32 @!p0 $0x1082;
	s9 =	sld [smem:$0x3FB5]  }
0x2f: {  	lr =	sadd.s32 s0, s3;
	s0 =	sld [smem:$0x3FAC]  }
0x30: {  	s3 =	sld [smem:$0x3FAF]  }
0x31: {  	[smem:$0x3FB8] =	sst s10  }
0x32: {  	s10 =	sld [smem:$0x3FB6];
	_ =	sdelay $0x3  }
0x33: {  	p0 =	seq.s32 s10, $0x1;
	s10 =	sld [smem:$0x3FB8];
	_ =	sdelay $0x3  }
0x34: {  	[smem:$0x3FB8] =	sst s10  }
0x35: {  	s10 =	sld [smem:$0x3FB7];
	_ =	sdelay $0x3  }
0x36: {  	p1 =	seq.s32 s10, $0x1;
	s10 =	sld [smem:$0x3FB8];
	_ =	sdelay $0x3  }
0x37: {  	[smem:$0x3FB8] =	sst s10  }
0x38: {  	s10 =	sld [smem:$0x3FB9]  }
0x39: {  	_ = 	snop;
	(pc) =	sbr.ind lr, $3  }
0x3a: {  	_ = 	snop  }
0x3b: {  	_ = 	snop  }
0x3c: {  	p2 =	seq.s32 s10, $0x1;
	s10 =	sld [smem:$0x3FB8]  }
0x3d: {  	_ =	shalt  }
0x3e: {  	_ =	shalt  }
0x3f: {  	_ =	shalt  }
0x40: {  	_ =	shalt  }
0x41: {  	_ =	shalt  }
0x42: {  	_ =	shalt  }
0x43: {  	_ =	shalt  }
0x44: {  	_ =	shalt  }
0x45: {  	_ =	shalt  }
0x46: {  	_ =	shalt  }
0x47: {  	_ =	shalt  }
0x48: {  	_ =	shalt  }
0x49: {  	_ =	shalt  }
0x4a: {  	_ =	shalt  }
0x4b: {  	_ =	shalt  }
0x4c: {  	_ =	shalt  }
0x4d: {  	_ =	shalt  }
0x4e: {  	_ =	shalt  }
0x4f: {  	_ =	shalt  }
0x50: {  	_ =	shalt  }
0x51: {  	_ =	shalt  }
0x52: {  	_ =	shalt  }
0x53: {  	_ =	shalt  }
0x54: {  	_ =	shalt  }
0x55: {  	_ =	shalt  }
0x56: {  	_ =	shalt  }
0x57: {  	_ =	shalt  }
0x58: {  	_ =	shalt  }
0x59: {  	_ =	shalt  }
0x5a: {  	_ =	shalt  }
0x5b: {  	_ =	shalt  }
0x5c: {  	_ =	shalt  }
0x5d: {  	_ =	shalt  }
0x5e: {  	_ =	shalt  }
0x5f: {  	_ =	shalt  }
0x60: {  	_ =	shalt  }
0x61: {  	_ =	shalt  }
0x62: {  	_ =	shalt  }
0x63: {  	_ =	shalt  }
0x64: {  	_ =	shalt  }
0x65: {  	_ =	shalt  }
0x66: {  	_ =	shalt  }
0x67: {  	_ =	shalt  }
0x68: {  	_ =	shalt  }
0x69: {  	_ =	shalt  }
0x6a: {  	_ =	shalt  }
0x6b: {  	_ =	shalt  }
0x6c: {  	_ =	shalt  }
0x6d: {  	_ =	shalt  }
0x6e: {  	_ =	shalt  }
0x6f: {  	_ =	shalt  }
0x70: {  	_ =	shalt  }
0x71: {  	_ =	shalt  }
0x72: {  	_ =	shalt  }
0x73: {  	_ =	shalt  }
0x74: {  	_ =	shalt  }
0x75: {  	_ =	shalt  }
0x76: {  	_ =	shalt  }
0x77: {  	_ =	shalt  }
0x78: {  	_ =	shalt  }
0x79: {  	_ =	shalt  }
0x7a: {  	_ =	shalt  }
0x7b: {  	_ =	shalt  }
0x7c: {  	_ =	shalt  }
0x7d: {  	_ =	shalt  }
0x7e: {  	_ =	shalt  }
0x7f: {  	_ =	shalt  }
0x80: {  	_ =	shalt  }
0x81: {  	_ =	shalt  }
0x82: {  	_ =	shalt  }
0x83: {  	_ =	shalt  }
0x84: {  	_ =	shalt  }
0x85: {  	_ =	shalt  }
0x86: {  	_ =	shalt  }
0x87: {  	_ =	shalt  }
.Lfunc_end0:
.L_simem_size_0:
called_computation_lowered:
.L_overlay_start_0:
0x88: {  	s2 =	sld [smem:$0x3FD9]  }
0x89: {  	s3 =	sld [smem:$0x3FFE];
	_ =	sdelay $0x1  }
0x8a: {  	s1 =	srdreg.scid  }
0x8b: {  	s0 =	sand.u32 $0x1, s1  }
0x8c: {  	s18 =	sshll.u32 s0, $0xA;
	s2 =	sadd.s32 s3, s2  }
0x8d: {  	s2 =	sadd.s32 s2, s18  }
0x8e: {  	[smem:$0x3FC4] =	sst s2  }
0x8f: {  	_ = 	snop  }
0x90: {  	s2 =	sld [smem:$0x3FC9]  }
0x91: {  	s19 =	sld [smem:$0x3FC8]  }
0x92: {  	s4 =	sld [smem:$0x3FC7]  }
0x93: {  	s5 =	sld [smem:$0x3FC6]  }
0x94: {  	s6 =	sld [smem:$0x3FD0];
	(tm) =	ssettm $0x1  }
0x95: {  	s7 =	sld [smem:$0x3FFB];
	_ =	sdelay $0x3  }
0x96: {  	_ =	strace s7  }
0x97: {  	s7 =	sld [smem:$0x3FFC];
	_ =	sdelay $0x3  }
0x98: {  	_ =	strace s7  }
0x99: {  	s7 =	sld [smem:$0x3FFD];
	_ =	sdelay $0x3  }
0x9a: {  	_ =	strace s7  }
0x9b: {  	_ =	strace $0x8FFFFFFF  }
0x9c: {  	s20 =	sld [smem:$0x3FDB];
	_ =	sdelay $0x1  }
0x9d: {  	s8 =	simm.s32 $_scs_section_size  }
0x9e: {  	s9 =	simm.s32 $_size__tile_overlayer_lowered;
	s10 =	simm.s32 $_tile_overlayer_lowered  }
0x9f: {  	s23 =	simm.s32 $0x1BFF;
	s22 =	sshll.u32 s10, $0x1;
	s7 =	sadd.s32 s8, s20  }
0xa0: {  	s11 =	simm.s32 $0x0;
	s21 =	sshll.u32 s9, $0x1;
	s9 =	sadd.s32 s22, s7  }
0xa1: {  	[timem:s11], [sflag:s23] =	dma.local [hbm:s9], s21  }
0xa2: {  	_ =	swait.ge [sflag:s23], s21  }
0xa3: {  	s8 =	ssub.s32 $0x0, s21;
	[sflag:s23] =	ssyncset.done $0x0  }
0xa4: {  	[sflag:s23] =	ssyncadd.s32 s8;
	_ =	sdelay $0x1  }
0xa5: {  	s24 =	simm.s32 $0x1B8B  }
0xa6: {  	_ =	swait.ge [sflag:s24], $0x1  }
0xa7: {  	[sflag:s24] =	ssyncset.done $0x0  }
0xa8: {  	s25 =	simm.s32 $0x1B8E;
	[sflag:s24] =	ssyncadd.s32 $0xFFFFFFFF  }
0xa9: {  	s26 =	simm.s32 $execute0_lowered;
	[smem:$0x3FD2] =	sst s25  }
0xaa: {  	s8 =	sshll.u32 s26, $0x1;
	_ =	strace $0x80000046;
	[dreg:$0x1] =	wrdreg $0xFFFFFFFF  }
0xab: {  	s28 =	simm.s32 $_size_execute0_lowered;
	s7 =	sadd.s32 s7, s8;
	[dreg:$0x0] =	wrdreg $0x0  }
0xac: {  	s8 =	sshll.u32 s28, $0x1;
	[dreg:$0x2] =	wrdreg s7  }
0xad: {  	[dreg:$0x3] =	wrdreg s8  }
0xae: {  	[dreg:$0x4] =	wrdreg $0xC0  }
0xaf: {  	_ =	task [dreg:s11], $0x5FFFF  }
0xb0: {  	[dreg:$0x1] =	wrdreg $0xFFFFFFFF  }
0xb1: {  	[dreg:$0x0] =	wrdreg $0x60  }
0xb2: {  	[dreg:$0x2] =	wrdreg s2  }
0xb3: {  	[dreg:$0x3] =	wrdreg s19  }
0xb4: {  	[dreg:$0x4] =	wrdreg s4  }
0xb5: {  	[dreg:$0x5] =	wrdreg s5  }
0xb6: {  	[dreg:$0x6] =	wrdreg s6  }
0xb7: {  	[dreg:$0x7] =	wrdreg $0x9  }
0xb8: {  	_ =	task.clear_ibuf [dreg:s11], $0x8FFFF;
	_ =	strace $0x90000046  }
0xb9: {  	s29 =	simm.s32 $0x9;
	_ =	strace $0x80000048  }
0xba: {  	_ =	swait.ge [sflag:s29], $0x1  }
0xbb: {  	[sflag:s29] =	ssyncadd.s32 $0xFFFFFFFF  }
0xbc: {  	_ =	strace $0x90000048  }
0xbd: {  	_ =	sfence  }
0xbe: {  	s30 =	sld [smem:$0x0];
	_ =	sdelay $0x2  }
0xbf: {  	s31 =	sshll.u32 s1, $0xD;
	s1 =	sshrl.u32 s1, $0x2  }
0xc0: {  	s3 =	sand.u32 $0x4000, s31;
	s1 =	sadd.s32 s1, s30  }
0xc1: {  	s0 =	sor.u32 s3, s0;
	s1 =	sshll.u32 s1, $0x11  }
0xc2: {  	s0 =	sor.u32 s1, s0  }
0xc3: {  	s0 =	sadd.s32 $0x8F2B, s0  }
0xc4: {  	[sflag:s0] =	ssyncadd.remote.s32 $0x1  }
0xc5: {  	_ =	sfence.sel $0xFFFF  }
0xc6: {  	[dreg:$0x0] =	wrdreg $0xFFFFFFFF;
	(pc) =	sbr.abs _section_cstart, $3  }
0xc7: {  	[dreg:$0x1] =	wrdreg $0xFFFFFFFF  }
0xc8: {  	_ =	task.clear_ibuf [dreg:s11], $0x2FFFF;
	_ =	strace $0x9FFFFFFF  }
0xc9: {  	(tm) =	ssettm $0x7FFFFFFF  }
tec
execute0_lowered:
.L_overlay_start_1:
0x0: {  	(tag) =	ssettag $0x1  }
0x1: {  	s1 =	rddreg [dreg:$0x0]  }
0x2: {  	s2 =	rddreg [dreg:$0x1]  }
0x3: {  	s3 =	rddreg [dreg:$0x2]  }
0x4: {  	s4 =	rddreg [dreg:$0x3]  }
0x5: {  	s15 =	rddreg [dreg:$0x4]  }
0x6: {  	s0 =	rddreg [dreg:$0x5]  }
0x7: {  	s7 =	srdreg.scid;
	s5 =	stileid.u32  }
0x8: {  	s6 =	simm.s32 $0x0;
	s7 =	sand.u32 $0x1, s7;
	s9 =	sshll.u32 s5, $0x1  }
0x9: {  	[smem:$0x7FF] =	sst s6;
	s8 =	ssub.s32 $0x2, s7;
	s12 =	sor.u32 s7, s9  }
0xa: {  	_ =	strace $0x80000047;
	s10 =	sshrl.u32 s8, $0x1;
	s13 =	sshll.u32 s12, $0x3  }
0xb: {  	s11 =	sshll.u32 s12, $0x13;
	s24 =	sshll.u32 s12, $0x10;
	s14 =	sand.u32 $0x8, s13  }
0xc: {  	v25 =	vlaneseq.u32;
	s16 =	ssub.s32 s8, s10;
	s7 =	sand.u32 $0xF0, s13;
	s25 =	sor.u32 $0x1, s13;
	v17 =	vmov s14  }
0xd: {  	s17 =	sor.u32 $0x10000, s11;
	s8 =	sadd.s32 s15, s24;
	s19 =	sand.u32 $0x9, s25;
	vm0 =	veq.s32 v17, v25;
	v17 =	vimm.s32 $0x0  }
0xe: {  	s26 =	sor.u32 $0x2, s13;
	s24 =	sor.u32 $0x3, s13;
	s30 =	sor.u32 $0x4, s13;
	v18 =	vmov s19;
	v17 =	vsel vm0, $0xFFFFFFFF, v17  }
0xf: {  	s18 =	sshll.u32 s25, $0x10;
	s9 =	sshll.u32 s25, $0xD;
	s22 =	sand.u32 $0xA, s26;
	vm9 =	veq.s32 v18, v25;
	[tilespmem:$0x1FF80] =	vst v17;
	v17 =	vimm.s32 $0x0  }
0x10: {  	v0 =	vmov s11;
	s21 =	sshll.u32 s26, $0x10;
	s10 =	sshll.u32 s26, $0xD;
	s28 =	sshll.u32 s24, $0x10;
	v19 =	vmov s22;
	v17 =	vsel vm9, $0xFFFFFFFF, v17  }
0x11: {  	s25 =	sand.u32 $0xB, s24;
	s24 =	sshll.u32 s24, $0xD;
	v1 =	vmov s17;
	s31 =	sshll.u32 s30, $0x10;
	vm10 =	veq.s32 v19, v25;
	[tilespmem:$0x1FF90] =	vst v17;
	v17 =	vimm.s32 $0x0  }
0x12: {  	s16 =	smax.u32 s16, $0x1;
	s17 =	simm.s32 $0x14080;
	s20 =	sadd.s32 $0x10000, s18;
	v2 =	vmov s18;
	v20 =	vmov s25;
	v17 =	vsel vm10, $0xFFFFFFFF, v17  }
0x13: {  	s9 =	sadd.s32 s15, s9;
	s11 =	sadd.s32 s15, s24;
	s24 =	sand.u32 $0xC, s30;
	v4 =	vmov s21;
	vm11 =	veq.s32 v20, v25;
	[tilespmem:$0x1FFA0] =	vst v17;
	v17 =	vimm.s32 $0x0  }
0x14: {  	s23 =	sor.u32 $0x10000, s21;
	s10 =	sadd.s32 s15, s10;
	s22 =	sor.u32 $0x5, s13;
	v6 =	vmov s28;
	v21 =	vmov s24;
	v17 =	vsel vm11, $0xFFFFFFFF, v17  }
0x15: {  	s29 =	sadd.s32 $0x10000, s28;
	s25 =	sor.u32 $0x10000, s31;
	v8 =	vmov s31;
	s28 =	sand.u32 $0xD, s22;
	vm12 =	veq.s32 v21, v25;
	[tilespmem:$0x1FFB0] =	vst v17;
	v17 =	vimm.s32 $0x0  }
0x16: {  	s19 =	sshll.u32 s30, $0xD;
	s31 =	sshllo.u32 s12, $0x3;
	v3 =	vmov s20;
	s20 =	sor.u32 $0x6, s13;
	v22 =	vmov s28;
	v17 =	vsel vm12, $0xFFFFFFFF, v17  }
0x17: {  	s18 =	simm.s32 $0x1;
	s21 =	simm.s32 $0x12080;
	v7 =	vmov s29;
	s30 =	sand.u32 $0xE, s20;
	vm13 =	veq.s32 v22, v25;
	[tilespmem:$0x1FFC0] =	vst v17;
	v17 =	vimm.s32 $0x0  }
0x18: {  	s26 =	sshll.u32 s22, $0x10;
	v9 =	vmov s25;
	s25 =	sshll.u32 s31, $0x10;
	s12 =	sadd.s32 s15, s19;
	v23 =	vmov s30;
	v17 =	vsel vm13, $0xFFFFFFFF, v17  }
.Ltmp0:
0x19: {  	s29 =	sadd.s32 $0x10000, s26;
	v10 =	vmov s26;
	s26 =	sand.u32 $0xF, s31;
	vm14 =	veq.s32 v23, v25;
	[tilespmem:$0x1FFD0] =	vst v17;
	v17 =	vimm.s32 $0x0;
	(pc) =	sbr.rel .LBB2_1-.Ltmp0, $4  }
0x1a: {  	v16 =	vimm.f32 $0.0e+00;
	s19 =	simm.s32 $0x14180;
	s13 =	sshll.u32 s20, $0x10;
	s28 =	sshll.u32 s22, $0xD;
	v24 =	vmov s26;
	v17 =	vsel vm14, $0xFFFFFFFF, v17  }
0x1b: {  	v5 =	vmov s23;
	s31 =	sshll.u32 s31, $0xD;
	s22 =	simm.s32 $0x0;
	s24 =	sor.u32 $0x10000, s13;
	vm15 =	veq.s32 v24, v25;
	[tilespmem:$0x1FFE0] =	vst v17;
	v17 =	vimm.s32 $0x0  }
0x1c: {  	v11 =	vmov s29;
	v12 =	vmov s13;
	s29 =	sadd.s32 $0x10000, s25;
	s13 =	sadd.s32 s15, s28;
	s30 =	sshll.u32 s20, $0xD;
	v17 =	vsel vm15, $0xFFFFFFFF, v17  }
0x1d: {  	v14 =	vmov s25;
	s20 =	simm.s32 $0x10000;
	v13 =	vmov s24;
	v15 =	vmov s29;
	s14 =	sadd.s32 s15, s30;
	s15 =	sadd.s32 s15, s31;
	[tilespmem:$0x1FFF0] =	vst v17  }
.LBB2_49:
0x1e: {  	s22 =	sadd.s32 $0x1, s22  }
0x1f: {  	p0 =	sne.s32 s22, s16  }
.Ltmp1:
0x20: {  	_ = 	snop;
	(pc) =	sbr.rel @!p0 .LBB2_50-.Ltmp1, $4  }
0x21: {  	[hbm4b:s15+s6] =	stream.linear.scatter [tilespmem:s6], [sflag:$0x1], $0x10000, $0x38;
	[tilespmem:$0x14280] =	vst v63  }
0x22: {  	_ =	swait.ge [sflag:s18], $0x10000  }
0x23: {  	[sflag:s18] =	ssyncset.done $0x0  }
0x24: {  	[sflag:s18] =	ssyncadd.s32 $0xFFFF0000  }
.LBB2_1:
0x25: {  	[tilespmem:s17], [sflag:$0x1] =	stream.linear.gather [hbm4b:s3+s6], $0x100, $0x38;
	[tilespmem:$0x14280] =	vst v63  }
0x26: {  	_ =	swait.ge [sflag:s18], $0x100  }
0x27: {  	[sflag:s18] =	ssyncset.done $0x0  }
0x28: {  	s23 =	simm.s32 $0x0;
	s24 =	sand.u32 $0x7C00, s6;
	[sflag:s18] =	ssyncadd.s32 $0xFFFFFF00  }
0x29: {  	[tilespmem:s19], [sflag:$0x1] =	stream.linear.gather [hbm4b:s4+s6], $0x100, $0x38;
	[tilespmem:$0x14280] =	vst v63  }
0x2a: {  	s25 =	simm.s32 $0x0;
	s23 =	sand.u32 $0x8000, s23;
	_ =	swait.ge [sflag:s18], $0x100  }
0x2b: {  	s25 =	sand.u32 $0x380, s25;
	s23 =	sor.u32 s24, s23;
	[sflag:s18] =	ssyncset.done $0x0  }
0x2c: {  	s23 =	sor.u32 s25, s23;
	[sflag:s18] =	ssyncadd.s32 $0xFFFFFF00  }
0x2d: {  	[tilespmem:s23+$0x70] =	vst v16  }
0x2e: {  	[tilespmem:s23+$0x0] =	vst v16  }
0x2f: {  	s24 =	simm.s32 $0x0;
	s25 =	simm.s32 $0x0;
	[tilespmem:s23+$0x10] =	vst v16  }
.LBB2_2:
0x30: {  	s24 =	sadd.s32 $0x8, s24;
	[tilespmem:s23+$0x20] =	vst v16  }
0x31: {  	s25 =	sadd.s32 $0x400, s25;
	s26 =	sshll.u32 s24, $0x4;
	p0 =	slt.u32 s24, $0xFF8;
	[tilespmem:s23+$0x30] =	vst v16  }
0x32: {  	s28 =	sand.u32 $0x7C00, s25;
	s29 =	sshrl.u32 s24, $0x1;
	s26 =	sand.u32 $0x8000, s26;
	[tilespmem:s23+$0x40] =	vst v16  }
.Ltmp2:
0x33: {  	s29 =	sand.u32 $0x380, s29;
	s26 =	sor.u32 s28, s26;
	[tilespmem:s23+$0x50] =	vst v16;
	(pc) =	sbr.rel @p0 .LBB2_2-.Ltmp2, $4  }
0x34: {  	[tilespmem:s23+$0x60] =	vst v16;
	s23 =	sor.u32 s29, s26  }
0x35: {  	[tilespmem:s23+$0x70] =	vst v16  }
0x36: {  	[tilespmem:s23+$0x0] =	vst v16  }
0x37: {  	[tilespmem:s23+$0x10] =	vst v16  }
0x38: {  	[tilespmem:s23+$0x20] =	vst v16  }
0x39: {  	[tilespmem:s23+$0x30] =	vst v16  }
0x3a: {  	[tilespmem:s23+$0x40] =	vst v16  }
0x3b: {  	[tilespmem:s23+$0x50] =	vst v16  }
0x3c: {  	[tilespmem:s23+$0x60] =	vst v16  }
0x3d: {  	v19 =	vld [tilespmem:$0x1FF80]  }
0x3e: {  	v17 =	vld [tilespmem:s7+$0x14080]  }
0x3f: {  	v18 =	vld [tilespmem:s7+$0x14180];
	_ =	sdelay $0x2  }
0x40: {  	vm0 =	vnez.u8 v19  }
0x41: {  	v17 =	vnsel vm0, $0x0, v17  }
0x42: {  	(xrf0) =	vadd.scan.msk.s32 $0xffff, v17;
	v17 =	vnsel vm0, $0x0, v18  }
0x43: {  	(xrf0) =	vadd.scan.msk.s32 $0xffff, v17;
	_ =	sdelay $0x4  }
0x44: {  	v17, _, _ =	vpop (xrf0)  }
0x45: {  	(v2sf) =	vpush v17, $0xF;
	v17, _, _ =	vpop (xrf0)  }
0x46: {  	(v2sf) =	vpush v17, $0xF;
	_ =	sdelay $0xd  }
0x47: {  	s23 =	spop (v2sf)  }
0x48: {  	s24 =	spop (v2sf)  }
0x49: {  	p0 =	slt.s32 s24, $0x1  }
.Ltmp3:
0x4a: {  	_ = 	snop;
	(pc) =	sbr.rel @p0 .LBB2_7-.Ltmp3, $2  }
0x4b: {  	_ =	sdelay $0x2  }
0x4c: {  	s25 =	simm.s32 $0x0  }
.LBB2_4:
0x4d: {  	s26 =	sshll.u32 s25, $0xD  }
0x4e: {  	s26 =	sadd.s32 s23, s26  }
0x4f: {  	s26 =	sshrl.u32 s26, $0x3  }
0x50: {  	s28 =	sadd.s32 s1, s26  }
0x51: {  	[tilespmem:s20], [sflag:$0x1] =	stream.linear.gather [hbm4b:s28+s6], $0x2010, $0x38;
	[tilespmem:$0x14280] =	vst v63  }
0x52: {  	_ =	swait.ge [sflag:s18], $0x2010  }
0x53: {  	[sflag:s18] =	ssyncset.done $0x0  }
0x54: {  	s26 =	sadd.s32 s2, s26;
	[sflag:s18] =	ssyncadd.s32 $0xFFFFDFF0  }
0x55: {  	[tilespmem:s21], [sflag:$0x1] =	stream.linear.gather [hbm4b:s26+s6], $0x2000, $0x38;
	[tilespmem:$0x14280] =	vst v63  }
0x56: {  	_ =	swait.ge [sflag:s18], $0x2000  }
0x57: {  	[sflag:s18] =	ssyncset.done $0x0  }
0x58: {  	s28 =	simm.s32 $0x10040;
	[sflag:s18] =	ssyncadd.s32 $0xFFFFE000  }
0x59: {  	v17 =	vld [tilespmem:s28+$0x31]  }
0x5a: {  	v19 =	vld [tilespmem:s28+$0x30]  }
0x5b: {  	v24 =	vld [tilespmem:s28+$0xFFFFFFD0]  }
0x5c: {  	v25 =	vld [tilespmem:s28+$0xFFFFFFE0]  }
0x5d: {  	v18 =	vld [tilespmem:s28+$0x10]  }
0x5e: {  	v28 =	vld [tilespmem:s28+$0xFFFFFFC0]  }
0x5f: {  	v26 =	vld [tilespmem:s28+$0xFFFFFFF0]  }
0x60: {  	v27 =	vld [tilespmem:s28+$0x0];
	vm0 =	vne.s32 v19, v17;
	v20 =	vshrl.u32 v19, $0x5  }
0x61: {  	vm1 =	vge.s32 v19, v0;
	vm2 =	vlt.s32 v19, v1;
	v21 =	vshll.u32 v19, $0x3  }
0x62: {  	v19 =	vand.u32 $0x807F, v19;
	v22 =	vshll.u32 v25, $0x3;
	v23 =	vshll.u32 v18, $0x3  }
0x63: {  	vm12 =	vge.s32 v24, v0;
	vm13 =	vlt.s32 v24, v1;
	vm8 =	vlt.s32 v28, v1  }
0x64: {  	v31 =	vshll.u32 v28, $0x3;
	vm5 =	vlt.s32 v25, v1;
	vm3 =	vge.s32 v26, v0  }
0x65: {  	vm9 =	vlt.s32 v26, v1;
	vm4 =	vge.s32 v27, v0;
	vm6 =	vlt.s32 v27, v1  }
0x66: {  	vm10 =	vge.s32 v18, v0;
	v44 =	vshrl.u32 v28, $0x5;
	v48 =	vshrl.u32 v24, $0x5  }
0x67: {  	v50 =	vshrl.u32 v25, $0x5;
	v38 =	vand.u32 $0x807F, v25;
	v52 =	vshrl.u32 v26, $0x5  }
0x68: {  	v42 =	vld [tilespmem:s28+$0xFFFFFFC1];
	v53 =	vand.u32 $0x807F, v26;
	v34 =	vshrl.u32 v27, $0x5;
	v54 =	vand.u32 $0x807F, v27  }
0x69: {  	v49 =	vld [tilespmem:s28+$0xFFFFFFF1];
	v33 =	vshrl.u32 v18, $0x5;
	v55 =	vand.u32 $0x807F, v18;
	vm1 =	vmand vm1, vm2  }
0x6a: {  	v21 =	vand.u32 $0x7C00, v21;
	v20 =	vand.u32 $0x380, v20;
	v35 =	vand.u32 $0x7C00, v31  }
0x6b: {  	v45 =	vld [tilespmem:s28+$0xFFFFFFD1];
	vm2 =	vge.s32 v25, v0;
	v22 =	vand.u32 $0x7C00, v22;
	v23 =	vand.u32 $0x7C00, v23  }
0x6c: {  	s26 =	simm.s32 $0x120C0;
	vm15 =	vmand vm12, vm13;
	vm14 =	vmand vm3, vm9;
	vm13 =	vmand vm4, vm6  }
0x6d: {  	v43 =	vld [tilespmem:s26+$0x30];
	vm4 =	vne.s32 v28, v42;
	v44 =	vand.u32 $0x380, v44;
	v42 =	vand.u32 $0x380, v50  }
0x6e: {  	v46 =	vld [tilespmem:s28+$0xFFFFFFE1];
	vm3 =	vne.s32 v26, v49;
	vm11 =	vmand vm1, vm0;
	v19 =	vor.u32 v21, v19  }
0x6f: {  	v51 =	vld [tilespmem:s28+$0x1];
	v21 =	vshll.u32 v24, $0x3;
	vm1 =	vge.s32 v28, v0;
	vm0 =	vlt.s32 v18, v1  }
0x70: {  	v17 =	vld [tilespmem:s28+$0x20];
	vm12 =	vmand vm2, vm5;
	v40 =	vor.u32 v22, v38;
	vm2 =	vne.s32 v24, v45  }
0x71: {  	v31 =	vld [tilespmem:s28+$0x11];
	v45 =	vand.u32 $0x380, v48;
	v29 =	vor.u32 v20, v19;
	v19 =	vshll.u32 v26, $0x3  }
0x72: {  	v22 =	vld [tilespmem:s26+$0xFFFFFFF0];
	v20 =	vshll.u32 v27, $0x3;
	v21 =	vand.u32 $0x7C00, v21;
	vm8 =	vmand vm1, vm8  }
0x73: {  	vm9 =	vmand vm10, vm0;
	vm0 =	vne.s32 v25, v46;
	v25 =	vld [tilespmem:s26+$0x20];
	v36 =	vand.u32 $0x7C00, v19  }
0x74: {  	v37 =	vand.u32 $0x7C00, v20;
	v19 =	vand.u32 $0x807F, v28;
	v20 =	vand.u32 $0x807F, v24;
	v24 =	vld [tilespmem:s26+$0x10]  }
0x75: {  	v30 =	vshll.u32 v17, $0x3;
	vm7 =	vge.s32 v17, v0;
	v39 =	vor.u32 v35, v19;
	v19 =	vld [tilespmem:s26+$0xFFFFFFC0]  }
0x76: {  	vm1 =	vlt.s32 v17, v1;
	v32 =	vshrl.u32 v17, $0x5;
	v47 =	vand.u32 $0x7C00, v30;
	v30 =	vld [tilespmem:s28+$0x21]  }
0x77: {  	v63 =	vand.u32 $0x807F, v17;
	v41 =	vor.u32 v21, v20;
	v20 =	vld [tilespmem:s26+$0xFFFFFFD0];
	v36 =	vor.u32 v36, v53  }
0x78: {  	v21 =	vld [tilespmem:s26+$0xFFFFFFE0];
	v38 =	vor.u32 v37, v54;
	v37 =	vor.u32 v23, v55;
	vm10 =	vmand vm7, vm1  }
0x79: {  	s29 =	simm.s32 $0x100C0;
	v23 =	vld [tilespmem:s26+$0x0];
	s28 =	simm.s32 $0x0;
	vm1 =	vne.s32 v27, v51;
	v35 =	vor.u32 v47, v63;
	[tilespmem:v29+s6+$0x0] =	vst.idx.msk vm11, v43;
	v43 =	vand.u32 $0x380, v52  }
.LBB2_5:
0x7a: {  	v46 =	vld [tilespmem:s29+$0x31];
	v29 =	vand.u32 $0x380, v34;
	vm7 =	vne.s32 v18, v31;
	v18 =	vand.u32 $0x380, v33  }
0x7b: {  	vm4 =	vmand vm8, vm4;
	vm8 =	vne.s32 v17, v30;
	v17 =	vand.u32 $0x380, v32;
	v31 =	vld [tilespmem:s29+$0x30]  }
0x7c: {  	s28 =	sadd.s32 $0x8, s28;
	v30 =	vor.u32 v44, v39;
	vm6 =	vmand vm15, vm2;
	v32 =	vor.u32 v45, v41;
	v26 =	vld [tilespmem:s29+$0xFFFFFFD0]  }
0x7d: {  	vm5 =	vmand vm12, vm0;
	v33 =	vor.u32 v42, v40;
	vm3 =	vmand vm14, vm3;
	p0 =	slt.u32 s28, $0x1F8;
	v27 =	vld [tilespmem:s29+$0xFFFFFFE0]  }
0x7e: {  	v34 =	vor.u32 v43, v36;
	vm2 =	vmand vm13, vm1;
	v36 =	vor.u32 v29, v38;
	v28 =	vld [tilespmem:s29+$0xFFFFFFF0]  }
0x7f: {  	vm1 =	vmand vm9, vm7;
	v37 =	vor.u32 v18, v37;
	vm0 =	vmand vm10, vm8;
	v29 =	vld [tilespmem:s29+$0x0]  }
0x80: {  	v35 =	vor.u32 v17, v35;
	v18 =	vld [tilespmem:s29+$0x10];
	vm7 =	vne.s32 v31, v46;
	v38 =	vshrl.u32 v31, $0x5  }
0x81: {  	vm8 =	vge.s32 v31, v0;
	vm9 =	vlt.s32 v31, v1;
	v39 =	vshll.u32 v31, $0x3;
	v17 =	vld [tilespmem:s29+$0x20];
	[tilespmem:v30+s6+$0x0] =	vst.idx.msk vm4, v19  }
0x82: {  	vm4 =	vmand vm8, vm9;
	v19 =	vand.u32 $0x7C00, v39;
	v30 =	vand.u32 $0x807F, v31;
	v42 =	vld [tilespmem:s29+$0xFFFFFFC0];
	[tilespmem:v32+s6+$0x0] =	vst.idx.msk vm6, v20  }
0x83: {  	s26 =	sadd.s32 $0x80, s26;
	vm4 =	vmand vm4, vm7;
	v20 =	vand.u32 $0x380, v38;
	v19 =	vor.u32 v19, v30;
	v43 =	vld [tilespmem:s29+$0xFFFFFFC1];
	[tilespmem:v33+s6+$0x0] =	vst.idx.msk vm5, v21  }
0x84: {  	v30 =	vshll.u32 v27, $0x3;
	v21 =	vshll.u32 v26, $0x3;
	v19 =	vor.u32 v20, v19;
	v32 =	vld [tilespmem:s26+$0x30];
	[tilespmem:v34+s6+$0x0] =	vst.idx.msk vm3, v22  }
0x85: {  	v20 =	vshll.u32 v28, $0x3;
	v22 =	vshll.u32 v29, $0x3;
	v45 =	vld [tilespmem:s29+$0xFFFFFFD1];
	v33 =	vshll.u32 v18, $0x3;
	[tilespmem:v36+s6+$0x0] =	vst.idx.msk vm2, v23  }
0x86: {  	vm9 =	vge.s32 v26, v0;
	vm10 =	vlt.s32 v26, v1;
	v46 =	vld [tilespmem:s29+$0xFFFFFFE1];
	v23 =	vshll.u32 v17, $0x3;
	[tilespmem:v37+s6+$0x0] =	vst.idx.msk vm1, v24  }
0x87: {  	vm8 =	vge.s32 v42, v0;
	vm11 =	vlt.s32 v42, v1;
	v24 =	vshll.u32 v42, $0x3;
	v47 =	vld [tilespmem:s29+$0xFFFFFFF1];
	[tilespmem:v35+s6+$0x0] =	vst.idx.msk vm0, v25  }
0x88: {  	vm12 =	vge.s32 v27, v0;
	v36 =	vand.u32 $0x7C00, v21;
	v35 =	vand.u32 $0x7C00, v24;
	v48 =	vld [tilespmem:s29+$0x1]  }
0x89: {  	vm14 =	vlt.s32 v27, v1;
	vm13 =	vge.s32 v28, v0;
	v37 =	vand.u32 $0x7C00, v30;
	v31 =	vld [tilespmem:s29+$0x11];
	[tilespmem:v19+s6+$0x0] =	vst.idx.msk vm4, v32  }
0x8a: {  	v38 =	vand.u32 $0x7C00, v20;
	vm1 =	vlt.s32 v28, v1;
	vm0 =	vge.s32 v29, v0;
	v30 =	vld [tilespmem:s29+$0x21]  }
0x8b: {  	vm2 =	vlt.s32 v29, v1;
	v44 =	vand.u32 $0x7C00, v22;
	vm3 =	vge.s32 v18, v0;
	v19 =	vld [tilespmem:s26+$0xFFFFFFC0]  }
0x8c: {  	vm5 =	vlt.s32 v18, v1;
	v49 =	vand.u32 $0x7C00, v33;
	vm4 =	vge.s32 v17, v0;
	v20 =	vld [tilespmem:s26+$0xFFFFFFD0]  }
0x8d: {  	vm6 =	vlt.s32 v17, v1;
	v50 =	vshrl.u32 v42, $0x5;
	v51 =	vand.u32 $0x7C00, v23;
	v21 =	vld [tilespmem:s26+$0xFFFFFFE0]  }
0x8e: {  	v52 =	vshrl.u32 v26, $0x5;
	v40 =	vand.u32 $0x807F, v26;
	v39 =	vand.u32 $0x807F, v42;
	v22 =	vld [tilespmem:s26+$0xFFFFFFF0]  }
0x8f: {  	v53 =	vshrl.u32 v27, $0x5;
	v54 =	vand.u32 $0x807F, v27;
	v55 =	vshrl.u32 v28, $0x5;
	v23 =	vld [tilespmem:s26+$0x0]  }
0x90: {  	v56 =	vand.u32 $0x807F, v28;
	v34 =	vshrl.u32 v29, $0x5;
	v57 =	vand.u32 $0x807F, v29;
	v24 =	vld [tilespmem:s26+$0x10]  }
0x91: {  	v58 =	vand.u32 $0x807F, v18;
	v33 =	vshrl.u32 v18, $0x5;
	v32 =	vshrl.u32 v17, $0x5;
	v25 =	vld [tilespmem:s26+$0x20]  }
0x92: {  	vm8 =	vmand vm8, vm11;
	v39 =	vor.u32 v35, v39;
	v35 =	vand.u32 $0x807F, v17  }
0x93: {  	vm15 =	vmand vm9, vm10;
	vm12 =	vmand vm12, vm14;
	v41 =	vor.u32 v36, v40  }
0x94: {  	v36 =	vor.u32 v38, v56;
	v40 =	vor.u32 v37, v54;
	vm14 =	vmand vm13, vm1  }
.Ltmp4:
0x95: {  	v38 =	vor.u32 v44, v57;
	vm9 =	vmand vm3, vm5;
	vm13 =	vmand vm0, vm2;
	(pc) =	sbr.rel @p0 .LBB2_5-.Ltmp4, $4  }
0x96: {  	v37 =	vor.u32 v49, v58;
	vm10 =	vmand vm4, vm6;
	v35 =	vor.u32 v51, v35  }
0x97: {  	v44 =	vand.u32 $0x380, v50;
	vm4 =	vne.s32 v42, v43;
	vm2 =	vne.s32 v26, v45  }
0x98: {  	v45 =	vand.u32 $0x380, v52;
	v42 =	vand.u32 $0x380, v53;
	vm0 =	vne.s32 v27, v46  }
0x99: {  	v43 =	vand.u32 $0x380, v55;
	s29 =	sadd.s32 $0x80, s29;
	vm3 =	vne.s32 v28, v47;
	vm1 =	vne.s32 v29, v48  }
0x9a: {  	vm4 =	vmand vm8, vm4  }
0x9b: {  	v26 =	vor.u32 v44, v39;
	vm2 =	vmand vm15, vm2  }
0x9c: {  	v27 =	vand.u32 $0x380, v34;
	v28 =	vor.u32 v45, v41;
	vm0 =	vmand vm12, vm0  }
0x9d: {  	vm5 =	vne.s32 v18, v31;
	v18 =	vor.u32 v42, v40;
	vm3 =	vmand vm14, vm3  }
0x9e: {  	v29 =	vand.u32 $0x380, v33;
	v62 =	vor.u32 v43, v36;
	vm1 =	vmand vm13, vm1  }
0x9f: {  	vm6 =	vne.s32 v17, v30;
	v17 =	vor.u32 v27, v38;
	vm5 =	vmand vm9, vm5  }
0xa0: {  	v63 =	vand.u32 $0x380, v32;
	s25 =	sadd.s32 $0x1, s25;
	v29 =	vor.u32 v29, v37;
	vm6 =	vmand vm10, vm6;
	[tilespmem:v26+s6+$0x0] =	vst.idx.msk vm4, v19  }
0xa1: {  	p0 =	sne.s32 s25, s24;
	v19 =	vor.u32 v63, v35;
	[tilespmem:v28+s6+$0x0] =	vst.idx.msk vm2, v20  }
.Ltmp5:
0xa2: {  	[tilespmem:v18+s6+$0x0] =	vst.idx.msk vm0, v21;
	(pc) =	sbr.rel @p0 .LBB2_4-.Ltmp5, $4  }
0xa3: {  	[tilespmem:v62+s6+$0x0] =	vst.idx.msk vm3, v22  }
0xa4: {  	[tilespmem:v17+s6+$0x0] =	vst.idx.msk vm1, v23  }
0xa5: {  	[tilespmem:v29+s6+$0x0] =	vst.idx.msk vm5, v24  }
0xa6: {  	[tilespmem:v19+s6+$0x0] =	vst.idx.msk vm6, v25  }
.LBB2_7:
0xa7: {  	s23 =	simm.s32 $0x0;
	s24 =	simm.s32 $0x0;
	s26 =	simm.s32 $0x0  }
0xa8: {  	[hbm4b:s8+s23] =	stream.linear.scatter [tilespmem:s23], [sflag:$0x1], $0x10000, $0x38;
	[tilespmem:$0x14280] =	vst v63  }
0xa9: {  	s24 =	sand.u32 $0x8000, s24;
	s25 =	sand.u32 $0x7C00, s23;
	_ =	swait.ge [sflag:s18], $0x10000  }
0xaa: {  	s26 =	sand.u32 $0x380, s26;
	s24 =	sor.u32 s25, s24;
	[sflag:s18] =	ssyncset.done $0x0  }
0xab: {  	s24 =	sor.u32 s26, s24;
	[sflag:s18] =	ssyncadd.s32 $0xFFFF0000  }
0xac: {  	[tilespmem:s24+$0x70] =	vst v16  }
0xad: {  	[tilespmem:s24+$0x0] =	vst v16  }
0xae: {  	s25 =	simm.s32 $0x0;
	[tilespmem:s24+$0x10] =	vst v16  }
.LBB2_8:
0xaf: {  	s25 =	sadd.s32 $0x8, s25;
	[tilespmem:s24+$0x20] =	vst v16  }
0xb0: {  	s23 =	sadd.s32 $0x400, s23;
	s26 =	sshll.u32 s25, $0x4;
	p0 =	slt.u32 s25, $0xFF8;
	[tilespmem:s24+$0x30] =	vst v16  }
0xb1: {  	s28 =	sand.u32 $0x7C00, s23;
	s29 =	sshrl.u32 s25, $0x1;
	s26 =	sand.u32 $0x8000, s26;
	[tilespmem:s24+$0x40] =	vst v16  }
.Ltmp6:
0xb2: {  	s29 =	sand.u32 $0x380, s29;
	s26 =	sor.u32 s28, s26;
	[tilespmem:s24+$0x50] =	vst v16;
	(pc) =	sbr.rel @p0 .LBB2_8-.Ltmp6, $4  }
0xb3: {  	[tilespmem:s24+$0x60] =	vst v16;
	s24 =	sor.u32 s29, s26  }
0xb4: {  	[tilespmem:s24+$0x70] =	vst v16  }
0xb5: {  	[tilespmem:s24+$0x0] =	vst v16  }
0xb6: {  	[tilespmem:s24+$0x10] =	vst v16  }
0xb7: {  	[tilespmem:s24+$0x20] =	vst v16  }
0xb8: {  	[tilespmem:s24+$0x30] =	vst v16  }
0xb9: {  	[tilespmem:s24+$0x40] =	vst v16  }
0xba: {  	[tilespmem:s24+$0x50] =	vst v16  }
0xbb: {  	[tilespmem:s24+$0x60] =	vst v16  }
0xbc: {  	v19 =	vld [tilespmem:$0x1FF90]  }
0xbd: {  	v17 =	vld [tilespmem:s7+$0x14080]  }
0xbe: {  	v18 =	vld [tilespmem:s7+$0x14180];
	_ =	sdelay $0x2  }
0xbf: {  	vm0 =	vnez.u8 v19  }
0xc0: {  	v17 =	vnsel vm0, $0x0, v17  }
0xc1: {  	(xrf0) =	vadd.scan.msk.s32 $0xffff, v17;
	v17 =	vnsel vm0, $0x0, v18  }
0xc2: {  	(xrf0) =	vadd.scan.msk.s32 $0xffff, v17;
	_ =	sdelay $0x4  }
0xc3: {  	v17, _, _ =	vpop (xrf0)  }
0xc4: {  	(v2sf) =	vpush v17, $0xF;
	v17, _, _ =	vpop (xrf0)  }
0xc5: {  	(v2sf) =	vpush v17, $0xF;
	_ =	sdelay $0xd  }
0xc6: {  	s23 =	spop (v2sf)  }
0xc7: {  	s24 =	spop (v2sf)  }
0xc8: {  	p0 =	slt.s32 s24, $0x1  }
.Ltmp7:
0xc9: {  	_ = 	snop;
	(pc) =	sbr.rel @p0 .LBB2_13-.Ltmp7, $2  }
0xca: {  	_ =	sdelay $0x2  }
0xcb: {  	s25 =	simm.s32 $0x0  }
.LBB2_10:
0xcc: {  	s26 =	sshll.u32 s25, $0xD  }
0xcd: {  	s26 =	sadd.s32 s23, s26  }
0xce: {  	s26 =	sshrl.u32 s26, $0x3  }
0xcf: {  	s28 =	sadd.s32 s1, s26  }
0xd0: {  	[tilespmem:s20], [sflag:$0x1] =	stream.linear.gather [hbm4b:s28+s6], $0x2010, $0x38;
	[tilespmem:$0x14280] =	vst v63  }
0xd1: {  	_ =	swait.ge [sflag:s18], $0x2010  }
0xd2: {  	[sflag:s18] =	ssyncset.done $0x0  }
0xd3: {  	s26 =	sadd.s32 s2, s26;
	[sflag:s18] =	ssyncadd.s32 $0xFFFFDFF0  }
0xd4: {  	[tilespmem:s21], [sflag:$0x1] =	stream.linear.gather [hbm4b:s26+s6], $0x2000, $0x38;
	[tilespmem:$0x14280] =	vst v63  }
0xd5: {  	_ =	swait.ge [sflag:s18], $0x2000  }
0xd6: {  	[sflag:s18] =	ssyncset.done $0x0  }
0xd7: {  	s28 =	simm.s32 $0x10040;
	[sflag:s18] =	ssyncadd.s32 $0xFFFFE000  }
0xd8: {  	v17 =	vld [tilespmem:s28+$0x31]  }
0xd9: {  	v19 =	vld [tilespmem:s28+$0x30]  }
0xda: {  	v24 =	vld [tilespmem:s28+$0xFFFFFFD0]  }
0xdb: {  	v25 =	vld [tilespmem:s28+$0xFFFFFFE0]  }
0xdc: {  	v18 =	vld [tilespmem:s28+$0x10]  }
0xdd: {  	v28 =	vld [tilespmem:s28+$0xFFFFFFC0]  }
0xde: {  	v26 =	vld [tilespmem:s28+$0xFFFFFFF0]  }
0xdf: {  	v27 =	vld [tilespmem:s28+$0x0];
	vm0 =	vne.s32 v19, v17;
	v20 =	vshrl.u32 v19, $0x5  }
0xe0: {  	vm1 =	vge.s32 v19, v2;
	vm2 =	vlt.s32 v19, v3;
	v21 =	vshll.u32 v19, $0x3  }
0xe1: {  	v19 =	vand.u32 $0x807F, v19;
	v22 =	vshll.u32 v25, $0x3;
	v23 =	vshll.u32 v18, $0x3  }
0xe2: {  	vm12 =	vge.s32 v24, v2;
	vm13 =	vlt.s32 v24, v3;
	vm8 =	vlt.s32 v28, v3  }
0xe3: {  	v31 =	vshll.u32 v28, $0x3;
	vm5 =	vlt.s32 v25, v3;
	vm3 =	vge.s32 v26, v2  }
0xe4: {  	vm9 =	vlt.s32 v26, v3;
	vm4 =	vge.s32 v27, v2;
	vm6 =	vlt.s32 v27, v3  }
0xe5: {  	vm10 =	vge.s32 v18, v2;
	v44 =	vshrl.u32 v28, $0x5;
	v48 =	vshrl.u32 v24, $0x5  }
0xe6: {  	v50 =	vshrl.u32 v25, $0x5;
	v38 =	vand.u32 $0x807F, v25;
	v52 =	vshrl.u32 v26, $0x5  }
0xe7: {  	v42 =	vld [tilespmem:s28+$0xFFFFFFC1];
	v53 =	vand.u32 $0x807F, v26;
	v34 =	vshrl.u32 v27, $0x5;
	v54 =	vand.u32 $0x807F, v27  }
0xe8: {  	v49 =	vld [tilespmem:s28+$0xFFFFFFF1];
	v33 =	vshrl.u32 v18, $0x5;
	v55 =	vand.u32 $0x807F, v18;
	vm1 =	vmand vm1, vm2  }
0xe9: {  	v21 =	vand.u32 $0x7C00, v21;
	v20 =	vand.u32 $0x380, v20;
	v35 =	vand.u32 $0x7C00, v31  }
0xea: {  	v45 =	vld [tilespmem:s28+$0xFFFFFFD1];
	vm2 =	vge.s32 v25, v2;
	v22 =	vand.u32 $0x7C00, v22;
	v23 =	vand.u32 $0x7C00, v23  }
0xeb: {  	s26 =	simm.s32 $0x120C0;
	vm15 =	vmand vm12, vm13;
	vm14 =	vmand vm3, vm9;
	vm13 =	vmand vm4, vm6  }
0xec: {  	v43 =	vld [tilespmem:s26+$0x30];
	vm4 =	vne.s32 v28, v42;
	v44 =	vand.u32 $0x380, v44;
	v42 =	vand.u32 $0x380, v50  }
0xed: {  	v46 =	vld [tilespmem:s28+$0xFFFFFFE1];
	vm3 =	vne.s32 v26, v49;
	vm11 =	vmand vm1, vm0;
	v19 =	vor.u32 v21, v19  }
0xee: {  	v51 =	vld [tilespmem:s28+$0x1];
	v21 =	vshll.u32 v24, $0x3;
	vm1 =	vge.s32 v28, v2;
	vm0 =	vlt.s32 v18, v3  }
0xef: {  	v17 =	vld [tilespmem:s28+$0x20];
	vm12 =	vmand vm2, vm5;
	v40 =	vor.u32 v22, v38;
	vm2 =	vne.s32 v24, v45  }
0xf0: {  	v31 =	vld [tilespmem:s28+$0x11];
	v45 =	vand.u32 $0x380, v48;
	v29 =	vor.u32 v20, v19;
	v19 =	vshll.u32 v26, $0x3  }
0xf1: {  	v22 =	vld [tilespmem:s26+$0xFFFFFFF0];
	v20 =	vshll.u32 v27, $0x3;
	v21 =	vand.u32 $0x7C00, v21;
	vm8 =	vmand vm1, vm8  }
0xf2: {  	vm9 =	vmand vm10, vm0;
	vm0 =	vne.s32 v25, v46;
	v25 =	vld [tilespmem:s26+$0x20];
	v36 =	vand.u32 $0x7C00, v19  }
0xf3: {  	v37 =	vand.u32 $0x7C00, v20;
	v19 =	vand.u32 $0x807F, v28;
	v20 =	vand.u32 $0x807F, v24;
	v24 =	vld [tilespmem:s26+$0x10]  }
0xf4: {  	v30 =	vshll.u32 v17, $0x3;
	vm7 =	vge.s32 v17, v2;
	v39 =	vor.u32 v35, v19;
	v19 =	vld [tilespmem:s26+$0xFFFFFFC0]  }
0xf5: {  	vm1 =	vlt.s32 v17, v3;
	v32 =	vshrl.u32 v17, $0x5;
	v47 =	vand.u32 $0x7C00, v30;
	v30 =	vld [tilespmem:s28+$0x21]  }
0xf6: {  	v63 =	vand.u32 $0x807F, v17;
	v41 =	vor.u32 v21, v20;
	v20 =	vld [tilespmem:s26+$0xFFFFFFD0];
	v36 =	vor.u32 v36, v53  }
0xf7: {  	v21 =	vld [tilespmem:s26+$0xFFFFFFE0];
	v38 =	vor.u32 v37, v54;
	v37 =	vor.u32 v23, v55;
	vm10 =	vmand vm7, vm1  }
0xf8: {  	s29 =	simm.s32 $0x100C0;
	v23 =	vld [tilespmem:s26+$0x0];
	s28 =	simm.s32 $0x0;
	vm1 =	vne.s32 v27, v51;
	v35 =	vor.u32 v47, v63;
	[tilespmem:v29+s6+$0x0] =	vst.idx.msk vm11, v43;
	v43 =	vand.u32 $0x380, v52  }
.LBB2_11:
0xf9: {  	v46 =	vld [tilespmem:s29+$0x31];
	v29 =	vand.u32 $0x380, v34;
	vm7 =	vne.s32 v18, v31;
	v18 =	vand.u32 $0x380, v33  }
0xfa: {  	vm4 =	vmand vm8, vm4;
	vm8 =	vne.s32 v17, v30;
	v17 =	vand.u32 $0x380, v32;
	v31 =	vld [tilespmem:s29+$0x30]  }
0xfb: {  	s28 =	sadd.s32 $0x8, s28;
	v30 =	vor.u32 v44, v39;
	vm6 =	vmand vm15, vm2;
	v32 =	vor.u32 v45, v41;
	v26 =	vld [tilespmem:s29+$0xFFFFFFD0]  }
0xfc: {  	vm5 =	vmand vm12, vm0;
	v33 =	vor.u32 v42, v40;
	vm3 =	vmand vm14, vm3;
	p0 =	slt.u32 s28, $0x1F8;
	v27 =	vld [tilespmem:s29+$0xFFFFFFE0]  }
0xfd: {  	v34 =	vor.u32 v43, v36;
	vm2 =	vmand vm13, vm1;
	v36 =	vor.u32 v29, v38;
	v28 =	vld [tilespmem:s29+$0xFFFFFFF0]  }
0xfe: {  	vm1 =	vmand vm9, vm7;
	v37 =	vor.u32 v18, v37;
	vm0 =	vmand vm10, vm8;
	v29 =	vld [tilespmem:s29+$0x0]  }
0xff: {  	v35 =	vor.u32 v17, v35;
	v18 =	vld [tilespmem:s29+$0x10];
	vm7 =	vne.s32 v31, v46;
	v38 =	vshrl.u32 v31, $0x5  }
0x100: {  	vm8 =	vge.s32 v31, v2;
	vm9 =	vlt.s32 v31, v3;
	v39 =	vshll.u32 v31, $0x3;
	v17 =	vld [tilespmem:s29+$0x20];
	[tilespmem:v30+s6+$0x0] =	vst.idx.msk vm4, v19  }
0x101: {  	vm4 =	vmand vm8, vm9;
	v19 =	vand.u32 $0x7C00, v39;
	v30 =	vand.u32 $0x807F, v31;
	v42 =	vld [tilespmem:s29+$0xFFFFFFC0];
	[tilespmem:v32+s6+$0x0] =	vst.idx.msk vm6, v20  }
0x102: {  	s26 =	sadd.s32 $0x80, s26;
	vm4 =	vmand vm4, vm7;
	v20 =	vand.u32 $0x380, v38;
	v19 =	vor.u32 v19, v30;
	v43 =	vld [tilespmem:s29+$0xFFFFFFC1];
	[tilespmem:v33+s6+$0x0] =	vst.idx.msk vm5, v21  }
0x103: {  	v30 =	vshll.u32 v27, $0x3;
	v21 =	vshll.u32 v26, $0x3;
	v19 =	vor.u32 v20, v19;
	v32 =	vld [tilespmem:s26+$0x30];
	[tilespmem:v34+s6+$0x0] =	vst.idx.msk vm3, v22  }
0x104: {  	v20 =	vshll.u32 v28, $0x3;
	v22 =	vshll.u32 v29, $0x3;
	v45 =	vld [tilespmem:s29+$0xFFFFFFD1];
	v33 =	vshll.u32 v18, $0x3;
	[tilespmem:v36+s6+$0x0] =	vst.idx.msk vm2, v23  }
0x105: {  	vm9 =	vge.s32 v26, v2;
	vm10 =	vlt.s32 v26, v3;
	v46 =	vld [tilespmem:s29+$0xFFFFFFE1];
	v23 =	vshll.u32 v17, $0x3;
	[tilespmem:v37+s6+$0x0] =	vst.idx.msk vm1, v24  }
0x106: {  	vm8 =	vge.s32 v42, v2;
	vm11 =	vlt.s32 v42, v3;
	v24 =	vshll.u32 v42, $0x3;
	v47 =	vld [tilespmem:s29+$0xFFFFFFF1];
	[tilespmem:v35+s6+$0x0] =	vst.idx.msk vm0, v25  }
0x107: {  	vm12 =	vge.s32 v27, v2;
	v36 =	vand.u32 $0x7C00, v21;
	v35 =	vand.u32 $0x7C00, v24;
	v48 =	vld [tilespmem:s29+$0x1]  }
0x108: {  	vm14 =	vlt.s32 v27, v3;
	vm13 =	vge.s32 v28, v2;
	v37 =	vand.u32 $0x7C00, v30;
	v31 =	vld [tilespmem:s29+$0x11];
	[tilespmem:v19+s6+$0x0] =	vst.idx.msk vm4, v32  }
0x109: {  	v38 =	vand.u32 $0x7C00, v20;
	vm1 =	vlt.s32 v28, v3;
	vm0 =	vge.s32 v29, v2;
	v30 =	vld [tilespmem:s29+$0x21]  }
0x10a: {  	vm2 =	vlt.s32 v29, v3;
	v44 =	vand.u32 $0x7C00, v22;
	vm3 =	vge.s32 v18, v2;
	v19 =	vld [tilespmem:s26+$0xFFFFFFC0]  }
0x10b: {  	vm5 =	vlt.s32 v18, v3;
	v49 =	vand.u32 $0x7C00, v33;
	vm4 =	vge.s32 v17, v2;
	v20 =	vld [tilespmem:s26+$0xFFFFFFD0]  }
0x10c: {  	vm6 =	vlt.s32 v17, v3;
	v50 =	vshrl.u32 v42, $0x5;
	v51 =	vand.u32 $0x7C00, v23;
	v21 =	vld [tilespmem:s26+$0xFFFFFFE0]  }
0x10d: {  	v52 =	vshrl.u32 v26, $0x5;
	v40 =	vand.u32 $0x807F, v26;
	v39 =	vand.u32 $0x807F, v42;
	v22 =	vld [tilespmem:s26+$0xFFFFFFF0]  }
0x10e: {  	v53 =	vshrl.u32 v27, $0x5;
	v54 =	vand.u32 $0x807F, v27;
	v55 =	vshrl.u32 v28, $0x5;
	v23 =	vld [tilespmem:s26+$0x0]  }
0x10f: {  	v56 =	vand.u32 $0x807F, v28;
	v34 =	vshrl.u32 v29, $0x5;
	v57 =	vand.u32 $0x807F, v29;
	v24 =	vld [tilespmem:s26+$0x10]  }
0x110: {  	v58 =	vand.u32 $0x807F, v18;
	v33 =	vshrl.u32 v18, $0x5;
	v32 =	vshrl.u32 v17, $0x5;
	v25 =	vld [tilespmem:s26+$0x20]  }
0x111: {  	vm8 =	vmand vm8, vm11;
	v39 =	vor.u32 v35, v39;
	v35 =	vand.u32 $0x807F, v17  }
0x112: {  	vm15 =	vmand vm9, vm10;
	vm12 =	vmand vm12, vm14;
	v41 =	vor.u32 v36, v40  }
0x113: {  	v36 =	vor.u32 v38, v56;
	v40 =	vor.u32 v37, v54;
	vm14 =	vmand vm13, vm1  }
.Ltmp8:
0x114: {  	v38 =	vor.u32 v44, v57;
	vm9 =	vmand vm3, vm5;
	vm13 =	vmand vm0, vm2;
	(pc) =	sbr.rel @p0 .LBB2_11-.Ltmp8, $4  }
0x115: {  	v37 =	vor.u32 v49, v58;
	vm10 =	vmand vm4, vm6;
	v35 =	vor.u32 v51, v35  }
0x116: {  	v44 =	vand.u32 $0x380, v50;
	vm4 =	vne.s32 v42, v43;
	vm2 =	vne.s32 v26, v45  }
0x117: {  	v45 =	vand.u32 $0x380, v52;
	v42 =	vand.u32 $0x380, v53;
	vm0 =	vne.s32 v27, v46  }
0x118: {  	v43 =	vand.u32 $0x380, v55;
	s29 =	sadd.s32 $0x80, s29;
	vm3 =	vne.s32 v28, v47;
	vm1 =	vne.s32 v29, v48  }
0x119: {  	vm4 =	vmand vm8, vm4  }
0x11a: {  	v26 =	vor.u32 v44, v39;
	vm2 =	vmand vm15, vm2  }
0x11b: {  	v27 =	vand.u32 $0x380, v34;
	v28 =	vor.u32 v45, v41;
	vm0 =	vmand vm12, vm0  }
0x11c: {  	vm5 =	vne.s32 v18, v31;
	v18 =	vor.u32 v42, v40;
	vm3 =	vmand vm14, vm3  }
0x11d: {  	v29 =	vand.u32 $0x380, v33;
	v62 =	vor.u32 v43, v36;
	vm1 =	vmand vm13, vm1  }
0x11e: {  	vm6 =	vne.s32 v17, v30;
	v17 =	vor.u32 v27, v38;
	vm5 =	vmand vm9, vm5  }
0x11f: {  	v63 =	vand.u32 $0x380, v32;
	s25 =	sadd.s32 $0x1, s25;
	v29 =	vor.u32 v29, v37;
	vm6 =	vmand vm10, vm6;
	[tilespmem:v26+s6+$0x0] =	vst.idx.msk vm4, v19  }
0x120: {  	p0 =	sne.s32 s25, s24;
	v19 =	vor.u32 v63, v35;
	[tilespmem:v28+s6+$0x0] =	vst.idx.msk vm2, v20  }
.Ltmp9:
0x121: {  	[tilespmem:v18+s6+$0x0] =	vst.idx.msk vm0, v21;
	(pc) =	sbr.rel @p0 .LBB2_10-.Ltmp9, $4  }
0x122: {  	[tilespmem:v62+s6+$0x0] =	vst.idx.msk vm3, v22  }
0x123: {  	[tilespmem:v17+s6+$0x0] =	vst.idx.msk vm1, v23  }
0x124: {  	[tilespmem:v29+s6+$0x0] =	vst.idx.msk vm5, v24  }
0x125: {  	[tilespmem:v19+s6+$0x0] =	vst.idx.msk vm6, v25  }
.LBB2_13:
0x126: {  	s23 =	simm.s32 $0x0;
	s24 =	simm.s32 $0x0;
	s26 =	simm.s32 $0x0  }
0x127: {  	[hbm4b:s9+s23] =	stream.linear.scatter [tilespmem:s23], [sflag:$0x1], $0x10000, $0x38;
	[tilespmem:$0x14280] =	vst v63  }
0x128: {  	s24 =	sand.u32 $0x8000, s24;
	s25 =	sand.u32 $0x7C00, s23;
	_ =	swait.ge [sflag:s18], $0x10000  }
0x129: {  	s26 =	sand.u32 $0x380, s26;
	s24 =	sor.u32 s25, s24;
	[sflag:s18] =	ssyncset.done $0x0  }
0x12a: {  	s24 =	sor.u32 s26, s24;
	[sflag:s18] =	ssyncadd.s32 $0xFFFF0000  }
0x12b: {  	[tilespmem:s24+$0x70] =	vst v16  }
0x12c: {  	[tilespmem:s24+$0x0] =	vst v16  }
0x12d: {  	s25 =	simm.s32 $0x0;
	[tilespmem:s24+$0x10] =	vst v16  }
.LBB2_14:
0x12e: {  	s25 =	sadd.s32 $0x8, s25;
	[tilespmem:s24+$0x20] =	vst v16  }
0x12f: {  	s23 =	sadd.s32 $0x400, s23;
	s26 =	sshll.u32 s25, $0x4;
	p0 =	slt.u32 s25, $0xFF8;
	[tilespmem:s24+$0x30] =	vst v16  }
0x130: {  	s28 =	sand.u32 $0x7C00, s23;
	s29 =	sshrl.u32 s25, $0x1;
	s26 =	sand.u32 $0x8000, s26;
	[tilespmem:s24+$0x40] =	vst v16  }
.Ltmp10:
0x131: {  	s29 =	sand.u32 $0x380, s29;
	s26 =	sor.u32 s28, s26;
	[tilespmem:s24+$0x50] =	vst v16;
	(pc) =	sbr.rel @p0 .LBB2_14-.Ltmp10, $4  }
0x132: {  	[tilespmem:s24+$0x60] =	vst v16;
	s24 =	sor.u32 s29, s26  }
0x133: {  	[tilespmem:s24+$0x70] =	vst v16  }
0x134: {  	[tilespmem:s24+$0x0] =	vst v16  }
0x135: {  	[tilespmem:s24+$0x10] =	vst v16  }
0x136: {  	[tilespmem:s24+$0x20] =	vst v16  }
0x137: {  	[tilespmem:s24+$0x30] =	vst v16  }
0x138: {  	[tilespmem:s24+$0x40] =	vst v16  }
0x139: {  	[tilespmem:s24+$0x50] =	vst v16  }
0x13a: {  	[tilespmem:s24+$0x60] =	vst v16  }
0x13b: {  	v19 =	vld [tilespmem:$0x1FFA0]  }
0x13c: {  	v17 =	vld [tilespmem:s7+$0x14080]  }
0x13d: {  	v18 =	vld [tilespmem:s7+$0x14180];
	_ =	sdelay $0x2  }
0x13e: {  	vm0 =	vnez.u8 v19  }
0x13f: {  	v17 =	vnsel vm0, $0x0, v17  }
0x140: {  	(xrf0) =	vadd.scan.msk.s32 $0xffff, v17;
	v17 =	vnsel vm0, $0x0, v18  }
0x141: {  	(xrf0) =	vadd.scan.msk.s32 $0xffff, v17;
	_ =	sdelay $0x4  }
0x142: {  	v17, _, _ =	vpop (xrf0)  }
0x143: {  	(v2sf) =	vpush v17, $0xF;
	v17, _, _ =	vpop (xrf0)  }
0x144: {  	(v2sf) =	vpush v17, $0xF;
	_ =	sdelay $0xd  }
0x145: {  	s23 =	spop (v2sf)  }
0x146: {  	s24 =	spop (v2sf)  }
0x147: {  	p0 =	slt.s32 s24, $0x1  }
.Ltmp11:
0x148: {  	_ = 	snop;
	(pc) =	sbr.rel @p0 .LBB2_19-.Ltmp11, $2  }
0x149: {  	_ =	sdelay $0x2  }
0x14a: {  	s25 =	simm.s32 $0x0  }
.LBB2_16:
0x14b: {  	s26 =	sshll.u32 s25, $0xD  }
0x14c: {  	s26 =	sadd.s32 s23, s26  }
0x14d: {  	s26 =	sshrl.u32 s26, $0x3  }
0x14e: {  	s28 =	sadd.s32 s1, s26  }
0x14f: {  	[tilespmem:s20], [sflag:$0x1] =	stream.linear.gather [hbm4b:s28+s6], $0x2010, $0x38;
	[tilespmem:$0x14280] =	vst v63  }
0x150: {  	_ =	swait.ge [sflag:s18], $0x2010  }
0x151: {  	[sflag:s18] =	ssyncset.done $0x0  }
0x152: {  	s26 =	sadd.s32 s2, s26;
	[sflag:s18] =	ssyncadd.s32 $0xFFFFDFF0  }
0x153: {  	[tilespmem:s21], [sflag:$0x1] =	stream.linear.gather [hbm4b:s26+s6], $0x2000, $0x38;
	[tilespmem:$0x14280] =	vst v63  }
0x154: {  	_ =	swait.ge [sflag:s18], $0x2000  }
0x155: {  	[sflag:s18] =	ssyncset.done $0x0  }
0x156: {  	s28 =	simm.s32 $0x10040;
	[sflag:s18] =	ssyncadd.s32 $0xFFFFE000  }
0x157: {  	v17 =	vld [tilespmem:s28+$0x31]  }
0x158: {  	v19 =	vld [tilespmem:s28+$0x30]  }
0x159: {  	v24 =	vld [tilespmem:s28+$0xFFFFFFD0]  }
0x15a: {  	v25 =	vld [tilespmem:s28+$0xFFFFFFE0]  }
0x15b: {  	v18 =	vld [tilespmem:s28+$0x10]  }
0x15c: {  	v28 =	vld [tilespmem:s28+$0xFFFFFFC0]  }
0x15d: {  	v26 =	vld [tilespmem:s28+$0xFFFFFFF0]  }
0x15e: {  	v27 =	vld [tilespmem:s28+$0x0];
	vm0 =	vne.s32 v19, v17;
	v20 =	vshrl.u32 v19, $0x5  }
0x15f: {  	vm1 =	vge.s32 v19, v4;
	vm2 =	vlt.s32 v19, v5;
	v21 =	vshll.u32 v19, $0x3  }
0x160: {  	v19 =	vand.u32 $0x807F, v19;
	v22 =	vshll.u32 v25, $0x3;
	v23 =	vshll.u32 v18, $0x3  }
0x161: {  	vm12 =	vge.s32 v24, v4;
	vm13 =	vlt.s32 v24, v5;
	vm8 =	vlt.s32 v28, v5  }
0x162: {  	v31 =	vshll.u32 v28, $0x3;
	vm5 =	vlt.s32 v25, v5;
	vm3 =	vge.s32 v26, v4  }
0x163: {  	vm9 =	vlt.s32 v26, v5;
	vm4 =	vge.s32 v27, v4;
	vm6 =	vlt.s32 v27, v5  }
0x164: {  	vm10 =	vge.s32 v18, v4;
	v44 =	vshrl.u32 v28, $0x5;
	v48 =	vshrl.u32 v24, $0x5  }
0x165: {  	v50 =	vshrl.u32 v25, $0x5;
	v38 =	vand.u32 $0x807F, v25;
	v52 =	vshrl.u32 v26, $0x5  }
0x166: {  	v42 =	vld [tilespmem:s28+$0xFFFFFFC1];
	v53 =	vand.u32 $0x807F, v26;
	v34 =	vshrl.u32 v27, $0x5;
	v54 =	vand.u32 $0x807F, v27  }
0x167: {  	v49 =	vld [tilespmem:s28+$0xFFFFFFF1];
	v33 =	vshrl.u32 v18, $0x5;
	v55 =	vand.u32 $0x807F, v18;
	vm1 =	vmand vm1, vm2  }
0x168: {  	v21 =	vand.u32 $0x7C00, v21;
	v20 =	vand.u32 $0x380, v20;
	v35 =	vand.u32 $0x7C00, v31  }
0x169: {  	v45 =	vld [tilespmem:s28+$0xFFFFFFD1];
	vm2 =	vge.s32 v25, v4;
	v22 =	vand.u32 $0x7C00, v22;
	v23 =	vand.u32 $0x7C00, v23  }
0x16a: {  	s26 =	simm.s32 $0x120C0;
	vm15 =	vmand vm12, vm13;
	vm14 =	vmand vm3, vm9;
	vm13 =	vmand vm4, vm6  }
0x16b: {  	v43 =	vld [tilespmem:s26+$0x30];
	vm4 =	vne.s32 v28, v42;
	v44 =	vand.u32 $0x380, v44;
	v42 =	vand.u32 $0x380, v50  }
0x16c: {  	v46 =	vld [tilespmem:s28+$0xFFFFFFE1];
	vm3 =	vne.s32 v26, v49;
	vm11 =	vmand vm1, vm0;
	v19 =	vor.u32 v21, v19  }
0x16d: {  	v51 =	vld [tilespmem:s28+$0x1];
	v21 =	vshll.u32 v24, $0x3;
	vm1 =	vge.s32 v28, v4;
	vm0 =	vlt.s32 v18, v5  }
0x16e: {  	v17 =	vld [tilespmem:s28+$0x20];
	vm12 =	vmand vm2, vm5;
	v40 =	vor.u32 v22, v38;
	vm2 =	vne.s32 v24, v45  }
0x16f: {  	v31 =	vld [tilespmem:s28+$0x11];
	v45 =	vand.u32 $0x380, v48;
	v29 =	vor.u32 v20, v19;
	v19 =	vshll.u32 v26, $0x3  }
0x170: {  	v22 =	vld [tilespmem:s26+$0xFFFFFFF0];
	v20 =	vshll.u32 v27, $0x3;
	v21 =	vand.u32 $0x7C00, v21;
	vm8 =	vmand vm1, vm8  }
0x171: {  	vm9 =	vmand vm10, vm0;
	vm0 =	vne.s32 v25, v46;
	v25 =	vld [tilespmem:s26+$0x20];
	v36 =	vand.u32 $0x7C00, v19  }
0x172: {  	v37 =	vand.u32 $0x7C00, v20;
	v19 =	vand.u32 $0x807F, v28;
	v20 =	vand.u32 $0x807F, v24;
	v24 =	vld [tilespmem:s26+$0x10]  }
0x173: {  	v30 =	vshll.u32 v17, $0x3;
	vm7 =	vge.s32 v17, v4;
	v39 =	vor.u32 v35, v19;
	v19 =	vld [tilespmem:s26+$0xFFFFFFC0]  }
0x174: {  	vm1 =	vlt.s32 v17, v5;
	v32 =	vshrl.u32 v17, $0x5;
	v47 =	vand.u32 $0x7C00, v30;
	v30 =	vld [tilespmem:s28+$0x21]  }
0x175: {  	v63 =	vand.u32 $0x807F, v17;
	v41 =	vor.u32 v21, v20;
	v20 =	vld [tilespmem:s26+$0xFFFFFFD0];
	v36 =	vor.u32 v36, v53  }
0x176: {  	v21 =	vld [tilespmem:s26+$0xFFFFFFE0];
	v38 =	vor.u32 v37, v54;
	v37 =	vor.u32 v23, v55;
	vm10 =	vmand vm7, vm1  }
0x177: {  	s29 =	simm.s32 $0x100C0;
	v23 =	vld [tilespmem:s26+$0x0];
	s28 =	simm.s32 $0x0;
	vm1 =	vne.s32 v27, v51;
	v35 =	vor.u32 v47, v63;
	[tilespmem:v29+s6+$0x0] =	vst.idx.msk vm11, v43;
	v43 =	vand.u32 $0x380, v52  }
.LBB2_17:
0x178: {  	v46 =	vld [tilespmem:s29+$0x31];
	v29 =	vand.u32 $0x380, v34;
	vm7 =	vne.s32 v18, v31;
	v18 =	vand.u32 $0x380, v33  }
0x179: {  	vm4 =	vmand vm8, vm4;
	vm8 =	vne.s32 v17, v30;
	v17 =	vand.u32 $0x380, v32;
	v31 =	vld [tilespmem:s29+$0x30]  }
0x17a: {  	s28 =	sadd.s32 $0x8, s28;
	v30 =	vor.u32 v44, v39;
	vm6 =	vmand vm15, vm2;
	v32 =	vor.u32 v45, v41;
	v26 =	vld [tilespmem:s29+$0xFFFFFFD0]  }
0x17b: {  	vm5 =	vmand vm12, vm0;
	v33 =	vor.u32 v42, v40;
	vm3 =	vmand vm14, vm3;
	p0 =	slt.u32 s28, $0x1F8;
	v27 =	vld [tilespmem:s29+$0xFFFFFFE0]  }
0x17c: {  	v34 =	vor.u32 v43, v36;
	vm2 =	vmand vm13, vm1;
	v36 =	vor.u32 v29, v38;
	v28 =	vld [tilespmem:s29+$0xFFFFFFF0]  }
0x17d: {  	vm1 =	vmand vm9, vm7;
	v37 =	vor.u32 v18, v37;
	vm0 =	vmand vm10, vm8;
	v29 =	vld [tilespmem:s29+$0x0]  }
0x17e: {  	v35 =	vor.u32 v17, v35;
	v18 =	vld [tilespmem:s29+$0x10];
	vm7 =	vne.s32 v31, v46;
	v38 =	vshrl.u32 v31, $0x5  }
0x17f: {  	vm8 =	vge.s32 v31, v4;
	vm9 =	vlt.s32 v31, v5;
	v39 =	vshll.u32 v31, $0x3;
	v17 =	vld [tilespmem:s29+$0x20];
	[tilespmem:v30+s6+$0x0] =	vst.idx.msk vm4, v19  }
0x180: {  	vm4 =	vmand vm8, vm9;
	v19 =	vand.u32 $0x7C00, v39;
	v30 =	vand.u32 $0x807F, v31;
	v42 =	vld [tilespmem:s29+$0xFFFFFFC0];
	[tilespmem:v32+s6+$0x0] =	vst.idx.msk vm6, v20  }
0x181: {  	s26 =	sadd.s32 $0x80, s26;
	vm4 =	vmand vm4, vm7;
	v20 =	vand.u32 $0x380, v38;
	v19 =	vor.u32 v19, v30;
	v43 =	vld [tilespmem:s29+$0xFFFFFFC1];
	[tilespmem:v33+s6+$0x0] =	vst.idx.msk vm5, v21  }
0x182: {  	v30 =	vshll.u32 v27, $0x3;
	v21 =	vshll.u32 v26, $0x3;
	v19 =	vor.u32 v20, v19;
	v32 =	vld [tilespmem:s26+$0x30];
	[tilespmem:v34+s6+$0x0] =	vst.idx.msk vm3, v22  }
0x183: {  	v20 =	vshll.u32 v28, $0x3;
	v22 =	vshll.u32 v29, $0x3;
	v45 =	vld [tilespmem:s29+$0xFFFFFFD1];
	v33 =	vshll.u32 v18, $0x3;
	[tilespmem:v36+s6+$0x0] =	vst.idx.msk vm2, v23  }
0x184: {  	vm9 =	vge.s32 v26, v4;
	vm10 =	vlt.s32 v26, v5;
	v46 =	vld [tilespmem:s29+$0xFFFFFFE1];
	v23 =	vshll.u32 v17, $0x3;
	[tilespmem:v37+s6+$0x0] =	vst.idx.msk vm1, v24  }
0x185: {  	vm8 =	vge.s32 v42, v4;
	vm11 =	vlt.s32 v42, v5;
	v24 =	vshll.u32 v42, $0x3;
	v47 =	vld [tilespmem:s29+$0xFFFFFFF1];
	[tilespmem:v35+s6+$0x0] =	vst.idx.msk vm0, v25  }
0x186: {  	vm12 =	vge.s32 v27, v4;
	v36 =	vand.u32 $0x7C00, v21;
	v35 =	vand.u32 $0x7C00, v24;
	v48 =	vld [tilespmem:s29+$0x1]  }
0x187: {  	vm14 =	vlt.s32 v27, v5;
	vm13 =	vge.s32 v28, v4;
	v37 =	vand.u32 $0x7C00, v30;
	v31 =	vld [tilespmem:s29+$0x11];
	[tilespmem:v19+s6+$0x0] =	vst.idx.msk vm4, v32  }
0x188: {  	v38 =	vand.u32 $0x7C00, v20;
	vm1 =	vlt.s32 v28, v5;
	vm0 =	vge.s32 v29, v4;
	v30 =	vld [tilespmem:s29+$0x21]  }
0x189: {  	vm2 =	vlt.s32 v29, v5;
	v44 =	vand.u32 $0x7C00, v22;
	vm3 =	vge.s32 v18, v4;
	v19 =	vld [tilespmem:s26+$0xFFFFFFC0]  }
0x18a: {  	vm5 =	vlt.s32 v18, v5;
	v49 =	vand.u32 $0x7C00, v33;
	vm4 =	vge.s32 v17, v4;
	v20 =	vld [tilespmem:s26+$0xFFFFFFD0]  }
0x18b: {  	vm6 =	vlt.s32 v17, v5;
	v50 =	vshrl.u32 v42, $0x5;
	v51 =	vand.u32 $0x7C00, v23;
	v21 =	vld [tilespmem:s26+$0xFFFFFFE0]  }
0x18c: {  	v52 =	vshrl.u32 v26, $0x5;
	v40 =	vand.u32 $0x807F, v26;
	v39 =	vand.u32 $0x807F, v42;
	v22 =	vld [tilespmem:s26+$0xFFFFFFF0]  }
0x18d: {  	v53 =	vshrl.u32 v27, $0x5;
	v54 =	vand.u32 $0x807F, v27;
	v55 =	vshrl.u32 v28, $0x5;
	v23 =	vld [tilespmem:s26+$0x0]  }
0x18e: {  	v56 =	vand.u32 $0x807F, v28;
	v34 =	vshrl.u32 v29, $0x5;
	v57 =	vand.u32 $0x807F, v29;
	v24 =	vld [tilespmem:s26+$0x10]  }
0x18f: {  	v58 =	vand.u32 $0x807F, v18;
	v33 =	vshrl.u32 v18, $0x5;
	v32 =	vshrl.u32 v17, $0x5;
	v25 =	vld [tilespmem:s26+$0x20]  }
0x190: {  	vm8 =	vmand vm8, vm11;
	v39 =	vor.u32 v35, v39;
	v35 =	vand.u32 $0x807F, v17  }
0x191: {  	vm15 =	vmand vm9, vm10;
	vm12 =	vmand vm12, vm14;
	v41 =	vor.u32 v36, v40  }
0x192: {  	v36 =	vor.u32 v38, v56;
	v40 =	vor.u32 v37, v54;
	vm14 =	vmand vm13, vm1  }
.Ltmp12:
0x193: {  	v38 =	vor.u32 v44, v57;
	vm9 =	vmand vm3, vm5;
	vm13 =	vmand vm0, vm2;
	(pc) =	sbr.rel @p0 .LBB2_17-.Ltmp12, $4  }
0x194: {  	v37 =	vor.u32 v49, v58;
	vm10 =	vmand vm4, vm6;
	v35 =	vor.u32 v51, v35  }
0x195: {  	v44 =	vand.u32 $0x380, v50;
	vm4 =	vne.s32 v42, v43;
	vm2 =	vne.s32 v26, v45  }
0x196: {  	v45 =	vand.u32 $0x380, v52;
	v42 =	vand.u32 $0x380, v53;
	vm0 =	vne.s32 v27, v46  }
0x197: {  	v43 =	vand.u32 $0x380, v55;
	s29 =	sadd.s32 $0x80, s29;
	vm3 =	vne.s32 v28, v47;
	vm1 =	vne.s32 v29, v48  }
0x198: {  	vm4 =	vmand vm8, vm4  }
0x199: {  	v26 =	vor.u32 v44, v39;
	vm2 =	vmand vm15, vm2  }
0x19a: {  	v27 =	vand.u32 $0x380, v34;
	v28 =	vor.u32 v45, v41;
	vm0 =	vmand vm12, vm0  }
0x19b: {  	vm5 =	vne.s32 v18, v31;
	v18 =	vor.u32 v42, v40;
	vm3 =	vmand vm14, vm3  }
0x19c: {  	v29 =	vand.u32 $0x380, v33;
	v62 =	vor.u32 v43, v36;
	vm1 =	vmand vm13, vm1  }
0x19d: {  	vm6 =	vne.s32 v17, v30;
	v17 =	vor.u32 v27, v38;
	vm5 =	vmand vm9, vm5  }
0x19e: {  	v63 =	vand.u32 $0x380, v32;
	s25 =	sadd.s32 $0x1, s25;
	v29 =	vor.u32 v29, v37;
	vm6 =	vmand vm10, vm6;
	[tilespmem:v26+s6+$0x0] =	vst.idx.msk vm4, v19  }
0x19f: {  	p0 =	sne.s32 s25, s24;
	v19 =	vor.u32 v63, v35;
	[tilespmem:v28+s6+$0x0] =	vst.idx.msk vm2, v20  }
.Ltmp13:
0x1a0: {  	[tilespmem:v18+s6+$0x0] =	vst.idx.msk vm0, v21;
	(pc) =	sbr.rel @p0 .LBB2_16-.Ltmp13, $4  }
0x1a1: {  	[tilespmem:v62+s6+$0x0] =	vst.idx.msk vm3, v22  }
0x1a2: {  	[tilespmem:v17+s6+$0x0] =	vst.idx.msk vm1, v23  }
0x1a3: {  	[tilespmem:v29+s6+$0x0] =	vst.idx.msk vm5, v24  }
0x1a4: {  	[tilespmem:v19+s6+$0x0] =	vst.idx.msk vm6, v25  }
.LBB2_19:
0x1a5: {  	s23 =	simm.s32 $0x0;
	s24 =	simm.s32 $0x0;
	s26 =	simm.s32 $0x0  }
0x1a6: {  	[hbm4b:s10+s23] =	stream.linear.scatter [tilespmem:s23], [sflag:$0x1], $0x10000, $0x38;
	[tilespmem:$0x14280] =	vst v63  }
0x1a7: {  	s24 =	sand.u32 $0x8000, s24;
	s25 =	sand.u32 $0x7C00, s23;
	_ =	swait.ge [sflag:s18], $0x10000  }
0x1a8: {  	s26 =	sand.u32 $0x380, s26;
	s24 =	sor.u32 s25, s24;
	[sflag:s18] =	ssyncset.done $0x0  }
0x1a9: {  	s24 =	sor.u32 s26, s24;
	[sflag:s18] =	ssyncadd.s32 $0xFFFF0000  }
0x1aa: {  	[tilespmem:s24+$0x70] =	vst v16  }
0x1ab: {  	[tilespmem:s24+$0x0] =	vst v16  }
0x1ac: {  	s25 =	simm.s32 $0x0;
	[tilespmem:s24+$0x10] =	vst v16  }
.LBB2_20:
0x1ad: {  	s25 =	sadd.s32 $0x8, s25;
	[tilespmem:s24+$0x20] =	vst v16  }
0x1ae: {  	s23 =	sadd.s32 $0x400, s23;
	s26 =	sshll.u32 s25, $0x4;
	p0 =	slt.u32 s25, $0xFF8;
	[tilespmem:s24+$0x30] =	vst v16  }
0x1af: {  	s28 =	sand.u32 $0x7C00, s23;
	s29 =	sshrl.u32 s25, $0x1;
	s26 =	sand.u32 $0x8000, s26;
	[tilespmem:s24+$0x40] =	vst v16  }
.Ltmp14:
0x1b0: {  	s29 =	sand.u32 $0x380, s29;
	s26 =	sor.u32 s28, s26;
	[tilespmem:s24+$0x50] =	vst v16;
	(pc) =	sbr.rel @p0 .LBB2_20-.Ltmp14, $4  }
0x1b1: {  	[tilespmem:s24+$0x60] =	vst v16;
	s24 =	sor.u32 s29, s26  }
0x1b2: {  	[tilespmem:s24+$0x70] =	vst v16  }
0x1b3: {  	[tilespmem:s24+$0x0] =	vst v16  }
0x1b4: {  	[tilespmem:s24+$0x10] =	vst v16  }
0x1b5: {  	[tilespmem:s24+$0x20] =	vst v16  }
0x1b6: {  	[tilespmem:s24+$0x30] =	vst v16  }
0x1b7: {  	[tilespmem:s24+$0x40] =	vst v16  }
0x1b8: {  	[tilespmem:s24+$0x50] =	vst v16  }
0x1b9: {  	[tilespmem:s24+$0x60] =	vst v16  }
0x1ba: {  	v19 =	vld [tilespmem:$0x1FFB0]  }
0x1bb: {  	v17 =	vld [tilespmem:s7+$0x14080]  }
0x1bc: {  	v18 =	vld [tilespmem:s7+$0x14180];
	_ =	sdelay $0x2  }
0x1bd: {  	vm0 =	vnez.u8 v19  }
0x1be: {  	v17 =	vnsel vm0, $0x0, v17  }
0x1bf: {  	(xrf0) =	vadd.scan.msk.s32 $0xffff, v17;
	v17 =	vnsel vm0, $0x0, v18  }
0x1c0: {  	(xrf0) =	vadd.scan.msk.s32 $0xffff, v17;
	_ =	sdelay $0x4  }
0x1c1: {  	v17, _, _ =	vpop (xrf0)  }
0x1c2: {  	(v2sf) =	vpush v17, $0xF;
	v17, _, _ =	vpop (xrf0)  }
0x1c3: {  	(v2sf) =	vpush v17, $0xF;
	_ =	sdelay $0xd  }
0x1c4: {  	s23 =	spop (v2sf)  }
0x1c5: {  	s24 =	spop (v2sf)  }
0x1c6: {  	p0 =	slt.s32 s24, $0x1  }
.Ltmp15:
0x1c7: {  	_ = 	snop;
	(pc) =	sbr.rel @p0 .LBB2_25-.Ltmp15, $2  }
0x1c8: {  	_ =	sdelay $0x2  }
0x1c9: {  	s25 =	simm.s32 $0x0  }
.LBB2_22:
0x1ca: {  	s26 =	sshll.u32 s25, $0xD  }
0x1cb: {  	s26 =	sadd.s32 s23, s26  }
0x1cc: {  	s26 =	sshrl.u32 s26, $0x3  }
0x1cd: {  	s28 =	sadd.s32 s1, s26  }
0x1ce: {  	[tilespmem:s20], [sflag:$0x1] =	stream.linear.gather [hbm4b:s28+s6], $0x2010, $0x38;
	[tilespmem:$0x14280] =	vst v63  }
0x1cf: {  	_ =	swait.ge [sflag:s18], $0x2010  }
0x1d0: {  	[sflag:s18] =	ssyncset.done $0x0  }
0x1d1: {  	s26 =	sadd.s32 s2, s26;
	[sflag:s18] =	ssyncadd.s32 $0xFFFFDFF0  }
0x1d2: {  	[tilespmem:s21], [sflag:$0x1] =	stream.linear.gather [hbm4b:s26+s6], $0x2000, $0x38;
	[tilespmem:$0x14280] =	vst v63  }
0x1d3: {  	_ =	swait.ge [sflag:s18], $0x2000  }
0x1d4: {  	[sflag:s18] =	ssyncset.done $0x0  }
0x1d5: {  	s28 =	simm.s32 $0x10040;
	[sflag:s18] =	ssyncadd.s32 $0xFFFFE000  }
0x1d6: {  	v17 =	vld [tilespmem:s28+$0x31]  }
0x1d7: {  	v19 =	vld [tilespmem:s28+$0x30]  }
0x1d8: {  	v24 =	vld [tilespmem:s28+$0xFFFFFFD0]  }
0x1d9: {  	v25 =	vld [tilespmem:s28+$0xFFFFFFE0]  }
0x1da: {  	v18 =	vld [tilespmem:s28+$0x10]  }
0x1db: {  	v28 =	vld [tilespmem:s28+$0xFFFFFFC0]  }
0x1dc: {  	v26 =	vld [tilespmem:s28+$0xFFFFFFF0]  }
0x1dd: {  	v27 =	vld [tilespmem:s28+$0x0];
	vm0 =	vne.s32 v19, v17;
	v20 =	vshrl.u32 v19, $0x5  }
0x1de: {  	vm1 =	vge.s32 v19, v6;
	vm2 =	vlt.s32 v19, v7;
	v21 =	vshll.u32 v19, $0x3  }
0x1df: {  	v19 =	vand.u32 $0x807F, v19;
	v22 =	vshll.u32 v25, $0x3;
	v23 =	vshll.u32 v18, $0x3  }
0x1e0: {  	vm12 =	vge.s32 v24, v6;
	vm13 =	vlt.s32 v24, v7;
	vm8 =	vlt.s32 v28, v7  }
0x1e1: {  	v31 =	vshll.u32 v28, $0x3;
	vm5 =	vlt.s32 v25, v7;
	vm3 =	vge.s32 v26, v6  }
0x1e2: {  	vm9 =	vlt.s32 v26, v7;
	vm4 =	vge.s32 v27, v6;
	vm6 =	vlt.s32 v27, v7  }
0x1e3: {  	vm10 =	vge.s32 v18, v6;
	v44 =	vshrl.u32 v28, $0x5;
	v48 =	vshrl.u32 v24, $0x5  }
0x1e4: {  	v50 =	vshrl.u32 v25, $0x5;
	v38 =	vand.u32 $0x807F, v25;
	v52 =	vshrl.u32 v26, $0x5  }
0x1e5: {  	v42 =	vld [tilespmem:s28+$0xFFFFFFC1];
	v53 =	vand.u32 $0x807F, v26;
	v34 =	vshrl.u32 v27, $0x5;
	v54 =	vand.u32 $0x807F, v27  }
0x1e6: {  	v49 =	vld [tilespmem:s28+$0xFFFFFFF1];
	v33 =	vshrl.u32 v18, $0x5;
	v55 =	vand.u32 $0x807F, v18;
	vm1 =	vmand vm1, vm2  }
0x1e7: {  	v21 =	vand.u32 $0x7C00, v21;
	v20 =	vand.u32 $0x380, v20;
	v35 =	vand.u32 $0x7C00, v31  }
0x1e8: {  	v45 =	vld [tilespmem:s28+$0xFFFFFFD1];
	vm2 =	vge.s32 v25, v6;
	v22 =	vand.u32 $0x7C00, v22;
	v23 =	vand.u32 $0x7C00, v23  }
0x1e9: {  	s26 =	simm.s32 $0x120C0;
	vm15 =	vmand vm12, vm13;
	vm14 =	vmand vm3, vm9;
	vm13 =	vmand vm4, vm6  }
0x1ea: {  	v43 =	vld [tilespmem:s26+$0x30];
	vm4 =	vne.s32 v28, v42;
	v44 =	vand.u32 $0x380, v44;
	v42 =	vand.u32 $0x380, v50  }
0x1eb: {  	v46 =	vld [tilespmem:s28+$0xFFFFFFE1];
	vm3 =	vne.s32 v26, v49;
	vm11 =	vmand vm1, vm0;
	v19 =	vor.u32 v21, v19  }
0x1ec: {  	v51 =	vld [tilespmem:s28+$0x1];
	v21 =	vshll.u32 v24, $0x3;
	vm1 =	vge.s32 v28, v6;
	vm0 =	vlt.s32 v18, v7  }
0x1ed: {  	v17 =	vld [tilespmem:s28+$0x20];
	vm12 =	vmand vm2, vm5;
	v40 =	vor.u32 v22, v38;
	vm2 =	vne.s32 v24, v45  }
0x1ee: {  	v31 =	vld [tilespmem:s28+$0x11];
	v45 =	vand.u32 $0x380, v48;
	v29 =	vor.u32 v20, v19;
	v19 =	vshll.u32 v26, $0x3  }
0x1ef: {  	v22 =	vld [tilespmem:s26+$0xFFFFFFF0];
	v20 =	vshll.u32 v27, $0x3;
	v21 =	vand.u32 $0x7C00, v21;
	vm8 =	vmand vm1, vm8  }
0x1f0: {  	vm9 =	vmand vm10, vm0;
	vm0 =	vne.s32 v25, v46;
	v25 =	vld [tilespmem:s26+$0x20];
	v36 =	vand.u32 $0x7C00, v19  }
0x1f1: {  	v37 =	vand.u32 $0x7C00, v20;
	v19 =	vand.u32 $0x807F, v28;
	v20 =	vand.u32 $0x807F, v24;
	v24 =	vld [tilespmem:s26+$0x10]  }
0x1f2: {  	v30 =	vshll.u32 v17, $0x3;
	vm7 =	vge.s32 v17, v6;
	v39 =	vor.u32 v35, v19;
	v19 =	vld [tilespmem:s26+$0xFFFFFFC0]  }
0x1f3: {  	vm1 =	vlt.s32 v17, v7;
	v32 =	vshrl.u32 v17, $0x5;
	v47 =	vand.u32 $0x7C00, v30;
	v30 =	vld [tilespmem:s28+$0x21]  }
0x1f4: {  	v63 =	vand.u32 $0x807F, v17;
	v41 =	vor.u32 v21, v20;
	v20 =	vld [tilespmem:s26+$0xFFFFFFD0];
	v36 =	vor.u32 v36, v53  }
0x1f5: {  	v21 =	vld [tilespmem:s26+$0xFFFFFFE0];
	v38 =	vor.u32 v37, v54;
	v37 =	vor.u32 v23, v55;
	vm10 =	vmand vm7, vm1  }
0x1f6: {  	s29 =	simm.s32 $0x100C0;
	v23 =	vld [tilespmem:s26+$0x0];
	s28 =	simm.s32 $0x0;
	vm1 =	vne.s32 v27, v51;
	v35 =	vor.u32 v47, v63;
	[tilespmem:v29+s6+$0x0] =	vst.idx.msk vm11, v43;
	v43 =	vand.u32 $0x380, v52  }
.LBB2_23:
0x1f7: {  	v46 =	vld [tilespmem:s29+$0x31];
	v29 =	vand.u32 $0x380, v34;
	vm7 =	vne.s32 v18, v31;
	v18 =	vand.u32 $0x380, v33  }
0x1f8: {  	vm4 =	vmand vm8, vm4;
	vm8 =	vne.s32 v17, v30;
	v17 =	vand.u32 $0x380, v32;
	v31 =	vld [tilespmem:s29+$0x30]  }
0x1f9: {  	s28 =	sadd.s32 $0x8, s28;
	v30 =	vor.u32 v44, v39;
	vm6 =	vmand vm15, vm2;
	v32 =	vor.u32 v45, v41;
	v26 =	vld [tilespmem:s29+$0xFFFFFFD0]  }
0x1fa: {  	vm5 =	vmand vm12, vm0;
	v33 =	vor.u32 v42, v40;
	vm3 =	vmand vm14, vm3;
	p0 =	slt.u32 s28, $0x1F8;
	v27 =	vld [tilespmem:s29+$0xFFFFFFE0]  }
0x1fb: {  	v34 =	vor.u32 v43, v36;
	vm2 =	vmand vm13, vm1;
	v36 =	vor.u32 v29, v38;
	v28 =	vld [tilespmem:s29+$0xFFFFFFF0]  }
0x1fc: {  	vm1 =	vmand vm9, vm7;
	v37 =	vor.u32 v18, v37;
	vm0 =	vmand vm10, vm8;
	v29 =	vld [tilespmem:s29+$0x0]  }
0x1fd: {  	v35 =	vor.u32 v17, v35;
	v18 =	vld [tilespmem:s29+$0x10];
	vm7 =	vne.s32 v31, v46;
	v38 =	vshrl.u32 v31, $0x5  }
0x1fe: {  	vm8 =	vge.s32 v31, v6;
	vm9 =	vlt.s32 v31, v7;
	v39 =	vshll.u32 v31, $0x3;
	v17 =	vld [tilespmem:s29+$0x20];
	[tilespmem:v30+s6+$0x0] =	vst.idx.msk vm4, v19  }
0x1ff: {  	vm4 =	vmand vm8, vm9;
	v19 =	vand.u32 $0x7C00, v39;
	v30 =	vand.u32 $0x807F, v31;
	v42 =	vld [tilespmem:s29+$0xFFFFFFC0];
	[tilespmem:v32+s6+$0x0] =	vst.idx.msk vm6, v20  }
0x200: {  	s26 =	sadd.s32 $0x80, s26;
	vm4 =	vmand vm4, vm7;
	v20 =	vand.u32 $0x380, v38;
	v19 =	vor.u32 v19, v30;
	v43 =	vld [tilespmem:s29+$0xFFFFFFC1];
	[tilespmem:v33+s6+$0x0] =	vst.idx.msk vm5, v21  }
0x201: {  	v30 =	vshll.u32 v27, $0x3;
	v21 =	vshll.u32 v26, $0x3;
	v19 =	vor.u32 v20, v19;
	v32 =	vld [tilespmem:s26+$0x30];
	[tilespmem:v34+s6+$0x0] =	vst.idx.msk vm3, v22  }
0x202: {  	v20 =	vshll.u32 v28, $0x3;
	v22 =	vshll.u32 v29, $0x3;
	v45 =	vld [tilespmem:s29+$0xFFFFFFD1];
	v33 =	vshll.u32 v18, $0x3;
	[tilespmem:v36+s6+$0x0] =	vst.idx.msk vm2, v23  }
0x203: {  	vm9 =	vge.s32 v26, v6;
	vm10 =	vlt.s32 v26, v7;
	v46 =	vld [tilespmem:s29+$0xFFFFFFE1];
	v23 =	vshll.u32 v17, $0x3;
	[tilespmem:v37+s6+$0x0] =	vst.idx.msk vm1, v24  }
0x204: {  	vm8 =	vge.s32 v42, v6;
	vm11 =	vlt.s32 v42, v7;
	v24 =	vshll.u32 v42, $0x3;
	v47 =	vld [tilespmem:s29+$0xFFFFFFF1];
	[tilespmem:v35+s6+$0x0] =	vst.idx.msk vm0, v25  }
0x205: {  	vm12 =	vge.s32 v27, v6;
	v36 =	vand.u32 $0x7C00, v21;
	v35 =	vand.u32 $0x7C00, v24;
	v48 =	vld [tilespmem:s29+$0x1]  }
0x206: {  	vm14 =	vlt.s32 v27, v7;
	vm13 =	vge.s32 v28, v6;
	v37 =	vand.u32 $0x7C00, v30;
	v31 =	vld [tilespmem:s29+$0x11];
	[tilespmem:v19+s6+$0x0] =	vst.idx.msk vm4, v32  }
0x207: {  	v38 =	vand.u32 $0x7C00, v20;
	vm1 =	vlt.s32 v28, v7;
	vm0 =	vge.s32 v29, v6;
	v30 =	vld [tilespmem:s29+$0x21]  }
0x208: {  	vm2 =	vlt.s32 v29, v7;
	v44 =	vand.u32 $0x7C00, v22;
	vm3 =	vge.s32 v18, v6;
	v19 =	vld [tilespmem:s26+$0xFFFFFFC0]  }
0x209: {  	vm5 =	vlt.s32 v18, v7;
	v49 =	vand.u32 $0x7C00, v33;
	vm4 =	vge.s32 v17, v6;
	v20 =	vld [tilespmem:s26+$0xFFFFFFD0]  }
0x20a: {  	vm6 =	vlt.s32 v17, v7;
	v50 =	vshrl.u32 v42, $0x5;
	v51 =	vand.u32 $0x7C00, v23;
	v21 =	vld [tilespmem:s26+$0xFFFFFFE0]  }
0x20b: {  	v52 =	vshrl.u32 v26, $0x5;
	v40 =	vand.u32 $0x807F, v26;
	v39 =	vand.u32 $0x807F, v42;
	v22 =	vld [tilespmem:s26+$0xFFFFFFF0]  }
0x20c: {  	v53 =	vshrl.u32 v27, $0x5;
	v54 =	vand.u32 $0x807F, v27;
	v55 =	vshrl.u32 v28, $0x5;
	v23 =	vld [tilespmem:s26+$0x0]  }
0x20d: {  	v56 =	vand.u32 $0x807F, v28;
	v34 =	vshrl.u32 v29, $0x5;
	v57 =	vand.u32 $0x807F, v29;
	v24 =	vld [tilespmem:s26+$0x10]  }
0x20e: {  	v58 =	vand.u32 $0x807F, v18;
	v33 =	vshrl.u32 v18, $0x5;
	v32 =	vshrl.u32 v17, $0x5;
	v25 =	vld [tilespmem:s26+$0x20]  }
0x20f: {  	vm8 =	vmand vm8, vm11;
	v39 =	vor.u32 v35, v39;
	v35 =	vand.u32 $0x807F, v17  }
0x210: {  	vm15 =	vmand vm9, vm10;
	vm12 =	vmand vm12, vm14;
	v41 =	vor.u32 v36, v40  }
0x211: {  	v36 =	vor.u32 v38, v56;
	v40 =	vor.u32 v37, v54;
	vm14 =	vmand vm13, vm1  }
.Ltmp16:
0x212: {  	v38 =	vor.u32 v44, v57;
	vm9 =	vmand vm3, vm5;
	vm13 =	vmand vm0, vm2;
	(pc) =	sbr.rel @p0 .LBB2_23-.Ltmp16, $4  }
0x213: {  	v37 =	vor.u32 v49, v58;
	vm10 =	vmand vm4, vm6;
	v35 =	vor.u32 v51, v35  }
0x214: {  	v44 =	vand.u32 $0x380, v50;
	vm4 =	vne.s32 v42, v43;
	vm2 =	vne.s32 v26, v45  }
0x215: {  	v45 =	vand.u32 $0x380, v52;
	v42 =	vand.u32 $0x380, v53;
	vm0 =	vne.s32 v27, v46  }
0x216: {  	v43 =	vand.u32 $0x380, v55;
	s29 =	sadd.s32 $0x80, s29;
	vm3 =	vne.s32 v28, v47;
	vm1 =	vne.s32 v29, v48  }
0x217: {  	vm4 =	vmand vm8, vm4  }
0x218: {  	v26 =	vor.u32 v44, v39;
	vm2 =	vmand vm15, vm2  }
0x219: {  	v27 =	vand.u32 $0x380, v34;
	v28 =	vor.u32 v45, v41;
	vm0 =	vmand vm12, vm0  }
0x21a: {  	vm5 =	vne.s32 v18, v31;
	v18 =	vor.u32 v42, v40;
	vm3 =	vmand vm14, vm3  }
0x21b: {  	v29 =	vand.u32 $0x380, v33;
	v62 =	vor.u32 v43, v36;
	vm1 =	vmand vm13, vm1  }
0x21c: {  	vm6 =	vne.s32 v17, v30;
	v17 =	vor.u32 v27, v38;
	vm5 =	vmand vm9, vm5  }
0x21d: {  	v63 =	vand.u32 $0x380, v32;
	s25 =	sadd.s32 $0x1, s25;
	v29 =	vor.u32 v29, v37;
	vm6 =	vmand vm10, vm6;
	[tilespmem:v26+s6+$0x0] =	vst.idx.msk vm4, v19  }
0x21e: {  	p0 =	sne.s32 s25, s24;
	v19 =	vor.u32 v63, v35;
	[tilespmem:v28+s6+$0x0] =	vst.idx.msk vm2, v20  }
.Ltmp17:
0x21f: {  	[tilespmem:v18+s6+$0x0] =	vst.idx.msk vm0, v21;
	(pc) =	sbr.rel @p0 .LBB2_22-.Ltmp17, $4  }
0x220: {  	[tilespmem:v62+s6+$0x0] =	vst.idx.msk vm3, v22  }
0x221: {  	[tilespmem:v17+s6+$0x0] =	vst.idx.msk vm1, v23  }
0x222: {  	[tilespmem:v29+s6+$0x0] =	vst.idx.msk vm5, v24  }
0x223: {  	[tilespmem:v19+s6+$0x0] =	vst.idx.msk vm6, v25  }
.LBB2_25:
0x224: {  	s23 =	simm.s32 $0x0;
	s24 =	simm.s32 $0x0;
	s26 =	simm.s32 $0x0  }
0x225: {  	[hbm4b:s11+s23] =	stream.linear.scatter [tilespmem:s23], [sflag:$0x1], $0x10000, $0x38;
	[tilespmem:$0x14280] =	vst v63  }
0x226: {  	s24 =	sand.u32 $0x8000, s24;
	s25 =	sand.u32 $0x7C00, s23;
	_ =	swait.ge [sflag:s18], $0x10000  }
0x227: {  	s26 =	sand.u32 $0x380, s26;
	s24 =	sor.u32 s25, s24;
	[sflag:s18] =	ssyncset.done $0x0  }
0x228: {  	s24 =	sor.u32 s26, s24;
	[sflag:s18] =	ssyncadd.s32 $0xFFFF0000  }
0x229: {  	[tilespmem:s24+$0x70] =	vst v16  }
0x22a: {  	[tilespmem:s24+$0x0] =	vst v16  }
0x22b: {  	s25 =	simm.s32 $0x0;
	[tilespmem:s24+$0x10] =	vst v16  }
.LBB2_26:
0x22c: {  	s25 =	sadd.s32 $0x8, s25;
	[tilespmem:s24+$0x20] =	vst v16  }
0x22d: {  	s23 =	sadd.s32 $0x400, s23;
	s26 =	sshll.u32 s25, $0x4;
	p0 =	slt.u32 s25, $0xFF8;
	[tilespmem:s24+$0x30] =	vst v16  }
0x22e: {  	s28 =	sand.u32 $0x7C00, s23;
	s29 =	sshrl.u32 s25, $0x1;
	s26 =	sand.u32 $0x8000, s26;
	[tilespmem:s24+$0x40] =	vst v16  }
.Ltmp18:
0x22f: {  	s29 =	sand.u32 $0x380, s29;
	s26 =	sor.u32 s28, s26;
	[tilespmem:s24+$0x50] =	vst v16;
	(pc) =	sbr.rel @p0 .LBB2_26-.Ltmp18, $4  }
0x230: {  	[tilespmem:s24+$0x60] =	vst v16;
	s24 =	sor.u32 s29, s26  }
0x231: {  	[tilespmem:s24+$0x70] =	vst v16  }
0x232: {  	[tilespmem:s24+$0x0] =	vst v16  }
0x233: {  	[tilespmem:s24+$0x10] =	vst v16  }
0x234: {  	[tilespmem:s24+$0x20] =	vst v16  }
0x235: {  	[tilespmem:s24+$0x30] =	vst v16  }
0x236: {  	[tilespmem:s24+$0x40] =	vst v16  }
0x237: {  	[tilespmem:s24+$0x50] =	vst v16  }
0x238: {  	[tilespmem:s24+$0x60] =	vst v16  }
0x239: {  	v19 =	vld [tilespmem:$0x1FFC0]  }
0x23a: {  	v17 =	vld [tilespmem:s7+$0x14080]  }
0x23b: {  	v18 =	vld [tilespmem:s7+$0x14180];
	_ =	sdelay $0x2  }
0x23c: {  	vm0 =	vnez.u8 v19  }
0x23d: {  	v17 =	vnsel vm0, $0x0, v17  }
0x23e: {  	(xrf0) =	vadd.scan.msk.s32 $0xffff, v17;
	v17 =	vnsel vm0, $0x0, v18  }
0x23f: {  	(xrf0) =	vadd.scan.msk.s32 $0xffff, v17;
	_ =	sdelay $0x4  }
0x240: {  	v17, _, _ =	vpop (xrf0)  }
0x241: {  	(v2sf) =	vpush v17, $0xF;
	v17, _, _ =	vpop (xrf0)  }
0x242: {  	(v2sf) =	vpush v17, $0xF;
	_ =	sdelay $0xd  }
0x243: {  	s23 =	spop (v2sf)  }
0x244: {  	s24 =	spop (v2sf)  }
0x245: {  	p0 =	slt.s32 s24, $0x1  }
.Ltmp19:
0x246: {  	_ = 	snop;
	(pc) =	sbr.rel @p0 .LBB2_31-.Ltmp19, $2  }
0x247: {  	_ =	sdelay $0x2  }
0x248: {  	s25 =	simm.s32 $0x0  }
.LBB2_28:
0x249: {  	s26 =	sshll.u32 s25, $0xD  }
0x24a: {  	s26 =	sadd.s32 s23, s26  }
0x24b: {  	s26 =	sshrl.u32 s26, $0x3  }
0x24c: {  	s28 =	sadd.s32 s1, s26  }
0x24d: {  	[tilespmem:s20], [sflag:$0x1] =	stream.linear.gather [hbm4b:s28+s6], $0x2010, $0x38;
	[tilespmem:$0x14280] =	vst v63  }
0x24e: {  	_ =	swait.ge [sflag:s18], $0x2010  }
0x24f: {  	[sflag:s18] =	ssyncset.done $0x0  }
0x250: {  	s26 =	sadd.s32 s2, s26;
	[sflag:s18] =	ssyncadd.s32 $0xFFFFDFF0  }
0x251: {  	[tilespmem:s21], [sflag:$0x1] =	stream.linear.gather [hbm4b:s26+s6], $0x2000, $0x38;
	[tilespmem:$0x14280] =	vst v63  }
0x252: {  	_ =	swait.ge [sflag:s18], $0x2000  }
0x253: {  	[sflag:s18] =	ssyncset.done $0x0  }
0x254: {  	s28 =	simm.s32 $0x10040;
	[sflag:s18] =	ssyncadd.s32 $0xFFFFE000  }
0x255: {  	v17 =	vld [tilespmem:s28+$0x31]  }
0x256: {  	v19 =	vld [tilespmem:s28+$0x30]  }
0x257: {  	v24 =	vld [tilespmem:s28+$0xFFFFFFD0]  }
0x258: {  	v25 =	vld [tilespmem:s28+$0xFFFFFFE0]  }
0x259: {  	v18 =	vld [tilespmem:s28+$0x10]  }
0x25a: {  	v28 =	vld [tilespmem:s28+$0xFFFFFFC0]  }
0x25b: {  	v26 =	vld [tilespmem:s28+$0xFFFFFFF0]  }
0x25c: {  	v27 =	vld [tilespmem:s28+$0x0];
	vm0 =	vne.s32 v19, v17;
	v20 =	vshrl.u32 v19, $0x5  }
0x25d: {  	vm1 =	vge.s32 v19, v8;
	vm2 =	vlt.s32 v19, v9;
	v21 =	vshll.u32 v19, $0x3  }
0x25e: {  	v19 =	vand.u32 $0x807F, v19;
	v22 =	vshll.u32 v25, $0x3;
	v23 =	vshll.u32 v18, $0x3  }
0x25f: {  	vm12 =	vge.s32 v24, v8;
	vm13 =	vlt.s32 v24, v9;
	vm8 =	vlt.s32 v28, v9  }
0x260: {  	v31 =	vshll.u32 v28, $0x3;
	vm5 =	vlt.s32 v25, v9;
	vm3 =	vge.s32 v26, v8  }
0x261: {  	vm9 =	vlt.s32 v26, v9;
	vm4 =	vge.s32 v27, v8;
	vm6 =	vlt.s32 v27, v9  }
0x262: {  	vm10 =	vge.s32 v18, v8;
	v44 =	vshrl.u32 v28, $0x5;
	v48 =	vshrl.u32 v24, $0x5  }
0x263: {  	v50 =	vshrl.u32 v25, $0x5;
	v38 =	vand.u32 $0x807F, v25;
	v52 =	vshrl.u32 v26, $0x5  }
0x264: {  	v42 =	vld [tilespmem:s28+$0xFFFFFFC1];
	v53 =	vand.u32 $0x807F, v26;
	v34 =	vshrl.u32 v27, $0x5;
	v54 =	vand.u32 $0x807F, v27  }
0x265: {  	v49 =	vld [tilespmem:s28+$0xFFFFFFF1];
	v33 =	vshrl.u32 v18, $0x5;
	v55 =	vand.u32 $0x807F, v18;
	vm1 =	vmand vm1, vm2  }
0x266: {  	v21 =	vand.u32 $0x7C00, v21;
	v20 =	vand.u32 $0x380, v20;
	v35 =	vand.u32 $0x7C00, v31  }
0x267: {  	v45 =	vld [tilespmem:s28+$0xFFFFFFD1];
	vm2 =	vge.s32 v25, v8;
	v22 =	vand.u32 $0x7C00, v22;
	v23 =	vand.u32 $0x7C00, v23  }
0x268: {  	s26 =	simm.s32 $0x120C0;
	vm15 =	vmand vm12, vm13;
	vm14 =	vmand vm3, vm9;
	vm13 =	vmand vm4, vm6  }
0x269: {  	v43 =	vld [tilespmem:s26+$0x30];
	vm4 =	vne.s32 v28, v42;
	v44 =	vand.u32 $0x380, v44;
	v42 =	vand.u32 $0x380, v50  }
0x26a: {  	v46 =	vld [tilespmem:s28+$0xFFFFFFE1];
	vm3 =	vne.s32 v26, v49;
	vm11 =	vmand vm1, vm0;
	v19 =	vor.u32 v21, v19  }
0x26b: {  	v51 =	vld [tilespmem:s28+$0x1];
	v21 =	vshll.u32 v24, $0x3;
	vm1 =	vge.s32 v28, v8;
	vm0 =	vlt.s32 v18, v9  }
0x26c: {  	v17 =	vld [tilespmem:s28+$0x20];
	vm12 =	vmand vm2, vm5;
	v40 =	vor.u32 v22, v38;
	vm2 =	vne.s32 v24, v45  }
0x26d: {  	v31 =	vld [tilespmem:s28+$0x11];
	v45 =	vand.u32 $0x380, v48;
	v29 =	vor.u32 v20, v19;
	v19 =	vshll.u32 v26, $0x3  }
0x26e: {  	v22 =	vld [tilespmem:s26+$0xFFFFFFF0];
	v20 =	vshll.u32 v27, $0x3;
	v21 =	vand.u32 $0x7C00, v21;
	vm8 =	vmand vm1, vm8  }
0x26f: {  	vm9 =	vmand vm10, vm0;
	vm0 =	vne.s32 v25, v46;
	v25 =	vld [tilespmem:s26+$0x20];
	v36 =	vand.u32 $0x7C00, v19  }
0x270: {  	v37 =	vand.u32 $0x7C00, v20;
	v19 =	vand.u32 $0x807F, v28;
	v20 =	vand.u32 $0x807F, v24;
	v24 =	vld [tilespmem:s26+$0x10]  }
0x271: {  	v30 =	vshll.u32 v17, $0x3;
	vm7 =	vge.s32 v17, v8;
	v39 =	vor.u32 v35, v19;
	v19 =	vld [tilespmem:s26+$0xFFFFFFC0]  }
0x272: {  	vm1 =	vlt.s32 v17, v9;
	v32 =	vshrl.u32 v17, $0x5;
	v47 =	vand.u32 $0x7C00, v30;
	v30 =	vld [tilespmem:s28+$0x21]  }
0x273: {  	v63 =	vand.u32 $0x807F, v17;
	v41 =	vor.u32 v21, v20;
	v20 =	vld [tilespmem:s26+$0xFFFFFFD0];
	v36 =	vor.u32 v36, v53  }
0x274: {  	v21 =	vld [tilespmem:s26+$0xFFFFFFE0];
	v38 =	vor.u32 v37, v54;
	v37 =	vor.u32 v23, v55;
	vm10 =	vmand vm7, vm1  }
0x275: {  	s29 =	simm.s32 $0x100C0;
	v23 =	vld [tilespmem:s26+$0x0];
	s28 =	simm.s32 $0x0;
	vm1 =	vne.s32 v27, v51;
	v35 =	vor.u32 v47, v63;
	[tilespmem:v29+s6+$0x0] =	vst.idx.msk vm11, v43;
	v43 =	vand.u32 $0x380, v52  }
.LBB2_29:
0x276: {  	v46 =	vld [tilespmem:s29+$0x31];
	v29 =	vand.u32 $0x380, v34;
	vm7 =	vne.s32 v18, v31;
	v18 =	vand.u32 $0x380, v33  }
0x277: {  	vm4 =	vmand vm8, vm4;
	vm8 =	vne.s32 v17, v30;
	v17 =	vand.u32 $0x380, v32;
	v31 =	vld [tilespmem:s29+$0x30]  }
0x278: {  	s28 =	sadd.s32 $0x8, s28;
	v30 =	vor.u32 v44, v39;
	vm6 =	vmand vm15, vm2;
	v32 =	vor.u32 v45, v41;
	v26 =	vld [tilespmem:s29+$0xFFFFFFD0]  }
0x279: {  	vm5 =	vmand vm12, vm0;
	v33 =	vor.u32 v42, v40;
	vm3 =	vmand vm14, vm3;
	p0 =	slt.u32 s28, $0x1F8;
	v27 =	vld [tilespmem:s29+$0xFFFFFFE0]  }
0x27a: {  	v34 =	vor.u32 v43, v36;
	vm2 =	vmand vm13, vm1;
	v36 =	vor.u32 v29, v38;
	v28 =	vld [tilespmem:s29+$0xFFFFFFF0]  }
0x27b: {  	vm1 =	vmand vm9, vm7;
	v37 =	vor.u32 v18, v37;
	vm0 =	vmand vm10, vm8;
	v29 =	vld [tilespmem:s29+$0x0]  }
0x27c: {  	v35 =	vor.u32 v17, v35;
	v18 =	vld [tilespmem:s29+$0x10];
	vm7 =	vne.s32 v31, v46;
	v38 =	vshrl.u32 v31, $0x5  }
0x27d: {  	vm8 =	vge.s32 v31, v8;
	vm9 =	vlt.s32 v31, v9;
	v39 =	vshll.u32 v31, $0x3;
	v17 =	vld [tilespmem:s29+$0x20];
	[tilespmem:v30+s6+$0x0] =	vst.idx.msk vm4, v19  }
0x27e: {  	vm4 =	vmand vm8, vm9;
	v19 =	vand.u32 $0x7C00, v39;
	v30 =	vand.u32 $0x807F, v31;
	v42 =	vld [tilespmem:s29+$0xFFFFFFC0];
	[tilespmem:v32+s6+$0x0] =	vst.idx.msk vm6, v20  }
0x27f: {  	s26 =	sadd.s32 $0x80, s26;
	vm4 =	vmand vm4, vm7;
	v20 =	vand.u32 $0x380, v38;
	v19 =	vor.u32 v19, v30;
	v43 =	vld [tilespmem:s29+$0xFFFFFFC1];
	[tilespmem:v33+s6+$0x0] =	vst.idx.msk vm5, v21  }
0x280: {  	v30 =	vshll.u32 v27, $0x3;
	v21 =	vshll.u32 v26, $0x3;
	v19 =	vor.u32 v20, v19;
	v32 =	vld [tilespmem:s26+$0x30];
	[tilespmem:v34+s6+$0x0] =	vst.idx.msk vm3, v22  }
0x281: {  	v20 =	vshll.u32 v28, $0x3;
	v22 =	vshll.u32 v29, $0x3;
	v45 =	vld [tilespmem:s29+$0xFFFFFFD1];
	v33 =	vshll.u32 v18, $0x3;
	[tilespmem:v36+s6+$0x0] =	vst.idx.msk vm2, v23  }
0x282: {  	vm9 =	vge.s32 v26, v8;
	vm10 =	vlt.s32 v26, v9;
	v46 =	vld [tilespmem:s29+$0xFFFFFFE1];
	v23 =	vshll.u32 v17, $0x3;
	[tilespmem:v37+s6+$0x0] =	vst.idx.msk vm1, v24  }
0x283: {  	vm8 =	vge.s32 v42, v8;
	vm11 =	vlt.s32 v42, v9;
	v24 =	vshll.u32 v42, $0x3;
	v47 =	vld [tilespmem:s29+$0xFFFFFFF1];
	[tilespmem:v35+s6+$0x0] =	vst.idx.msk vm0, v25  }
0x284: {  	vm12 =	vge.s32 v27, v8;
	v36 =	vand.u32 $0x7C00, v21;
	v35 =	vand.u32 $0x7C00, v24;
	v48 =	vld [tilespmem:s29+$0x1]  }
0x285: {  	vm14 =	vlt.s32 v27, v9;
	vm13 =	vge.s32 v28, v8;
	v37 =	vand.u32 $0x7C00, v30;
	v31 =	vld [tilespmem:s29+$0x11];
	[tilespmem:v19+s6+$0x0] =	vst.idx.msk vm4, v32  }
0x286: {  	v38 =	vand.u32 $0x7C00, v20;
	vm1 =	vlt.s32 v28, v9;
	vm0 =	vge.s32 v29, v8;
	v30 =	vld [tilespmem:s29+$0x21]  }
0x287: {  	vm2 =	vlt.s32 v29, v9;
	v44 =	vand.u32 $0x7C00, v22;
	vm3 =	vge.s32 v18, v8;
	v19 =	vld [tilespmem:s26+$0xFFFFFFC0]  }
0x288: {  	vm5 =	vlt.s32 v18, v9;
	v49 =	vand.u32 $0x7C00, v33;
	vm4 =	vge.s32 v17, v8;
	v20 =	vld [tilespmem:s26+$0xFFFFFFD0]  }
0x289: {  	vm6 =	vlt.s32 v17, v9;
	v50 =	vshrl.u32 v42, $0x5;
	v51 =	vand.u32 $0x7C00, v23;
	v21 =	vld [tilespmem:s26+$0xFFFFFFE0]  }
0x28a: {  	v52 =	vshrl.u32 v26, $0x5;
	v40 =	vand.u32 $0x807F, v26;
	v39 =	vand.u32 $0x807F, v42;
	v22 =	vld [tilespmem:s26+$0xFFFFFFF0]  }
0x28b: {  	v53 =	vshrl.u32 v27, $0x5;
	v54 =	vand.u32 $0x807F, v27;
	v55 =	vshrl.u32 v28, $0x5;
	v23 =	vld [tilespmem:s26+$0x0]  }
0x28c: {  	v56 =	vand.u32 $0x807F, v28;
	v34 =	vshrl.u32 v29, $0x5;
	v57 =	vand.u32 $0x807F, v29;
	v24 =	vld [tilespmem:s26+$0x10]  }
0x28d: {  	v58 =	vand.u32 $0x807F, v18;
	v33 =	vshrl.u32 v18, $0x5;
	v32 =	vshrl.u32 v17, $0x5;
	v25 =	vld [tilespmem:s26+$0x20]  }
0x28e: {  	vm8 =	vmand vm8, vm11;
	v39 =	vor.u32 v35, v39;
	v35 =	vand.u32 $0x807F, v17  }
0x28f: {  	vm15 =	vmand vm9, vm10;
	vm12 =	vmand vm12, vm14;
	v41 =	vor.u32 v36, v40  }
0x290: {  	v36 =	vor.u32 v38, v56;
	v40 =	vor.u32 v37, v54;
	vm14 =	vmand vm13, vm1  }
.Ltmp20:
0x291: {  	v38 =	vor.u32 v44, v57;
	vm9 =	vmand vm3, vm5;
	vm13 =	vmand vm0, vm2;
	(pc) =	sbr.rel @p0 .LBB2_29-.Ltmp20, $4  }
0x292: {  	v37 =	vor.u32 v49, v58;
	vm10 =	vmand vm4, vm6;
	v35 =	vor.u32 v51, v35  }
0x293: {  	v44 =	vand.u32 $0x380, v50;
	vm4 =	vne.s32 v42, v43;
	vm2 =	vne.s32 v26, v45  }
0x294: {  	v45 =	vand.u32 $0x380, v52;
	v42 =	vand.u32 $0x380, v53;
	vm0 =	vne.s32 v27, v46  }
0x295: {  	v43 =	vand.u32 $0x380, v55;
	s29 =	sadd.s32 $0x80, s29;
	vm3 =	vne.s32 v28, v47;
	vm1 =	vne.s32 v29, v48  }
0x296: {  	vm4 =	vmand vm8, vm4  }
0x297: {  	v26 =	vor.u32 v44, v39;
	vm2 =	vmand vm15, vm2  }
0x298: {  	v27 =	vand.u32 $0x380, v34;
	v28 =	vor.u32 v45, v41;
	vm0 =	vmand vm12, vm0  }
0x299: {  	vm5 =	vne.s32 v18, v31;
	v18 =	vor.u32 v42, v40;
	vm3 =	vmand vm14, vm3  }
0x29a: {  	v29 =	vand.u32 $0x380, v33;
	v62 =	vor.u32 v43, v36;
	vm1 =	vmand vm13, vm1  }
0x29b: {  	vm6 =	vne.s32 v17, v30;
	v17 =	vor.u32 v27, v38;
	vm5 =	vmand vm9, vm5  }
0x29c: {  	v63 =	vand.u32 $0x380, v32;
	s25 =	sadd.s32 $0x1, s25;
	v29 =	vor.u32 v29, v37;
	vm6 =	vmand vm10, vm6;
	[tilespmem:v26+s6+$0x0] =	vst.idx.msk vm4, v19  }
0x29d: {  	p0 =	sne.s32 s25, s24;
	v19 =	vor.u32 v63, v35;
	[tilespmem:v28+s6+$0x0] =	vst.idx.msk vm2, v20  }
.Ltmp21:
0x29e: {  	[tilespmem:v18+s6+$0x0] =	vst.idx.msk vm0, v21;
	(pc) =	sbr.rel @p0 .LBB2_28-.Ltmp21, $4  }
0x29f: {  	[tilespmem:v62+s6+$0x0] =	vst.idx.msk vm3, v22  }
0x2a0: {  	[tilespmem:v17+s6+$0x0] =	vst.idx.msk vm1, v23  }
0x2a1: {  	[tilespmem:v29+s6+$0x0] =	vst.idx.msk vm5, v24  }
0x2a2: {  	[tilespmem:v19+s6+$0x0] =	vst.idx.msk vm6, v25  }
.LBB2_31:
0x2a3: {  	s23 =	simm.s32 $0x0;
	s24 =	simm.s32 $0x0;
	s26 =	simm.s32 $0x0  }
0x2a4: {  	[hbm4b:s12+s23] =	stream.linear.scatter [tilespmem:s23], [sflag:$0x1], $0x10000, $0x38;
	[tilespmem:$0x14280] =	vst v63  }
0x2a5: {  	s24 =	sand.u32 $0x8000, s24;
	s25 =	sand.u32 $0x7C00, s23;
	_ =	swait.ge [sflag:s18], $0x10000  }
0x2a6: {  	s26 =	sand.u32 $0x380, s26;
	s24 =	sor.u32 s25, s24;
	[sflag:s18] =	ssyncset.done $0x0  }
0x2a7: {  	s24 =	sor.u32 s26, s24;
	[sflag:s18] =	ssyncadd.s32 $0xFFFF0000  }
0x2a8: {  	[tilespmem:s24+$0x70] =	vst v16  }
0x2a9: {  	[tilespmem:s24+$0x0] =	vst v16  }
0x2aa: {  	s25 =	simm.s32 $0x0;
	[tilespmem:s24+$0x10] =	vst v16  }
.LBB2_32:
0x2ab: {  	s25 =	sadd.s32 $0x8, s25;
	[tilespmem:s24+$0x20] =	vst v16  }
0x2ac: {  	s23 =	sadd.s32 $0x400, s23;
	s26 =	sshll.u32 s25, $0x4;
	p0 =	slt.u32 s25, $0xFF8;
	[tilespmem:s24+$0x30] =	vst v16  }
0x2ad: {  	s28 =	sand.u32 $0x7C00, s23;
	s29 =	sshrl.u32 s25, $0x1;
	s26 =	sand.u32 $0x8000, s26;
	[tilespmem:s24+$0x40] =	vst v16  }
.Ltmp22:
0x2ae: {  	s29 =	sand.u32 $0x380, s29;
	s26 =	sor.u32 s28, s26;
	[tilespmem:s24+$0x50] =	vst v16;
	(pc) =	sbr.rel @p0 .LBB2_32-.Ltmp22, $4  }
0x2af: {  	[tilespmem:s24+$0x60] =	vst v16;
	s24 =	sor.u32 s29, s26  }
0x2b0: {  	[tilespmem:s24+$0x70] =	vst v16  }
0x2b1: {  	[tilespmem:s24+$0x0] =	vst v16  }
0x2b2: {  	[tilespmem:s24+$0x10] =	vst v16  }
0x2b3: {  	[tilespmem:s24+$0x20] =	vst v16  }
0x2b4: {  	[tilespmem:s24+$0x30] =	vst v16  }
0x2b5: {  	[tilespmem:s24+$0x40] =	vst v16  }
0x2b6: {  	[tilespmem:s24+$0x50] =	vst v16  }
0x2b7: {  	[tilespmem:s24+$0x60] =	vst v16  }
0x2b8: {  	v19 =	vld [tilespmem:$0x1FFD0]  }
0x2b9: {  	v17 =	vld [tilespmem:s7+$0x14080]  }
0x2ba: {  	v18 =	vld [tilespmem:s7+$0x14180];
	_ =	sdelay $0x2  }
0x2bb: {  	vm0 =	vnez.u8 v19  }
0x2bc: {  	v17 =	vnsel vm0, $0x0, v17  }
0x2bd: {  	(xrf0) =	vadd.scan.msk.s32 $0xffff, v17;
	v17 =	vnsel vm0, $0x0, v18  }
0x2be: {  	(xrf0) =	vadd.scan.msk.s32 $0xffff, v17;
	_ =	sdelay $0x4  }
0x2bf: {  	v17, _, _ =	vpop (xrf0)  }
0x2c0: {  	(v2sf) =	vpush v17, $0xF;
	v17, _, _ =	vpop (xrf0)  }
0x2c1: {  	(v2sf) =	vpush v17, $0xF;
	_ =	sdelay $0xd  }
0x2c2: {  	s23 =	spop (v2sf)  }
0x2c3: {  	s24 =	spop (v2sf)  }
0x2c4: {  	p0 =	slt.s32 s24, $0x1  }
.Ltmp23:
0x2c5: {  	_ = 	snop;
	(pc) =	sbr.rel @p0 .LBB2_37-.Ltmp23, $2  }
0x2c6: {  	_ =	sdelay $0x2  }
0x2c7: {  	s25 =	simm.s32 $0x0  }
.LBB2_34:
0x2c8: {  	s26 =	sshll.u32 s25, $0xD  }
0x2c9: {  	s26 =	sadd.s32 s23, s26  }
0x2ca: {  	s26 =	sshrl.u32 s26, $0x3  }
0x2cb: {  	s28 =	sadd.s32 s1, s26  }
0x2cc: {  	[tilespmem:s20], [sflag:$0x1] =	stream.linear.gather [hbm4b:s28+s6], $0x2010, $0x38;
	[tilespmem:$0x14280] =	vst v63  }
0x2cd: {  	_ =	swait.ge [sflag:s18], $0x2010  }
0x2ce: {  	[sflag:s18] =	ssyncset.done $0x0  }
0x2cf: {  	s26 =	sadd.s32 s2, s26;
	[sflag:s18] =	ssyncadd.s32 $0xFFFFDFF0  }
0x2d0: {  	[tilespmem:s21], [sflag:$0x1] =	stream.linear.gather [hbm4b:s26+s6], $0x2000, $0x38;
	[tilespmem:$0x14280] =	vst v63  }
0x2d1: {  	_ =	swait.ge [sflag:s18], $0x2000  }
0x2d2: {  	[sflag:s18] =	ssyncset.done $0x0  }
0x2d3: {  	s28 =	simm.s32 $0x10040;
	[sflag:s18] =	ssyncadd.s32 $0xFFFFE000  }
0x2d4: {  	v17 =	vld [tilespmem:s28+$0x31]  }
0x2d5: {  	v19 =	vld [tilespmem:s28+$0x30]  }
0x2d6: {  	v24 =	vld [tilespmem:s28+$0xFFFFFFD0]  }
0x2d7: {  	v25 =	vld [tilespmem:s28+$0xFFFFFFE0]  }
0x2d8: {  	v18 =	vld [tilespmem:s28+$0x10]  }
0x2d9: {  	v28 =	vld [tilespmem:s28+$0xFFFFFFC0]  }
0x2da: {  	v26 =	vld [tilespmem:s28+$0xFFFFFFF0]  }
0x2db: {  	v27 =	vld [tilespmem:s28+$0x0];
	vm0 =	vne.s32 v19, v17;
	v20 =	vshrl.u32 v19, $0x5  }
0x2dc: {  	vm1 =	vge.s32 v19, v10;
	vm2 =	vlt.s32 v19, v11;
	v21 =	vshll.u32 v19, $0x3  }
0x2dd: {  	v19 =	vand.u32 $0x807F, v19;
	v22 =	vshll.u32 v25, $0x3;
	v23 =	vshll.u32 v18, $0x3  }
0x2de: {  	vm12 =	vge.s32 v24, v10;
	vm13 =	vlt.s32 v24, v11;
	vm8 =	vlt.s32 v28, v11  }
0x2df: {  	v31 =	vshll.u32 v28, $0x3;
	vm5 =	vlt.s32 v25, v11;
	vm3 =	vge.s32 v26, v10  }
0x2e0: {  	vm9 =	vlt.s32 v26, v11;
	vm4 =	vge.s32 v27, v10;
	vm6 =	vlt.s32 v27, v11  }
0x2e1: {  	vm10 =	vge.s32 v18, v10;
	v44 =	vshrl.u32 v28, $0x5;
	v48 =	vshrl.u32 v24, $0x5  }
0x2e2: {  	v50 =	vshrl.u32 v25, $0x5;
	v38 =	vand.u32 $0x807F, v25;
	v52 =	vshrl.u32 v26, $0x5  }
0x2e3: {  	v42 =	vld [tilespmem:s28+$0xFFFFFFC1];
	v53 =	vand.u32 $0x807F, v26;
	v34 =	vshrl.u32 v27, $0x5;
	v54 =	vand.u32 $0x807F, v27  }
0x2e4: {  	v49 =	vld [tilespmem:s28+$0xFFFFFFF1];
	v33 =	vshrl.u32 v18, $0x5;
	v55 =	vand.u32 $0x807F, v18;
	vm1 =	vmand vm1, vm2  }
0x2e5: {  	v21 =	vand.u32 $0x7C00, v21;
	v20 =	vand.u32 $0x380, v20;
	v35 =	vand.u32 $0x7C00, v31  }
0x2e6: {  	v45 =	vld [tilespmem:s28+$0xFFFFFFD1];
	vm2 =	vge.s32 v25, v10;
	v22 =	vand.u32 $0x7C00, v22;
	v23 =	vand.u32 $0x7C00, v23  }
0x2e7: {  	s26 =	simm.s32 $0x120C0;
	vm15 =	vmand vm12, vm13;
	vm14 =	vmand vm3, vm9;
	vm13 =	vmand vm4, vm6  }
0x2e8: {  	v43 =	vld [tilespmem:s26+$0x30];
	vm4 =	vne.s32 v28, v42;
	v44 =	vand.u32 $0x380, v44;
	v42 =	vand.u32 $0x380, v50  }
0x2e9: {  	v46 =	vld [tilespmem:s28+$0xFFFFFFE1];
	vm3 =	vne.s32 v26, v49;
	vm11 =	vmand vm1, vm0;
	v19 =	vor.u32 v21, v19  }
0x2ea: {  	v51 =	vld [tilespmem:s28+$0x1];
	v21 =	vshll.u32 v24, $0x3;
	vm1 =	vge.s32 v28, v10;
	vm0 =	vlt.s32 v18, v11  }
0x2eb: {  	v17 =	vld [tilespmem:s28+$0x20];
	vm12 =	vmand vm2, vm5;
	v40 =	vor.u32 v22, v38;
	vm2 =	vne.s32 v24, v45  }
0x2ec: {  	v31 =	vld [tilespmem:s28+$0x11];
	v45 =	vand.u32 $0x380, v48;
	v29 =	vor.u32 v20, v19;
	v19 =	vshll.u32 v26, $0x3  }
0x2ed: {  	v22 =	vld [tilespmem:s26+$0xFFFFFFF0];
	v20 =	vshll.u32 v27, $0x3;
	v21 =	vand.u32 $0x7C00, v21;
	vm8 =	vmand vm1, vm8  }
0x2ee: {  	vm9 =	vmand vm10, vm0;
	vm0 =	vne.s32 v25, v46;
	v25 =	vld [tilespmem:s26+$0x20];
	v36 =	vand.u32 $0x7C00, v19  }
0x2ef: {  	v37 =	vand.u32 $0x7C00, v20;
	v19 =	vand.u32 $0x807F, v28;
	v20 =	vand.u32 $0x807F, v24;
	v24 =	vld [tilespmem:s26+$0x10]  }
0x2f0: {  	v30 =	vshll.u32 v17, $0x3;
	vm7 =	vge.s32 v17, v10;
	v39 =	vor.u32 v35, v19;
	v19 =	vld [tilespmem:s26+$0xFFFFFFC0]  }
0x2f1: {  	vm1 =	vlt.s32 v17, v11;
	v32 =	vshrl.u32 v17, $0x5;
	v47 =	vand.u32 $0x7C00, v30;
	v30 =	vld [tilespmem:s28+$0x21]  }
0x2f2: {  	v63 =	vand.u32 $0x807F, v17;
	v41 =	vor.u32 v21, v20;
	v20 =	vld [tilespmem:s26+$0xFFFFFFD0];
	v36 =	vor.u32 v36, v53  }
0x2f3: {  	v21 =	vld [tilespmem:s26+$0xFFFFFFE0];
	v38 =	vor.u32 v37, v54;
	v37 =	vor.u32 v23, v55;
	vm10 =	vmand vm7, vm1  }
0x2f4: {  	s29 =	simm.s32 $0x100C0;
	v23 =	vld [tilespmem:s26+$0x0];
	s28 =	simm.s32 $0x0;
	vm1 =	vne.s32 v27, v51;
	v35 =	vor.u32 v47, v63;
	[tilespmem:v29+s6+$0x0] =	vst.idx.msk vm11, v43;
	v43 =	vand.u32 $0x380, v52  }
.LBB2_35:
0x2f5: {  	v46 =	vld [tilespmem:s29+$0x31];
	v29 =	vand.u32 $0x380, v34;
	vm7 =	vne.s32 v18, v31;
	v18 =	vand.u32 $0x380, v33  }
0x2f6: {  	vm4 =	vmand vm8, vm4;
	vm8 =	vne.s32 v17, v30;
	v17 =	vand.u32 $0x380, v32;
	v31 =	vld [tilespmem:s29+$0x30]  }
0x2f7: {  	s28 =	sadd.s32 $0x8, s28;
	v30 =	vor.u32 v44, v39;
	vm6 =	vmand vm15, vm2;
	v32 =	vor.u32 v45, v41;
	v26 =	vld [tilespmem:s29+$0xFFFFFFD0]  }
0x2f8: {  	vm5 =	vmand vm12, vm0;
	v33 =	vor.u32 v42, v40;
	vm3 =	vmand vm14, vm3;
	p0 =	slt.u32 s28, $0x1F8;
	v27 =	vld [tilespmem:s29+$0xFFFFFFE0]  }
0x2f9: {  	v34 =	vor.u32 v43, v36;
	vm2 =	vmand vm13, vm1;
	v36 =	vor.u32 v29, v38;
	v28 =	vld [tilespmem:s29+$0xFFFFFFF0]  }
0x2fa: {  	vm1 =	vmand vm9, vm7;
	v37 =	vor.u32 v18, v37;
	vm0 =	vmand vm10, vm8;
	v29 =	vld [tilespmem:s29+$0x0]  }
0x2fb: {  	v35 =	vor.u32 v17, v35;
	v18 =	vld [tilespmem:s29+$0x10];
	vm7 =	vne.s32 v31, v46;
	v38 =	vshrl.u32 v31, $0x5  }
0x2fc: {  	vm8 =	vge.s32 v31, v10;
	vm9 =	vlt.s32 v31, v11;
	v39 =	vshll.u32 v31, $0x3;
	v17 =	vld [tilespmem:s29+$0x20];
	[tilespmem:v30+s6+$0x0] =	vst.idx.msk vm4, v19  }
0x2fd: {  	vm4 =	vmand vm8, vm9;
	v19 =	vand.u32 $0x7C00, v39;
	v30 =	vand.u32 $0x807F, v31;
	v42 =	vld [tilespmem:s29+$0xFFFFFFC0];
	[tilespmem:v32+s6+$0x0] =	vst.idx.msk vm6, v20  }
0x2fe: {  	s26 =	sadd.s32 $0x80, s26;
	vm4 =	vmand vm4, vm7;
	v20 =	vand.u32 $0x380, v38;
	v19 =	vor.u32 v19, v30;
	v43 =	vld [tilespmem:s29+$0xFFFFFFC1];
	[tilespmem:v33+s6+$0x0] =	vst.idx.msk vm5, v21  }
0x2ff: {  	v30 =	vshll.u32 v27, $0x3;
	v21 =	vshll.u32 v26, $0x3;
	v19 =	vor.u32 v20, v19;
	v32 =	vld [tilespmem:s26+$0x30];
	[tilespmem:v34+s6+$0x0] =	vst.idx.msk vm3, v22  }
0x300: {  	v20 =	vshll.u32 v28, $0x3;
	v22 =	vshll.u32 v29, $0x3;
	v45 =	vld [tilespmem:s29+$0xFFFFFFD1];
	v33 =	vshll.u32 v18, $0x3;
	[tilespmem:v36+s6+$0x0] =	vst.idx.msk vm2, v23  }
0x301: {  	vm9 =	vge.s32 v26, v10;
	vm10 =	vlt.s32 v26, v11;
	v46 =	vld [tilespmem:s29+$0xFFFFFFE1];
	v23 =	vshll.u32 v17, $0x3;
	[tilespmem:v37+s6+$0x0] =	vst.idx.msk vm1, v24  }
0x302: {  	vm8 =	vge.s32 v42, v10;
	vm11 =	vlt.s32 v42, v11;
	v24 =	vshll.u32 v42, $0x3;
	v47 =	vld [tilespmem:s29+$0xFFFFFFF1];
	[tilespmem:v35+s6+$0x0] =	vst.idx.msk vm0, v25  }
0x303: {  	vm12 =	vge.s32 v27, v10;
	v36 =	vand.u32 $0x7C00, v21;
	v35 =	vand.u32 $0x7C00, v24;
	v48 =	vld [tilespmem:s29+$0x1]  }
0x304: {  	vm14 =	vlt.s32 v27, v11;
	vm13 =	vge.s32 v28, v10;
	v37 =	vand.u32 $0x7C00, v30;
	v31 =	vld [tilespmem:s29+$0x11];
	[tilespmem:v19+s6+$0x0] =	vst.idx.msk vm4, v32  }
0x305: {  	v38 =	vand.u32 $0x7C00, v20;
	vm1 =	vlt.s32 v28, v11;
	vm0 =	vge.s32 v29, v10;
	v30 =	vld [tilespmem:s29+$0x21]  }
0x306: {  	vm2 =	vlt.s32 v29, v11;
	v44 =	vand.u32 $0x7C00, v22;
	vm3 =	vge.s32 v18, v10;
	v19 =	vld [tilespmem:s26+$0xFFFFFFC0]  }
0x307: {  	vm5 =	vlt.s32 v18, v11;
	v49 =	vand.u32 $0x7C00, v33;
	vm4 =	vge.s32 v17, v10;
	v20 =	vld [tilespmem:s26+$0xFFFFFFD0]  }
0x308: {  	vm6 =	vlt.s32 v17, v11;
	v50 =	vshrl.u32 v42, $0x5;
	v51 =	vand.u32 $0x7C00, v23;
	v21 =	vld [tilespmem:s26+$0xFFFFFFE0]  }
0x309: {  	v52 =	vshrl.u32 v26, $0x5;
	v40 =	vand.u32 $0x807F, v26;
	v39 =	vand.u32 $0x807F, v42;
	v22 =	vld [tilespmem:s26+$0xFFFFFFF0]  }
0x30a: {  	v53 =	vshrl.u32 v27, $0x5;
	v54 =	vand.u32 $0x807F, v27;
	v55 =	vshrl.u32 v28, $0x5;
	v23 =	vld [tilespmem:s26+$0x0]  }
0x30b: {  	v56 =	vand.u32 $0x807F, v28;
	v34 =	vshrl.u32 v29, $0x5;
	v57 =	vand.u32 $0x807F, v29;
	v24 =	vld [tilespmem:s26+$0x10]  }
0x30c: {  	v58 =	vand.u32 $0x807F, v18;
	v33 =	vshrl.u32 v18, $0x5;
	v32 =	vshrl.u32 v17, $0x5;
	v25 =	vld [tilespmem:s26+$0x20]  }
0x30d: {  	vm8 =	vmand vm8, vm11;
	v39 =	vor.u32 v35, v39;
	v35 =	vand.u32 $0x807F, v17  }
0x30e: {  	vm15 =	vmand vm9, vm10;
	vm12 =	vmand vm12, vm14;
	v41 =	vor.u32 v36, v40  }
0x30f: {  	v36 =	vor.u32 v38, v56;
	v40 =	vor.u32 v37, v54;
	vm14 =	vmand vm13, vm1  }
.Ltmp24:
0x310: {  	v38 =	vor.u32 v44, v57;
	vm9 =	vmand vm3, vm5;
	vm13 =	vmand vm0, vm2;
	(pc) =	sbr.rel @p0 .LBB2_35-.Ltmp24, $4  }
0x311: {  	v37 =	vor.u32 v49, v58;
	vm10 =	vmand vm4, vm6;
	v35 =	vor.u32 v51, v35  }
0x312: {  	v44 =	vand.u32 $0x380, v50;
	vm4 =	vne.s32 v42, v43;
	vm2 =	vne.s32 v26, v45  }
0x313: {  	v45 =	vand.u32 $0x380, v52;
	v42 =	vand.u32 $0x380, v53;
	vm0 =	vne.s32 v27, v46  }
0x314: {  	v43 =	vand.u32 $0x380, v55;
	s29 =	sadd.s32 $0x80, s29;
	vm3 =	vne.s32 v28, v47;
	vm1 =	vne.s32 v29, v48  }
0x315: {  	vm4 =	vmand vm8, vm4  }
0x316: {  	v26 =	vor.u32 v44, v39;
	vm2 =	vmand vm15, vm2  }
0x317: {  	v27 =	vand.u32 $0x380, v34;
	v28 =	vor.u32 v45, v41;
	vm0 =	vmand vm12, vm0  }
0x318: {  	vm5 =	vne.s32 v18, v31;
	v18 =	vor.u32 v42, v40;
	vm3 =	vmand vm14, vm3  }
0x319: {  	v29 =	vand.u32 $0x380, v33;
	v62 =	vor.u32 v43, v36;
	vm1 =	vmand vm13, vm1  }
0x31a: {  	vm6 =	vne.s32 v17, v30;
	v17 =	vor.u32 v27, v38;
	vm5 =	vmand vm9, vm5  }
0x31b: {  	v63 =	vand.u32 $0x380, v32;
	s25 =	sadd.s32 $0x1, s25;
	v29 =	vor.u32 v29, v37;
	vm6 =	vmand vm10, vm6;
	[tilespmem:v26+s6+$0x0] =	vst.idx.msk vm4, v19  }
0x31c: {  	p0 =	sne.s32 s25, s24;
	v19 =	vor.u32 v63, v35;
	[tilespmem:v28+s6+$0x0] =	vst.idx.msk vm2, v20  }
.Ltmp25:
0x31d: {  	[tilespmem:v18+s6+$0x0] =	vst.idx.msk vm0, v21;
	(pc) =	sbr.rel @p0 .LBB2_34-.Ltmp25, $4  }
0x31e: {  	[tilespmem:v62+s6+$0x0] =	vst.idx.msk vm3, v22  }
0x31f: {  	[tilespmem:v17+s6+$0x0] =	vst.idx.msk vm1, v23  }
0x320: {  	[tilespmem:v29+s6+$0x0] =	vst.idx.msk vm5, v24  }
0x321: {  	[tilespmem:v19+s6+$0x0] =	vst.idx.msk vm6, v25  }
.LBB2_37:
0x322: {  	s23 =	simm.s32 $0x0;
	s24 =	simm.s32 $0x0;
	s26 =	simm.s32 $0x0  }
0x323: {  	[hbm4b:s13+s23] =	stream.linear.scatter [tilespmem:s23], [sflag:$0x1], $0x10000, $0x38;
	[tilespmem:$0x14280] =	vst v63  }
0x324: {  	s24 =	sand.u32 $0x8000, s24;
	s25 =	sand.u32 $0x7C00, s23;
	_ =	swait.ge [sflag:s18], $0x10000  }
0x325: {  	s26 =	sand.u32 $0x380, s26;
	s24 =	sor.u32 s25, s24;
	[sflag:s18] =	ssyncset.done $0x0  }
0x326: {  	s24 =	sor.u32 s26, s24;
	[sflag:s18] =	ssyncadd.s32 $0xFFFF0000  }
0x327: {  	[tilespmem:s24+$0x70] =	vst v16  }
0x328: {  	[tilespmem:s24+$0x0] =	vst v16  }
0x329: {  	s25 =	simm.s32 $0x0;
	[tilespmem:s24+$0x10] =	vst v16  }
.LBB2_38:
0x32a: {  	s25 =	sadd.s32 $0x8, s25;
	[tilespmem:s24+$0x20] =	vst v16  }
0x32b: {  	s23 =	sadd.s32 $0x400, s23;
	s26 =	sshll.u32 s25, $0x4;
	p0 =	slt.u32 s25, $0xFF8;
	[tilespmem:s24+$0x30] =	vst v16  }
0x32c: {  	s28 =	sand.u32 $0x7C00, s23;
	s29 =	sshrl.u32 s25, $0x1;
	s26 =	sand.u32 $0x8000, s26;
	[tilespmem:s24+$0x40] =	vst v16  }
.Ltmp26:
0x32d: {  	s29 =	sand.u32 $0x380, s29;
	s26 =	sor.u32 s28, s26;
	[tilespmem:s24+$0x50] =	vst v16;
	(pc) =	sbr.rel @p0 .LBB2_38-.Ltmp26, $4  }
0x32e: {  	[tilespmem:s24+$0x60] =	vst v16;
	s24 =	sor.u32 s29, s26  }
0x32f: {  	[tilespmem:s24+$0x70] =	vst v16  }
0x330: {  	[tilespmem:s24+$0x0] =	vst v16  }
0x331: {  	[tilespmem:s24+$0x10] =	vst v16  }
0x332: {  	[tilespmem:s24+$0x20] =	vst v16  }
0x333: {  	[tilespmem:s24+$0x30] =	vst v16  }
0x334: {  	[tilespmem:s24+$0x40] =	vst v16  }
0x335: {  	[tilespmem:s24+$0x50] =	vst v16  }
0x336: {  	[tilespmem:s24+$0x60] =	vst v16  }
0x337: {  	v19 =	vld [tilespmem:$0x1FFE0]  }
0x338: {  	v17 =	vld [tilespmem:s7+$0x14080]  }
0x339: {  	v18 =	vld [tilespmem:s7+$0x14180];
	_ =	sdelay $0x2  }
0x33a: {  	vm0 =	vnez.u8 v19  }
0x33b: {  	v17 =	vnsel vm0, $0x0, v17  }
0x33c: {  	(xrf0) =	vadd.scan.msk.s32 $0xffff, v17;
	v17 =	vnsel vm0, $0x0, v18  }
0x33d: {  	(xrf0) =	vadd.scan.msk.s32 $0xffff, v17;
	_ =	sdelay $0x4  }
0x33e: {  	v17, _, _ =	vpop (xrf0)  }
0x33f: {  	(v2sf) =	vpush v17, $0xF;
	v17, _, _ =	vpop (xrf0)  }
0x340: {  	(v2sf) =	vpush v17, $0xF;
	_ =	sdelay $0xd  }
0x341: {  	s23 =	spop (v2sf)  }
0x342: {  	s24 =	spop (v2sf)  }
0x343: {  	p0 =	slt.s32 s24, $0x1  }
.Ltmp27:
0x344: {  	_ = 	snop;
	(pc) =	sbr.rel @p0 .LBB2_43-.Ltmp27, $2  }
0x345: {  	_ =	sdelay $0x2  }
0x346: {  	s25 =	simm.s32 $0x0  }
.LBB2_40:
0x347: {  	s26 =	sshll.u32 s25, $0xD  }
0x348: {  	s26 =	sadd.s32 s23, s26  }
0x349: {  	s26 =	sshrl.u32 s26, $0x3  }
0x34a: {  	s28 =	sadd.s32 s1, s26  }
0x34b: {  	[tilespmem:s20], [sflag:$0x1] =	stream.linear.gather [hbm4b:s28+s6], $0x2010, $0x38;
	[tilespmem:$0x14280] =	vst v63  }
0x34c: {  	_ =	swait.ge [sflag:s18], $0x2010  }
0x34d: {  	[sflag:s18] =	ssyncset.done $0x0  }
0x34e: {  	s26 =	sadd.s32 s2, s26;
	[sflag:s18] =	ssyncadd.s32 $0xFFFFDFF0  }
0x34f: {  	[tilespmem:s21], [sflag:$0x1] =	stream.linear.gather [hbm4b:s26+s6], $0x2000, $0x38;
	[tilespmem:$0x14280] =	vst v63  }
0x350: {  	_ =	swait.ge [sflag:s18], $0x2000  }
0x351: {  	[sflag:s18] =	ssyncset.done $0x0  }
0x352: {  	s28 =	simm.s32 $0x10040;
	[sflag:s18] =	ssyncadd.s32 $0xFFFFE000  }
0x353: {  	v17 =	vld [tilespmem:s28+$0x31]  }
0x354: {  	v19 =	vld [tilespmem:s28+$0x30]  }
0x355: {  	v24 =	vld [tilespmem:s28+$0xFFFFFFD0]  }
0x356: {  	v25 =	vld [tilespmem:s28+$0xFFFFFFE0]  }
0x357: {  	v18 =	vld [tilespmem:s28+$0x10]  }
0x358: {  	v28 =	vld [tilespmem:s28+$0xFFFFFFC0]  }
0x359: {  	v26 =	vld [tilespmem:s28+$0xFFFFFFF0]  }
0x35a: {  	v27 =	vld [tilespmem:s28+$0x0];
	vm0 =	vne.s32 v19, v17;
	v20 =	vshrl.u32 v19, $0x5  }
0x35b: {  	vm1 =	vge.s32 v19, v12;
	vm2 =	vlt.s32 v19, v13;
	v21 =	vshll.u32 v19, $0x3  }
0x35c: {  	v19 =	vand.u32 $0x807F, v19;
	v22 =	vshll.u32 v25, $0x3;
	v23 =	vshll.u32 v18, $0x3  }
0x35d: {  	vm12 =	vge.s32 v24, v12;
	vm13 =	vlt.s32 v24, v13;
	vm8 =	vlt.s32 v28, v13  }
0x35e: {  	v31 =	vshll.u32 v28, $0x3;
	vm5 =	vlt.s32 v25, v13;
	vm3 =	vge.s32 v26, v12  }
0x35f: {  	vm9 =	vlt.s32 v26, v13;
	vm4 =	vge.s32 v27, v12;
	vm6 =	vlt.s32 v27, v13  }
0x360: {  	vm10 =	vge.s32 v18, v12;
	v44 =	vshrl.u32 v28, $0x5;
	v48 =	vshrl.u32 v24, $0x5  }
0x361: {  	v50 =	vshrl.u32 v25, $0x5;
	v38 =	vand.u32 $0x807F, v25;
	v52 =	vshrl.u32 v26, $0x5  }
0x362: {  	v42 =	vld [tilespmem:s28+$0xFFFFFFC1];
	v53 =	vand.u32 $0x807F, v26;
	v34 =	vshrl.u32 v27, $0x5;
	v54 =	vand.u32 $0x807F, v27  }
0x363: {  	v49 =	vld [tilespmem:s28+$0xFFFFFFF1];
	v33 =	vshrl.u32 v18, $0x5;
	v55 =	vand.u32 $0x807F, v18;
	vm1 =	vmand vm1, vm2  }
0x364: {  	v21 =	vand.u32 $0x7C00, v21;
	v20 =	vand.u32 $0x380, v20;
	v35 =	vand.u32 $0x7C00, v31  }
0x365: {  	v45 =	vld [tilespmem:s28+$0xFFFFFFD1];
	vm2 =	vge.s32 v25, v12;
	v22 =	vand.u32 $0x7C00, v22;
	v23 =	vand.u32 $0x7C00, v23  }
0x366: {  	s26 =	simm.s32 $0x120C0;
	vm15 =	vmand vm12, vm13;
	vm14 =	vmand vm3, vm9;
	vm13 =	vmand vm4, vm6  }
0x367: {  	v43 =	vld [tilespmem:s26+$0x30];
	vm4 =	vne.s32 v28, v42;
	v44 =	vand.u32 $0x380, v44;
	v42 =	vand.u32 $0x380, v50  }
0x368: {  	v46 =	vld [tilespmem:s28+$0xFFFFFFE1];
	vm3 =	vne.s32 v26, v49;
	vm11 =	vmand vm1, vm0;
	v19 =	vor.u32 v21, v19  }
0x369: {  	v51 =	vld [tilespmem:s28+$0x1];
	v21 =	vshll.u32 v24, $0x3;
	vm1 =	vge.s32 v28, v12;
	vm0 =	vlt.s32 v18, v13  }
0x36a: {  	v17 =	vld [tilespmem:s28+$0x20];
	vm12 =	vmand vm2, vm5;
	v40 =	vor.u32 v22, v38;
	vm2 =	vne.s32 v24, v45  }
0x36b: {  	v31 =	vld [tilespmem:s28+$0x11];
	v45 =	vand.u32 $0x380, v48;
	v29 =	vor.u32 v20, v19;
	v19 =	vshll.u32 v26, $0x3  }
0x36c: {  	v22 =	vld [tilespmem:s26+$0xFFFFFFF0];
	v20 =	vshll.u32 v27, $0x3;
	v21 =	vand.u32 $0x7C00, v21;
	vm8 =	vmand vm1, vm8  }
0x36d: {  	vm9 =	vmand vm10, vm0;
	vm0 =	vne.s32 v25, v46;
	v25 =	vld [tilespmem:s26+$0x20];
	v36 =	vand.u32 $0x7C00, v19  }
0x36e: {  	v37 =	vand.u32 $0x7C00, v20;
	v19 =	vand.u32 $0x807F, v28;
	v20 =	vand.u32 $0x807F, v24;
	v24 =	vld [tilespmem:s26+$0x10]  }
0x36f: {  	v30 =	vshll.u32 v17, $0x3;
	vm7 =	vge.s32 v17, v12;
	v39 =	vor.u32 v35, v19;
	v19 =	vld [tilespmem:s26+$0xFFFFFFC0]  }
0x370: {  	vm1 =	vlt.s32 v17, v13;
	v32 =	vshrl.u32 v17, $0x5;
	v47 =	vand.u32 $0x7C00, v30;
	v30 =	vld [tilespmem:s28+$0x21]  }
0x371: {  	v63 =	vand.u32 $0x807F, v17;
	v41 =	vor.u32 v21, v20;
	v20 =	vld [tilespmem:s26+$0xFFFFFFD0];
	v36 =	vor.u32 v36, v53  }
0x372: {  	v21 =	vld [tilespmem:s26+$0xFFFFFFE0];
	v38 =	vor.u32 v37, v54;
	v37 =	vor.u32 v23, v55;
	vm10 =	vmand vm7, vm1  }
0x373: {  	s29 =	simm.s32 $0x100C0;
	v23 =	vld [tilespmem:s26+$0x0];
	s28 =	simm.s32 $0x0;
	vm1 =	vne.s32 v27, v51;
	v35 =	vor.u32 v47, v63;
	[tilespmem:v29+s6+$0x0] =	vst.idx.msk vm11, v43;
	v43 =	vand.u32 $0x380, v52  }
.LBB2_41:
0x374: {  	v46 =	vld [tilespmem:s29+$0x31];
	v29 =	vand.u32 $0x380, v34;
	vm7 =	vne.s32 v18, v31;
	v18 =	vand.u32 $0x380, v33  }
0x375: {  	vm4 =	vmand vm8, vm4;
	vm8 =	vne.s32 v17, v30;
	v17 =	vand.u32 $0x380, v32;
	v31 =	vld [tilespmem:s29+$0x30]  }
0x376: {  	s28 =	sadd.s32 $0x8, s28;
	v30 =	vor.u32 v44, v39;
	vm6 =	vmand vm15, vm2;
	v32 =	vor.u32 v45, v41;
	v26 =	vld [tilespmem:s29+$0xFFFFFFD0]  }
0x377: {  	vm5 =	vmand vm12, vm0;
	v33 =	vor.u32 v42, v40;
	vm3 =	vmand vm14, vm3;
	p0 =	slt.u32 s28, $0x1F8;
	v27 =	vld [tilespmem:s29+$0xFFFFFFE0]  }
0x378: {  	v34 =	vor.u32 v43, v36;
	vm2 =	vmand vm13, vm1;
	v36 =	vor.u32 v29, v38;
	v28 =	vld [tilespmem:s29+$0xFFFFFFF0]  }
0x379: {  	vm1 =	vmand vm9, vm7;
	v37 =	vor.u32 v18, v37;
	vm0 =	vmand vm10, vm8;
	v29 =	vld [tilespmem:s29+$0x0]  }
0x37a: {  	v35 =	vor.u32 v17, v35;
	v18 =	vld [tilespmem:s29+$0x10];
	vm7 =	vne.s32 v31, v46;
	v38 =	vshrl.u32 v31, $0x5  }
0x37b: {  	vm8 =	vge.s32 v31, v12;
	vm9 =	vlt.s32 v31, v13;
	v39 =	vshll.u32 v31, $0x3;
	v17 =	vld [tilespmem:s29+$0x20];
	[tilespmem:v30+s6+$0x0] =	vst.idx.msk vm4, v19  }
0x37c: {  	vm4 =	vmand vm8, vm9;
	v19 =	vand.u32 $0x7C00, v39;
	v30 =	vand.u32 $0x807F, v31;
	v42 =	vld [tilespmem:s29+$0xFFFFFFC0];
	[tilespmem:v32+s6+$0x0] =	vst.idx.msk vm6, v20  }
0x37d: {  	s26 =	sadd.s32 $0x80, s26;
	vm4 =	vmand vm4, vm7;
	v20 =	vand.u32 $0x380, v38;
	v19 =	vor.u32 v19, v30;
	v43 =	vld [tilespmem:s29+$0xFFFFFFC1];
	[tilespmem:v33+s6+$0x0] =	vst.idx.msk vm5, v21  }
0x37e: {  	v30 =	vshll.u32 v27, $0x3;
	v21 =	vshll.u32 v26, $0x3;
	v19 =	vor.u32 v20, v19;
	v32 =	vld [tilespmem:s26+$0x30];
	[tilespmem:v34+s6+$0x0] =	vst.idx.msk vm3, v22  }
0x37f: {  	v20 =	vshll.u32 v28, $0x3;
	v22 =	vshll.u32 v29, $0x3;
	v45 =	vld [tilespmem:s29+$0xFFFFFFD1];
	v33 =	vshll.u32 v18, $0x3;
	[tilespmem:v36+s6+$0x0] =	vst.idx.msk vm2, v23  }
0x380: {  	vm9 =	vge.s32 v26, v12;
	vm10 =	vlt.s32 v26, v13;
	v46 =	vld [tilespmem:s29+$0xFFFFFFE1];
	v23 =	vshll.u32 v17, $0x3;
	[tilespmem:v37+s6+$0x0] =	vst.idx.msk vm1, v24  }
0x381: {  	vm8 =	vge.s32 v42, v12;
	vm11 =	vlt.s32 v42, v13;
	v24 =	vshll.u32 v42, $0x3;
	v47 =	vld [tilespmem:s29+$0xFFFFFFF1];
	[tilespmem:v35+s6+$0x0] =	vst.idx.msk vm0, v25  }
0x382: {  	vm12 =	vge.s32 v27, v12;
	v36 =	vand.u32 $0x7C00, v21;
	v35 =	vand.u32 $0x7C00, v24;
	v48 =	vld [tilespmem:s29+$0x1]  }
0x383: {  	vm14 =	vlt.s32 v27, v13;
	vm13 =	vge.s32 v28, v12;
	v37 =	vand.u32 $0x7C00, v30;
	v31 =	vld [tilespmem:s29+$0x11];
	[tilespmem:v19+s6+$0x0] =	vst.idx.msk vm4, v32  }
0x384: {  	v38 =	vand.u32 $0x7C00, v20;
	vm1 =	vlt.s32 v28, v13;
	vm0 =	vge.s32 v29, v12;
	v30 =	vld [tilespmem:s29+$0x21]  }
0x385: {  	vm2 =	vlt.s32 v29, v13;
	v44 =	vand.u32 $0x7C00, v22;
	vm3 =	vge.s32 v18, v12;
	v19 =	vld [tilespmem:s26+$0xFFFFFFC0]  }
0x386: {  	vm5 =	vlt.s32 v18, v13;
	v49 =	vand.u32 $0x7C00, v33;
	vm4 =	vge.s32 v17, v12;
	v20 =	vld [tilespmem:s26+$0xFFFFFFD0]  }
0x387: {  	vm6 =	vlt.s32 v17, v13;
	v50 =	vshrl.u32 v42, $0x5;
	v51 =	vand.u32 $0x7C00, v23;
	v21 =	vld [tilespmem:s26+$0xFFFFFFE0]  }
0x388: {  	v52 =	vshrl.u32 v26, $0x5;
	v40 =	vand.u32 $0x807F, v26;
	v39 =	vand.u32 $0x807F, v42;
	v22 =	vld [tilespmem:s26+$0xFFFFFFF0]  }
0x389: {  	v53 =	vshrl.u32 v27, $0x5;
	v54 =	vand.u32 $0x807F, v27;
	v55 =	vshrl.u32 v28, $0x5;
	v23 =	vld [tilespmem:s26+$0x0]  }
0x38a: {  	v56 =	vand.u32 $0x807F, v28;
	v34 =	vshrl.u32 v29, $0x5;
	v57 =	vand.u32 $0x807F, v29;
	v24 =	vld [tilespmem:s26+$0x10]  }
0x38b: {  	v58 =	vand.u32 $0x807F, v18;
	v33 =	vshrl.u32 v18, $0x5;
	v32 =	vshrl.u32 v17, $0x5;
	v25 =	vld [tilespmem:s26+$0x20]  }
0x38c: {  	vm8 =	vmand vm8, vm11;
	v39 =	vor.u32 v35, v39;
	v35 =	vand.u32 $0x807F, v17  }
0x38d: {  	vm15 =	vmand vm9, vm10;
	vm12 =	vmand vm12, vm14;
	v41 =	vor.u32 v36, v40  }
0x38e: {  	v36 =	vor.u32 v38, v56;
	v40 =	vor.u32 v37, v54;
	vm14 =	vmand vm13, vm1  }
.Ltmp28:
0x38f: {  	v38 =	vor.u32 v44, v57;
	vm9 =	vmand vm3, vm5;
	vm13 =	vmand vm0, vm2;
	(pc) =	sbr.rel @p0 .LBB2_41-.Ltmp28, $4  }
0x390: {  	v37 =	vor.u32 v49, v58;
	vm10 =	vmand vm4, vm6;
	v35 =	vor.u32 v51, v35  }
0x391: {  	v44 =	vand.u32 $0x380, v50;
	vm4 =	vne.s32 v42, v43;
	vm2 =	vne.s32 v26, v45  }
0x392: {  	v45 =	vand.u32 $0x380, v52;
	v42 =	vand.u32 $0x380, v53;
	vm0 =	vne.s32 v27, v46  }
0x393: {  	v43 =	vand.u32 $0x380, v55;
	s29 =	sadd.s32 $0x80, s29;
	vm3 =	vne.s32 v28, v47;
	vm1 =	vne.s32 v29, v48  }
0x394: {  	vm4 =	vmand vm8, vm4  }
0x395: {  	v26 =	vor.u32 v44, v39;
	vm2 =	vmand vm15, vm2  }
0x396: {  	v27 =	vand.u32 $0x380, v34;
	v28 =	vor.u32 v45, v41;
	vm0 =	vmand vm12, vm0  }
0x397: {  	vm5 =	vne.s32 v18, v31;
	v18 =	vor.u32 v42, v40;
	vm3 =	vmand vm14, vm3  }
0x398: {  	v29 =	vand.u32 $0x380, v33;
	v62 =	vor.u32 v43, v36;
	vm1 =	vmand vm13, vm1  }
0x399: {  	vm6 =	vne.s32 v17, v30;
	v17 =	vor.u32 v27, v38;
	vm5 =	vmand vm9, vm5  }
0x39a: {  	v63 =	vand.u32 $0x380, v32;
	s25 =	sadd.s32 $0x1, s25;
	v29 =	vor.u32 v29, v37;
	vm6 =	vmand vm10, vm6;
	[tilespmem:v26+s6+$0x0] =	vst.idx.msk vm4, v19  }
0x39b: {  	p0 =	sne.s32 s25, s24;
	v19 =	vor.u32 v63, v35;
	[tilespmem:v28+s6+$0x0] =	vst.idx.msk vm2, v20  }
.Ltmp29:
0x39c: {  	[tilespmem:v18+s6+$0x0] =	vst.idx.msk vm0, v21;
	(pc) =	sbr.rel @p0 .LBB2_40-.Ltmp29, $4  }
0x39d: {  	[tilespmem:v62+s6+$0x0] =	vst.idx.msk vm3, v22  }
0x39e: {  	[tilespmem:v17+s6+$0x0] =	vst.idx.msk vm1, v23  }
0x39f: {  	[tilespmem:v29+s6+$0x0] =	vst.idx.msk vm5, v24  }
0x3a0: {  	[tilespmem:v19+s6+$0x0] =	vst.idx.msk vm6, v25  }
.LBB2_43:
0x3a1: {  	s23 =	simm.s32 $0x0;
	s24 =	simm.s32 $0x0;
	s26 =	simm.s32 $0x0  }
0x3a2: {  	[hbm4b:s14+s23] =	stream.linear.scatter [tilespmem:s23], [sflag:$0x1], $0x10000, $0x38;
	[tilespmem:$0x14280] =	vst v63  }
0x3a3: {  	s24 =	sand.u32 $0x8000, s24;
	s25 =	sand.u32 $0x7C00, s23;
	_ =	swait.ge [sflag:s18], $0x10000  }
0x3a4: {  	s26 =	sand.u32 $0x380, s26;
	s24 =	sor.u32 s25, s24;
	[sflag:s18] =	ssyncset.done $0x0  }
0x3a5: {  	s24 =	sor.u32 s26, s24;
	[sflag:s18] =	ssyncadd.s32 $0xFFFF0000  }
0x3a6: {  	[tilespmem:s24+$0x70] =	vst v16  }
0x3a7: {  	[tilespmem:s24+$0x0] =	vst v16  }
0x3a8: {  	s25 =	simm.s32 $0x0;
	[tilespmem:s24+$0x10] =	vst v16  }
.LBB2_44:
0x3a9: {  	s25 =	sadd.s32 $0x8, s25;
	[tilespmem:s24+$0x20] =	vst v16  }
0x3aa: {  	s23 =	sadd.s32 $0x400, s23;
	s26 =	sshll.u32 s25, $0x4;
	p0 =	slt.u32 s25, $0xFF8;
	[tilespmem:s24+$0x30] =	vst v16  }
0x3ab: {  	s28 =	sand.u32 $0x7C00, s23;
	s29 =	sshrl.u32 s25, $0x1;
	s26 =	sand.u32 $0x8000, s26;
	[tilespmem:s24+$0x40] =	vst v16  }
.Ltmp30:
0x3ac: {  	s29 =	sand.u32 $0x380, s29;
	s26 =	sor.u32 s28, s26;
	[tilespmem:s24+$0x50] =	vst v16;
	(pc) =	sbr.rel @p0 .LBB2_44-.Ltmp30, $4  }
0x3ad: {  	[tilespmem:s24+$0x60] =	vst v16;
	s24 =	sor.u32 s29, s26  }
0x3ae: {  	[tilespmem:s24+$0x70] =	vst v16  }
0x3af: {  	[tilespmem:s24+$0x0] =	vst v16  }
0x3b0: {  	[tilespmem:s24+$0x10] =	vst v16  }
0x3b1: {  	[tilespmem:s24+$0x20] =	vst v16  }
0x3b2: {  	[tilespmem:s24+$0x30] =	vst v16  }
0x3b3: {  	[tilespmem:s24+$0x40] =	vst v16  }
0x3b4: {  	[tilespmem:s24+$0x50] =	vst v16  }
0x3b5: {  	[tilespmem:s24+$0x60] =	vst v16  }
0x3b6: {  	v19 =	vld [tilespmem:$0x1FFF0]  }
0x3b7: {  	v17 =	vld [tilespmem:s7+$0x14080]  }
0x3b8: {  	v18 =	vld [tilespmem:s7+$0x14180];
	_ =	sdelay $0x2  }
0x3b9: {  	vm0 =	vnez.u8 v19  }
0x3ba: {  	v17 =	vnsel vm0, $0x0, v17  }
0x3bb: {  	(xrf0) =	vadd.scan.msk.s32 $0xffff, v17;
	v17 =	vnsel vm0, $0x0, v18  }
0x3bc: {  	(xrf0) =	vadd.scan.msk.s32 $0xffff, v17;
	_ =	sdelay $0x4  }
0x3bd: {  	v17, _, _ =	vpop (xrf0)  }
0x3be: {  	(v2sf) =	vpush v17, $0xF;
	v17, _, _ =	vpop (xrf0)  }
0x3bf: {  	(v2sf) =	vpush v17, $0xF;
	_ =	sdelay $0xd  }
0x3c0: {  	s23 =	spop (v2sf)  }
0x3c1: {  	s24 =	spop (v2sf)  }
0x3c2: {  	p0 =	slt.s32 s24, $0x1  }
.Ltmp31:
0x3c3: {  	_ = 	snop;
	(pc) =	sbr.rel @p0 .LBB2_49-.Ltmp31, $2  }
0x3c4: {  	_ =	sdelay $0x2  }
0x3c5: {  	s25 =	simm.s32 $0x0  }
.LBB2_46:
0x3c6: {  	s26 =	sshll.u32 s25, $0xD  }
0x3c7: {  	s26 =	sadd.s32 s23, s26  }
0x3c8: {  	s26 =	sshrl.u32 s26, $0x3  }
0x3c9: {  	s28 =	sadd.s32 s1, s26  }
0x3ca: {  	[tilespmem:s20], [sflag:$0x1] =	stream.linear.gather [hbm4b:s28+s6], $0x2010, $0x38;
	[tilespmem:$0x14280] =	vst v63  }
0x3cb: {  	_ =	swait.ge [sflag:s18], $0x2010  }
0x3cc: {  	[sflag:s18] =	ssyncset.done $0x0  }
0x3cd: {  	s26 =	sadd.s32 s2, s26;
	[sflag:s18] =	ssyncadd.s32 $0xFFFFDFF0  }
0x3ce: {  	[tilespmem:s21], [sflag:$0x1] =	stream.linear.gather [hbm4b:s26+s6], $0x2000, $0x38;
	[tilespmem:$0x14280] =	vst v63  }
0x3cf: {  	_ =	swait.ge [sflag:s18], $0x2000  }
0x3d0: {  	[sflag:s18] =	ssyncset.done $0x0  }
0x3d1: {  	s28 =	simm.s32 $0x10040;
	[sflag:s18] =	ssyncadd.s32 $0xFFFFE000  }
0x3d2: {  	v17 =	vld [tilespmem:s28+$0x31]  }
0x3d3: {  	v19 =	vld [tilespmem:s28+$0x30]  }
0x3d4: {  	v24 =	vld [tilespmem:s28+$0xFFFFFFD0]  }
0x3d5: {  	v25 =	vld [tilespmem:s28+$0xFFFFFFE0]  }
0x3d6: {  	v18 =	vld [tilespmem:s28+$0x10]  }
0x3d7: {  	v28 =	vld [tilespmem:s28+$0xFFFFFFC0]  }
0x3d8: {  	v26 =	vld [tilespmem:s28+$0xFFFFFFF0]  }
0x3d9: {  	v27 =	vld [tilespmem:s28+$0x0];
	vm0 =	vne.s32 v19, v17;
	v20 =	vshrl.u32 v19, $0x5  }
0x3da: {  	vm1 =	vge.s32 v19, v14;
	vm2 =	vlt.s32 v19, v15;
	v21 =	vshll.u32 v19, $0x3  }
0x3db: {  	v19 =	vand.u32 $0x807F, v19;
	v22 =	vshll.u32 v25, $0x3;
	v23 =	vshll.u32 v18, $0x3  }
0x3dc: {  	vm12 =	vge.s32 v24, v14;
	vm13 =	vlt.s32 v24, v15;
	vm8 =	vlt.s32 v28, v15  }
0x3dd: {  	v31 =	vshll.u32 v28, $0x3;
	vm5 =	vlt.s32 v25, v15;
	vm3 =	vge.s32 v26, v14  }
0x3de: {  	vm9 =	vlt.s32 v26, v15;
	vm4 =	vge.s32 v27, v14;
	vm6 =	vlt.s32 v27, v15  }
0x3df: {  	vm10 =	vge.s32 v18, v14;
	v44 =	vshrl.u32 v28, $0x5;
	v48 =	vshrl.u32 v24, $0x5  }
0x3e0: {  	v50 =	vshrl.u32 v25, $0x5;
	v38 =	vand.u32 $0x807F, v25;
	v52 =	vshrl.u32 v26, $0x5  }
0x3e1: {  	v42 =	vld [tilespmem:s28+$0xFFFFFFC1];
	v53 =	vand.u32 $0x807F, v26;
	v34 =	vshrl.u32 v27, $0x5;
	v54 =	vand.u32 $0x807F, v27  }
0x3e2: {  	v49 =	vld [tilespmem:s28+$0xFFFFFFF1];
	v33 =	vshrl.u32 v18, $0x5;
	v55 =	vand.u32 $0x807F, v18;
	vm1 =	vmand vm1, vm2  }
0x3e3: {  	v21 =	vand.u32 $0x7C00, v21;
	v20 =	vand.u32 $0x380, v20;
	v35 =	vand.u32 $0x7C00, v31  }
0x3e4: {  	v45 =	vld [tilespmem:s28+$0xFFFFFFD1];
	vm2 =	vge.s32 v25, v14;
	v22 =	vand.u32 $0x7C00, v22;
	v23 =	vand.u32 $0x7C00, v23  }
0x3e5: {  	s26 =	simm.s32 $0x120C0;
	vm15 =	vmand vm12, vm13;
	vm14 =	vmand vm3, vm9;
	vm13 =	vmand vm4, vm6  }
0x3e6: {  	v43 =	vld [tilespmem:s26+$0x30];
	vm4 =	vne.s32 v28, v42;
	v44 =	vand.u32 $0x380, v44;
	v42 =	vand.u32 $0x380, v50  }
0x3e7: {  	v46 =	vld [tilespmem:s28+$0xFFFFFFE1];
	vm3 =	vne.s32 v26, v49;
	vm11 =	vmand vm1, vm0;
	v19 =	vor.u32 v21, v19  }
0x3e8: {  	v51 =	vld [tilespmem:s28+$0x1];
	v21 =	vshll.u32 v24, $0x3;
	vm1 =	vge.s32 v28, v14;
	vm0 =	vlt.s32 v18, v15  }
0x3e9: {  	v17 =	vld [tilespmem:s28+$0x20];
	vm12 =	vmand vm2, vm5;
	v40 =	vor.u32 v22, v38;
	vm2 =	vne.s32 v24, v45  }
0x3ea: {  	v31 =	vld [tilespmem:s28+$0x11];
	v45 =	vand.u32 $0x380, v48;
	v29 =	vor.u32 v20, v19;
	v19 =	vshll.u32 v26, $0x3  }
0x3eb: {  	v22 =	vld [tilespmem:s26+$0xFFFFFFF0];
	v20 =	vshll.u32 v27, $0x3;
	v21 =	vand.u32 $0x7C00, v21;
	vm8 =	vmand vm1, vm8  }
0x3ec: {  	vm9 =	vmand vm10, vm0;
	vm0 =	vne.s32 v25, v46;
	v25 =	vld [tilespmem:s26+$0x20];
	v36 =	vand.u32 $0x7C00, v19  }
0x3ed: {  	v37 =	vand.u32 $0x7C00, v20;
	v19 =	vand.u32 $0x807F, v28;
	v20 =	vand.u32 $0x807F, v24;
	v24 =	vld [tilespmem:s26+$0x10]  }
0x3ee: {  	v30 =	vshll.u32 v17, $0x3;
	vm7 =	vge.s32 v17, v14;
	v39 =	vor.u32 v35, v19;
	v19 =	vld [tilespmem:s26+$0xFFFFFFC0]  }
0x3ef: {  	vm1 =	vlt.s32 v17, v15;
	v32 =	vshrl.u32 v17, $0x5;
	v47 =	vand.u32 $0x7C00, v30;
	v30 =	vld [tilespmem:s28+$0x21]  }
0x3f0: {  	v63 =	vand.u32 $0x807F, v17;
	v41 =	vor.u32 v21, v20;
	v20 =	vld [tilespmem:s26+$0xFFFFFFD0];
	v36 =	vor.u32 v36, v53  }
0x3f1: {  	v21 =	vld [tilespmem:s26+$0xFFFFFFE0];
	v38 =	vor.u32 v37, v54;
	v37 =	vor.u32 v23, v55;
	vm10 =	vmand vm7, vm1  }
0x3f2: {  	s29 =	simm.s32 $0x100C0;
	v23 =	vld [tilespmem:s26+$0x0];
	s28 =	simm.s32 $0x0;
	vm1 =	vne.s32 v27, v51;
	v35 =	vor.u32 v47, v63;
	[tilespmem:v29+s6+$0x0] =	vst.idx.msk vm11, v43;
	v43 =	vand.u32 $0x380, v52  }
.LBB2_47:
0x3f3: {  	v46 =	vld [tilespmem:s29+$0x31];
	v29 =	vand.u32 $0x380, v34;
	vm7 =	vne.s32 v18, v31;
	v18 =	vand.u32 $0x380, v33  }
0x3f4: {  	vm4 =	vmand vm8, vm4;
	vm8 =	vne.s32 v17, v30;
	v17 =	vand.u32 $0x380, v32;
	v31 =	vld [tilespmem:s29+$0x30]  }
0x3f5: {  	s28 =	sadd.s32 $0x8, s28;
	v30 =	vor.u32 v44, v39;
	vm6 =	vmand vm15, vm2;
	v32 =	vor.u32 v45, v41;
	v26 =	vld [tilespmem:s29+$0xFFFFFFD0]  }
0x3f6: {  	vm5 =	vmand vm12, vm0;
	v33 =	vor.u32 v42, v40;
	vm3 =	vmand vm14, vm3;
	p0 =	slt.u32 s28, $0x1F8;
	v27 =	vld [tilespmem:s29+$0xFFFFFFE0]  }
0x3f7: {  	v34 =	vor.u32 v43, v36;
	vm2 =	vmand vm13, vm1;
	v36 =	vor.u32 v29, v38;
	v28 =	vld [tilespmem:s29+$0xFFFFFFF0]  }
0x3f8: {  	vm1 =	vmand vm9, vm7;
	v37 =	vor.u32 v18, v37;
	vm0 =	vmand vm10, vm8;
	v29 =	vld [tilespmem:s29+$0x0]  }
0x3f9: {  	v35 =	vor.u32 v17, v35;
	v18 =	vld [tilespmem:s29+$0x10];
	vm7 =	vne.s32 v31, v46;
	v38 =	vshrl.u32 v31, $0x5  }
0x3fa: {  	vm8 =	vge.s32 v31, v14;
	vm9 =	vlt.s32 v31, v15;
	v39 =	vshll.u32 v31, $0x3;
	v17 =	vld [tilespmem:s29+$0x20];
	[tilespmem:v30+s6+$0x0] =	vst.idx.msk vm4, v19  }
0x3fb: {  	vm4 =	vmand vm8, vm9;
	v19 =	vand.u32 $0x7C00, v39;
	v30 =	vand.u32 $0x807F, v31;
	v42 =	vld [tilespmem:s29+$0xFFFFFFC0];
	[tilespmem:v32+s6+$0x0] =	vst.idx.msk vm6, v20  }
0x3fc: {  	s26 =	sadd.s32 $0x80, s26;
	vm4 =	vmand vm4, vm7;
	v20 =	vand.u32 $0x380, v38;
	v19 =	vor.u32 v19, v30;
	v43 =	vld [tilespmem:s29+$0xFFFFFFC1];
	[tilespmem:v33+s6+$0x0] =	vst.idx.msk vm5, v21  }
0x3fd: {  	v30 =	vshll.u32 v27, $0x3;
	v21 =	vshll.u32 v26, $0x3;
	v19 =	vor.u32 v20, v19;
	v32 =	vld [tilespmem:s26+$0x30];
	[tilespmem:v34+s6+$0x0] =	vst.idx.msk vm3, v22  }
0x3fe: {  	v20 =	vshll.u32 v28, $0x3;
	v22 =	vshll.u32 v29, $0x3;
	v45 =	vld [tilespmem:s29+$0xFFFFFFD1];
	v33 =	vshll.u32 v18, $0x3;
	[tilespmem:v36+s6+$0x0] =	vst.idx.msk vm2, v23  }
0x3ff: {  	vm9 =	vge.s32 v26, v14;
	vm10 =	vlt.s32 v26, v15;
	v46 =	vld [tilespmem:s29+$0xFFFFFFE1];
	v23 =	vshll.u32 v17, $0x3;
	[tilespmem:v37+s6+$0x0] =	vst.idx.msk vm1, v24  }
0x400: {  	vm8 =	vge.s32 v42, v14;
	vm11 =	vlt.s32 v42, v15;
	v24 =	vshll.u32 v42, $0x3;
	v47 =	vld [tilespmem:s29+$0xFFFFFFF1];
	[tilespmem:v35+s6+$0x0] =	vst.idx.msk vm0, v25  }
0x401: {  	vm12 =	vge.s32 v27, v14;
	v36 =	vand.u32 $0x7C00, v21;
	v35 =	vand.u32 $0x7C00, v24;
	v48 =	vld [tilespmem:s29+$0x1]  }
0x402: {  	vm14 =	vlt.s32 v27, v15;
	vm13 =	vge.s32 v28, v14;
	v37 =	vand.u32 $0x7C00, v30;
	v31 =	vld [tilespmem:s29+$0x11];
	[tilespmem:v19+s6+$0x0] =	vst.idx.msk vm4, v32  }
0x403: {  	v38 =	vand.u32 $0x7C00, v20;
	vm1 =	vlt.s32 v28, v15;
	vm0 =	vge.s32 v29, v14;
	v30 =	vld [tilespmem:s29+$0x21]  }
0x404: {  	vm2 =	vlt.s32 v29, v15;
	v44 =	vand.u32 $0x7C00, v22;
	vm3 =	vge.s32 v18, v14;
	v19 =	vld [tilespmem:s26+$0xFFFFFFC0]  }
0x405: {  	vm5 =	vlt.s32 v18, v15;
	v49 =	vand.u32 $0x7C00, v33;
	vm4 =	vge.s32 v17, v14;
	v20 =	vld [tilespmem:s26+$0xFFFFFFD0]  }
0x406: {  	vm6 =	vlt.s32 v17, v15;
	v50 =	vshrl.u32 v42, $0x5;
	v51 =	vand.u32 $0x7C00, v23;
	v21 =	vld [tilespmem:s26+$0xFFFFFFE0]  }
0x407: {  	v52 =	vshrl.u32 v26, $0x5;
	v40 =	vand.u32 $0x807F, v26;
	v39 =	vand.u32 $0x807F, v42;
	v22 =	vld [tilespmem:s26+$0xFFFFFFF0]  }
0x408: {  	v53 =	vshrl.u32 v27, $0x5;
	v54 =	vand.u32 $0x807F, v27;
	v55 =	vshrl.u32 v28, $0x5;
	v23 =	vld [tilespmem:s26+$0x0]  }
0x409: {  	v56 =	vand.u32 $0x807F, v28;
	v34 =	vshrl.u32 v29, $0x5;
	v57 =	vand.u32 $0x807F, v29;
	v24 =	vld [tilespmem:s26+$0x10]  }
0x40a: {  	v58 =	vand.u32 $0x807F, v18;
	v33 =	vshrl.u32 v18, $0x5;
	v32 =	vshrl.u32 v17, $0x5;
	v25 =	vld [tilespmem:s26+$0x20]  }
0x40b: {  	vm8 =	vmand vm8, vm11;
	v39 =	vor.u32 v35, v39;
	v35 =	vand.u32 $0x807F, v17  }
0x40c: {  	vm15 =	vmand vm9, vm10;
	vm12 =	vmand vm12, vm14;
	v41 =	vor.u32 v36, v40  }
0x40d: {  	v36 =	vor.u32 v38, v56;
	v40 =	vor.u32 v37, v54;
	vm14 =	vmand vm13, vm1  }
.Ltmp32:
0x40e: {  	v38 =	vor.u32 v44, v57;
	vm9 =	vmand vm3, vm5;
	vm13 =	vmand vm0, vm2;
	(pc) =	sbr.rel @p0 .LBB2_47-.Ltmp32, $4  }
0x40f: {  	v37 =	vor.u32 v49, v58;
	vm10 =	vmand vm4, vm6;
	v35 =	vor.u32 v51, v35  }
0x410: {  	v44 =	vand.u32 $0x380, v50;
	vm4 =	vne.s32 v42, v43;
	vm2 =	vne.s32 v26, v45  }
0x411: {  	v45 =	vand.u32 $0x380, v52;
	v42 =	vand.u32 $0x380, v53;
	vm0 =	vne.s32 v27, v46  }
0x412: {  	v43 =	vand.u32 $0x380, v55;
	s29 =	sadd.s32 $0x80, s29;
	vm3 =	vne.s32 v28, v47;
	vm1 =	vne.s32 v29, v48  }
0x413: {  	vm4 =	vmand vm8, vm4  }
0x414: {  	v26 =	vor.u32 v44, v39;
	vm2 =	vmand vm15, vm2  }
0x415: {  	v27 =	vand.u32 $0x380, v34;
	v28 =	vor.u32 v45, v41;
	vm0 =	vmand vm12, vm0  }
0x416: {  	vm5 =	vne.s32 v18, v31;
	v18 =	vor.u32 v42, v40;
	vm3 =	vmand vm14, vm3  }
0x417: {  	v29 =	vand.u32 $0x380, v33;
	v62 =	vor.u32 v43, v36;
	vm1 =	vmand vm13, vm1  }
0x418: {  	vm6 =	vne.s32 v17, v30;
	v17 =	vor.u32 v27, v38;
	vm5 =	vmand vm9, vm5  }
0x419: {  	v63 =	vand.u32 $0x380, v32;
	s25 =	sadd.s32 $0x1, s25;
	v29 =	vor.u32 v29, v37;
	vm6 =	vmand vm10, vm6;
	[tilespmem:v26+s6+$0x0] =	vst.idx.msk vm4, v19  }
0x41a: {  	p0 =	sne.s32 s25, s24;
	v19 =	vor.u32 v63, v35;
	[tilespmem:v28+s6+$0x0] =	vst.idx.msk vm2, v20  }
.Ltmp33:
0x41b: {  	[tilespmem:v18+s6+$0x0] =	vst.idx.msk vm0, v21;
	(pc) =	sbr.rel @p0 .LBB2_46-.Ltmp33, $4  }
.Ltmp34:
0x41c: {  	[tilespmem:v62+s6+$0x0] =	vst.idx.msk vm3, v22;
	(pc) =	sbr.rel @!p0 .LBB2_49-.Ltmp34, $4  }
0x41d: {  	[tilespmem:v17+s6+$0x0] =	vst.idx.msk vm1, v23  }
0x41e: {  	[tilespmem:v29+s6+$0x0] =	vst.idx.msk vm5, v24  }
0x41f: {  	[tilespmem:v19+s6+$0x0] =	vst.idx.msk vm6, v25  }
0x420: {  	_ = 	snop  }
.LBB2_50:
0x421: {  	_ =	sfence.sel $0x180000  }
0x422: {  	[bflag:$0x0] =	sbarrier.arrive $0xFFFF  }
0x423: {  	p0 =	sne.s32 s5, $0x0;
	_ =	strace $0x90000047  }
0x424: {  	s0 =	sadd.s32 @!p0 $0x100000, s0;
	[bflag:$0x2] =	sbarrier.arrive $0xFFFF  }
0x425: {  	[sflag:s0] =	ssyncadd.tile.s32 @!p0 $0x1;
	_ =	shalt  }
.Lfunc_end2:
_tile_overlayer_lowered:
.L_overlay_start_2:
0x426: {  	(tag) =	ssettag $0x2  }
0x427: {  	s0 =	rddreg [dreg:$0x0];
	s2 =	stileid.u32  }
0x428: {  	s1 =	rddreg [dreg:$0x1];
	p0 =	sne.s32 s2, $0x0  }
0x429: {  	s3 =	rddreg [dreg:$0x2];
	[bflag:$0x3] =	sbarrier.arrive $0xFFFF;
	s2 =	simm.s32 @!p0 $0x1C01  }
0x42a: {  	[timem:s3], [sflag:s2] =	dma.local @!p0 [hbm:s0], s1  }
0x42b: {  	s0 =	simm.s32 @!p0 $0x1  }
0x42c: {  	_ =	swait.ge @!p0 [sflag:s0], s1  }
0x42d: {  	s1 =	ssub.s32 @!p0 $0x0, s1;
	[sflag:s0] =	ssyncset.done @!p0 $0x0  }
0x42e: {  	[sflag:s0] =	ssyncadd.s32 @!p0 s1  }
0x42f: {  	[bflag:$0x3] =	sbarrier.arrive $0xFFFF  }
0x430: {  	_ =	shalt  }

</sc_bundles>
